<compile_context>
chip_gen: v7x
topology: tpu7x:2x2x1
jax: 0.10.2.dev20260603
libtpu: 0.0.44.dev20260713+nightly
codegen_flags: <defaults>
</compile_context>

<pallas_src>
import functools

import jax
import jax.numpy as jnp
from jax import lax
from jax.experimental import pallas as pl
from jax.experimental.pallas import tpu as pltpu
from jax.experimental.pallas import tpu_sc as plsc

N_NODES = 10000
N_EDGES = 320000
D = 128
N_GRAPHS = 64

NW = 32
EPT = 10240
CH = 80
NBUF = 4
CPT = EPT // CH
NG = CPT // NBUF
PAD_N = 10240
RPS = PAD_N // 16
NB = 1000


def _mm_body(x_ref, w_ref, o_ref):
    o_ref[...] = jnp.dot(x_ref[...], w_ref[...],
                         preferred_element_type=jnp.float32)


def _project(x, w, blk):
    n, k = x.shape
    m = w.shape[1]
    return pl.pallas_call(
        _mm_body,
        grid=(n // blk,),
        in_specs=[
            pl.BlockSpec((blk, k), lambda i: (i, 0)),
            pl.BlockSpec((k, m), lambda i: (0, 0)),
        ],
        out_specs=pl.BlockSpec((blk, m), lambda i: (i, 0)),
        out_shape=jax.ShapeDtypeStruct((n, m), jnp.float32),
    )(x, w)


def _edge_agg_body(y_hbm, ew_hbm, src_hbm, dst_hbm, out_hbm,
                   bufs, sidx, didx, agg, sem_l, sem_g, sem_s):
    cid = lax.axis_index("c")
    sid = lax.axis_index("s")
    wid = cid * 16 + sid

    def base_of(c):
        return pl.multiple_of(wid * EPT + c * CH, 8)

    def start_loads(c, j):
        base = base_of(c)
        pltpu.async_copy(ew_hbm.at[pl.ds(base, CH)], bufs.at[j], sem_l.at[j])
        pltpu.async_copy(src_hbm.at[pl.ds(base, CH)], sidx.at[j],
                         sem_l.at[j])
        pltpu.async_copy(dst_hbm.at[pl.ds(base, CH)], didx.at[j],
                         sem_l.at[j])

    def wait_loads(c, j):
        base = base_of(c)
        pltpu.make_async_copy(ew_hbm.at[pl.ds(base, CH)], bufs.at[j],
                              sem_l.at[j]).wait()
        pltpu.make_async_copy(src_hbm.at[pl.ds(base, CH)], sidx.at[j],
                              sem_l.at[j]).wait()
        pltpu.make_async_copy(dst_hbm.at[pl.ds(base, CH)], didx.at[j],
                              sem_l.at[j]).wait()

    zv = jnp.zeros((16,), jnp.float32)

    @plsc.parallel_loop(0, CH, 1, unroll=4)
    def _(r):
        for gg in range(D // 16):
            bufs[0, r, pl.ds(gg * 16, 16)] = zv

    for t in range(RPS // CH):
        pltpu.sync_copy(bufs.at[0],
                        agg.at[pl.ds(sid * RPS + t * CH, CH)])

    for j in range(NBUF):
        start_loads(j, j)
    plsc.subcore_barrier()

    last_real = (N_EDGES - (NW - 1) * EPT) // CH // NBUF
    ngroups = jnp.where(wid == NW - 1, last_real, NG)

    def group(g, carry):
        c0 = g * NBUF
        gather_hs = []
        for j in range(NBUF):
            wait_loads(c0 + j, j)
            h = pltpu.async_copy(y_hbm.at[sidx.at[j]], bufs.at[j],
                                 sem_g.at[j], add=True)
            gather_hs.append(h)
        scatter_hs = []
        for j in range(NBUF):
            gather_hs[j].wait()

            @plsc.parallel_loop(0, CH, 1, unroll=4)
            def _(r, j=j):
                for gg in range(D // 16):
                    s = pl.ds(gg * 16, 16)
                    bufs[j, r, s] = jnp.maximum(bufs[j, r, s], 0.0)

            h = pltpu.async_copy(bufs.at[j], agg.at[didx.at[j]],
                                 sem_s.at[j], add=True)
            scatter_hs.append(h)
        for j in range(NBUF):
            scatter_hs[j].wait()

            @pl.when(g + 1 < ngroups)
            def _(j=j):
                start_loads((g + 1) * NBUF + j, j)
        return carry

    lax.fori_loop(0, ngroups, group, 0)
    plsc.subcore_barrier()
    pltpu.sync_copy(agg.at[pl.ds(sid * RPS, RPS)],
                    out_hbm.at[pl.ds(cid * PAD_N + sid * RPS, RPS)])


@functools.cache
def _edge_agg_kernel():
    return pl.kernel(
        _edge_agg_body,
        mesh=plsc.VectorSubcoreMesh(core_axis_name="c", subcore_axis_name="s"),
        out_type=jax.ShapeDtypeStruct((2 * PAD_N, D), jnp.float32),
        scratch_types=[
            pltpu.VMEM((NBUF, CH, D), jnp.float32),
            pltpu.VMEM((NBUF, CH), jnp.int32),
            pltpu.VMEM((NBUF, CH), jnp.int32),
            pltpu.VMEM_SHARED((PAD_N, D), jnp.float32),
            pltpu.SemaphoreType.DMA((NBUF,)),
            pltpu.SemaphoreType.DMA((NBUF,)),
            pltpu.SemaphoreType.DMA((NBUF,)),
        ],
    )


def _edge_agg(*args):
    return _edge_agg_kernel()(*args)


def _pool_body(x_ref, a0_ref, a1_ref, gid_ref, w_ref, b_ref, o_ref,
               sums, counts):
    i = pl.program_id(0)

    @pl.when(i == 0)
    def _():
        sums[...] = jnp.zeros_like(sums)
        counts[...] = jnp.zeros_like(counts)

    nh = jnp.maximum(
        jnp.dot(x_ref[...], w_ref[...], preferred_element_type=jnp.float32)
        + b_ref[...] + a0_ref[0] + a1_ref[0], 0.0)
    ids = jnp.broadcast_to(gid_ref[0], (N_GRAPHS, NB))
    iota = lax.broadcasted_iota(jnp.int32, (N_GRAPHS, NB), 0)
    onehot = (iota == ids).astype(jnp.float32)
    sums[...] += jnp.dot(onehot, nh, preferred_element_type=jnp.float32)
    counts[...] += jnp.sum(onehot, axis=1, keepdims=True)

    @pl.when(i == pl.num_programs(0) - 1)
    def _():
        o_ref[...] = jnp.maximum(
            sums[...] / jnp.maximum(counts[...], 1.0), 0.0)


def _pool(x, aggs3, gid3, w_self, b2):
    return pl.pallas_call(
        _pool_body,
        grid=(N_NODES // NB,),
        in_specs=[
            pl.BlockSpec((NB, D), lambda i: (i, 0)),
            pl.BlockSpec((1, NB, D), lambda i: (0, i, 0)),
            pl.BlockSpec((1, NB, D), lambda i: (1, i, 0)),
            pl.BlockSpec((1, 1, NB), lambda i: (i, 0, 0)),
            pl.BlockSpec((D, D), lambda i: (0, 0)),
            pl.BlockSpec((1, D), lambda i: (0, 0)),
        ],
        out_specs=pl.BlockSpec((N_GRAPHS, D), lambda i: (0, 0)),
        out_shape=jax.ShapeDtypeStruct((N_GRAPHS, D), jnp.float32),
        scratch_shapes=[
            pltpu.VMEM((N_GRAPHS, D), jnp.float32),
            pltpu.VMEM((N_GRAPHS, 1), jnp.float32),
        ],
        compiler_params=pltpu.CompilerParams(
            dimension_semantics=("arbitrary",)),
    )(x, aggs3, aggs3, gid3, w_self, b2)


def kernel(x, edge_index, edge_attr, graph_ids, W_self, W_src, W_e, b):
    src = edge_index[0].astype(jnp.int32)
    dst = edge_index[1].astype(jnp.int32)

    y = _project(x, W_src, NB)
    ew = _project(edge_attr, W_e, 4000)

    aggs = _edge_agg(y, ew, src, dst)
    aggs3 = aggs.reshape(2, PAD_N, D)

    gid3 = graph_ids.astype(jnp.int32).reshape(N_NODES // NB, 1, NB)
    return _pool(x, aggs3, gid3, W_self, b.reshape(1, D))

# --- scband reference (transcript-rebuilt; emitter-appended) ---
"""Pipeline reference for scband-gnnembedder-29025388986833 (READ-ONLY COPY).

The authoritative reference and input builder live on the scoring server;
editing this copy changes nothing except your own understanding.
"""

import jax, jax.numpy as jnp
import numpy as np

N_NODES = 10000
N_EDGES = 320000
D_FEAT = 128
D_EDGE = 16
H_DIM = 128
N_GRAPHS = 64


def setup_inputs(seed: int = 0) -> dict:
    key = jax.random.key(seed)
    ks = jax.random.split(key, 8)
    x = jax.random.normal(ks[0], (N_NODES, D_FEAT), dtype=jnp.float32)
    edge_index = jax.random.randint(ks[1], (2, N_EDGES), 0, N_NODES, dtype=jnp.int64)
    edge_attr = jax.random.normal(ks[2], (N_EDGES, D_EDGE), dtype=jnp.float32)
    graph_ids = jnp.sort(jax.random.randint(ks[3], (N_NODES,), 0, N_GRAPHS, dtype=jnp.int64))
    # learned parameters for the single message-passing layer (gnn_layers)
    W_self = jax.random.normal(ks[4], (D_FEAT, H_DIM), dtype=jnp.float32) / np.sqrt(D_FEAT)
    W_src = jax.random.normal(ks[5], (D_FEAT, H_DIM), dtype=jnp.float32) / np.sqrt(D_FEAT)
    W_e = jax.random.normal(ks[6], (D_EDGE, H_DIM), dtype=jnp.float32) / np.sqrt(D_EDGE)
    b = jnp.zeros((H_DIM,), dtype=jnp.float32)
    return {"x": x, "edge_index": edge_index, "edge_attr": edge_attr,
            "graph_ids": graph_ids, "W_self": W_self, "W_src": W_src,
            "W_e": W_e, "b": b}


def reference(x, edge_index, edge_attr, graph_ids, W_self, W_src, W_e, b):
    # gnn_layers: one message-passing layer over the (batched) graph.
    src = edge_index[0]
    dst = edge_index[1]
    # per-edge message from source node features + edge features
    msg = jax.nn.relu(jnp.take(x, src, axis=0) @ W_src + edge_attr @ W_e)
    # scatter-add aggregation into destination nodes
    agg = jax.ops.segment_sum(msg, dst, num_segments=N_NODES)
    nh = jax.nn.relu(x @ W_self + agg + b)
    # MyAvgPooling: scatter_mean of node features by graph segment id (dim_size=n_graphs)
    sums = jax.ops.segment_sum(nh, graph_ids, num_segments=N_GRAPHS)
    counts = jax.ops.segment_sum(jnp.ones((N_NODES,), dtype=jnp.float32), graph_ids, num_segments=N_GRAPHS)
    mean = sums / jnp.clip(counts, 1.0, None)[:, None]
    # self._pool_activation = nn.ReLU()
    gh = jax.nn.relu(mean)
    return gh

if __name__ == "__main__":
    import jax
    _d = setup_inputs()
    print(jax.jit(kernel)(*tuple(_d.values())))

</pallas_src>

<mosaic_0001>
#map = affine_map<(d0, d1) -> (0, 0)>
#map1 = affine_map<(d0, d1) -> (0)>
module attributes {stable_mosaic.version = 14 : i64} {
  func.func @_edge_agg_body(%arg0: i32, %arg1: i32, %arg2: memref<10000x128xf32, #tpu.memory_space<hbm>>, %arg3: memref<320000x128xf32, #tpu.memory_space<hbm>>, %arg4: memref<320000xi32, #tpu.memory_space<hbm>>, %arg5: memref<320000xi32, #tpu.memory_space<hbm>>, %arg6: memref<20480x128xf32, #tpu.memory_space<hbm>>, %arg7: memref<4x80x128xf32, #tpu.memory_space<vmem>>, %arg8: memref<4x80xi32, #tpu.memory_space<vmem>>, %arg9: memref<4x80xi32, #tpu.memory_space<vmem>>, %arg10: memref<10240x128xf32, #tpu.memory_space<vmem_shared>>, %arg11: memref<4x!tpu.dma_semaphore, #tpu.memory_space<semaphore_mem>>, %arg12: memref<4x!tpu.dma_semaphore, #tpu.memory_space<semaphore_mem>>, %arg13: memref<4x!tpu.dma_semaphore, #tpu.memory_space<semaphore_mem>>) attributes {dimension_semantics = [#tpu.dimension_semantics<core_parallel>, #tpu.dimension_semantics<subcore_parallel>], iteration_bounds = array<i64: 2, 16>, scalar_prefetch = 0 : i64, scratch_operands = 7 : i64, tpu.core_type = #tpu.core_type<sc_vector_subcore>, window_params = [{transform_indices = #map}, {transform_indices = #map}, {transform_indices = #map1}, {transform_indices = #map1}, {transform_indices = #map}]} {
    %mul3A = arith.constant 16 : i32
    %mul3A_0 = arith.muli %arg0, %mul3A : i32
    %add3A = arith.addi %mul3A_0, %arg1 : i32
    %broadcast_in_dim3A = arith.constant 0.000000e+00 : f32
    %broadcast_in_dim3A_1 = vector.broadcast %broadcast_in_dim3A : f32 to vector<16xf32>
    %parallel_loop3A = arith.constant 0 : i32
    %parallel_loop3A_2 = arith.constant 80 : i32
    %parallel_loop3A_3 = arith.constant 1 : i32
    scf.for %parallel_loop3A_240 = %parallel_loop3A to %parallel_loop3A_2 step %parallel_loop3A_3  : i32 {
      %parallel_loop3A_241 = arith.constant 0 : i32
      %parallel_loop3A_242 = arith.index_cast %parallel_loop3A_241 : i32 to index
      %parallel_loop3A_243 = arith.index_cast %parallel_loop3A_240 : i32 to index
      %parallel_loop3A_244 = arith.constant 0 : index
      %parallel_loop3A_245 = tpu.vector_load %arg7[%parallel_loop3A_242, %parallel_loop3A_243, %parallel_loop3A_244] {strides = array<i32>} : memref<4x80x128xf32, #tpu.memory_space<vmem>>, vector<1x1x16xf32>,
      %parallel_loop3A_246 = vector.shape_cast %parallel_loop3A_245 : vector<1x1x16xf32> to vector<16xf32>
      %parallel_loop3A_247 = vector.shape_cast %broadcast_in_dim3A_1 : vector<16xf32> to vector<1x1x16xf32>
      tpu.vector_store %arg7[%parallel_loop3A_242, %parallel_loop3A_243, %parallel_loop3A_244], %parallel_loop3A_247 {strides = array<i32>} : memref<4x80x128xf32, #tpu.memory_space<vmem>>, vector<1x1x16xf32>,
      %parallel_loop3A_248 = arith.constant 0 : i32
      %parallel_loop3A_249 = arith.index_cast %parallel_loop3A_248 : i32 to index
      %parallel_loop3A_250 = arith.index_cast %parallel_loop3A_240 : i32 to index
      %parallel_loop3A_251 = arith.constant 16 : index
      %parallel_loop3A_252 = tpu.vector_load %arg7[%parallel_loop3A_249, %parallel_loop3A_250, %parallel_loop3A_251] {strides = array<i32>} : memref<4x80x128xf32, #tpu.memory_space<vmem>>, vector<1x1x16xf32>,
      %parallel_loop3A_253 = vector.shape_cast %parallel_loop3A_252 : vector<1x1x16xf32> to vector<16xf32>
      %parallel_loop3A_254 = vector.shape_cast %broadcast_in_dim3A_1 : vector<16xf32> to vector<1x1x16xf32>
      tpu.vector_store %arg7[%parallel_loop3A_249, %parallel_loop3A_250, %parallel_loop3A_251], %parallel_loop3A_254 {strides = array<i32>} : memref<4x80x128xf32, #tpu.memory_space<vmem>>, vector<1x1x16xf32>,
      %parallel_loop3A_255 = arith.constant 0 : i32
      %parallel_loop3A_256 = arith.index_cast %parallel_loop3A_255 : i32 to index
      %parallel_loop3A_257 = arith.index_cast %parallel_loop3A_240 : i32 to index
      %parallel_loop3A_258 = arith.constant 32 : index
      %parallel_loop3A_259 = tpu.vector_load %arg7[%parallel_loop3A_256, %parallel_loop3A_257, %parallel_loop3A_258] {strides = array<i32>} : memref<4x80x128xf32, #tpu.memory_space<vmem>>, vector<1x1x16xf32>,
      %parallel_loop3A_260 = vector.shape_cast %parallel_loop3A_259 : vector<1x1x16xf32> to vector<16xf32>
      %parallel_loop3A_261 = vector.shape_cast %broadcast_in_dim3A_1 : vector<16xf32> to vector<1x1x16xf32>
      tpu.vector_store %arg7[%parallel_loop3A_256, %parallel_loop3A_257, %parallel_loop3A_258], %parallel_loop3A_261 {strides = array<i32>} : memref<4x80x128xf32, #tpu.memory_space<vmem>>, vector<1x1x16xf32>,
      %parallel_loop3A_262 = arith.constant 0 : i32
      %parallel_loop3A_263 = arith.index_cast %parallel_loop3A_262 : i32 to index
      %parallel_loop3A_264 = arith.index_cast %parallel_loop3A_240 : i32 to index
      %parallel_loop3A_265 = arith.constant 48 : index
      %parallel_loop3A_266 = tpu.vector_load %arg7[%parallel_loop3A_263, %parallel_loop3A_264, %parallel_loop3A_265] {strides = array<i32>} : memref<4x80x128xf32, #tpu.memory_space<vmem>>, vector<1x1x16xf32>,
      %parallel_loop3A_267 = vector.shape_cast %parallel_loop3A_266 : vector<1x1x16xf32> to vector<16xf32>
      %parallel_loop3A_268 = vector.shape_cast %broadcast_in_dim3A_1 : vector<16xf32> to vector<1x1x16xf32>
      tpu.vector_store %arg7[%parallel_loop3A_263, %parallel_loop3A_264, %parallel_loop3A_265], %parallel_loop3A_268 {strides = array<i32>} : memref<4x80x128xf32, #tpu.memory_space<vmem>>, vector<1x1x16xf32>,
      %parallel_loop3A_269 = arith.constant 0 : i32
      %parallel_loop3A_270 = arith.index_cast %parallel_loop3A_269 : i32 to index
      %parallel_loop3A_271 = arith.index_cast %parallel_loop3A_240 : i32 to index
      %parallel_loop3A_272 = arith.constant 64 : index
      %parallel_loop3A_273 = tpu.vector_load %arg7[%parallel_loop3A_270, %parallel_loop3A_271, %parallel_loop3A_272] {strides = array<i32>} : memref<4x80x128xf32, #tpu.memory_space<vmem>>, vector<1x1x16xf32>,
      %parallel_loop3A_274 = vector.shape_cast %parallel_loop3A_273 : vector<1x1x16xf32> to vector<16xf32>
      %parallel_loop3A_275 = vector.shape_cast %broadcast_in_dim3A_1 : vector<16xf32> to vector<1x1x16xf32>
      tpu.vector_store %arg7[%parallel_loop3A_270, %parallel_loop3A_271, %parallel_loop3A_272], %parallel_loop3A_275 {strides = array<i32>} : memref<4x80x128xf32, #tpu.memory_space<vmem>>, vector<1x1x16xf32>,
      %parallel_loop3A_276 = arith.constant 0 : i32
      %parallel_loop3A_277 = arith.index_cast %parallel_loop3A_276 : i32 to index
      %parallel_loop3A_278 = arith.index_cast %parallel_loop3A_240 : i32 to index
      %parallel_loop3A_279 = arith.constant 80 : index
      %parallel_loop3A_280 = tpu.vector_load %arg7[%parallel_loop3A_277, %parallel_loop3A_278, %parallel_loop3A_279] {strides = array<i32>} : memref<4x80x128xf32, #tpu.memory_space<vmem>>, vector<1x1x16xf32>,
      %parallel_loop3A_281 = vector.shape_cast %parallel_loop3A_280 : vector<1x1x16xf32> to vector<16xf32>
      %parallel_loop3A_282 = vector.shape_cast %broadcast_in_dim3A_1 : vector<16xf32> to vector<1x1x16xf32>
      tpu.vector_store %arg7[%parallel_loop3A_277, %parallel_loop3A_278, %parallel_loop3A_279], %parallel_loop3A_282 {strides = array<i32>} : memref<4x80x128xf32, #tpu.memory_space<vmem>>, vector<1x1x16xf32>,
      %parallel_loop3A_283 = arith.constant 0 : i32
      %parallel_loop3A_284 = arith.index_cast %parallel_loop3A_283 : i32 to index
      %parallel_loop3A_285 = arith.index_cast %parallel_loop3A_240 : i32 to index
      %parallel_loop3A_286 = arith.constant 96 : index
      %parallel_loop3A_287 = tpu.vector_load %arg7[%parallel_loop3A_284, %parallel_loop3A_285, %parallel_loop3A_286] {strides = array<i32>} : memref<4x80x128xf32, #tpu.memory_space<vmem>>, vector<1x1x16xf32>,
      %parallel_loop3A_288 = vector.shape_cast %parallel_loop3A_287 : vector<1x1x16xf32> to vector<16xf32>
      %parallel_loop3A_289 = vector.shape_cast %broadcast_in_dim3A_1 : vector<16xf32> to vector<1x1x16xf32>
      tpu.vector_store %arg7[%parallel_loop3A_284, %parallel_loop3A_285, %parallel_loop3A_286], %parallel_loop3A_289 {strides = array<i32>} : memref<4x80x128xf32, #tpu.memory_space<vmem>>, vector<1x1x16xf32>,
      %parallel_loop3A_290 = arith.constant 0 : i32
      %parallel_loop3A_291 = arith.index_cast %parallel_loop3A_290 : i32 to index
      %parallel_loop3A_292 = arith.index_cast %parallel_loop3A_240 : i32 to index
      %parallel_loop3A_293 = arith.constant 112 : index
      %parallel_loop3A_294 = tpu.vector_load %arg7[%parallel_loop3A_291, %parallel_loop3A_292, %parallel_loop3A_293] {strides = array<i32>} : memref<4x80x128xf32, #tpu.memory_space<vmem>>, vector<1x1x16xf32>,
      %parallel_loop3A_295 = vector.shape_cast %parallel_loop3A_294 : vector<1x1x16xf32> to vector<16xf32>
      %parallel_loop3A_296 = vector.shape_cast %broadcast_in_dim3A_1 : vector<16xf32> to vector<1x1x16xf32>
      tpu.vector_store %arg7[%parallel_loop3A_291, %parallel_loop3A_292, %parallel_loop3A_293], %parallel_loop3A_296 {strides = array<i32>} : memref<4x80x128xf32, #tpu.memory_space<vmem>>, vector<1x1x16xf32>,
    } {sc.loop_unroll_factor = 4 : i64, sc.parallel_access}
    %mul3A_4 = arith.constant 640 : i32
    %mul3A_5 = arith.muli %arg1, %mul3A_4 : i32
    %add3A_6 = arith.constant 0 : i32
    %add3A_7 = arith.addi %mul3A_5, %add3A_6 : i32
    %run_scoped3A = arith.constant 0 : i32
    "tpu.region"() ({
      %run_scoped3A_240 = tpu.sem_alloc : memref<!tpu.dma_semaphore, #tpu.memory_space<semaphore_mem>>
      %dma_start3A_241 = arith.constant 0 : i32
      %dma_start3A_242 = arith.constant 0 : i32
      %dma_start3A_243 = tpu.memref_slice %arg7[%run_scoped3A, %dma_start3A_241, %dma_start3A_242] : memref<4x80x128xf32, #tpu.memory_space<vmem>> -> memref<1x80x128xf32, #tpu.memory_space<vmem>>
      %dma_start3A_244 = tpu.memref_squeeze %dma_start3A_243 : memref<1x80x128xf32, #tpu.memory_space<vmem>> -> memref<80x128xf32, #tpu.memory_space<vmem>>
      %dma_start3A_245 = arith.constant 0 : i32
      %dma_start3A_246 = tpu.memref_slice %arg10[%add3A_7, %dma_start3A_245] : memref<10240x128xf32, #tpu.memory_space<vmem_shared>> -> memref<80x128xf32, #tpu.memory_space<vmem_shared>>
      %dma_start3A_247 = arith.constant 0 : i32
      %dma_start3A_248 = tpu.memref_slice %arg10[%add3A_7, %dma_start3A_247] : memref<10240x128xf32, #tpu.memory_space<vmem_shared>> -> memref<80x128xf32, #tpu.memory_space<vmem_shared>>
      %dma_start3A_249 = arith.constant 0 : i32
      %dma_start3A_250 = arith.constant 0 : i32
      %dma_start3A_251 = tpu.memref_slice %arg7[%run_scoped3A, %dma_start3A_249, %dma_start3A_250] : memref<4x80x128xf32, #tpu.memory_space<vmem>> -> memref<1x80x128xf32, #tpu.memory_space<vmem>>
      %dma_start3A_252 = tpu.memref_squeeze %dma_start3A_251 : memref<1x80x128xf32, #tpu.memory_space<vmem>> -> memref<80x128xf32, #tpu.memory_space<vmem>>
      tpu.enqueue_dma source(%dma_start3A_252 : memref<80x128xf32, #tpu.memory_space<vmem>>) target(%dma_start3A_248 : memref<80x128xf32, #tpu.memory_space<vmem_shared>>) target_semaphore(%run_scoped3A_240 : memref<!tpu.dma_semaphore, #tpu.memory_space<semaphore_mem>>)
      %dma_wait3A = arith.constant 0 : i32
      %dma_wait3A_253 = arith.constant 0 : i32
      %dma_wait3A_254 = tpu.memref_slice %arg7[%run_scoped3A, %dma_wait3A, %dma_wait3A_253] : memref<4x80x128xf32, #tpu.memory_space<vmem>> -> memref<1x80x128xf32, #tpu.memory_space<vmem>>
      %dma_wait3A_255 = tpu.memref_squeeze %dma_wait3A_254 : memref<1x80x128xf32, #tpu.memory_space<vmem>> -> memref<80x128xf32, #tpu.memory_space<vmem>>
      %dma_wait3A_256 = arith.constant 0 : i32
      %dma_wait3A_257 = tpu.memref_slice %arg10[%add3A_7, %dma_wait3A_256] : memref<10240x128xf32, #tpu.memory_space<vmem_shared>> -> memref<80x128xf32, #tpu.memory_space<vmem_shared>>
      %dma_wait3A_258 = arith.constant 0 : i32
      %dma_wait3A_259 = tpu.memref_slice %arg10[%add3A_7, %dma_wait3A_258] : memref<10240x128xf32, #tpu.memory_space<vmem_shared>> -> memref<80x128xf32, #tpu.memory_space<vmem_shared>>
      %dma_wait3A_260 = arith.constant 0 : i32
      %dma_wait3A_261 = arith.constant 0 : i32
      %dma_wait3A_262 = tpu.memref_slice %arg7[%run_scoped3A, %dma_wait3A_260, %dma_wait3A_261] : memref<4x80x128xf32, #tpu.memory_space<vmem>> -> memref<1x80x128xf32, #tpu.memory_space<vmem>>
      %dma_wait3A_263 = tpu.memref_squeeze %dma_wait3A_262 : memref<1x80x128xf32, #tpu.memory_space<vmem>> -> memref<80x128xf32, #tpu.memory_space<vmem>>
      tpu.wait_dma2 semaphore(%run_scoped3A_240 : memref<!tpu.dma_semaphore, #tpu.memory_space<semaphore_mem>>) src(%dma_wait3A_263 : memref<80x128xf32, #tpu.memory_space<vmem>>) dst(%dma_wait3A_259 : memref<80x128xf32, #tpu.memory_space<vmem_shared>>)
      tpu.yield
    }) : () -> ()
    %mul3A_8 = arith.constant 640 : i32
    %mul3A_9 = arith.muli %arg1, %mul3A_8 : i32
    %add3A_10 = arith.constant 80 : i32
    %add3A_11 = arith.addi %mul3A_9, %add3A_10 : i32
    %run_scoped3A_12 = arith.constant 0 : i32
    "tpu.region"() ({
      %run_scoped3A_240 = tpu.sem_alloc : memref<!tpu.dma_semaphore, #tpu.memory_space<semaphore_mem>>
      %dma_start3A_241 = arith.constant 0 : i32
      %dma_start3A_242 = arith.constant 0 : i32
      %dma_start3A_243 = tpu.memref_slice %arg7[%run_scoped3A_12, %dma_start3A_241, %dma_start3A_242] : memref<4x80x128xf32, #tpu.memory_space<vmem>> -> memref<1x80x128xf32, #tpu.memory_space<vmem>>
      %dma_start3A_244 = tpu.memref_squeeze %dma_start3A_243 : memref<1x80x128xf32, #tpu.memory_space<vmem>> -> memref<80x128xf32, #tpu.memory_space<vmem>>
      %dma_start3A_245 = arith.constant 0 : i32
      %dma_start3A_246 = tpu.memref_slice %arg10[%add3A_11, %dma_start3A_245] : memref<10240x128xf32, #tpu.memory_space<vmem_shared>> -> memref<80x128xf32, #tpu.memory_space<vmem_shared>>
      %dma_start3A_247 = arith.constant 0 : i32
      %dma_start3A_248 = tpu.memref_slice %arg10[%add3A_11, %dma_start3A_247] : memref<10240x128xf32, #tpu.memory_space<vmem_shared>> -> memref<80x128xf32, #tpu.memory_space<vmem_shared>>
      %dma_start3A_249 = arith.constant 0 : i32
      %dma_start3A_250 = arith.constant 0 : i32
      %dma_start3A_251 = tpu.memref_slice %arg7[%run_scoped3A_12, %dma_start3A_249, %dma_start3A_250] : memref<4x80x128xf32, #tpu.memory_space<vmem>> -> memref<1x80x128xf32, #tpu.memory_space<vmem>>
      %dma_start3A_252 = tpu.memref_squeeze %dma_start3A_251 : memref<1x80x128xf32, #tpu.memory_space<vmem>> -> memref<80x128xf32, #tpu.memory_space<vmem>>
      tpu.enqueue_dma source(%dma_start3A_252 : memref<80x128xf32, #tpu.memory_space<vmem>>) target(%dma_start3A_248 : memref<80x128xf32, #tpu.memory_space<vmem_shared>>) target_semaphore(%run_scoped3A_240 : memref<!tpu.dma_semaphore, #tpu.memory_space<semaphore_mem>>)
      %dma_wait3A = arith.constant 0 : i32
      %dma_wait3A_253 = arith.constant 0 : i32
      %dma_wait3A_254 = tpu.memref_slice %arg7[%run_scoped3A_12, %dma_wait3A, %dma_wait3A_253] : memref<4x80x128xf32, #tpu.memory_space<vmem>> -> memref<1x80x128xf32, #tpu.memory_space<vmem>>
      %dma_wait3A_255 = tpu.memref_squeeze %dma_wait3A_254 : memref<1x80x128xf32, #tpu.memory_space<vmem>> -> memref<80x128xf32, #tpu.memory_space<vmem>>
      %dma_wait3A_256 = arith.constant 0 : i32
      %dma_wait3A_257 = tpu.memref_slice %arg10[%add3A_11, %dma_wait3A_256] : memref<10240x128xf32, #tpu.memory_space<vmem_shared>> -> memref<80x128xf32, #tpu.memory_space<vmem_shared>>
      %dma_wait3A_258 = arith.constant 0 : i32
      %dma_wait3A_259 = tpu.memref_slice %arg10[%add3A_11, %dma_wait3A_258] : memref<10240x128xf32, #tpu.memory_space<vmem_shared>> -> memref<80x128xf32, #tpu.memory_space<vmem_shared>>
      %dma_wait3A_260 = arith.constant 0 : i32
      %dma_wait3A_261 = arith.constant 0 : i32
      %dma_wait3A_262 = tpu.memref_slice %arg7[%run_scoped3A_12, %dma_wait3A_260, %dma_wait3A_261] : memref<4x80x128xf32, #tpu.memory_space<vmem>> -> memref<1x80x128xf32, #tpu.memory_space<vmem>>
      %dma_wait3A_263 = tpu.memref_squeeze %dma_wait3A_262 : memref<1x80x128xf32, #tpu.memory_space<vmem>> -> memref<80x128xf32, #tpu.memory_space<vmem>>
      tpu.wait_dma2 semaphore(%run_scoped3A_240 : memref<!tpu.dma_semaphore, #tpu.memory_space<semaphore_mem>>) src(%dma_wait3A_263 : memref<80x128xf32, #tpu.memory_space<vmem>>) dst(%dma_wait3A_259 : memref<80x128xf32, #tpu.memory_space<vmem_shared>>)
      tpu.yield
    }) : () -> ()
    %mul3A_13 = arith.constant 640 : i32
    %mul3A_14 = arith.muli %arg1, %mul3A_13 : i32
    %add3A_15 = arith.constant 160 : i32
    %add3A_16 = arith.addi %mul3A_14, %add3A_15 : i32
    %run_scoped3A_17 = arith.constant 0 : i32
    "tpu.region"() ({
      %run_scoped3A_240 = tpu.sem_alloc : memref<!tpu.dma_semaphore, #tpu.memory_space<semaphore_mem>>
      %dma_start3A_241 = arith.constant 0 : i32
      %dma_start3A_242 = arith.constant 0 : i32
      %dma_start3A_243 = tpu.memref_slice %arg7[%run_scoped3A_17, %dma_start3A_241, %dma_start3A_242] : memref<4x80x128xf32, #tpu.memory_space<vmem>> -> memref<1x80x128xf32, #tpu.memory_space<vmem>>
      %dma_start3A_244 = tpu.memref_squeeze %dma_start3A_243 : memref<1x80x128xf32, #tpu.memory_space<vmem>> -> memref<80x128xf32, #tpu.memory_space<vmem>>
      %dma_start3A_245 = arith.constant 0 : i32
      %dma_start3A_246 = tpu.memref_slice %arg10[%add3A_16, %dma_start3A_245] : memref<10240x128xf32, #tpu.memory_space<vmem_shared>> -> memref<80x128xf32, #tpu.memory_space<vmem_shared>>
      %dma_start3A_247 = arith.constant 0 : i32
      %dma_start3A_248 = tpu.memref_slice %arg10[%add3A_16, %dma_start3A_247] : memref<10240x128xf32, #tpu.memory_space<vmem_shared>> -> memref<80x128xf32, #tpu.memory_space<vmem_shared>>
      %dma_start3A_249 = arith.constant 0 : i32
      %dma_start3A_250 = arith.constant 0 : i32
      %dma_start3A_251 = tpu.memref_slice %arg7[%run_scoped3A_17, %dma_start3A_249, %dma_start3A_250] : memref<4x80x128xf32, #tpu.memory_space<vmem>> -> memref<1x80x128xf32, #tpu.memory_space<vmem>>
      %dma_start3A_252 = tpu.memref_squeeze %dma_start3A_251 : memref<1x80x128xf32, #tpu.memory_space<vmem>> -> memref<80x128xf32, #tpu.memory_space<vmem>>
      tpu.enqueue_dma source(%dma_start3A_252 : memref<80x128xf32, #tpu.memory_space<vmem>>) target(%dma_start3A_248 : memref<80x128xf32, #tpu.memory_space<vmem_shared>>) target_semaphore(%run_scoped3A_240 : memref<!tpu.dma_semaphore, #tpu.memory_space<semaphore_mem>>)
      %dma_wait3A = arith.constant 0 : i32
      %dma_wait3A_253 = arith.constant 0 : i32
      %dma_wait3A_254 = tpu.memref_slice %arg7[%run_scoped3A_17, %dma_wait3A, %dma_wait3A_253] : memref<4x80x128xf32, #tpu.memory_space<vmem>> -> memref<1x80x128xf32, #tpu.memory_space<vmem>>
      %dma_wait3A_255 = tpu.memref_squeeze %dma_wait3A_254 : memref<1x80x128xf32, #tpu.memory_space<vmem>> -> memref<80x128xf32, #tpu.memory_space<vmem>>
      %dma_wait3A_256 = arith.constant 0 : i32
      %dma_wait3A_257 = tpu.memref_slice %arg10[%add3A_16, %dma_wait3A_256] : memref<10240x128xf32, #tpu.memory_space<vmem_shared>> -> memref<80x128xf32, #tpu.memory_space<vmem_shared>>
      %dma_wait3A_258 = arith.constant 0 : i32
      %dma_wait3A_259 = tpu.memref_slice %arg10[%add3A_16, %dma_wait3A_258] : memref<10240x128xf32, #tpu.memory_space<vmem_shared>> -> memref<80x128xf32, #tpu.memory_space<vmem_shared>>
      %dma_wait3A_260 = arith.constant 0 : i32
      %dma_wait3A_261 = arith.constant 0 : i32
      %dma_wait3A_262 = tpu.memref_slice %arg7[%run_scoped3A_17, %dma_wait3A_260, %dma_wait3A_261] : memref<4x80x128xf32, #tpu.memory_space<vmem>> -> memref<1x80x128xf32, #tpu.memory_space<vmem>>
      %dma_wait3A_263 = tpu.memref_squeeze %dma_wait3A_262 : memref<1x80x128xf32, #tpu.memory_space<vmem>> -> memref<80x128xf32, #tpu.memory_space<vmem>>
      tpu.wait_dma2 semaphore(%run_scoped3A_240 : memref<!tpu.dma_semaphore, #tpu.memory_space<semaphore_mem>>) src(%dma_wait3A_263 : memref<80x128xf32, #tpu.memory_space<vmem>>) dst(%dma_wait3A_259 : memref<80x128xf32, #tpu.memory_space<vmem_shared>>)
      tpu.yield
    }) : () -> ()
    %mul3A_18 = arith.constant 640 : i32
    %mul3A_19 = arith.muli %arg1, %mul3A_18 : i32
    %add3A_20 = arith.constant 240 : i32
    %add3A_21 = arith.addi %mul3A_19, %add3A_20 : i32
    %run_scoped3A_22 = arith.constant 0 : i32
    "tpu.region"() ({
      %run_scoped3A_240 = tpu.sem_alloc : memref<!tpu.dma_semaphore, #tpu.memory_space<semaphore_mem>>
      %dma_start3A_241 = arith.constant 0 : i32
      %dma_start3A_242 = arith.constant 0 : i32
      %dma_start3A_243 = tpu.memref_slice %arg7[%run_scoped3A_22, %dma_start3A_241, %dma_start3A_242] : memref<4x80x128xf32, #tpu.memory_space<vmem>> -> memref<1x80x128xf32, #tpu.memory_space<vmem>>
      %dma_start3A_244 = tpu.memref_squeeze %dma_start3A_243 : memref<1x80x128xf32, #tpu.memory_space<vmem>> -> memref<80x128xf32, #tpu.memory_space<vmem>>
      %dma_start3A_245 = arith.constant 0 : i32
      %dma_start3A_246 = tpu.memref_slice %arg10[%add3A_21, %dma_start3A_245] : memref<10240x128xf32, #tpu.memory_space<vmem_shared>> -> memref<80x128xf32, #tpu.memory_space<vmem_shared>>
      %dma_start3A_247 = arith.constant 0 : i32
      %dma_start3A_248 = tpu.memref_slice %arg10[%add3A_21, %dma_start3A_247] : memref<10240x128xf32, #tpu.memory_space<vmem_shared>> -> memref<80x128xf32, #tpu.memory_space<vmem_shared>>
      %dma_start3A_249 = arith.constant 0 : i32
      %dma_start3A_250 = arith.constant 0 : i32
      %dma_start3A_251 = tpu.memref_slice %arg7[%run_scoped3A_22, %dma_start3A_249, %dma_start3A_250] : memref<4x80x128xf32, #tpu.memory_space<vmem>> -> memref<1x80x128xf32, #tpu.memory_space<vmem>>
      %dma_start3A_252 = tpu.memref_squeeze %dma_start3A_251 : memref<1x80x128xf32, #tpu.memory_space<vmem>> -> memref<80x128xf32, #tpu.memory_space<vmem>>
      tpu.enqueue_dma source(%dma_start3A_252 : memref<80x128xf32, #tpu.memory_space<vmem>>) target(%dma_start3A_248 : memref<80x128xf32, #tpu.memory_space<vmem_shared>>) target_semaphore(%run_scoped3A_240 : memref<!tpu.dma_semaphore, #tpu.memory_space<semaphore_mem>>)
      %dma_wait3A = arith.constant 0 : i32
      %dma_wait3A_253 = arith.constant 0 : i32
      %dma_wait3A_254 = tpu.memref_slice %arg7[%run_scoped3A_22, %dma_wait3A, %dma_wait3A_253] : memref<4x80x128xf32, #tpu.memory_space<vmem>> -> memref<1x80x128xf32, #tpu.memory_space<vmem>>
      %dma_wait3A_255 = tpu.memref_squeeze %dma_wait3A_254 : memref<1x80x128xf32, #tpu.memory_space<vmem>> -> memref<80x128xf32, #tpu.memory_space<vmem>>
      %dma_wait3A_256 = arith.constant 0 : i32
      %dma_wait3A_257 = tpu.memref_slice %arg10[%add3A_21, %dma_wait3A_256] : memref<10240x128xf32, #tpu.memory_space<vmem_shared>> -> memref<80x128xf32, #tpu.memory_space<vmem_shared>>
      %dma_wait3A_258 = arith.constant 0 : i32
      %dma_wait3A_259 = tpu.memref_slice %arg10[%add3A_21, %dma_wait3A_258] : memref<10240x128xf32, #tpu.memory_space<vmem_shared>> -> memref<80x128xf32, #tpu.memory_space<vmem_shared>>
      %dma_wait3A_260 = arith.constant 0 : i32
      %dma_wait3A_261 = arith.constant 0 : i32
      %dma_wait3A_262 = tpu.memref_slice %arg7[%run_scoped3A_22, %dma_wait3A_260, %dma_wait3A_261] : memref<4x80x128xf32, #tpu.memory_space<vmem>> -> memref<1x80x128xf32, #tpu.memory_space<vmem>>
      %dma_wait3A_263 = tpu.memref_squeeze %dma_wait3A_262 : memref<1x80x128xf32, #tpu.memory_space<vmem>> -> memref<80x128xf32, #tpu.memory_space<vmem>>
      tpu.wait_dma2 semaphore(%run_scoped3A_240 : memref<!tpu.dma_semaphore, #tpu.memory_space<semaphore_mem>>) src(%dma_wait3A_263 : memref<80x128xf32, #tpu.memory_space<vmem>>) dst(%dma_wait3A_259 : memref<80x128xf32, #tpu.memory_space<vmem_shared>>)
      tpu.yield
    }) : () -> ()
    %mul3A_23 = arith.constant 640 : i32
    %mul3A_24 = arith.muli %arg1, %mul3A_23 : i32
    %add3A_25 = arith.constant 320 : i32
    %add3A_26 = arith.addi %mul3A_24, %add3A_25 : i32
    %run_scoped3A_27 = arith.constant 0 : i32
    "tpu.region"() ({
      %run_scoped3A_240 = tpu.sem_alloc : memref<!tpu.dma_semaphore, #tpu.memory_space<semaphore_mem>>
      %dma_start3A_241 = arith.constant 0 : i32
      %dma_start3A_242 = arith.constant 0 : i32
      %dma_start3A_243 = tpu.memref_slice %arg7[%run_scoped3A_27, %dma_start3A_241, %dma_start3A_242] : memref<4x80x128xf32, #tpu.memory_space<vmem>> -> memref<1x80x128xf32, #tpu.memory_space<vmem>>
      %dma_start3A_244 = tpu.memref_squeeze %dma_start3A_243 : memref<1x80x128xf32, #tpu.memory_space<vmem>> -> memref<80x128xf32, #tpu.memory_space<vmem>>
      %dma_start3A_245 = arith.constant 0 : i32
      %dma_start3A_246 = tpu.memref_slice %arg10[%add3A_26, %dma_start3A_245] : memref<10240x128xf32, #tpu.memory_space<vmem_shared>> -> memref<80x128xf32, #tpu.memory_space<vmem_shared>>
      %dma_start3A_247 = arith.constant 0 : i32
      %dma_start3A_248 = tpu.memref_slice %arg10[%add3A_26, %dma_start3A_247] : memref<10240x128xf32, #tpu.memory_space<vmem_shared>> -> memref<80x128xf32, #tpu.memory_space<vmem_shared>>
      %dma_start3A_249 = arith.constant 0 : i32
      %dma_start3A_250 = arith.constant 0 : i32
      %dma_start3A_251 = tpu.memref_slice %arg7[%run_scoped3A_27, %dma_start3A_249, %dma_start3A_250] : memref<4x80x128xf32, #tpu.memory_space<vmem>> -> memref<1x80x128xf32, #tpu.memory_space<vmem>>
      %dma_start3A_252 = tpu.memref_squeeze %dma_start3A_251 : memref<1x80x128xf32, #tpu.memory_space<vmem>> -> memref<80x128xf32, #tpu.memory_space<vmem>>
      tpu.enqueue_dma source(%dma_start3A_252 : memref<80x128xf32, #tpu.memory_space<vmem>>) target(%dma_start3A_248 : memref<80x128xf32, #tpu.memory_space<vmem_shared>>) target_semaphore(%run_scoped3A_240 : memref<!tpu.dma_semaphore, #tpu.memory_space<semaphore_mem>>)
      %dma_wait3A = arith.constant 0 : i32
      %dma_wait3A_253 = arith.constant 0 : i32
      %dma_wait3A_254 = tpu.memref_slice %arg7[%run_scoped3A_27, %dma_wait3A, %dma_wait3A_253] : memref<4x80x128xf32, #tpu.memory_space<vmem>> -> memref<1x80x128xf32, #tpu.memory_space<vmem>>
      %dma_wait3A_255 = tpu.memref_squeeze %dma_wait3A_254 : memref<1x80x128xf32, #tpu.memory_space<vmem>> -> memref<80x128xf32, #tpu.memory_space<vmem>>
      %dma_wait3A_256 = arith.constant 0 : i32
      %dma_wait3A_257 = tpu.memref_slice %arg10[%add3A_26, %dma_wait3A_256] : memref<10240x128xf32, #tpu.memory_space<vmem_shared>> -> memref<80x128xf32, #tpu.memory_space<vmem_shared>>
      %dma_wait3A_258 = arith.constant 0 : i32
      %dma_wait3A_259 = tpu.memref_slice %arg10[%add3A_26, %dma_wait3A_258] : memref<10240x128xf32, #tpu.memory_space<vmem_shared>> -> memref<80x128xf32, #tpu.memory_space<vmem_shared>>
      %dma_wait3A_260 = arith.constant 0 : i32
      %dma_wait3A_261 = arith.constant 0 : i32
      %dma_wait3A_262 = tpu.memref_slice %arg7[%run_scoped3A_27, %dma_wait3A_260, %dma_wait3A_261] : memref<4x80x128xf32, #tpu.memory_space<vmem>> -> memref<1x80x128xf32, #tpu.memory_space<vmem>>
      %dma_wait3A_263 = tpu.memref_squeeze %dma_wait3A_262 : memref<1x80x128xf32, #tpu.memory_space<vmem>> -> memref<80x128xf32, #tpu.memory_space<vmem>>
      tpu.wait_dma2 semaphore(%run_scoped3A_240 : memref<!tpu.dma_semaphore, #tpu.memory_space<semaphore_mem>>) src(%dma_wait3A_263 : memref<80x128xf32, #tpu.memory_space<vmem>>) dst(%dma_wait3A_259 : memref<80x128xf32, #tpu.memory_space<vmem_shared>>)
      tpu.yield
    }) : () -> ()
    %mul3A_28 = arith.constant 640 : i32
    %mul3A_29 = arith.muli %arg1, %mul3A_28 : i32
    %add3A_30 = arith.constant 400 : i32
    %add3A_31 = arith.addi %mul3A_29, %add3A_30 : i32
    %run_scoped3A_32 = arith.constant 0 : i32
    "tpu.region"() ({
      %run_scoped3A_240 = tpu.sem_alloc : memref<!tpu.dma_semaphore, #tpu.memory_space<semaphore_mem>>
      %dma_start3A_241 = arith.constant 0 : i32
      %dma_start3A_242 = arith.constant 0 : i32
      %dma_start3A_243 = tpu.memref_slice %arg7[%run_scoped3A_32, %dma_start3A_241, %dma_start3A_242] : memref<4x80x128xf32, #tpu.memory_space<vmem>> -> memref<1x80x128xf32, #tpu.memory_space<vmem>>
      %dma_start3A_244 = tpu.memref_squeeze %dma_start3A_243 : memref<1x80x128xf32, #tpu.memory_space<vmem>> -> memref<80x128xf32, #tpu.memory_space<vmem>>
      %dma_start3A_245 = arith.constant 0 : i32
      %dma_start3A_246 = tpu.memref_slice %arg10[%add3A_31, %dma_start3A_245] : memref<10240x128xf32, #tpu.memory_space<vmem_shared>> -> memref<80x128xf32, #tpu.memory_space<vmem_shared>>
      %dma_start3A_247 = arith.constant 0 : i32
      %dma_start3A_248 = tpu.memref_slice %arg10[%add3A_31, %dma_start3A_247] : memref<10240x128xf32, #tpu.memory_space<vmem_shared>> -> memref<80x128xf32, #tpu.memory_space<vmem_shared>>
      %dma_start3A_249 = arith.constant 0 : i32
      %dma_start3A_250 = arith.constant 0 : i32
      %dma_start3A_251 = tpu.memref_slice %arg7[%run_scoped3A_32, %dma_start3A_249, %dma_start3A_250] : memref<4x80x128xf32, #tpu.memory_space<vmem>> -> memref<1x80x128xf32, #tpu.memory_space<vmem>>
      %dma_start3A_252 = tpu.memref_squeeze %dma_start3A_251 : memref<1x80x128xf32, #tpu.memory_space<vmem>> -> memref<80x128xf32, #tpu.memory_space<vmem>>
      tpu.enqueue_dma source(%dma_start3A_252 : memref<80x128xf32, #tpu.memory_space<vmem>>) target(%dma_start3A_248 : memref<80x128xf32, #tpu.memory_space<vmem_shared>>) target_semaphore(%run_scoped3A_240 : memref<!tpu.dma_semaphore, #tpu.memory_space<semaphore_mem>>)
      %dma_wait3A = arith.constant 0 : i32
      %dma_wait3A_253 = arith.constant 0 : i32
      %dma_wait3A_254 = tpu.memref_slice %arg7[%run_scoped3A_32, %dma_wait3A, %dma_wait3A_253] : memref<4x80x128xf32, #tpu.memory_space<vmem>> -> memref<1x80x128xf32, #tpu.memory_space<vmem>>
      %dma_wait3A_255 = tpu.memref_squeeze %dma_wait3A_254 : memref<1x80x128xf32, #tpu.memory_space<vmem>> -> memref<80x128xf32, #tpu.memory_space<vmem>>
      %dma_wait3A_256 = arith.constant 0 : i32
      %dma_wait3A_257 = tpu.memref_slice %arg10[%add3A_31, %dma_wait3A_256] : memref<10240x128xf32, #tpu.memory_space<vmem_shared>> -> memref<80x128xf32, #tpu.memory_space<vmem_shared>>
      %dma_wait3A_258 = arith.constant 0 : i32
      %dma_wait3A_259 = tpu.memref_slice %arg10[%add3A_31, %dma_wait3A_258] : memref<10240x128xf32, #tpu.memory_space<vmem_shared>> -> memref<80x128xf32, #tpu.memory_space<vmem_shared>>
      %dma_wait3A_260 = arith.constant 0 : i32
      %dma_wait3A_261 = arith.constant 0 : i32
      %dma_wait3A_262 = tpu.memref_slice %arg7[%run_scoped3A_32, %dma_wait3A_260, %dma_wait3A_261] : memref<4x80x128xf32, #tpu.memory_space<vmem>> -> memref<1x80x128xf32, #tpu.memory_space<vmem>>
      %dma_wait3A_263 = tpu.memref_squeeze %dma_wait3A_262 : memref<1x80x128xf32, #tpu.memory_space<vmem>> -> memref<80x128xf32, #tpu.memory_space<vmem>>
      tpu.wait_dma2 semaphore(%run_scoped3A_240 : memref<!tpu.dma_semaphore, #tpu.memory_space<semaphore_mem>>) src(%dma_wait3A_263 : memref<80x128xf32, #tpu.memory_space<vmem>>) dst(%dma_wait3A_259 : memref<80x128xf32, #tpu.memory_space<vmem_shared>>)
      tpu.yield
    }) : () -> ()
    %mul3A_33 = arith.constant 640 : i32
    %mul3A_34 = arith.muli %arg1, %mul3A_33 : i32
    %add3A_35 = arith.constant 480 : i32
    %add3A_36 = arith.addi %mul3A_34, %add3A_35 : i32
    %run_scoped3A_37 = arith.constant 0 : i32
    "tpu.region"() ({
      %run_scoped3A_240 = tpu.sem_alloc : memref<!tpu.dma_semaphore, #tpu.memory_space<semaphore_mem>>
      %dma_start3A_241 = arith.constant 0 : i32
      %dma_start3A_242 = arith.constant 0 : i32
      %dma_start3A_243 = tpu.memref_slice %arg7[%run_scoped3A_37, %dma_start3A_241, %dma_start3A_242] : memref<4x80x128xf32, #tpu.memory_space<vmem>> -> memref<1x80x128xf32, #tpu.memory_space<vmem>>
      %dma_start3A_244 = tpu.memref_squeeze %dma_start3A_243 : memref<1x80x128xf32, #tpu.memory_space<vmem>> -> memref<80x128xf32, #tpu.memory_space<vmem>>
      %dma_start3A_245 = arith.constant 0 : i32
      %dma_start3A_246 = tpu.memref_slice %arg10[%add3A_36, %dma_start3A_245] : memref<10240x128xf32, #tpu.memory_space<vmem_shared>> -> memref<80x128xf32, #tpu.memory_space<vmem_shared>>
      %dma_start3A_247 = arith.constant 0 : i32
      %dma_start3A_248 = tpu.memref_slice %arg10[%add3A_36, %dma_start3A_247] : memref<10240x128xf32, #tpu.memory_space<vmem_shared>> -> memref<80x128xf32, #tpu.memory_space<vmem_shared>>
      %dma_start3A_249 = arith.constant 0 : i32
      %dma_start3A_250 = arith.constant 0 : i32
      %dma_start3A_251 = tpu.memref_slice %arg7[%run_scoped3A_37, %dma_start3A_249, %dma_start3A_250] : memref<4x80x128xf32, #tpu.memory_space<vmem>> -> memref<1x80x128xf32, #tpu.memory_space<vmem>>
      %dma_start3A_252 = tpu.memref_squeeze %dma_start3A_251 : memref<1x80x128xf32, #tpu.memory_space<vmem>> -> memref<80x128xf32, #tpu.memory_space<vmem>>
      tpu.enqueue_dma source(%dma_start3A_252 : memref<80x128xf32, #tpu.memory_space<vmem>>) target(%dma_start3A_248 : memref<80x128xf32, #tpu.memory_space<vmem_shared>>) target_semaphore(%run_scoped3A_240 : memref<!tpu.dma_semaphore, #tpu.memory_space<semaphore_mem>>)
      %dma_wait3A = arith.constant 0 : i32
      %dma_wait3A_253 = arith.constant 0 : i32
      %dma_wait3A_254 = tpu.memref_slice %arg7[%run_scoped3A_37, %dma_wait3A, %dma_wait3A_253] : memref<4x80x128xf32, #tpu.memory_space<vmem>> -> memref<1x80x128xf32, #tpu.memory_space<vmem>>
      %dma_wait3A_255 = tpu.memref_squeeze %dma_wait3A_254 : memref<1x80x128xf32, #tpu.memory_space<vmem>> -> memref<80x128xf32, #tpu.memory_space<vmem>>
      %dma_wait3A_256 = arith.constant 0 : i32
      %dma_wait3A_257 = tpu.memref_slice %arg10[%add3A_36, %dma_wait3A_256] : memref<10240x128xf32, #tpu.memory_space<vmem_shared>> -> memref<80x128xf32, #tpu.memory_space<vmem_shared>>
      %dma_wait3A_258 = arith.constant 0 : i32
      %dma_wait3A_259 = tpu.memref_slice %arg10[%add3A_36, %dma_wait3A_258] : memref<10240x128xf32, #tpu.memory_space<vmem_shared>> -> memref<80x128xf32, #tpu.memory_space<vmem_shared>>
      %dma_wait3A_260 = arith.constant 0 : i32
      %dma_wait3A_261 = arith.constant 0 : i32
      %dma_wait3A_262 = tpu.memref_slice %arg7[%run_scoped3A_37, %dma_wait3A_260, %dma_wait3A_261] : memref<4x80x128xf32, #tpu.memory_space<vmem>> -> memref<1x80x128xf32, #tpu.memory_space<vmem>>
      %dma_wait3A_263 = tpu.memref_squeeze %dma_wait3A_262 : memref<1x80x128xf32, #tpu.memory_space<vmem>> -> memref<80x128xf32, #tpu.memory_space<vmem>>
      tpu.wait_dma2 semaphore(%run_scoped3A_240 : memref<!tpu.dma_semaphore, #tpu.memory_space<semaphore_mem>>) src(%dma_wait3A_263 : memref<80x128xf32, #tpu.memory_space<vmem>>) dst(%dma_wait3A_259 : memref<80x128xf32, #tpu.memory_space<vmem_shared>>)
      tpu.yield
    }) : () -> ()
    %mul3A_38 = arith.constant 640 : i32
    %mul3A_39 = arith.muli %arg1, %mul3A_38 : i32
    %add3A_40 = arith.constant 560 : i32
    %add3A_41 = arith.addi %mul3A_39, %add3A_40 : i32
    %run_scoped3A_42 = arith.constant 0 : i32
    "tpu.region"() ({
      %run_scoped3A_240 = tpu.sem_alloc : memref<!tpu.dma_semaphore, #tpu.memory_space<semaphore_mem>>
      %dma_start3A_241 = arith.constant 0 : i32
      %dma_start3A_242 = arith.constant 0 : i32
      %dma_start3A_243 = tpu.memref_slice %arg7[%run_scoped3A_42, %dma_start3A_241, %dma_start3A_242] : memref<4x80x128xf32, #tpu.memory_space<vmem>> -> memref<1x80x128xf32, #tpu.memory_space<vmem>>
      %dma_start3A_244 = tpu.memref_squeeze %dma_start3A_243 : memref<1x80x128xf32, #tpu.memory_space<vmem>> -> memref<80x128xf32, #tpu.memory_space<vmem>>
      %dma_start3A_245 = arith.constant 0 : i32
      %dma_start3A_246 = tpu.memref_slice %arg10[%add3A_41, %dma_start3A_245] : memref<10240x128xf32, #tpu.memory_space<vmem_shared>> -> memref<80x128xf32, #tpu.memory_space<vmem_shared>>
      %dma_start3A_247 = arith.constant 0 : i32
      %dma_start3A_248 = tpu.memref_slice %arg10[%add3A_41, %dma_start3A_247] : memref<10240x128xf32, #tpu.memory_space<vmem_shared>> -> memref<80x128xf32, #tpu.memory_space<vmem_shared>>
      %dma_start3A_249 = arith.constant 0 : i32
      %dma_start3A_250 = arith.constant 0 : i32
      %dma_start3A_251 = tpu.memref_slice %arg7[%run_scoped3A_42, %dma_start3A_249, %dma_start3A_250] : memref<4x80x128xf32, #tpu.memory_space<vmem>> -> memref<1x80x128xf32, #tpu.memory_space<vmem>>
      %dma_start3A_252 = tpu.memref_squeeze %dma_start3A_251 : memref<1x80x128xf32, #tpu.memory_space<vmem>> -> memref<80x128xf32, #tpu.memory_space<vmem>>
      tpu.enqueue_dma source(%dma_start3A_252 : memref<80x128xf32, #tpu.memory_space<vmem>>) target(%dma_start3A_248 : memref<80x128xf32, #tpu.memory_space<vmem_shared>>) target_semaphore(%run_scoped3A_240 : memref<!tpu.dma_semaphore, #tpu.memory_space<semaphore_mem>>)
      %dma_wait3A = arith.constant 0 : i32
      %dma_wait3A_253 = arith.constant 0 : i32
      %dma_wait3A_254 = tpu.memref_slice %arg7[%run_scoped3A_42, %dma_wait3A, %dma_wait3A_253] : memref<4x80x128xf32, #tpu.memory_space<vmem>> -> memref<1x80x128xf32, #tpu.memory_space<vmem>>
      %dma_wait3A_255 = tpu.memref_squeeze %dma_wait3A_254 : memref<1x80x128xf32, #tpu.memory_space<vmem>> -> memref<80x128xf32, #tpu.memory_space<vmem>>
      %dma_wait3A_256 = arith.constant 0 : i32
      %dma_wait3A_257 = tpu.memref_slice %arg10[%add3A_41, %dma_wait3A_256] : memref<10240x128xf32, #tpu.memory_space<vmem_shared>> -> memref<80x128xf32, #tpu.memory_space<vmem_shared>>
      %dma_wait3A_258 = arith.constant 0 : i32
      %dma_wait3A_259 = tpu.memref_slice %arg10[%add3A_41, %dma_wait3A_258] : memref<10240x128xf32, #tpu.memory_space<vmem_shared>> -> memref<80x128xf32, #tpu.memory_space<vmem_shared>>
      %dma_wait3A_260 = arith.constant 0 : i32
      %dma_wait3A_261 = arith.constant 0 : i32
      %dma_wait3A_262 = tpu.memref_slice %arg7[%run_scoped3A_42, %dma_wait3A_260, %dma_wait3A_261] : memref<4x80x128xf32, #tpu.memory_space<vmem>> -> memref<1x80x128xf32, #tpu.memory_space<vmem>>
      %dma_wait3A_263 = tpu.memref_squeeze %dma_wait3A_262 : memref<1x80x128xf32, #tpu.memory_space<vmem>> -> memref<80x128xf32, #tpu.memory_space<vmem>>
      tpu.wait_dma2 semaphore(%run_scoped3A_240 : memref<!tpu.dma_semaphore, #tpu.memory_space<semaphore_mem>>) src(%dma_wait3A_263 : memref<80x128xf32, #tpu.memory_space<vmem>>) dst(%dma_wait3A_259 : memref<80x128xf32, #tpu.memory_space<vmem_shared>>)
      tpu.yield
    }) : () -> ()
    %mul3A_43 = arith.constant 10240 : i32
    %mul3A_44 = arith.muli %add3A, %mul3A_43 : i32
    %add3A_45 = arith.constant 0 : i32
    %add3A_46 = arith.addi %mul3A_44, %add3A_45 : i32
    %multiple_of3A = tpu.assume_multiple %add3A_46, 8 : i32
    %dma_start3A = arith.constant 0 : i32
    %dma_start3A_47 = arith.constant 0 : i32
    %dma_start3A_48 = arith.constant 0 : i32
    %dma_start3A_49 = arith.constant 0 : i32
    %dma_start3A_50 = tpu.memref_slice %arg7[%dma_start3A, %dma_start3A_48, %dma_start3A_49] : memref<4x80x128xf32, #tpu.memory_space<vmem>> -> memref<1x80x128xf32, #tpu.memory_space<vmem>>
    %dma_start3A_51 = tpu.memref_squeeze %dma_start3A_50 : memref<1x80x128xf32, #tpu.memory_space<vmem>> -> memref<80x128xf32, #tpu.memory_space<vmem>>
    %dma_start3A_52 = arith.constant 0 : i32
    %dma_start3A_53 = tpu.memref_slice %arg3[%multiple_of3A, %dma_start3A_52] : memref<320000x128xf32, #tpu.memory_space<hbm>> -> memref<80x128xf32, #tpu.memory_space<hbm>>
    %dma_start3A_54 = tpu.memref_slice %arg11[%dma_start3A_47] : memref<4x!tpu.dma_semaphore, #tpu.memory_space<semaphore_mem>> -> memref<1x!tpu.dma_semaphore, #tpu.memory_space<semaphore_mem>>
    %dma_start3A_55 = tpu.memref_squeeze %dma_start3A_54 : memref<1x!tpu.dma_semaphore, #tpu.memory_space<semaphore_mem>> -> memref<!tpu.dma_semaphore, #tpu.memory_space<semaphore_mem>>
    %dma_start3A_56 = arith.constant 0 : i32
    %dma_start3A_57 = arith.constant 0 : i32
    %dma_start3A_58 = tpu.memref_slice %arg7[%dma_start3A, %dma_start3A_56, %dma_start3A_57] : memref<4x80x128xf32, #tpu.memory_space<vmem>> -> memref<1x80x128xf32, #tpu.memory_space<vmem>>
    %dma_start3A_59 = tpu.memref_squeeze %dma_start3A_58 : memref<1x80x128xf32, #tpu.memory_space<vmem>> -> memref<80x128xf32, #tpu.memory_space<vmem>>
    %dma_start3A_60 = arith.constant 0 : i32
    %dma_start3A_61 = tpu.memref_slice %arg3[%multiple_of3A, %dma_start3A_60] : memref<320000x128xf32, #tpu.memory_space<hbm>> -> memref<80x128xf32, #tpu.memory_space<hbm>>
    tpu.enqueue_dma source(%dma_start3A_61 : memref<80x128xf32, #tpu.memory_space<hbm>>) target(%dma_start3A_59 : memref<80x128xf32, #tpu.memory_space<vmem>>) target_semaphore(%dma_start3A_55 : memref<!tpu.dma_semaphore, #tpu.memory_space<semaphore_mem>>)
    %dma_start3A_62 = arith.constant 0 : i32
    %dma_start3A_63 = arith.constant 0 : i32
    %dma_start3A_64 = arith.constant 0 : i32
    %dma_start3A_65 = tpu.memref_slice %arg8[%dma_start3A_62, %dma_start3A_64] : memref<4x80xi32, #tpu.memory_space<vmem>> -> memref<1x80xi32, #tpu.memory_space<vmem>>
    %dma_start3A_66 = tpu.memref_squeeze %dma_start3A_65 : memref<1x80xi32, #tpu.memory_space<vmem>> -> memref<80xi32, #tpu.memory_space<vmem>>
    %dma_start3A_67 = tpu.memref_slice %arg4[%multiple_of3A] : memref<320000xi32, #tpu.memory_space<hbm>> -> memref<80xi32, #tpu.memory_space<hbm>>
    %dma_start3A_68 = tpu.memref_slice %arg11[%dma_start3A_63] : memref<4x!tpu.dma_semaphore, #tpu.memory_space<semaphore_mem>> -> memref<1x!tpu.dma_semaphore, #tpu.memory_space<semaphore_mem>>
    %dma_start3A_69 = tpu.memref_squeeze %dma_start3A_68 : memref<1x!tpu.dma_semaphore, #tpu.memory_space<semaphore_mem>> -> memref<!tpu.dma_semaphore, #tpu.memory_space<semaphore_mem>>
    %dma_start3A_70 = arith.constant 0 : i32
    %dma_start3A_71 = tpu.memref_slice %arg8[%dma_start3A_62, %dma_start3A_70] : memref<4x80xi32, #tpu.memory_space<vmem>> -> memref<1x80xi32, #tpu.memory_space<vmem>>
    %dma_start3A_72 = tpu.memref_squeeze %dma_start3A_71 : memref<1x80xi32, #tpu.memory_space<vmem>> -> memref<80xi32, #tpu.memory_space<vmem>>
    %dma_start3A_73 = tpu.memref_slice %arg4[%multiple_of3A] : memref<320000xi32, #tpu.memory_space<hbm>> -> memref<80xi32, #tpu.memory_space<hbm>>
    tpu.enqueue_dma source(%dma_start3A_73 : memref<80xi32, #tpu.memory_space<hbm>>) target(%dma_start3A_72 : memref<80xi32, #tpu.memory_space<vmem>>) target_semaphore(%dma_start3A_69 : memref<!tpu.dma_semaphore, #tpu.memory_space<semaphore_mem>>)
    %dma_start3A_74 = arith.constant 0 : i32
    %dma_start3A_75 = arith.constant 0 : i32
    %dma_start3A_76 = arith.constant 0 : i32
    %dma_start3A_77 = tpu.memref_slice %arg9[%dma_start3A_74, %dma_start3A_76] : memref<4x80xi32, #tpu.memory_space<vmem>> -> memref<1x80xi32, #tpu.memory_space<vmem>>
    %dma_start3A_78 = tpu.memref_squeeze %dma_start3A_77 : memref<1x80xi32, #tpu.memory_space<vmem>> -> memref<80xi32, #tpu.memory_space<vmem>>
    %dma_start3A_79 = tpu.memref_slice %arg5[%multiple_of3A] : memref<320000xi32, #tpu.memory_space<hbm>> -> memref<80xi32, #tpu.memory_space<hbm>>
    %dma_start3A_80 = tpu.memref_slice %arg11[%dma_start3A_75] : memref<4x!tpu.dma_semaphore, #tpu.memory_space<semaphore_mem>> -> memref<1x!tpu.dma_semaphore, #tpu.memory_space<semaphore_mem>>
    %dma_start3A_81 = tpu.memref_squeeze %dma_start3A_80 : memref<1x!tpu.dma_semaphore, #tpu.memory_space<semaphore_mem>> -> memref<!tpu.dma_semaphore, #tpu.memory_space<semaphore_mem>>
    %dma_start3A_82 = arith.constant 0 : i32
    %dma_start3A_83 = tpu.memref_slice %arg9[%dma_start3A_74, %dma_start3A_82] : memref<4x80xi32, #tpu.memory_space<vmem>> -> memref<1x80xi32, #tpu.memory_space<vmem>>
    %dma_start3A_84 = tpu.memref_squeeze %dma_start3A_83 : memref<1x80xi32, #tpu.memory_space<vmem>> -> memref<80xi32, #tpu.memory_space<vmem>>
    %dma_start3A_85 = tpu.memref_slice %arg5[%multiple_of3A] : memref<320000xi32, #tpu.memory_space<hbm>> -> memref<80xi32, #tpu.memory_space<hbm>>
    tpu.enqueue_dma source(%dma_start3A_85 : memref<80xi32, #tpu.memory_space<hbm>>) target(%dma_start3A_84 : memref<80xi32, #tpu.memory_space<vmem>>) target_semaphore(%dma_start3A_81 : memref<!tpu.dma_semaphore, #tpu.memory_space<semaphore_mem>>)
    %mul3A_86 = arith.constant 10240 : i32
    %mul3A_87 = arith.muli %add3A, %mul3A_86 : i32
    %add3A_88 = arith.constant 80 : i32
    %add3A_89 = arith.addi %mul3A_87, %add3A_88 : i32
    %multiple_of3A_90 = tpu.assume_multiple %add3A_89, 8 : i32
    %dma_start3A_91 = arith.constant 1 : i32
    %dma_start3A_92 = arith.constant 1 : i32
    %dma_start3A_93 = arith.constant 0 : i32
    %dma_start3A_94 = arith.constant 0 : i32
    %dma_start3A_95 = tpu.memref_slice %arg7[%dma_start3A_91, %dma_start3A_93, %dma_start3A_94] : memref<4x80x128xf32, #tpu.memory_space<vmem>> -> memref<1x80x128xf32, #tpu.memory_space<vmem>>
    %dma_start3A_96 = tpu.memref_squeeze %dma_start3A_95 : memref<1x80x128xf32, #tpu.memory_space<vmem>> -> memref<80x128xf32, #tpu.memory_space<vmem>>
    %dma_start3A_97 = arith.constant 0 : i32
    %dma_start3A_98 = tpu.memref_slice %arg3[%multiple_of3A_90, %dma_start3A_97] : memref<320000x128xf32, #tpu.memory_space<hbm>> -> memref<80x128xf32, #tpu.memory_space<hbm>>
    %dma_start3A_99 = tpu.memref_slice %arg11[%dma_start3A_92] : memref<4x!tpu.dma_semaphore, #tpu.memory_space<semaphore_mem>> -> memref<1x!tpu.dma_semaphore, #tpu.memory_space<semaphore_mem>>
    %dma_start3A_100 = tpu.memref_squeeze %dma_start3A_99 : memref<1x!tpu.dma_semaphore, #tpu.memory_space<semaphore_mem>> -> memref<!tpu.dma_semaphore, #tpu.memory_space<semaphore_mem>>
    %dma_start3A_101 = arith.constant 0 : i32
    %dma_start3A_102 = arith.constant 0 : i32
    %dma_start3A_103 = tpu.memref_slice %arg7[%dma_start3A_91, %dma_start3A_101, %dma_start3A_102] : memref<4x80x128xf32, #tpu.memory_space<vmem>> -> memref<1x80x128xf32, #tpu.memory_space<vmem>>
    %dma_start3A_104 = tpu.memref_squeeze %dma_start3A_103 : memref<1x80x128xf32, #tpu.memory_space<vmem>> -> memref<80x128xf32, #tpu.memory_space<vmem>>
    %dma_start3A_105 = arith.constant 0 : i32
    %dma_start3A_106 = tpu.memref_slice %arg3[%multiple_of3A_90, %dma_start3A_105] : memref<320000x128xf32, #tpu.memory_space<hbm>> -> memref<80x128xf32, #tpu.memory_space<hbm>>
    tpu.enqueue_dma source(%dma_start3A_106 : memref<80x128xf32, #tpu.memory_space<hbm>>) target(%dma_start3A_104 : memref<80x128xf32, #tpu.memory_space<vmem>>) target_semaphore(%dma_start3A_100 : memref<!tpu.dma_semaphore, #tpu.memory_space<semaphore_mem>>)
    %dma_start3A_107 = arith.constant 1 : i32
    %dma_start3A_108 = arith.constant 1 : i32
    %dma_start3A_109 = arith.constant 0 : i32
    %dma_start3A_110 = tpu.memref_slice %arg8[%dma_start3A_107, %dma_start3A_109] : memref<4x80xi32, #tpu.memory_space<vmem>> -> memref<1x80xi32, #tpu.memory_space<vmem>>
    %dma_start3A_111 = tpu.memref_squeeze %dma_start3A_110 : memref<1x80xi32, #tpu.memory_space<vmem>> -> memref<80xi32, #tpu.memory_space<vmem>>
    %dma_start3A_112 = tpu.memref_slice %arg4[%multiple_of3A_90] : memref<320000xi32, #tpu.memory_space<hbm>> -> memref<80xi32, #tpu.memory_space<hbm>>
    %dma_start3A_113 = tpu.memref_slice %arg11[%dma_start3A_108] : memref<4x!tpu.dma_semaphore, #tpu.memory_space<semaphore_mem>> -> memref<1x!tpu.dma_semaphore, #tpu.memory_space<semaphore_mem>>
    %dma_start3A_114 = tpu.memref_squeeze %dma_start3A_113 : memref<1x!tpu.dma_semaphore, #tpu.memory_space<semaphore_mem>> -> memref<!tpu.dma_semaphore, #tpu.memory_space<semaphore_mem>>
    %dma_start3A_115 = arith.constant 0 : i32
    %dma_start3A_116 = tpu.memref_slice %arg8[%dma_start3A_107, %dma_start3A_115] : memref<4x80xi32, #tpu.memory_space<vmem>> -> memref<1x80xi32, #tpu.memory_space<vmem>>
    %dma_start3A_117 = tpu.memref_squeeze %dma_start3A_116 : memref<1x80xi32, #tpu.memory_space<vmem>> -> memref<80xi32, #tpu.memory_space<vmem>>
    %dma_start3A_118 = tpu.memref_slice %arg4[%multiple_of3A_90] : memref<320000xi32, #tpu.memory_space<hbm>> -> memref<80xi32, #tpu.memory_space<hbm>>
    tpu.enqueue_dma source(%dma_start3A_118 : memref<80xi32, #tpu.memory_space<hbm>>) target(%dma_start3A_117 : memref<80xi32, #tpu.memory_space<vmem>>) target_semaphore(%dma_start3A_114 : memref<!tpu.dma_semaphore, #tpu.memory_space<semaphore_mem>>)
    %dma_start3A_119 = arith.constant 1 : i32
    %dma_start3A_120 = arith.constant 1 : i32
    %dma_start3A_121 = arith.constant 0 : i32
    %dma_start3A_122 = tpu.memref_slice %arg9[%dma_start3A_119, %dma_start3A_121] : memref<4x80xi32, #tpu.memory_space<vmem>> -> memref<1x80xi32, #tpu.memory_space<vmem>>
    %dma_start3A_123 = tpu.memref_squeeze %dma_start3A_122 : memref<1x80xi32, #tpu.memory_space<vmem>> -> memref<80xi32, #tpu.memory_space<vmem>>
    %dma_start3A_124 = tpu.memref_slice %arg5[%multiple_of3A_90] : memref<320000xi32, #tpu.memory_space<hbm>> -> memref<80xi32, #tpu.memory_space<hbm>>
    %dma_start3A_125 = tpu.memref_slice %arg11[%dma_start3A_120] : memref<4x!tpu.dma_semaphore, #tpu.memory_space<semaphore_mem>> -> memref<1x!tpu.dma_semaphore, #tpu.memory_space<semaphore_mem>>
    %dma_start3A_126 = tpu.memref_squeeze %dma_start3A_125 : memref<1x!tpu.dma_semaphore, #tpu.memory_space<semaphore_mem>> -> memref<!tpu.dma_semaphore, #tpu.memory_space<semaphore_mem>>
    %dma_start3A_127 = arith.constant 0 : i32
    %dma_start3A_128 = tpu.memref_slice %arg9[%dma_start3A_119, %dma_start3A_127] : memref<4x80xi32, #tpu.memory_space<vmem>> -> memref<1x80xi32, #tpu.memory_space<vmem>>
    %dma_start3A_129 = tpu.memref_squeeze %dma_start3A_128 : memref<1x80xi32, #tpu.memory_space<vmem>> -> memref<80xi32, #tpu.memory_space<vmem>>
    %dma_start3A_130 = tpu.memref_slice %arg5[%multiple_of3A_90] : memref<320000xi32, #tpu.memory_space<hbm>> -> memref<80xi32, #tpu.memory_space<hbm>>
    tpu.enqueue_dma source(%dma_start3A_130 : memref<80xi32, #tpu.memory_space<hbm>>) target(%dma_start3A_129 : memref<80xi32, #tpu.memory_space<vmem>>) target_semaphore(%dma_start3A_126 : memref<!tpu.dma_semaphore, #tpu.memory_space<semaphore_mem>>)
    %mul3A_131 = arith.constant 10240 : i32
    %mul3A_132 = arith.muli %add3A, %mul3A_131 : i32
    %add3A_133 = arith.constant 160 : i32
    %add3A_134 = arith.addi %mul3A_132, %add3A_133 : i32
    %multiple_of3A_135 = tpu.assume_multiple %add3A_134, 8 : i32
    %dma_start3A_136 = arith.constant 2 : i32
    %dma_start3A_137 = arith.constant 2 : i32
    %dma_start3A_138 = arith.constant 0 : i32
    %dma_start3A_139 = arith.constant 0 : i32
    %dma_start3A_140 = tpu.memref_slice %arg7[%dma_start3A_136, %dma_start3A_138, %dma_start3A_139] : memref<4x80x128xf32, #tpu.memory_space<vmem>> -> memref<1x80x128xf32, #tpu.memory_space<vmem>>
    %dma_start3A_141 = tpu.memref_squeeze %dma_start3A_140 : memref<1x80x128xf32, #tpu.memory_space<vmem>> -> memref<80x128xf32, #tpu.memory_space<vmem>>
    %dma_start3A_142 = arith.constant 0 : i32
    %dma_start3A_143 = tpu.memref_slice %arg3[%multiple_of3A_135, %dma_start3A_142] : memref<320000x128xf32, #tpu.memory_space<hbm>> -> memref<80x128xf32, #tpu.memory_space<hbm>>
    %dma_start3A_144 = tpu.memref_slice %arg11[%dma_start3A_137] : memref<4x!tpu.dma_semaphore, #tpu.memory_space<semaphore_mem>> -> memref<1x!tpu.dma_semaphore, #tpu.memory_space<semaphore_mem>>
    %dma_start3A_145 = tpu.memref_squeeze %dma_start3A_144 : memref<1x!tpu.dma_semaphore, #tpu.memory_space<semaphore_mem>> -> memref<!tpu.dma_semaphore, #tpu.memory_space<semaphore_mem>>
    %dma_start3A_146 = arith.constant 0 : i32
    %dma_start3A_147 = arith.constant 0 : i32
    %dma_start3A_148 = tpu.memref_slice %arg7[%dma_start3A_136, %dma_start3A_146, %dma_start3A_147] : memref<4x80x128xf32, #tpu.memory_space<vmem>> -> memref<1x80x128xf32, #tpu.memory_space<vmem>>
    %dma_start3A_149 = tpu.memref_squeeze %dma_start3A_148 : memref<1x80x128xf32, #tpu.memory_space<vmem>> -> memref<80x128xf32, #tpu.memory_space<vmem>>
    %dma_start3A_150 = arith.constant 0 : i32
    %dma_start3A_151 = tpu.memref_slice %arg3[%multiple_of3A_135, %dma_start3A_150] : memref<320000x128xf32, #tpu.memory_space<hbm>> -> memref<80x128xf32, #tpu.memory_space<hbm>>
    tpu.enqueue_dma source(%dma_start3A_151 : memref<80x128xf32, #tpu.memory_space<hbm>>) target(%dma_start3A_149 : memref<80x128xf32, #tpu.memory_space<vmem>>) target_semaphore(%dma_start3A_145 : memref<!tpu.dma_semaphore, #tpu.memory_space<semaphore_mem>>)
    %dma_start3A_152 = arith.constant 2 : i32
    %dma_start3A_153 = arith.constant 2 : i32
    %dma_start3A_154 = arith.constant 0 : i32
    %dma_start3A_155 = tpu.memref_slice %arg8[%dma_start3A_152, %dma_start3A_154] : memref<4x80xi32, #tpu.memory_space<vmem>> -> memref<1x80xi32, #tpu.memory_space<vmem>>
    %dma_start3A_156 = tpu.memref_squeeze %dma_start3A_155 : memref<1x80xi32, #tpu.memory_space<vmem>> -> memref<80xi32, #tpu.memory_space<vmem>>
    %dma_start3A_157 = tpu.memref_slice %arg4[%multiple_of3A_135] : memref<320000xi32, #tpu.memory_space<hbm>> -> memref<80xi32, #tpu.memory_space<hbm>>
    %dma_start3A_158 = tpu.memref_slice %arg11[%dma_start3A_153] : memref<4x!tpu.dma_semaphore, #tpu.memory_space<semaphore_mem>> -> memref<1x!tpu.dma_semaphore, #tpu.memory_space<semaphore_mem>>
    %dma_start3A_159 = tpu.memref_squeeze %dma_start3A_158 : memref<1x!tpu.dma_semaphore, #tpu.memory_space<semaphore_mem>> -> memref<!tpu.dma_semaphore, #tpu.memory_space<semaphore_mem>>
    %dma_start3A_160 = arith.constant 0 : i32
    %dma_start3A_161 = tpu.memref_slice %arg8[%dma_start3A_152, %dma_start3A_160] : memref<4x80xi32, #tpu.memory_space<vmem>> -> memref<1x80xi32, #tpu.memory_space<vmem>>
    %dma_start3A_162 = tpu.memref_squeeze %dma_start3A_161 : memref<1x80xi32, #tpu.memory_space<vmem>> -> memref<80xi32, #tpu.memory_space<vmem>>
    %dma_start3A_163 = tpu.memref_slice %arg4[%multiple_of3A_135] : memref<320000xi32, #tpu.memory_space<hbm>> -> memref<80xi32, #tpu.memory_space<hbm>>
    tpu.enqueue_dma source(%dma_start3A_163 : memref<80xi32, #tpu.memory_space<hbm>>) target(%dma_start3A_162 : memref<80xi32, #tpu.memory_space<vmem>>) target_semaphore(%dma_start3A_159 : memref<!tpu.dma_semaphore, #tpu.memory_space<semaphore_mem>>)
    %dma_start3A_164 = arith.constant 2 : i32
    %dma_start3A_165 = arith.constant 2 : i32
    %dma_start3A_166 = arith.constant 0 : i32
    %dma_start3A_167 = tpu.memref_slice %arg9[%dma_start3A_164, %dma_start3A_166] : memref<4x80xi32, #tpu.memory_space<vmem>> -> memref<1x80xi32, #tpu.memory_space<vmem>>
    %dma_start3A_168 = tpu.memref_squeeze %dma_start3A_167 : memref<1x80xi32, #tpu.memory_space<vmem>> -> memref<80xi32, #tpu.memory_space<vmem>>
    %dma_start3A_169 = tpu.memref_slice %arg5[%multiple_of3A_135] : memref<320000xi32, #tpu.memory_space<hbm>> -> memref<80xi32, #tpu.memory_space<hbm>>
    %dma_start3A_170 = tpu.memref_slice %arg11[%dma_start3A_165] : memref<4x!tpu.dma_semaphore, #tpu.memory_space<semaphore_mem>> -> memref<1x!tpu.dma_semaphore, #tpu.memory_space<semaphore_mem>>
    %dma_start3A_171 = tpu.memref_squeeze %dma_start3A_170 : memref<1x!tpu.dma_semaphore, #tpu.memory_space<semaphore_mem>> -> memref<!tpu.dma_semaphore, #tpu.memory_space<semaphore_mem>>
    %dma_start3A_172 = arith.constant 0 : i32
    %dma_start3A_173 = tpu.memref_slice %arg9[%dma_start3A_164, %dma_start3A_172] : memref<4x80xi32, #tpu.memory_space<vmem>> -> memref<1x80xi32, #tpu.memory_space<vmem>>
    %dma_start3A_174 = tpu.memref_squeeze %dma_start3A_173 : memref<1x80xi32, #tpu.memory_space<vmem>> -> memref<80xi32, #tpu.memory_space<vmem>>
    %dma_start3A_175 = tpu.memref_slice %arg5[%multiple_of3A_135] : memref<320000xi32, #tpu.memory_space<hbm>> -> memref<80xi32, #tpu.memory_space<hbm>>
    tpu.enqueue_dma source(%dma_start3A_175 : memref<80xi32, #tpu.memory_space<hbm>>) target(%dma_start3A_174 : memref<80xi32, #tpu.memory_space<vmem>>) target_semaphore(%dma_start3A_171 : memref<!tpu.dma_semaphore, #tpu.memory_space<semaphore_mem>>)
    %mul3A_176 = arith.constant 10240 : i32
    %mul3A_177 = arith.muli %add3A, %mul3A_176 : i32
    %add3A_178 = arith.constant 240 : i32
    %add3A_179 = arith.addi %mul3A_177, %add3A_178 : i32
    %multiple_of3A_180 = tpu.assume_multiple %add3A_179, 8 : i32
    %dma_start3A_181 = arith.constant 3 : i32
    %dma_start3A_182 = arith.constant 3 : i32
    %dma_start3A_183 = arith.constant 0 : i32
    %dma_start3A_184 = arith.constant 0 : i32
    %dma_start3A_185 = tpu.memref_slice %arg7[%dma_start3A_181, %dma_start3A_183, %dma_start3A_184] : memref<4x80x128xf32, #tpu.memory_space<vmem>> -> memref<1x80x128xf32, #tpu.memory_space<vmem>>
    %dma_start3A_186 = tpu.memref_squeeze %dma_start3A_185 : memref<1x80x128xf32, #tpu.memory_space<vmem>> -> memref<80x128xf32, #tpu.memory_space<vmem>>
    %dma_start3A_187 = arith.constant 0 : i32
    %dma_start3A_188 = tpu.memref_slice %arg3[%multiple_of3A_180, %dma_start3A_187] : memref<320000x128xf32, #tpu.memory_space<hbm>> -> memref<80x128xf32, #tpu.memory_space<hbm>>
    %dma_start3A_189 = tpu.memref_slice %arg11[%dma_start3A_182] : memref<4x!tpu.dma_semaphore, #tpu.memory_space<semaphore_mem>> -> memref<1x!tpu.dma_semaphore, #tpu.memory_space<semaphore_mem>>
    %dma_start3A_190 = tpu.memref_squeeze %dma_start3A_189 : memref<1x!tpu.dma_semaphore, #tpu.memory_space<semaphore_mem>> -> memref<!tpu.dma_semaphore, #tpu.memory_space<semaphore_mem>>
    %dma_start3A_191 = arith.constant 0 : i32
    %dma_start3A_192 = arith.constant 0 : i32
    %dma_start3A_193 = tpu.memref_slice %arg7[%dma_start3A_181, %dma_start3A_191, %dma_start3A_192] : memref<4x80x128xf32, #tpu.memory_space<vmem>> -> memref<1x80x128xf32, #tpu.memory_space<vmem>>
    %dma_start3A_194 = tpu.memref_squeeze %dma_start3A_193 : memref<1x80x128xf32, #tpu.memory_space<vmem>> -> memref<80x128xf32, #tpu.memory_space<vmem>>
    %dma_start3A_195 = arith.constant 0 : i32
    %dma_start3A_196 = tpu.memref_slice %arg3[%multiple_of3A_180, %dma_start3A_195] : memref<320000x128xf32, #tpu.memory_space<hbm>> -> memref<80x128xf32, #tpu.memory_space<hbm>>
    tpu.enqueue_dma source(%dma_start3A_196 : memref<80x128xf32, #tpu.memory_space<hbm>>) target(%dma_start3A_194 : memref<80x128xf32, #tpu.memory_space<vmem>>) target_semaphore(%dma_start3A_190 : memref<!tpu.dma_semaphore, #tpu.memory_space<semaphore_mem>>)
    %dma_start3A_197 = arith.constant 3 : i32
    %dma_start3A_198 = arith.constant 3 : i32
    %dma_start3A_199 = arith.constant 0 : i32
    %dma_start3A_200 = tpu.memref_slice %arg8[%dma_start3A_197, %dma_start3A_199] : memref<4x80xi32, #tpu.memory_space<vmem>> -> memref<1x80xi32, #tpu.memory_space<vmem>>
    %dma_start3A_201 = tpu.memref_squeeze %dma_start3A_200 : memref<1x80xi32, #tpu.memory_space<vmem>> -> memref<80xi32, #tpu.memory_space<vmem>>
    %dma_start3A_202 = tpu.memref_slice %arg4[%multiple_of3A_180] : memref<320000xi32, #tpu.memory_space<hbm>> -> memref<80xi32, #tpu.memory_space<hbm>>
    %dma_start3A_203 = tpu.memref_slice %arg11[%dma_start3A_198] : memref<4x!tpu.dma_semaphore, #tpu.memory_space<semaphore_mem>> -> memref<1x!tpu.dma_semaphore, #tpu.memory_space<semaphore_mem>>
    %dma_start3A_204 = tpu.memref_squeeze %dma_start3A_203 : memref<1x!tpu.dma_semaphore, #tpu.memory_space<semaphore_mem>> -> memref<!tpu.dma_semaphore, #tpu.memory_space<semaphore_mem>>
    %dma_start3A_205 = arith.constant 0 : i32
    %dma_start3A_206 = tpu.memref_slice %arg8[%dma_start3A_197, %dma_start3A_205] : memref<4x80xi32, #tpu.memory_space<vmem>> -> memref<1x80xi32, #tpu.memory_space<vmem>>
    %dma_start3A_207 = tpu.memref_squeeze %dma_start3A_206 : memref<1x80xi32, #tpu.memory_space<vmem>> -> memref<80xi32, #tpu.memory_space<vmem>>
    %dma_start3A_208 = tpu.memref_slice %arg4[%multiple_of3A_180] : memref<320000xi32, #tpu.memory_space<hbm>> -> memref<80xi32, #tpu.memory_space<hbm>>
    tpu.enqueue_dma source(%dma_start3A_208 : memref<80xi32, #tpu.memory_space<hbm>>) target(%dma_start3A_207 : memref<80xi32, #tpu.memory_space<vmem>>) target_semaphore(%dma_start3A_204 : memref<!tpu.dma_semaphore, #tpu.memory_space<semaphore_mem>>)
    %dma_start3A_209 = arith.constant 3 : i32
    %dma_start3A_210 = arith.constant 3 : i32
    %dma_start3A_211 = arith.constant 0 : i32
    %dma_start3A_212 = tpu.memref_slice %arg9[%dma_start3A_209, %dma_start3A_211] : memref<4x80xi32, #tpu.memory_space<vmem>> -> memref<1x80xi32, #tpu.memory_space<vmem>>
    %dma_start3A_213 = tpu.memref_squeeze %dma_start3A_212 : memref<1x80xi32, #tpu.memory_space<vmem>> -> memref<80xi32, #tpu.memory_space<vmem>>
    %dma_start3A_214 = tpu.memref_slice %arg5[%multiple_of3A_180] : memref<320000xi32, #tpu.memory_space<hbm>> -> memref<80xi32, #tpu.memory_space<hbm>>
    %dma_start3A_215 = tpu.memref_slice %arg11[%dma_start3A_210] : memref<4x!tpu.dma_semaphore, #tpu.memory_space<semaphore_mem>> -> memref<1x!tpu.dma_semaphore, #tpu.memory_space<semaphore_mem>>
    %dma_start3A_216 = tpu.memref_squeeze %dma_start3A_215 : memref<1x!tpu.dma_semaphore, #tpu.memory_space<semaphore_mem>> -> memref<!tpu.dma_semaphore, #tpu.memory_space<semaphore_mem>>
    %dma_start3A_217 = arith.constant 0 : i32
    %dma_start3A_218 = tpu.memref_slice %arg9[%dma_start3A_209, %dma_start3A_217] : memref<4x80xi32, #tpu.memory_space<vmem>> -> memref<1x80xi32, #tpu.memory_space<vmem>>
    %dma_start3A_219 = tpu.memref_squeeze %dma_start3A_218 : memref<1x80xi32, #tpu.memory_space<vmem>> -> memref<80xi32, #tpu.memory_space<vmem>>
    %dma_start3A_220 = tpu.memref_slice %arg5[%multiple_of3A_180] : memref<320000xi32, #tpu.memory_space<hbm>> -> memref<80xi32, #tpu.memory_space<hbm>>
    tpu.enqueue_dma source(%dma_start3A_220 : memref<80xi32, #tpu.memory_space<hbm>>) target(%dma_start3A_219 : memref<80xi32, #tpu.memory_space<vmem>>) target_semaphore(%dma_start3A_216 : memref<!tpu.dma_semaphore, #tpu.memory_space<semaphore_mem>>)
    %barrier3A = arith.constant 0 : index
    tpu.barrier barrier_id(%barrier3A)
    %eq3A = arith.constant 31 : i32
    %eq3A_221 = arith.cmpi eq, %add3A, %eq3A : i32
    %jit3A = arith.constant 8 : i32
    %jit3A_222 = arith.constant 32 : i32
    %select_n3A = arith.select %eq3A_221, %jit3A, %jit3A_222 : i32
    %while3A = arith.constant 0 : i32
    %while3A_223 = arith.constant 0 : i32
    %while3A_224 = arith.subi %select_n3A, %while3A_223 : i32
    %while3A_225 = arith.addi %while3A_223, %while3A_224 : i32
    %while3A_226 = arith.constant 1 : i32
    %while3A_227 = arith.divsi %while3A_224, %while3A_226 : i32
    %while3A_228 = arith.muli %while3A_227, %while3A_226 : i32
    %while3A_229 = arith.addi %while3A_223, %while3A_228 : i32
    %while3A_230 = arith.constant 1 : i32
    scf.for %while3A_240 = %while3A_223 to %while3A_229 step %while3A_230  : i32 {
      %mul3A_241 = arith.constant 4 : i32
      %mul3A_242 = arith.muli %while3A_240, %mul3A_241 : i32
      %add3A_243 = arith.constant 0 : i32
      %add3A_244 = arith.addi %mul3A_242, %add3A_243 : i32
      %mul3A_245 = arith.constant 10240 : i32
      %mul3A_246 = arith.muli %add3A, %mul3A_245 : i32
      %mul3A_247 = arith.constant 80 : i32
      %mul3A_248 = arith.muli %add3A_244, %mul3A_247 : i32
      %add3A_249 = arith.addi %mul3A_246, %mul3A_248 : i32
      %multiple_of3A_250 = tpu.assume_multiple %add3A_249, 8 : i32
      %dma_wait3A = arith.constant 0 : i32
      %dma_wait3A_251 = arith.constant 0 : i32
      %dma_wait3A_252 = arith.constant 0 : i32
      %dma_wait3A_253 = arith.constant 0 : i32
      %dma_wait3A_254 = tpu.memref_slice %arg7[%dma_wait3A, %dma_wait3A_252, %dma_wait3A_253] : memref<4x80x128xf32, #tpu.memory_space<vmem>> -> memref<1x80x128xf32, #tpu.memory_space<vmem>>
      %dma_wait3A_255 = tpu.memref_squeeze %dma_wait3A_254 : memref<1x80x128xf32, #tpu.memory_space<vmem>> -> memref<80x128xf32, #tpu.memory_space<vmem>>
      %dma_wait3A_256 = arith.constant 0 : i32
      %dma_wait3A_257 = tpu.memref_slice %arg3[%multiple_of3A_250, %dma_wait3A_256] : memref<320000x128xf32, #tpu.memory_space<hbm>> -> memref<80x128xf32, #tpu.memory_space<hbm>>
      %dma_wait3A_258 = tpu.memref_slice %arg11[%dma_wait3A_251] : memref<4x!tpu.dma_semaphore, #tpu.memory_space<semaphore_mem>> -> memref<1x!tpu.dma_semaphore, #tpu.memory_space<semaphore_mem>>
      %dma_wait3A_259 = tpu.memref_squeeze %dma_wait3A_258 : memref<1x!tpu.dma_semaphore, #tpu.memory_space<semaphore_mem>> -> memref<!tpu.dma_semaphore, #tpu.memory_space<semaphore_mem>>
      %dma_wait3A_260 = arith.constant 0 : i32
      %dma_wait3A_261 = arith.constant 0 : i32
      %dma_wait3A_262 = tpu.memref_slice %arg7[%dma_wait3A, %dma_wait3A_260, %dma_wait3A_261] : memref<4x80x128xf32, #tpu.memory_space<vmem>> -> memref<1x80x128xf32, #tpu.memory_space<vmem>>
      %dma_wait3A_263 = tpu.memref_squeeze %dma_wait3A_262 : memref<1x80x128xf32, #tpu.memory_space<vmem>> -> memref<80x128xf32, #tpu.memory_space<vmem>>
      %dma_wait3A_264 = arith.constant 0 : i32
      %dma_wait3A_265 = tpu.memref_slice %arg3[%multiple_of3A_250, %dma_wait3A_264] : memref<320000x128xf32, #tpu.memory_space<hbm>> -> memref<80x128xf32, #tpu.memory_space<hbm>>
      tpu.wait_dma2 semaphore(%dma_wait3A_259 : memref<!tpu.dma_semaphore, #tpu.memory_space<semaphore_mem>>) src(%dma_wait3A_265 : memref<80x128xf32, #tpu.memory_space<hbm>>) dst(%dma_wait3A_263 : memref<80x128xf32, #tpu.memory_space<vmem>>)
      %dma_wait3A_266 = arith.constant 0 : i32
      %dma_wait3A_267 = arith.constant 0 : i32
      %dma_wait3A_268 = arith.constant 0 : i32
      %dma_wait3A_269 = tpu.memref_slice %arg8[%dma_wait3A_266, %dma_wait3A_268] : memref<4x80xi32, #tpu.memory_space<vmem>> -> memref<1x80xi32, #tpu.memory_space<vmem>>
      %dma_wait3A_270 = tpu.memref_squeeze %dma_wait3A_269 : memref<1x80xi32, #tpu.memory_space<vmem>> -> memref<80xi32, #tpu.memory_space<vmem>>
      %dma_wait3A_271 = tpu.memref_slice %arg4[%multiple_of3A_250] : memref<320000xi32, #tpu.memory_space<hbm>> -> memref<80xi32, #tpu.memory_space<hbm>>
      %dma_wait3A_272 = tpu.memref_slice %arg11[%dma_wait3A_267] : memref<4x!tpu.dma_semaphore, #tpu.memory_space<semaphore_mem>> -> memref<1x!tpu.dma_semaphore, #tpu.memory_space<semaphore_mem>>
      %dma_wait3A_273 = tpu.memref_squeeze %dma_wait3A_272 : memref<1x!tpu.dma_semaphore, #tpu.memory_space<semaphore_mem>> -> memref<!tpu.dma_semaphore, #tpu.memory_space<semaphore_mem>>
      %dma_wait3A_274 = arith.constant 0 : i32
      %dma_wait3A_275 = tpu.memref_slice %arg8[%dma_wait3A_266, %dma_wait3A_274] : memref<4x80xi32, #tpu.memory_space<vmem>> -> memref<1x80xi32, #tpu.memory_space<vmem>>
      %dma_wait3A_276 = tpu.memref_squeeze %dma_wait3A_275 : memref<1x80xi32, #tpu.memory_space<vmem>> -> memref<80xi32, #tpu.memory_space<vmem>>
      %dma_wait3A_277 = tpu.memref_slice %arg4[%multiple_of3A_250] : memref<320000xi32, #tpu.memory_space<hbm>> -> memref<80xi32, #tpu.memory_space<hbm>>
      tpu.wait_dma2 semaphore(%dma_wait3A_273 : memref<!tpu.dma_semaphore, #tpu.memory_space<semaphore_mem>>) src(%dma_wait3A_277 : memref<80xi32, #tpu.memory_space<hbm>>) dst(%dma_wait3A_276 : memref<80xi32, #tpu.memory_space<vmem>>)
      %dma_wait3A_278 = arith.constant 0 : i32
      %dma_wait3A_279 = arith.constant 0 : i32
      %dma_wait3A_280 = arith.constant 0 : i32
      %dma_wait3A_281 = tpu.memref_slice %arg9[%dma_wait3A_278, %dma_wait3A_280] : memref<4x80xi32, #tpu.memory_space<vmem>> -> memref<1x80xi32, #tpu.memory_space<vmem>>
      %dma_wait3A_282 = tpu.memref_squeeze %dma_wait3A_281 : memref<1x80xi32, #tpu.memory_space<vmem>> -> memref<80xi32, #tpu.memory_space<vmem>>
      %dma_wait3A_283 = tpu.memref_slice %arg5[%multiple_of3A_250] : memref<320000xi32, #tpu.memory_space<hbm>> -> memref<80xi32, #tpu.memory_space<hbm>>
      %dma_wait3A_284 = tpu.memref_slice %arg11[%dma_wait3A_279] : memref<4x!tpu.dma_semaphore, #tpu.memory_space<semaphore_mem>> -> memref<1x!tpu.dma_semaphore, #tpu.memory_space<semaphore_mem>>
      %dma_wait3A_285 = tpu.memref_squeeze %dma_wait3A_284 : memref<1x!tpu.dma_semaphore, #tpu.memory_space<semaphore_mem>> -> memref<!tpu.dma_semaphore, #tpu.memory_space<semaphore_mem>>
      %dma_wait3A_286 = arith.constant 0 : i32
      %dma_wait3A_287 = tpu.memref_slice %arg9[%dma_wait3A_278, %dma_wait3A_286] : memref<4x80xi32, #tpu.memory_space<vmem>> -> memref<1x80xi32, #tpu.memory_space<vmem>>
      %dma_wait3A_288 = tpu.memref_squeeze %dma_wait3A_287 : memref<1x80xi32, #tpu.memory_space<vmem>> -> memref<80xi32, #tpu.memory_space<vmem>>
      %dma_wait3A_289 = tpu.memref_slice %arg5[%multiple_of3A_250] : memref<320000xi32, #tpu.memory_space<hbm>> -> memref<80xi32, #tpu.memory_space<hbm>>
      tpu.wait_dma2 semaphore(%dma_wait3A_285 : memref<!tpu.dma_semaphore, #tpu.memory_space<semaphore_mem>>) src(%dma_wait3A_289 : memref<80xi32, #tpu.memory_space<hbm>>) dst(%dma_wait3A_288 : memref<80xi32, #tpu.memory_space<vmem>>)
      %dma_start3A_290 = arith.constant 0 : i32
      %dma_start3A_291 = arith.constant 0 : i32
      %dma_start3A_292 = arith.constant 0 : i32
      %dma_start3A_293 = arith.constant 0 : i32
      %dma_start3A_294 = arith.constant 0 : i32
      %dma_start3A_295 = tpu.memref_slice %arg7[%dma_start3A_291, %dma_start3A_293, %dma_start3A_294] : memref<4x80x128xf32, #tpu.memory_space<vmem>> -> memref<1x80x128xf32, #tpu.memory_space<vmem>>
      %dma_start3A_296 = tpu.memref_squeeze %dma_start3A_295 : memref<1x80x128xf32, #tpu.memory_space<vmem>> -> memref<80x128xf32, #tpu.memory_space<vmem>>
      %dma_start3A_297 = arith.constant 0 : i32
      %dma_start3A_298 = tpu.memref_slice %arg8[%dma_start3A_290, %dma_start3A_297] : memref<4x80xi32, #tpu.memory_space<vmem>> -> memref<1x80xi32, #tpu.memory_space<vmem>>
      %dma_start3A_299 = tpu.memref_squeeze %dma_start3A_298 : memref<1x80xi32, #tpu.memory_space<vmem>> -> memref<80xi32, #tpu.memory_space<vmem>>
      %dma_start3A_300 = arith.constant 0 : i32
      %dma_start3A_301 = arith.constant 0 : i32
      %dma_start3A_302 = tpu.memref_slice %arg2[%dma_start3A_300, %dma_start3A_301] : memref<10000x128xf32, #tpu.memory_space<hbm>> -> memref<10000x128xf32, #tpu.memory_space<hbm>>
      %dma_start3A_303 = tpu.memref_slice %arg12[%dma_start3A_292] : memref<4x!tpu.dma_semaphore, #tpu.memory_space<semaphore_mem>> -> memref<1x!tpu.dma_semaphore, #tpu.memory_space<semaphore_mem>>
      %dma_start3A_304 = tpu.memref_squeeze %dma_start3A_303 : memref<1x!tpu.dma_semaphore, #tpu.memory_space<semaphore_mem>> -> memref<!tpu.dma_semaphore, #tpu.memory_space<semaphore_mem>>
      tpu.enqueue_indirect_dma source(%dma_start3A_302 : memref<10000x128xf32, #tpu.memory_space<hbm>>) target(%dma_start3A_296 : memref<80x128xf32, #tpu.memory_space<vmem>>) offsets(%dma_start3A_299 : memref<80xi32, #tpu.memory_space<vmem>>) semaphore(%dma_start3A_304 : memref<!tpu.dma_semaphore, #tpu.memory_space<semaphore_mem>>) {add = true}
      %add3A_305 = arith.constant 1 : i32
      %add3A_306 = arith.addi %mul3A_242, %add3A_305 : i32
      %mul3A_307 = arith.constant 10240 : i32
      %mul3A_308 = arith.muli %add3A, %mul3A_307 : i32
      %mul3A_309 = arith.constant 80 : i32
      %mul3A_310 = arith.muli %add3A_306, %mul3A_309 : i32
      %add3A_311 = arith.addi %mul3A_308, %mul3A_310 : i32
      %multiple_of3A_312 = tpu.assume_multiple %add3A_311, 8 : i32
      %dma_wait3A_313 = arith.constant 1 : i32
      %dma_wait3A_314 = arith.constant 1 : i32
      %dma_wait3A_315 = arith.constant 0 : i32
      %dma_wait3A_316 = arith.constant 0 : i32
      %dma_wait3A_317 = tpu.memref_slice %arg7[%dma_wait3A_313, %dma_wait3A_315, %dma_wait3A_316] : memref<4x80x128xf32, #tpu.memory_space<vmem>> -> memref<1x80x128xf32, #tpu.memory_space<vmem>>
      %dma_wait3A_318 = tpu.memref_squeeze %dma_wait3A_317 : memref<1x80x128xf32, #tpu.memory_space<vmem>> -> memref<80x128xf32, #tpu.memory_space<vmem>>
      %dma_wait3A_319 = arith.constant 0 : i32
      %dma_wait3A_320 = tpu.memref_slice %arg3[%multiple_of3A_312, %dma_wait3A_319] : memref<320000x128xf32, #tpu.memory_space<hbm>> -> memref<80x128xf32, #tpu.memory_space<hbm>>
      %dma_wait3A_321 = tpu.memref_slice %arg11[%dma_wait3A_314] : memref<4x!tpu.dma_semaphore, #tpu.memory_space<semaphore_mem>> -> memref<1x!tpu.dma_semaphore, #tpu.memory_space<semaphore_mem>>
      %dma_wait3A_322 = tpu.memref_squeeze %dma_wait3A_321 : memref<1x!tpu.dma_semaphore, #tpu.memory_space<semaphore_mem>> -> memref<!tpu.dma_semaphore, #tpu.memory_space<semaphore_mem>>
      %dma_wait3A_323 = arith.constant 0 : i32
      %dma_wait3A_324 = arith.constant 0 : i32
      %dma_wait3A_325 = tpu.memref_slice %arg7[%dma_wait3A_313, %dma_wait3A_323, %dma_wait3A_324] : memref<4x80x128xf32, #tpu.memory_space<vmem>> -> memref<1x80x128xf32, #tpu.memory_space<vmem>>
      %dma_wait3A_326 = tpu.memref_squeeze %dma_wait3A_325 : memref<1x80x128xf32, #tpu.memory_space<vmem>> -> memref<80x128xf32, #tpu.memory_space<vmem>>
      %dma_wait3A_327 = arith.constant 0 : i32
      %dma_wait3A_328 = tpu.memref_slice %arg3[%multiple_of3A_312, %dma_wait3A_327] : memref<320000x128xf32, #tpu.memory_space<hbm>> -> memref<80x128xf32, #tpu.memory_space<hbm>>
      tpu.wait_dma2 semaphore(%dma_wait3A_322 : memref<!tpu.dma_semaphore, #tpu.memory_space<semaphore_mem>>) src(%dma_wait3A_328 : memref<80x128xf32, #tpu.memory_space<hbm>>) dst(%dma_wait3A_326 : memref<80x128xf32, #tpu.memory_space<vmem>>)
      %dma_wait3A_329 = arith.constant 1 : i32
      %dma_wait3A_330 = arith.constant 1 : i32
      %dma_wait3A_331 = arith.constant 0 : i32
      %dma_wait3A_332 = tpu.memref_slice %arg8[%dma_wait3A_329, %dma_wait3A_331] : memref<4x80xi32, #tpu.memory_space<vmem>> -> memref<1x80xi32, #tpu.memory_space<vmem>>
      %dma_wait3A_333 = tpu.memref_squeeze %dma_wait3A_332 : memref<1x80xi32, #tpu.memory_space<vmem>> -> memref<80xi32, #tpu.memory_space<vmem>>
      %dma_wait3A_334 = tpu.memref_slice %arg4[%multiple_of3A_312] : memref<320000xi32, #tpu.memory_space<hbm>> -> memref<80xi32, #tpu.memory_space<hbm>>
      %dma_wait3A_335 = tpu.memref_slice %arg11[%dma_wait3A_330] : memref<4x!tpu.dma_semaphore, #tpu.memory_space<semaphore_mem>> -> memref<1x!tpu.dma_semaphore, #tpu.memory_space<semaphore_mem>>
      %dma_wait3A_336 = tpu.memref_squeeze %dma_wait3A_335 : memref<1x!tpu.dma_semaphore, #tpu.memory_space<semaphore_mem>> -> memref<!tpu.dma_semaphore, #tpu.memory_space<semaphore_mem>>
      %dma_wait3A_337 = arith.constant 0 : i32
      %dma_wait3A_338 = tpu.memref_slice %arg8[%dma_wait3A_329, %dma_wait3A_337] : memref<4x80xi32, #tpu.memory_space<vmem>> -> memref<1x80xi32, #tpu.memory_space<vmem>>
      %dma_wait3A_339 = tpu.memref_squeeze %dma_wait3A_338 : memref<1x80xi32, #tpu.memory_space<vmem>> -> memref<80xi32, #tpu.memory_space<vmem>>
      %dma_wait3A_340 = tpu.memref_slice %arg4[%multiple_of3A_312] : memref<320000xi32, #tpu.memory_space<hbm>> -> memref<80xi32, #tpu.memory_space<hbm>>
      tpu.wait_dma2 semaphore(%dma_wait3A_336 : memref<!tpu.dma_semaphore, #tpu.memory_space<semaphore_mem>>) src(%dma_wait3A_340 : memref<80xi32, #tpu.memory_space<hbm>>) dst(%dma_wait3A_339 : memref<80xi32, #tpu.memory_space<vmem>>)
      %dma_wait3A_341 = arith.constant 1 : i32
      %dma_wait3A_342 = arith.constant 1 : i32
      %dma_wait3A_343 = arith.constant 0 : i32
      %dma_wait3A_344 = tpu.memref_slice %arg9[%dma_wait3A_341, %dma_wait3A_343] : memref<4x80xi32, #tpu.memory_space<vmem>> -> memref<1x80xi32, #tpu.memory_space<vmem>>
      %dma_wait3A_345 = tpu.memref_squeeze %dma_wait3A_344 : memref<1x80xi32, #tpu.memory_space<vmem>> -> memref<80xi32, #tpu.memory_space<vmem>>
      %dma_wait3A_346 = tpu.memref_slice %arg5[%multiple_of3A_312] : memref<320000xi32, #tpu.memory_space<hbm>> -> memref<80xi32, #tpu.memory_space<hbm>>
      %dma_wait3A_347 = tpu.memref_slice %arg11[%dma_wait3A_342] : memref<4x!tpu.dma_semaphore, #tpu.memory_space<semaphore_mem>> -> memref<1x!tpu.dma_semaphore, #tpu.memory_space<semaphore_mem>>
      %dma_wait3A_348 = tpu.memref_squeeze %dma_wait3A_347 : memref<1x!tpu.dma_semaphore, #tpu.memory_space<semaphore_mem>> -> memref<!tpu.dma_semaphore, #tpu.memory_space<semaphore_mem>>
      %dma_wait3A_349 = arith.constant 0 : i32
      %dma_wait3A_350 = tpu.memref_slice %arg9[%dma_wait3A_341, %dma_wait3A_349] : memref<4x80xi32, #tpu.memory_space<vmem>> -> memref<1x80xi32, #tpu.memory_space<vmem>>
      %dma_wait3A_351 = tpu.memref_squeeze %dma_wait3A_350 : memref<1x80xi32, #tpu.memory_space<vmem>> -> memref<80xi32, #tpu.memory_space<vmem>>
      %dma_wait3A_352 = tpu.memref_slice %arg5[%multiple_of3A_312] : memref<320000xi32, #tpu.memory_space<hbm>> -> memref<80xi32, #tpu.memory_space<hbm>>
      tpu.wait_dma2 semaphore(%dma_wait3A_348 : memref<!tpu.dma_semaphore, #tpu.memory_space<semaphore_mem>>) src(%dma_wait3A_352 : memref<80xi32, #tpu.memory_space<hbm>>) dst(%dma_wait3A_351 : memref<80xi32, #tpu.memory_space<vmem>>)
      %dma_start3A_353 = arith.constant 1 : i32
      %dma_start3A_354 = arith.constant 1 : i32
      %dma_start3A_355 = arith.constant 1 : i32
      %dma_start3A_356 = arith.constant 0 : i32
      %dma_start3A_357 = arith.constant 0 : i32
      %dma_start3A_358 = tpu.memref_slice %arg7[%dma_start3A_354, %dma_start3A_356, %dma_start3A_357] : memref<4x80x128xf32, #tpu.memory_space<vmem>> -> memref<1x80x128xf32, #tpu.memory_space<vmem>>
      %dma_start3A_359 = tpu.memref_squeeze %dma_start3A_358 : memref<1x80x128xf32, #tpu.memory_space<vmem>> -> memref<80x128xf32, #tpu.memory_space<vmem>>
      %dma_start3A_360 = arith.constant 0 : i32
      %dma_start3A_361 = tpu.memref_slice %arg8[%dma_start3A_353, %dma_start3A_360] : memref<4x80xi32, #tpu.memory_space<vmem>> -> memref<1x80xi32, #tpu.memory_space<vmem>>
      %dma_start3A_362 = tpu.memref_squeeze %dma_start3A_361 : memref<1x80xi32, #tpu.memory_space<vmem>> -> memref<80xi32, #tpu.memory_space<vmem>>
      %dma_start3A_363 = arith.constant 0 : i32
      %dma_start3A_364 = arith.constant 0 : i32
      %dma_start3A_365 = tpu.memref_slice %arg2[%dma_start3A_363, %dma_start3A_364] : memref<10000x128xf32, #tpu.memory_space<hbm>> -> memref<10000x128xf32, #tpu.memory_space<hbm>>
      %dma_start3A_366 = tpu.memref_slice %arg12[%dma_start3A_355] : memref<4x!tpu.dma_semaphore, #tpu.memory_space<semaphore_mem>> -> memref<1x!tpu.dma_semaphore, #tpu.memory_space<semaphore_mem>>
      %dma_start3A_367 = tpu.memref_squeeze %dma_start3A_366 : memref<1x!tpu.dma_semaphore, #tpu.memory_space<semaphore_mem>> -> memref<!tpu.dma_semaphore, #tpu.memory_space<semaphore_mem>>
      tpu.enqueue_indirect_dma source(%dma_start3A_365 : memref<10000x128xf32, #tpu.memory_space<hbm>>) target(%dma_start3A_359 : memref<80x128xf32, #tpu.memory_space<vmem>>) offsets(%dma_start3A_362 : memref<80xi32, #tpu.memory_space<vmem>>) semaphore(%dma_start3A_367 : memref<!tpu.dma_semaphore, #tpu.memory_space<semaphore_mem>>) {add = true}
      %add3A_368 = arith.constant 2 : i32
      %add3A_369 = arith.addi %mul3A_242, %add3A_368 : i32
      %mul3A_370 = arith.constant 10240 : i32
      %mul3A_371 = arith.muli %add3A, %mul3A_370 : i32
      %mul3A_372 = arith.constant 80 : i32
      %mul3A_373 = arith.muli %add3A_369, %mul3A_372 : i32
      %add3A_374 = arith.addi %mul3A_371, %mul3A_373 : i32
      %multiple_of3A_375 = tpu.assume_multiple %add3A_374, 8 : i32
      %dma_wait3A_376 = arith.constant 2 : i32
      %dma_wait3A_377 = arith.constant 2 : i32
      %dma_wait3A_378 = arith.constant 0 : i32
      %dma_wait3A_379 = arith.constant 0 : i32
      %dma_wait3A_380 = tpu.memref_slice %arg7[%dma_wait3A_376, %dma_wait3A_378, %dma_wait3A_379] : memref<4x80x128xf32, #tpu.memory_space<vmem>> -> memref<1x80x128xf32, #tpu.memory_space<vmem>>
      %dma_wait3A_381 = tpu.memref_squeeze %dma_wait3A_380 : memref<1x80x128xf32, #tpu.memory_space<vmem>> -> memref<80x128xf32, #tpu.memory_space<vmem>>
      %dma_wait3A_382 = arith.constant 0 : i32
      %dma_wait3A_383 = tpu.memref_slice %arg3[%multiple_of3A_375, %dma_wait3A_382] : memref<320000x128xf32, #tpu.memory_space<hbm>> -> memref<80x128xf32, #tpu.memory_space<hbm>>
      %dma_wait3A_384 = tpu.memref_slice %arg11[%dma_wait3A_377] : memref<4x!tpu.dma_semaphore, #tpu.memory_space<semaphore_mem>> -> memref<1x!tpu.dma_semaphore, #tpu.memory_space<semaphore_mem>>
      %dma_wait3A_385 = tpu.memref_squeeze %dma_wait3A_384 : memref<1x!tpu.dma_semaphore, #tpu.memory_space<semaphore_mem>> -> memref<!tpu.dma_semaphore, #tpu.memory_space<semaphore_mem>>
      %dma_wait3A_386 = arith.constant 0 : i32
      %dma_wait3A_387 = arith.constant 0 : i32
      %dma_wait3A_388 = tpu.memref_slice %arg7[%dma_wait3A_376, %dma_wait3A_386, %dma_wait3A_387] : memref<4x80x128xf32, #tpu.memory_space<vmem>> -> memref<1x80x128xf32, #tpu.memory_space<vmem>>
      %dma_wait3A_389 = tpu.memref_squeeze %dma_wait3A_388 : memref<1x80x128xf32, #tpu.memory_space<vmem>> -> memref<80x128xf32, #tpu.memory_space<vmem>>
      %dma_wait3A_390 = arith.constant 0 : i32
      %dma_wait3A_391 = tpu.memref_slice %arg3[%multiple_of3A_375, %dma_wait3A_390] : memref<320000x128xf32, #tpu.memory_space<hbm>> -> memref<80x128xf32, #tpu.memory_space<hbm>>
      tpu.wait_dma2 semaphore(%dma_wait3A_385 : memref<!tpu.dma_semaphore, #tpu.memory_space<semaphore_mem>>) src(%dma_wait3A_391 : memref<80x128xf32, #tpu.memory_space<hbm>>) dst(%dma_wait3A_389 : memref<80x128xf32, #tpu.memory_space<vmem>>)
      %dma_wait3A_392 = arith.constant 2 : i32
      %dma_wait3A_393 = arith.constant 2 : i32
      %dma_wait3A_394 = arith.constant 0 : i32
      %dma_wait3A_395 = tpu.memref_slice %arg8[%dma_wait3A_392, %dma_wait3A_394] : memref<4x80xi32, #tpu.memory_space<vmem>> -> memref<1x80xi32, #tpu.memory_space<vmem>>
      %dma_wait3A_396 = tpu.memref_squeeze %dma_wait3A_395 : memref<1x80xi32, #tpu.memory_space<vmem>> -> memref<80xi32, #tpu.memory_space<vmem>>
      %dma_wait3A_397 = tpu.memref_slice %arg4[%multiple_of3A_375] : memref<320000xi32, #tpu.memory_space<hbm>> -> memref<80xi32, #tpu.memory_space<hbm>>
      %dma_wait3A_398 = tpu.memref_slice %arg11[%dma_wait3A_393] : memref<4x!tpu.dma_semaphore, #tpu.memory_space<semaphore_mem>> -> memref<1x!tpu.dma_semaphore, #tpu.memory_space<semaphore_mem>>
      %dma_wait3A_399 = tpu.memref_squeeze %dma_wait3A_398 : memref<1x!tpu.dma_semaphore, #tpu.memory_space<semaphore_mem>> -> memref<!tpu.dma_semaphore, #tpu.memory_space<semaphore_mem>>
      %dma_wait3A_400 = arith.constant 0 : i32
      %dma_wait3A_401 = tpu.memref_slice %arg8[%dma_wait3A_392, %dma_wait3A_400] : memref<4x80xi32, #tpu.memory_space<vmem>> -> memref<1x80xi32, #tpu.memory_space<vmem>>
      %dma_wait3A_402 = tpu.memref_squeeze %dma_wait3A_401 : memref<1x80xi32, #tpu.memory_space<vmem>> -> memref<80xi32, #tpu.memory_space<vmem>>
      %dma_wait3A_403 = tpu.memref_slice %arg4[%multiple_of3A_375] : memref<320000xi32, #tpu.memory_space<hbm>> -> memref<80xi32, #tpu.memory_space<hbm>>
      tpu.wait_dma2 semaphore(%dma_wait3A_399 : memref<!tpu.dma_semaphore, #tpu.memory_space<semaphore_mem>>) src(%dma_wait3A_403 : memref<80xi32, #tpu.memory_space<hbm>>) dst(%dma_wait3A_402 : memref<80xi32, #tpu.memory_space<vmem>>)
      %dma_wait3A_404 = arith.constant 2 : i32
      %dma_wait3A_405 = arith.constant 2 : i32
      %dma_wait3A_406 = arith.constant 0 : i32
      %dma_wait3A_407 = tpu.memref_slice %arg9[%dma_wait3A_404, %dma_wait3A_406] : memref<4x80xi32, #tpu.memory_space<vmem>> -> memref<1x80xi32, #tpu.memory_space<vmem>>
      %dma_wait3A_408 = tpu.memref_squeeze %dma_wait3A_407 : memref<1x80xi32, #tpu.memory_space<vmem>> -> memref<80xi32, #tpu.memory_space<vmem>>
      %dma_wait3A_409 = tpu.memref_slice %arg5[%multiple_of3A_375] : memref<320000xi32, #tpu.memory_space<hbm>> -> memref<80xi32, #tpu.memory_space<hbm>>
      %dma_wait3A_410 = tpu.memref_slice %arg11[%dma_wait3A_405] : memref<4x!tpu.dma_semaphore, #tpu.memory_space<semaphore_mem>> -> memref<1x!tpu.dma_semaphore, #tpu.memory_space<semaphore_mem>>
      %dma_wait3A_411 = tpu.memref_squeeze %dma_wait3A_410 : memref<1x!tpu.dma_semaphore, #tpu.memory_space<semaphore_mem>> -> memref<!tpu.dma_semaphore, #tpu.memory_space<semaphore_mem>>
      %dma_wait3A_412 = arith.constant 0 : i32
      %dma_wait3A_413 = tpu.memref_slice %arg9[%dma_wait3A_404, %dma_wait3A_412] : memref<4x80xi32, #tpu.memory_space<vmem>> -> memref<1x80xi32, #tpu.memory_space<vmem>>
      %dma_wait3A_414 = tpu.memref_squeeze %dma_wait3A_413 : memref<1x80xi32, #tpu.memory_space<vmem>> -> memref<80xi32, #tpu.memory_space<vmem>>
      %dma_wait3A_415 = tpu.memref_slice %arg5[%multiple_of3A_375] : memref<320000xi32, #tpu.memory_space<hbm>> -> memref<80xi32, #tpu.memory_space<hbm>>
      tpu.wait_dma2 semaphore(%dma_wait3A_411 : memref<!tpu.dma_semaphore, #tpu.memory_space<semaphore_mem>>) src(%dma_wait3A_415 : memref<80xi32, #tpu.memory_space<hbm>>) dst(%dma_wait3A_414 : memref<80xi32, #tpu.memory_space<vmem>>)
      %dma_start3A_416 = arith.constant 2 : i32
      %dma_start3A_417 = arith.constant 2 : i32
      %dma_start3A_418 = arith.constant 2 : i32
      %dma_start3A_419 = arith.constant 0 : i32
      %dma_start3A_420 = arith.constant 0 : i32
      %dma_start3A_421 = tpu.memref_slice %arg7[%dma_start3A_417, %dma_start3A_419, %dma_start3A_420] : memref<4x80x128xf32, #tpu.memory_space<vmem>> -> memref<1x80x128xf32, #tpu.memory_space<vmem>>
      %dma_start3A_422 = tpu.memref_squeeze %dma_start3A_421 : memref<1x80x128xf32, #tpu.memory_space<vmem>> -> memref<80x128xf32, #tpu.memory_space<vmem>>
      %dma_start3A_423 = arith.constant 0 : i32
      %dma_start3A_424 = tpu.memref_slice %arg8[%dma_start3A_416, %dma_start3A_423] : memref<4x80xi32, #tpu.memory_space<vmem>> -> memref<1x80xi32, #tpu.memory_space<vmem>>
      %dma_start3A_425 = tpu.memref_squeeze %dma_start3A_424 : memref<1x80xi32, #tpu.memory_space<vmem>> -> memref<80xi32, #tpu.memory_space<vmem>>
      %dma_start3A_426 = arith.constant 0 : i32
      %dma_start3A_427 = arith.constant 0 : i32
      %dma_start3A_428 = tpu.memref_slice %arg2[%dma_start3A_426, %dma_start3A_427] : memref<10000x128xf32, #tpu.memory_space<hbm>> -> memref<10000x128xf32, #tpu.memory_space<hbm>>
      %dma_start3A_429 = tpu.memref_slice %arg12[%dma_start3A_418] : memref<4x!tpu.dma_semaphore, #tpu.memory_space<semaphore_mem>> -> memref<1x!tpu.dma_semaphore, #tpu.memory_space<semaphore_mem>>
      %dma_start3A_430 = tpu.memref_squeeze %dma_start3A_429 : memref<1x!tpu.dma_semaphore, #tpu.memory_space<semaphore_mem>> -> memref<!tpu.dma_semaphore, #tpu.memory_space<semaphore_mem>>
      tpu.enqueue_indirect_dma source(%dma_start3A_428 : memref<10000x128xf32, #tpu.memory_space<hbm>>) target(%dma_start3A_422 : memref<80x128xf32, #tpu.memory_space<vmem>>) offsets(%dma_start3A_425 : memref<80xi32, #tpu.memory_space<vmem>>) semaphore(%dma_start3A_430 : memref<!tpu.dma_semaphore, #tpu.memory_space<semaphore_mem>>) {add = true}
      %add3A_431 = arith.constant 3 : i32
      %add3A_432 = arith.addi %mul3A_242, %add3A_431 : i32
      %mul3A_433 = arith.constant 10240 : i32
      %mul3A_434 = arith.muli %add3A, %mul3A_433 : i32
      %mul3A_435 = arith.constant 80 : i32
      %mul3A_436 = arith.muli %add3A_432, %mul3A_435 : i32
      %add3A_437 = arith.addi %mul3A_434, %mul3A_436 : i32
      %multiple_of3A_438 = tpu.assume_multiple %add3A_437, 8 : i32
      %dma_wait3A_439 = arith.constant 3 : i32
      %dma_wait3A_440 = arith.constant 3 : i32
      %dma_wait3A_441 = arith.constant 0 : i32
      %dma_wait3A_442 = arith.constant 0 : i32
      %dma_wait3A_443 = tpu.memref_slice %arg7[%dma_wait3A_439, %dma_wait3A_441, %dma_wait3A_442] : memref<4x80x128xf32, #tpu.memory_space<vmem>> -> memref<1x80x128xf32, #tpu.memory_space<vmem>>
      %dma_wait3A_444 = tpu.memref_squeeze %dma_wait3A_443 : memref<1x80x128xf32, #tpu.memory_space<vmem>> -> memref<80x128xf32, #tpu.memory_space<vmem>>
      %dma_wait3A_445 = arith.constant 0 : i32
      %dma_wait3A_446 = tpu.memref_slice %arg3[%multiple_of3A_438, %dma_wait3A_445] : memref<320000x128xf32, #tpu.memory_space<hbm>> -> memref<80x128xf32, #tpu.memory_space<hbm>>
      %dma_wait3A_447 = tpu.memref_slice %arg11[%dma_wait3A_440] : memref<4x!tpu.dma_semaphore, #tpu.memory_space<semaphore_mem>> -> memref<1x!tpu.dma_semaphore, #tpu.memory_space<semaphore_mem>>
      %dma_wait3A_448 = tpu.memref_squeeze %dma_wait3A_447 : memref<1x!tpu.dma_semaphore, #tpu.memory_space<semaphore_mem>> -> memref<!tpu.dma_semaphore, #tpu.memory_space<semaphore_mem>>
      %dma_wait3A_449 = arith.constant 0 : i32
      %dma_wait3A_450 = arith.constant 0 : i32
      %dma_wait3A_451 = tpu.memref_slice %arg7[%dma_wait3A_439, %dma_wait3A_449, %dma_wait3A_450] : memref<4x80x128xf32, #tpu.memory_space<vmem>> -> memref<1x80x128xf32, #tpu.memory_space<vmem>>
      %dma_wait3A_452 = tpu.memref_squeeze %dma_wait3A_451 : memref<1x80x128xf32, #tpu.memory_space<vmem>> -> memref<80x128xf32, #tpu.memory_space<vmem>>
      %dma_wait3A_453 = arith.constant 0 : i32
      %dma_wait3A_454 = tpu.memref_slice %arg3[%multiple_of3A_438, %dma_wait3A_453] : memref<320000x128xf32, #tpu.memory_space<hbm>> -> memref<80x128xf32, #tpu.memory_space<hbm>>
      tpu.wait_dma2 semaphore(%dma_wait3A_448 : memref<!tpu.dma_semaphore, #tpu.memory_space<semaphore_mem>>) src(%dma_wait3A_454 : memref<80x128xf32, #tpu.memory_space<hbm>>) dst(%dma_wait3A_452 : memref<80x128xf32, #tpu.memory_space<vmem>>)
      %dma_wait3A_455 = arith.constant 3 : i32
      %dma_wait3A_456 = arith.constant 3 : i32
      %dma_wait3A_457 = arith.constant 0 : i32
      %dma_wait3A_458 = tpu.memref_slice %arg8[%dma_wait3A_455, %dma_wait3A_457] : memref<4x80xi32, #tpu.memory_space<vmem>> -> memref<1x80xi32, #tpu.memory_space<vmem>>
      %dma_wait3A_459 = tpu.memref_squeeze %dma_wait3A_458 : memref<1x80xi32, #tpu.memory_space<vmem>> -> memref<80xi32, #tpu.memory_space<vmem>>
      %dma_wait3A_460 = tpu.memref_slice %arg4[%multiple_of3A_438] : memref<320000xi32, #tpu.memory_space<hbm>> -> memref<80xi32, #tpu.memory_space<hbm>>
      %dma_wait3A_461 = tpu.memref_slice %arg11[%dma_wait3A_456] : memref<4x!tpu.dma_semaphore, #tpu.memory_space<semaphore_mem>> -> memref<1x!tpu.dma_semaphore, #tpu.memory_space<semaphore_mem>>
      %dma_wait3A_462 = tpu.memref_squeeze %dma_wait3A_461 : memref<1x!tpu.dma_semaphore, #tpu.memory_space<semaphore_mem>> -> memref<!tpu.dma_semaphore, #tpu.memory_space<semaphore_mem>>
      %dma_wait3A_463 = arith.constant 0 : i32
      %dma_wait3A_464 = tpu.memref_slice %arg8[%dma_wait3A_455, %dma_wait3A_463] : memref<4x80xi32, #tpu.memory_space<vmem>> -> memref<1x80xi32, #tpu.memory_space<vmem>>
      %dma_wait3A_465 = tpu.memref_squeeze %dma_wait3A_464 : memref<1x80xi32, #tpu.memory_space<vmem>> -> memref<80xi32, #tpu.memory_space<vmem>>
      %dma_wait3A_466 = tpu.memref_slice %arg4[%multiple_of3A_438] : memref<320000xi32, #tpu.memory_space<hbm>> -> memref<80xi32, #tpu.memory_space<hbm>>
      tpu.wait_dma2 semaphore(%dma_wait3A_462 : memref<!tpu.dma_semaphore, #tpu.memory_space<semaphore_mem>>) src(%dma_wait3A_466 : memref<80xi32, #tpu.memory_space<hbm>>) dst(%dma_wait3A_465 : memref<80xi32, #tpu.memory_space<vmem>>)
      %dma_wait3A_467 = arith.constant 3 : i32
      %dma_wait3A_468 = arith.constant 3 : i32
      %dma_wait3A_469 = arith.constant 0 : i32
      %dma_wait3A_470 = tpu.memref_slice %arg9[%dma_wait3A_467, %dma_wait3A_469] : memref<4x80xi32, #tpu.memory_space<vmem>> -> memref<1x80xi32, #tpu.memory_space<vmem>>
      %dma_wait3A_471 = tpu.memref_squeeze %dma_wait3A_470 : memref<1x80xi32, #tpu.memory_space<vmem>> -> memref<80xi32, #tpu.memory_space<vmem>>
      %dma_wait3A_472 = tpu.memref_slice %arg5[%multiple_of3A_438] : memref<320000xi32, #tpu.memory_space<hbm>> -> memref<80xi32, #tpu.memory_space<hbm>>
      %dma_wait3A_473 = tpu.memref_slice %arg11[%dma_wait3A_468] : memref<4x!tpu.dma_semaphore, #tpu.memory_space<semaphore_mem>> -> memref<1x!tpu.dma_semaphore, #tpu.memory_space<semaphore_mem>>
      %dma_wait3A_474 = tpu.memref_squeeze %dma_wait3A_473 : memref<1x!tpu.dma_semaphore, #tpu.memory_space<semaphore_mem>> -> memref<!tpu.dma_semaphore, #tpu.memory_space<semaphore_mem>>
      %dma_wait3A_475 = arith.constant 0 : i32
      %dma_wait3A_476 = tpu.memref_slice %arg9[%dma_wait3A_467, %dma_wait3A_475] : memref<4x80xi32, #tpu.memory_space<vmem>> -> memref<1x80xi32, #tpu.memory_space<vmem>>
      %dma_wait3A_477 = tpu.memref_squeeze %dma_wait3A_476 : memref<1x80xi32, #tpu.memory_space<vmem>> -> memref<80xi32, #tpu.memory_space<vmem>>
      %dma_wait3A_478 = tpu.memref_slice %arg5[%multiple_of3A_438] : memref<320000xi32, #tpu.memory_space<hbm>> -> memref<80xi32, #tpu.memory_space<hbm>>
      tpu.wait_dma2 semaphore(%dma_wait3A_474 : memref<!tpu.dma_semaphore, #tpu.memory_space<semaphore_mem>>) src(%dma_wait3A_478 : memref<80xi32, #tpu.memory_space<hbm>>) dst(%dma_wait3A_477 : memref<80xi32, #tpu.memory_space<vmem>>)
      %dma_start3A_479 = arith.constant 3 : i32
      %dma_start3A_480 = arith.constant 3 : i32
      %dma_start3A_481 = arith.constant 3 : i32
      %dma_start3A_482 = arith.constant 0 : i32
      %dma_start3A_483 = arith.constant 0 : i32
      %dma_start3A_484 = tpu.memref_slice %arg7[%dma_start3A_480, %dma_start3A_482, %dma_start3A_483] : memref<4x80x128xf32, #tpu.memory_space<vmem>> -> memref<1x80x128xf32, #tpu.memory_space<vmem>>
      %dma_start3A_485 = tpu.memref_squeeze %dma_start3A_484 : memref<1x80x128xf32, #tpu.memory_space<vmem>> -> memref<80x128xf32, #tpu.memory_space<vmem>>
      %dma_start3A_486 = arith.constant 0 : i32
      %dma_start3A_487 = tpu.memref_slice %arg8[%dma_start3A_479, %dma_start3A_486] : memref<4x80xi32, #tpu.memory_space<vmem>> -> memref<1x80xi32, #tpu.memory_space<vmem>>
      %dma_start3A_488 = tpu.memref_squeeze %dma_start3A_487 : memref<1x80xi32, #tpu.memory_space<vmem>> -> memref<80xi32, #tpu.memory_space<vmem>>
      %dma_start3A_489 = arith.constant 0 : i32
      %dma_start3A_490 = arith.constant 0 : i32
      %dma_start3A_491 = tpu.memref_slice %arg2[%dma_start3A_489, %dma_start3A_490] : memref<10000x128xf32, #tpu.memory_space<hbm>> -> memref<10000x128xf32, #tpu.memory_space<hbm>>
      %dma_start3A_492 = tpu.memref_slice %arg12[%dma_start3A_481] : memref<4x!tpu.dma_semaphore, #tpu.memory_space<semaphore_mem>> -> memref<1x!tpu.dma_semaphore, #tpu.memory_space<semaphore_mem>>
      %dma_start3A_493 = tpu.memref_squeeze %dma_start3A_492 : memref<1x!tpu.dma_semaphore, #tpu.memory_space<semaphore_mem>> -> memref<!tpu.dma_semaphore, #tpu.memory_space<semaphore_mem>>
      tpu.enqueue_indirect_dma source(%dma_start3A_491 : memref<10000x128xf32, #tpu.memory_space<hbm>>) target(%dma_start3A_485 : memref<80x128xf32, #tpu.memory_space<vmem>>) offsets(%dma_start3A_488 : memref<80xi32, #tpu.memory_space<vmem>>) semaphore(%dma_start3A_493 : memref<!tpu.dma_semaphore, #tpu.memory_space<semaphore_mem>>) {add = true}
      %dma_wait3A_494 = arith.constant 0 : i32
      %dma_wait3A_495 = arith.constant 0 : i32
      %dma_wait3A_496 = arith.constant 0 : i32
      %dma_wait3A_497 = arith.constant 0 : i32
      %dma_wait3A_498 = arith.constant 0 : i32
      %dma_wait3A_499 = tpu.memref_slice %arg7[%dma_wait3A_495, %dma_wait3A_497, %dma_wait3A_498] : memref<4x80x128xf32, #tpu.memory_space<vmem>> -> memref<1x80x128xf32, #tpu.memory_space<vmem>>
      %dma_wait3A_500 = tpu.memref_squeeze %dma_wait3A_499 : memref<1x80x128xf32, #tpu.memory_space<vmem>> -> memref<80x128xf32, #tpu.memory_space<vmem>>
      %dma_wait3A_501 = arith.constant 0 : i32
      %dma_wait3A_502 = tpu.memref_slice %arg8[%dma_wait3A_494, %dma_wait3A_501] : memref<4x80xi32, #tpu.memory_space<vmem>> -> memref<1x80xi32, #tpu.memory_space<vmem>>
      %dma_wait3A_503 = tpu.memref_squeeze %dma_wait3A_502 : memref<1x80xi32, #tpu.memory_space<vmem>> -> memref<80xi32, #tpu.memory_space<vmem>>
      %dma_wait3A_504 = arith.constant 0 : i32
      %dma_wait3A_505 = arith.constant 0 : i32
      %dma_wait3A_506 = tpu.memref_slice %arg2[%dma_wait3A_504, %dma_wait3A_505] : memref<10000x128xf32, #tpu.memory_space<hbm>> -> memref<10000x128xf32, #tpu.memory_space<hbm>>
      %dma_wait3A_507 = tpu.memref_slice %arg12[%dma_wait3A_496] : memref<4x!tpu.dma_semaphore, #tpu.memory_space<semaphore_mem>> -> memref<1x!tpu.dma_semaphore, #tpu.memory_space<semaphore_mem>>
      %dma_wait3A_508 = tpu.memref_squeeze %dma_wait3A_507 : memref<1x!tpu.dma_semaphore, #tpu.memory_space<semaphore_mem>> -> memref<!tpu.dma_semaphore, #tpu.memory_space<semaphore_mem>>
      tpu.wait_indirect_dma semaphore(%dma_wait3A_508 : memref<!tpu.dma_semaphore, #tpu.memory_space<semaphore_mem>>) src(%dma_wait3A_506 : memref<10000x128xf32, #tpu.memory_space<hbm>>) dst(%dma_wait3A_500 : memref<80x128xf32, #tpu.memory_space<vmem>>)
      %parallel_loop3A_509 = arith.constant 0 : i32
      %parallel_loop3A_510 = arith.constant 80 : i32
      %parallel_loop3A_511 = arith.constant 1 : i32
      scf.for %parallel_loop3A_707 = %parallel_loop3A_509 to %parallel_loop3A_510 step %parallel_loop3A_511  : i32 {
        %parallel_loop3A_708 = arith.constant 0 : i32
        %parallel_loop3A_709 = arith.index_cast %parallel_loop3A_708 : i32 to index
        %parallel_loop3A_710 = arith.index_cast %parallel_loop3A_707 : i32 to index
        %parallel_loop3A_711 = arith.constant 0 : index
        %parallel_loop3A_712 = tpu.vector_load %arg7[%parallel_loop3A_709, %parallel_loop3A_710, %parallel_loop3A_711] {strides = array<i32>} : memref<4x80x128xf32, #tpu.memory_space<vmem>>, vector<1x1x16xf32>,
        %parallel_loop3A_713 = vector.shape_cast %parallel_loop3A_712 : vector<1x1x16xf32> to vector<16xf32>
        %parallel_loop3A_714 = arith.constant 0.000000e+00 : f32
        %parallel_loop3A_715 = vector.broadcast %parallel_loop3A_714 : f32 to vector<16xf32>
        %parallel_loop3A_716 = arith.maximumf %parallel_loop3A_713, %parallel_loop3A_715 : vector<16xf32>
        %parallel_loop3A_717 = arith.constant 0 : i32
        %parallel_loop3A_718 = arith.index_cast %parallel_loop3A_717 : i32 to index
        %parallel_loop3A_719 = arith.index_cast %parallel_loop3A_707 : i32 to index
        %parallel_loop3A_720 = arith.constant 0 : index
        %parallel_loop3A_721 = tpu.vector_load %arg7[%parallel_loop3A_718, %parallel_loop3A_719, %parallel_loop3A_720] {strides = array<i32>} : memref<4x80x128xf32, #tpu.memory_space<vmem>>, vector<1x1x16xf32>,
        %parallel_loop3A_722 = vector.shape_cast %parallel_loop3A_721 : vector<1x1x16xf32> to vector<16xf32>
        %parallel_loop3A_723 = vector.shape_cast %parallel_loop3A_716 : vector<16xf32> to vector<1x1x16xf32>
        tpu.vector_store %arg7[%parallel_loop3A_718, %parallel_loop3A_719, %parallel_loop3A_720], %parallel_loop3A_723 {strides = array<i32>} : memref<4x80x128xf32, #tpu.memory_space<vmem>>, vector<1x1x16xf32>,
        %parallel_loop3A_724 = arith.constant 0 : i32
        %parallel_loop3A_725 = arith.index_cast %parallel_loop3A_724 : i32 to index
        %parallel_loop3A_726 = arith.index_cast %parallel_loop3A_707 : i32 to index
        %parallel_loop3A_727 = arith.constant 16 : index
        %parallel_loop3A_728 = tpu.vector_load %arg7[%parallel_loop3A_725, %parallel_loop3A_726, %parallel_loop3A_727] {strides = array<i32>} : memref<4x80x128xf32, #tpu.memory_space<vmem>>, vector<1x1x16xf32>,
        %parallel_loop3A_729 = vector.shape_cast %parallel_loop3A_728 : vector<1x1x16xf32> to vector<16xf32>
        %parallel_loop3A_730 = arith.constant 0.000000e+00 : f32
        %parallel_loop3A_731 = vector.broadcast %parallel_loop3A_730 : f32 to vector<16xf32>
        %parallel_loop3A_732 = arith.maximumf %parallel_loop3A_729, %parallel_loop3A_731 : vector<16xf32>
        %parallel_loop3A_733 = arith.constant 0 : i32
        %parallel_loop3A_734 = arith.index_cast %parallel_loop3A_733 : i32 to index
        %parallel_loop3A_735 = arith.index_cast %parallel_loop3A_707 : i32 to index
        %parallel_loop3A_736 = arith.constant 16 : index
        %parallel_loop3A_737 = tpu.vector_load %arg7[%parallel_loop3A_734, %parallel_loop3A_735, %parallel_loop3A_736] {strides = array<i32>} : memref<4x80x128xf32, #tpu.memory_space<vmem>>, vector<1x1x16xf32>,
        %parallel_loop3A_738 = vector.shape_cast %parallel_loop3A_737 : vector<1x1x16xf32> to vector<16xf32>
        %parallel_loop3A_739 = vector.shape_cast %parallel_loop3A_732 : vector<16xf32> to vector<1x1x16xf32>
        tpu.vector_store %arg7[%parallel_loop3A_734, %parallel_loop3A_735, %parallel_loop3A_736], %parallel_loop3A_739 {strides = array<i32>} : memref<4x80x128xf32, #tpu.memory_space<vmem>>, vector<1x1x16xf32>,
        %parallel_loop3A_740 = arith.constant 0 : i32
        %parallel_loop3A_741 = arith.index_cast %parallel_loop3A_740 : i32 to index
        %parallel_loop3A_742 = arith.index_cast %parallel_loop3A_707 : i32 to index
        %parallel_loop3A_743 = arith.constant 32 : index
        %parallel_loop3A_744 = tpu.vector_load %arg7[%parallel_loop3A_741, %parallel_loop3A_742, %parallel_loop3A_743] {strides = array<i32>} : memref<4x80x128xf32, #tpu.memory_space<vmem>>, vector<1x1x16xf32>,
        %parallel_loop3A_745 = vector.shape_cast %parallel_loop3A_744 : vector<1x1x16xf32> to vector<16xf32>
        %parallel_loop3A_746 = arith.constant 0.000000e+00 : f32
        %parallel_loop3A_747 = vector.broadcast %parallel_loop3A_746 : f32 to vector<16xf32>
        %parallel_loop3A_748 = arith.maximumf %parallel_loop3A_745, %parallel_loop3A_747 : vector<16xf32>
        %parallel_loop3A_749 = arith.constant 0 : i32
        %parallel_loop3A_750 = arith.index_cast %parallel_loop3A_749 : i32 to index
        %parallel_loop3A_751 = arith.index_cast %parallel_loop3A_707 : i32 to index
        %parallel_loop3A_752 = arith.constant 32 : index
        %parallel_loop3A_753 = tpu.vector_load %arg7[%parallel_loop3A_750, %parallel_loop3A_751, %parallel_loop3A_752] {strides = array<i32>} : memref<4x80x128xf32, #tpu.memory_space<vmem>>, vector<1x1x16xf32>,
        %parallel_loop3A_754 = vector.shape_cast %parallel_loop3A_753 : vector<1x1x16xf32> to vector<16xf32>
        %parallel_loop3A_755 = vector.shape_cast %parallel_loop3A_748 : vector<16xf32> to vector<1x1x16xf32>
        tpu.vector_store %arg7[%parallel_loop3A_750, %parallel_loop3A_751, %parallel_loop3A_752], %parallel_loop3A_755 {strides = array<i32>} : memref<4x80x128xf32, #tpu.memory_space<vmem>>, vector<1x1x16xf32>,
        %parallel_loop3A_756 = arith.constant 0 : i32
        %parallel_loop3A_757 = arith.index_cast %parallel_loop3A_756 : i32 to index
        %parallel_loop3A_758 = arith.index_cast %parallel_loop3A_707 : i32 to index
        %parallel_loop3A_759 = arith.constant 48 : index
        %parallel_loop3A_760 = tpu.vector_load %arg7[%parallel_loop3A_757, %parallel_loop3A_758, %parallel_loop3A_759] {strides = array<i32>} : memref<4x80x128xf32, #tpu.memory_space<vmem>>, vector<1x1x16xf32>,
        %parallel_loop3A_761 = vector.shape_cast %parallel_loop3A_760 : vector<1x1x16xf32> to vector<16xf32>
        %parallel_loop3A_762 = arith.constant 0.000000e+00 : f32
        %parallel_loop3A_763 = vector.broadcast %parallel_loop3A_762 : f32 to vector<16xf32>
        %parallel_loop3A_764 = arith.maximumf %parallel_loop3A_761, %parallel_loop3A_763 : vector<16xf32>
        %parallel_loop3A_765 = arith.constant 0 : i32
        %parallel_loop3A_766 = arith.index_cast %parallel_loop3A_765 : i32 to index
        %parallel_loop3A_767 = arith.index_cast %parallel_loop3A_707 : i32 to index
        %parallel_loop3A_768 = arith.constant 48 : index
        %parallel_loop3A_769 = tpu.vector_load %arg7[%parallel_loop3A_766, %parallel_loop3A_767, %parallel_loop3A_768] {strides = array<i32>} : memref<4x80x128xf32, #tpu.memory_space<vmem>>, vector<1x1x16xf32>,
        %parallel_loop3A_770 = vector.shape_cast %parallel_loop3A_769 : vector<1x1x16xf32> to vector<16xf32>
        %parallel_loop3A_771 = vector.shape_cast %parallel_loop3A_764 : vector<16xf32> to vector<1x1x16xf32>
        tpu.vector_store %arg7[%parallel_loop3A_766, %parallel_loop3A_767, %parallel_loop3A_768], %parallel_loop3A_771 {strides = array<i32>} : memref<4x80x128xf32, #tpu.memory_space<vmem>>, vector<1x1x16xf32>,
        %parallel_loop3A_772 = arith.constant 0 : i32
        %parallel_loop3A_773 = arith.index_cast %parallel_loop3A_772 : i32 to index
        %parallel_loop3A_774 = arith.index_cast %parallel_loop3A_707 : i32 to index
        %parallel_loop3A_775 = arith.constant 64 : index
        %parallel_loop3A_776 = tpu.vector_load %arg7[%parallel_loop3A_773, %parallel_loop3A_774, %parallel_loop3A_775] {strides = array<i32>} : memref<4x80x128xf32, #tpu.memory_space<vmem>>, vector<1x1x16xf32>,
        %parallel_loop3A_777 = vector.shape_cast %parallel_loop3A_776 : vector<1x1x16xf32> to vector<16xf32>
        %parallel_loop3A_778 = arith.constant 0.000000e+00 : f32
        %parallel_loop3A_779 = vector.broadcast %parallel_loop3A_778 : f32 to vector<16xf32>
        %parallel_loop3A_780 = arith.maximumf %parallel_loop3A_777, %parallel_loop3A_779 : vector<16xf32>
        %parallel_loop3A_781 = arith.constant 0 : i32
        %parallel_loop3A_782 = arith.index_cast %parallel_loop3A_781 : i32 to index
        %parallel_loop3A_783 = arith.index_cast %parallel_loop3A_707 : i32 to index
        %parallel_loop3A_784 = arith.constant 64 : index
        %parallel_loop3A_785 = tpu.vector_load %arg7[%parallel_loop3A_782, %parallel_loop3A_783, %parallel_loop3A_784] {strides = array<i32>} : memref<4x80x128xf32, #tpu.memory_space<vmem>>, vector<1x1x16xf32>,
        %parallel_loop3A_786 = vector.shape_cast %parallel_loop3A_785 : vector<1x1x16xf32> to vector<16xf32>
        %parallel_loop3A_787 = vector.shape_cast %parallel_loop3A_780 : vector<16xf32> to vector<1x1x16xf32>
        tpu.vector_store %arg7[%parallel_loop3A_782, %parallel_loop3A_783, %parallel_loop3A_784], %parallel_loop3A_787 {strides = array<i32>} : memref<4x80x128xf32, #tpu.memory_space<vmem>>, vector<1x1x16xf32>,
        %parallel_loop3A_788 = arith.constant 0 : i32
        %parallel_loop3A_789 = arith.index_cast %parallel_loop3A_788 : i32 to index
        %parallel_loop3A_790 = arith.index_cast %parallel_loop3A_707 : i32 to index
        %parallel_loop3A_791 = arith.constant 80 : index
        %parallel_loop3A_792 = tpu.vector_load %arg7[%parallel_loop3A_789, %parallel_loop3A_790, %parallel_loop3A_791] {strides = array<i32>} : memref<4x80x128xf32, #tpu.memory_space<vmem>>, vector<1x1x16xf32>,
        %parallel_loop3A_793 = vector.shape_cast %parallel_loop3A_792 : vector<1x1x16xf32> to vector<16xf32>
        %parallel_loop3A_794 = arith.constant 0.000000e+00 : f32
        %parallel_loop3A_795 = vector.broadcast %parallel_loop3A_794 : f32 to vector<16xf32>
        %parallel_loop3A_796 = arith.maximumf %parallel_loop3A_793, %parallel_loop3A_795 : vector<16xf32>
        %parallel_loop3A_797 = arith.constant 0 : i32
        %parallel_loop3A_798 = arith.index_cast %parallel_loop3A_797 : i32 to index
        %parallel_loop3A_799 = arith.index_cast %parallel_loop3A_707 : i32 to index
        %parallel_loop3A_800 = arith.constant 80 : index
        %parallel_loop3A_801 = tpu.vector_load %arg7[%parallel_loop3A_798, %parallel_loop3A_799, %parallel_loop3A_800] {strides = array<i32>} : memref<4x80x128xf32, #tpu.memory_space<vmem>>, vector<1x1x16xf32>,
        %parallel_loop3A_802 = vector.shape_cast %parallel_loop3A_801 : vector<1x1x16xf32> to vector<16xf32>
        %parallel_loop3A_803 = vector.shape_cast %parallel_loop3A_796 : vector<16xf32> to vector<1x1x16xf32>
        tpu.vector_store %arg7[%parallel_loop3A_798, %parallel_loop3A_799, %parallel_loop3A_800], %parallel_loop3A_803 {strides = array<i32>} : memref<4x80x128xf32, #tpu.memory_space<vmem>>, vector<1x1x16xf32>,
        %parallel_loop3A_804 = arith.constant 0 : i32
        %parallel_loop3A_805 = arith.index_cast %parallel_loop3A_804 : i32 to index
        %parallel_loop3A_806 = arith.index_cast %parallel_loop3A_707 : i32 to index
        %parallel_loop3A_807 = arith.constant 96 : index
        %parallel_loop3A_808 = tpu.vector_load %arg7[%parallel_loop3A_805, %parallel_loop3A_806, %parallel_loop3A_807] {strides = array<i32>} : memref<4x80x128xf32, #tpu.memory_space<vmem>>, vector<1x1x16xf32>,
        %parallel_loop3A_809 = vector.shape_cast %parallel_loop3A_808 : vector<1x1x16xf32> to vector<16xf32>
        %parallel_loop3A_810 = arith.constant 0.000000e+00 : f32
        %parallel_loop3A_811 = vector.broadcast %parallel_loop3A_810 : f32 to vector<16xf32>
        %parallel_loop3A_812 = arith.maximumf %parallel_loop3A_809, %parallel_loop3A_811 : vector<16xf32>
        %parallel_loop3A_813 = arith.constant 0 : i32
        %parallel_loop3A_814 = arith.index_cast %parallel_loop3A_813 : i32 to index
        %parallel_loop3A_815 = arith.index_cast %parallel_loop3A_707 : i32 to index
        %parallel_loop3A_816 = arith.constant 96 : index
        %parallel_loop3A_817 = tpu.vector_load %arg7[%parallel_loop3A_814, %parallel_loop3A_815, %parallel_loop3A_816] {strides = array<i32>} : memref<4x80x128xf32, #tpu.memory_space<vmem>>, vector<1x1x16xf32>,
        %parallel_loop3A_818 = vector.shape_cast %parallel_loop3A_817 : vector<1x1x16xf32> to vector<16xf32>
        %parallel_loop3A_819 = vector.shape_cast %parallel_loop3A_812 : vector<16xf32> to vector<1x1x16xf32>
        tpu.vector_store %arg7[%parallel_loop3A_814, %parallel_loop3A_815, %parallel_loop3A_816], %parallel_loop3A_819 {strides = array<i32>} : memref<4x80x128xf32, #tpu.memory_space<vmem>>, vector<1x1x16xf32>,
        %parallel_loop3A_820 = arith.constant 0 : i32
        %parallel_loop3A_821 = arith.index_cast %parallel_loop3A_820 : i32 to index
        %parallel_loop3A_822 = arith.index_cast %parallel_loop3A_707 : i32 to index
        %parallel_loop3A_823 = arith.constant 112 : index
        %parallel_loop3A_824 = tpu.vector_load %arg7[%parallel_loop3A_821, %parallel_loop3A_822, %parallel_loop3A_823] {strides = array<i32>} : memref<4x80x128xf32, #tpu.memory_space<vmem>>, vector<1x1x16xf32>,
        %parallel_loop3A_825 = vector.shape_cast %parallel_loop3A_824 : vector<1x1x16xf32> to vector<16xf32>
        %parallel_loop3A_826 = arith.constant 0.000000e+00 : f32
        %parallel_loop3A_827 = vector.broadcast %parallel_loop3A_826 : f32 to vector<16xf32>
        %parallel_loop3A_828 = arith.maximumf %parallel_loop3A_825, %parallel_loop3A_827 : vector<16xf32>
        %parallel_loop3A_829 = arith.constant 0 : i32
        %parallel_loop3A_830 = arith.index_cast %parallel_loop3A_829 : i32 to index
        %parallel_loop3A_831 = arith.index_cast %parallel_loop3A_707 : i32 to index
        %parallel_loop3A_832 = arith.constant 112 : index
        %parallel_loop3A_833 = tpu.vector_load %arg7[%parallel_loop3A_830, %parallel_loop3A_831, %parallel_loop3A_832] {strides = array<i32>} : memref<4x80x128xf32, #tpu.memory_space<vmem>>, vector<1x1x16xf32>,
        %parallel_loop3A_834 = vector.shape_cast %parallel_loop3A_833 : vector<1x1x16xf32> to vector<16xf32>
        %parallel_loop3A_835 = vector.shape_cast %parallel_loop3A_828 : vector<16xf32> to vector<1x1x16xf32>
        tpu.vector_store %arg7[%parallel_loop3A_830, %parallel_loop3A_831, %parallel_loop3A_832], %parallel_loop3A_835 {strides = array<i32>} : memref<4x80x128xf32, #tpu.memory_space<vmem>>, vector<1x1x16xf32>,
      } {sc.loop_unroll_factor = 4 : i64, sc.parallel_access}
      %dma_start3A_512 = arith.constant 0 : i32
      %dma_start3A_513 = arith.constant 0 : i32
      %dma_start3A_514 = arith.constant 0 : i32
      %dma_start3A_515 = arith.constant 0 : i32
      %dma_start3A_516 = arith.constant 0 : i32
      %dma_start3A_517 = tpu.memref_slice %arg7[%dma_start3A_512, %dma_start3A_515, %dma_start3A_516] : memref<4x80x128xf32, #tpu.memory_space<vmem>> -> memref<1x80x128xf32, #tpu.memory_space<vmem>>
      %dma_start3A_518 = tpu.memref_squeeze %dma_start3A_517 : memref<1x80x128xf32, #tpu.memory_space<vmem>> -> memref<80x128xf32, #tpu.memory_space<vmem>>
      %dma_start3A_519 = arith.constant 0 : i32
      %dma_start3A_520 = tpu.memref_slice %arg9[%dma_start3A_513, %dma_start3A_519] : memref<4x80xi32, #tpu.memory_space<vmem>> -> memref<1x80xi32, #tpu.memory_space<vmem>>
      %dma_start3A_521 = tpu.memref_squeeze %dma_start3A_520 : memref<1x80xi32, #tpu.memory_space<vmem>> -> memref<80xi32, #tpu.memory_space<vmem>>
      %dma_start3A_522 = arith.constant 0 : i32
      %dma_start3A_523 = arith.constant 0 : i32
      %dma_start3A_524 = tpu.memref_slice %arg10[%dma_start3A_522, %dma_start3A_523] : memref<10240x128xf32, #tpu.memory_space<vmem_shared>> -> memref<10240x128xf32, #tpu.memory_space<vmem_shared>>
      %dma_start3A_525 = tpu.memref_slice %arg13[%dma_start3A_514] : memref<4x!tpu.dma_semaphore, #tpu.memory_space<semaphore_mem>> -> memref<1x!tpu.dma_semaphore, #tpu.memory_space<semaphore_mem>>
      %dma_start3A_526 = tpu.memref_squeeze %dma_start3A_525 : memref<1x!tpu.dma_semaphore, #tpu.memory_space<semaphore_mem>> -> memref<!tpu.dma_semaphore, #tpu.memory_space<semaphore_mem>>
      tpu.enqueue_indirect_dma source(%dma_start3A_518 : memref<80x128xf32, #tpu.memory_space<vmem>>) target(%dma_start3A_524 : memref<10240x128xf32, #tpu.memory_space<vmem_shared>>) offsets(%dma_start3A_521 : memref<80xi32, #tpu.memory_space<vmem>>) semaphore(%dma_start3A_526 : memref<!tpu.dma_semaphore, #tpu.memory_space<semaphore_mem>>) {add = true}
      %dma_wait3A_527 = arith.constant 1 : i32
      %dma_wait3A_528 = arith.constant 1 : i32
      %dma_wait3A_529 = arith.constant 1 : i32
      %dma_wait3A_530 = arith.constant 0 : i32
      %dma_wait3A_531 = arith.constant 0 : i32
      %dma_wait3A_532 = tpu.memref_slice %arg7[%dma_wait3A_528, %dma_wait3A_530, %dma_wait3A_531] : memref<4x80x128xf32, #tpu.memory_space<vmem>> -> memref<1x80x128xf32, #tpu.memory_space<vmem>>
      %dma_wait3A_533 = tpu.memref_squeeze %dma_wait3A_532 : memref<1x80x128xf32, #tpu.memory_space<vmem>> -> memref<80x128xf32, #tpu.memory_space<vmem>>
      %dma_wait3A_534 = arith.constant 0 : i32
      %dma_wait3A_535 = tpu.memref_slice %arg8[%dma_wait3A_527, %dma_wait3A_534] : memref<4x80xi32, #tpu.memory_space<vmem>> -> memref<1x80xi32, #tpu.memory_space<vmem>>
      %dma_wait3A_536 = tpu.memref_squeeze %dma_wait3A_535 : memref<1x80xi32, #tpu.memory_space<vmem>> -> memref<80xi32, #tpu.memory_space<vmem>>
      %dma_wait3A_537 = arith.constant 0 : i32
      %dma_wait3A_538 = arith.constant 0 : i32
      %dma_wait3A_539 = tpu.memref_slice %arg2[%dma_wait3A_537, %dma_wait3A_538] : memref<10000x128xf32, #tpu.memory_space<hbm>> -> memref<10000x128xf32, #tpu.memory_space<hbm>>
      %dma_wait3A_540 = tpu.memref_slice %arg12[%dma_wait3A_529] : memref<4x!tpu.dma_semaphore, #tpu.memory_space<semaphore_mem>> -> memref<1x!tpu.dma_semaphore, #tpu.memory_space<semaphore_mem>>
      %dma_wait3A_541 = tpu.memref_squeeze %dma_wait3A_540 : memref<1x!tpu.dma_semaphore, #tpu.memory_space<semaphore_mem>> -> memref<!tpu.dma_semaphore, #tpu.memory_space<semaphore_mem>>
      tpu.wait_indirect_dma semaphore(%dma_wait3A_541 : memref<!tpu.dma_semaphore, #tpu.memory_space<semaphore_mem>>) src(%dma_wait3A_539 : memref<10000x128xf32, #tpu.memory_space<hbm>>) dst(%dma_wait3A_533 : memref<80x128xf32, #tpu.memory_space<vmem>>)
      %parallel_loop3A_542 = arith.constant 0 : i32
      %parallel_loop3A_543 = arith.constant 80 : i32
      %parallel_loop3A_544 = arith.constant 1 : i32
      scf.for %parallel_loop3A_707 = %parallel_loop3A_542 to %parallel_loop3A_543 step %parallel_loop3A_544  : i32 {
        %parallel_loop3A_708 = arith.constant 1 : i32
        %parallel_loop3A_709 = arith.index_cast %parallel_loop3A_708 : i32 to index
        %parallel_loop3A_710 = arith.index_cast %parallel_loop3A_707 : i32 to index
        %parallel_loop3A_711 = arith.constant 0 : index
        %parallel_loop3A_712 = tpu.vector_load %arg7[%parallel_loop3A_709, %parallel_loop3A_710, %parallel_loop3A_711] {strides = array<i32>} : memref<4x80x128xf32, #tpu.memory_space<vmem>>, vector<1x1x16xf32>,
        %parallel_loop3A_713 = vector.shape_cast %parallel_loop3A_712 : vector<1x1x16xf32> to vector<16xf32>
        %parallel_loop3A_714 = arith.constant 0.000000e+00 : f32
        %parallel_loop3A_715 = vector.broadcast %parallel_loop3A_714 : f32 to vector<16xf32>
        %parallel_loop3A_716 = arith.maximumf %parallel_loop3A_713, %parallel_loop3A_715 : vector<16xf32>
        %parallel_loop3A_717 = arith.constant 1 : i32
        %parallel_loop3A_718 = arith.index_cast %parallel_loop3A_717 : i32 to index
        %parallel_loop3A_719 = arith.index_cast %parallel_loop3A_707 : i32 to index
        %parallel_loop3A_720 = arith.constant 0 : index
        %parallel_loop3A_721 = tpu.vector_load %arg7[%parallel_loop3A_718, %parallel_loop3A_719, %parallel_loop3A_720] {strides = array<i32>} : memref<4x80x128xf32, #tpu.memory_space<vmem>>, vector<1x1x16xf32>,
        %parallel_loop3A_722 = vector.shape_cast %parallel_loop3A_721 : vector<1x1x16xf32> to vector<16xf32>
        %parallel_loop3A_723 = vector.shape_cast %parallel_loop3A_716 : vector<16xf32> to vector<1x1x16xf32>
        tpu.vector_store %arg7[%parallel_loop3A_718, %parallel_loop3A_719, %parallel_loop3A_720], %parallel_loop3A_723 {strides = array<i32>} : memref<4x80x128xf32, #tpu.memory_space<vmem>>, vector<1x1x16xf32>,
        %parallel_loop3A_724 = arith.constant 1 : i32
        %parallel_loop3A_725 = arith.index_cast %parallel_loop3A_724 : i32 to index
        %parallel_loop3A_726 = arith.index_cast %parallel_loop3A_707 : i32 to index
        %parallel_loop3A_727 = arith.constant 16 : index
        %parallel_loop3A_728 = tpu.vector_load %arg7[%parallel_loop3A_725, %parallel_loop3A_726, %parallel_loop3A_727] {strides = array<i32>} : memref<4x80x128xf32, #tpu.memory_space<vmem>>, vector<1x1x16xf32>,
        %parallel_loop3A_729 = vector.shape_cast %parallel_loop3A_728 : vector<1x1x16xf32> to vector<16xf32>
        %parallel_loop3A_730 = arith.constant 0.000000e+00 : f32
        %parallel_loop3A_731 = vector.broadcast %parallel_loop3A_730 : f32 to vector<16xf32>
        %parallel_loop3A_732 = arith.maximumf %parallel_loop3A_729, %parallel_loop3A_731 : vector<16xf32>
        %parallel_loop3A_733 = arith.constant 1 : i32
        %parallel_loop3A_734 = arith.index_cast %parallel_loop3A_733 : i32 to index
        %parallel_loop3A_735 = arith.index_cast %parallel_loop3A_707 : i32 to index
        %parallel_loop3A_736 = arith.constant 16 : index
        %parallel_loop3A_737 = tpu.vector_load %arg7[%parallel_loop3A_734, %parallel_loop3A_735, %parallel_loop3A_736] {strides = array<i32>} : memref<4x80x128xf32, #tpu.memory_space<vmem>>, vector<1x1x16xf32>,
        %parallel_loop3A_738 = vector.shape_cast %parallel_loop3A_737 : vector<1x1x16xf32> to vector<16xf32>
        %parallel_loop3A_739 = vector.shape_cast %parallel_loop3A_732 : vector<16xf32> to vector<1x1x16xf32>
        tpu.vector_store %arg7[%parallel_loop3A_734, %parallel_loop3A_735, %parallel_loop3A_736], %parallel_loop3A_739 {strides = array<i32>} : memref<4x80x128xf32, #tpu.memory_space<vmem>>, vector<1x1x16xf32>,
        %parallel_loop3A_740 = arith.constant 1 : i32
        %parallel_loop3A_741 = arith.index_cast %parallel_loop3A_740 : i32 to index
        %parallel_loop3A_742 = arith.index_cast %parallel_loop3A_707 : i32 to index
        %parallel_loop3A_743 = arith.constant 32 : index
        %parallel_loop3A_744 = tpu.vector_load %arg7[%parallel_loop3A_741, %parallel_loop3A_742, %parallel_loop3A_743] {strides = array<i32>} : memref<4x80x128xf32, #tpu.memory_space<vmem>>, vector<1x1x16xf32>,
        %parallel_loop3A_745 = vector.shape_cast %parallel_loop3A_744 : vector<1x1x16xf32> to vector<16xf32>
        %parallel_loop3A_746 = arith.constant 0.000000e+00 : f32
        %parallel_loop3A_747 = vector.broadcast %parallel_loop3A_746 : f32 to vector<16xf32>
        %parallel_loop3A_748 = arith.maximumf %parallel_loop3A_745, %parallel_loop3A_747 : vector<16xf32>
        %parallel_loop3A_749 = arith.constant 1 : i32
        %parallel_loop3A_750 = arith.index_cast %parallel_loop3A_749 : i32 to index
        %parallel_loop3A_751 = arith.index_cast %parallel_loop3A_707 : i32 to index
        %parallel_loop3A_752 = arith.constant 32 : index
        %parallel_loop3A_753 = tpu.vector_load %arg7[%parallel_loop3A_750, %parallel_loop3A_751, %parallel_loop3A_752] {strides = array<i32>} : memref<4x80x128xf32, #tpu.memory_space<vmem>>, vector<1x1x16xf32>,
        %parallel_loop3A_754 = vector.shape_cast %parallel_loop3A_753 : vector<1x1x16xf32> to vector<16xf32>
        %parallel_loop3A_755 = vector.shape_cast %parallel_loop3A_748 : vector<16xf32> to vector<1x1x16xf32>
        tpu.vector_store %arg7[%parallel_loop3A_750, %parallel_loop3A_751, %parallel_loop3A_752], %parallel_loop3A_755 {strides = array<i32>} : memref<4x80x128xf32, #tpu.memory_space<vmem>>, vector<1x1x16xf32>,
        %parallel_loop3A_756 = arith.constant 1 : i32
        %parallel_loop3A_757 = arith.index_cast %parallel_loop3A_756 : i32 to index
        %parallel_loop3A_758 = arith.index_cast %parallel_loop3A_707 : i32 to index
        %parallel_loop3A_759 = arith.constant 48 : index
        %parallel_loop3A_760 = tpu.vector_load %arg7[%parallel_loop3A_757, %parallel_loop3A_758, %parallel_loop3A_759] {strides = array<i32>} : memref<4x80x128xf32, #tpu.memory_space<vmem>>, vector<1x1x16xf32>,
        %parallel_loop3A_761 = vector.shape_cast %parallel_loop3A_760 : vector<1x1x16xf32> to vector<16xf32>
        %parallel_loop3A_762 = arith.constant 0.000000e+00 : f32
        %parallel_loop3A_763 = vector.broadcast %parallel_loop3A_762 : f32 to vector<16xf32>
        %parallel_loop3A_764 = arith.maximumf %parallel_loop3A_761, %parallel_loop3A_763 : vector<16xf32>
        %parallel_loop3A_765 = arith.constant 1 : i32
        %parallel_loop3A_766 = arith.index_cast %parallel_loop3A_765 : i32 to index
        %parallel_loop3A_767 = arith.index_cast %parallel_loop3A_707 : i32 to index
        %parallel_loop3A_768 = arith.constant 48 : index
        %parallel_loop3A_769 = tpu.vector_load %arg7[%parallel_loop3A_766, %parallel_loop3A_767, %parallel_loop3A_768] {strides = array<i32>} : memref<4x80x128xf32, #tpu.memory_space<vmem>>, vector<1x1x16xf32>,
        %parallel_loop3A_770 = vector.shape_cast %parallel_loop3A_769 : vector<1x1x16xf32> to vector<16xf32>
        %parallel_loop3A_771 = vector.shape_cast %parallel_loop3A_764 : vector<16xf32> to vector<1x1x16xf32>
        tpu.vector_store %arg7[%parallel_loop3A_766, %parallel_loop3A_767, %parallel_loop3A_768], %parallel_loop3A_771 {strides = array<i32>} : memref<4x80x128xf32, #tpu.memory_space<vmem>>, vector<1x1x16xf32>,
        %parallel_loop3A_772 = arith.constant 1 : i32
        %parallel_loop3A_773 = arith.index_cast %parallel_loop3A_772 : i32 to index
        %parallel_loop3A_774 = arith.index_cast %parallel_loop3A_707 : i32 to index
        %parallel_loop3A_775 = arith.constant 64 : index
        %parallel_loop3A_776 = tpu.vector_load %arg7[%parallel_loop3A_773, %parallel_loop3A_774, %parallel_loop3A_775] {strides = array<i32>} : memref<4x80x128xf32, #tpu.memory_space<vmem>>, vector<1x1x16xf32>,
        %parallel_loop3A_777 = vector.shape_cast %parallel_loop3A_776 : vector<1x1x16xf32> to vector<16xf32>
        %parallel_loop3A_778 = arith.constant 0.000000e+00 : f32
        %parallel_loop3A_779 = vector.broadcast %parallel_loop3A_778 : f32 to vector<16xf32>
        %parallel_loop3A_780 = arith.maximumf %parallel_loop3A_777, %parallel_loop3A_779 : vector<16xf32>
        %parallel_loop3A_781 = arith.constant 1 : i32
        %parallel_loop3A_782 = arith.index_cast %parallel_loop3A_781 : i32 to index
        %parallel_loop3A_783 = arith.index_cast %parallel_loop3A_707 : i32 to index
        %parallel_loop3A_784 = arith.constant 64 : index
        %parallel_loop3A_785 = tpu.vector_load %arg7[%parallel_loop3A_782, %parallel_loop3A_783, %parallel_loop3A_784] {strides = array<i32>} : memref<4x80x128xf32, #tpu.memory_space<vmem>>, vector<1x1x16xf32>,
        %parallel_loop3A_786 = vector.shape_cast %parallel_loop3A_785 : vector<1x1x16xf32> to vector<16xf32>
        %parallel_loop3A_787 = vector.shape_cast %parallel_loop3A_780 : vector<16xf32> to vector<1x1x16xf32>
        tpu.vector_store %arg7[%parallel_loop3A_782, %parallel_loop3A_783, %parallel_loop3A_784], %parallel_loop3A_787 {strides = array<i32>} : memref<4x80x128xf32, #tpu.memory_space<vmem>>, vector<1x1x16xf32>,
        %parallel_loop3A_788 = arith.constant 1 : i32
        %parallel_loop3A_789 = arith.index_cast %parallel_loop3A_788 : i32 to index
        %parallel_loop3A_790 = arith.index_cast %parallel_loop3A_707 : i32 to index
        %parallel_loop3A_791 = arith.constant 80 : index
        %parallel_loop3A_792 = tpu.vector_load %arg7[%parallel_loop3A_789, %parallel_loop3A_790, %parallel_loop3A_791] {strides = array<i32>} : memref<4x80x128xf32, #tpu.memory_space<vmem>>, vector<1x1x16xf32>,
        %parallel_loop3A_793 = vector.shape_cast %parallel_loop3A_792 : vector<1x1x16xf32> to vector<16xf32>
        %parallel_loop3A_794 = arith.constant 0.000000e+00 : f32
        %parallel_loop3A_795 = vector.broadcast %parallel_loop3A_794 : f32 to vector<16xf32>
        %parallel_loop3A_796 = arith.maximumf %parallel_loop3A_793, %parallel_loop3A_795 : vector<16xf32>
        %parallel_loop3A_797 = arith.constant 1 : i32
        %parallel_loop3A_798 = arith.index_cast %parallel_loop3A_797 : i32 to index
        %parallel_loop3A_799 = arith.index_cast %parallel_loop3A_707 : i32 to index
        %parallel_loop3A_800 = arith.constant 80 : index
        %parallel_loop3A_801 = tpu.vector_load %arg7[%parallel_loop3A_798, %parallel_loop3A_799, %parallel_loop3A_800] {strides = array<i32>} : memref<4x80x128xf32, #tpu.memory_space<vmem>>, vector<1x1x16xf32>,
        %parallel_loop3A_802 = vector.shape_cast %parallel_loop3A_801 : vector<1x1x16xf32> to vector<16xf32>
        %parallel_loop3A_803 = vector.shape_cast %parallel_loop3A_796 : vector<16xf32> to vector<1x1x16xf32>
        tpu.vector_store %arg7[%parallel_loop3A_798, %parallel_loop3A_799, %parallel_loop3A_800], %parallel_loop3A_803 {strides = array<i32>} : memref<4x80x128xf32, #tpu.memory_space<vmem>>, vector<1x1x16xf32>,
        %parallel_loop3A_804 = arith.constant 1 : i32
        %parallel_loop3A_805 = arith.index_cast %parallel_loop3A_804 : i32 to index
        %parallel_loop3A_806 = arith.index_cast %parallel_loop3A_707 : i32 to index
        %parallel_loop3A_807 = arith.constant 96 : index
        %parallel_loop3A_808 = tpu.vector_load %arg7[%parallel_loop3A_805, %parallel_loop3A_806, %parallel_loop3A_807] {strides = array<i32>} : memref<4x80x128xf32, #tpu.memory_space<vmem>>, vector<1x1x16xf32>,
        %parallel_loop3A_809 = vector.shape_cast %parallel_loop3A_808 : vector<1x1x16xf32> to vector<16xf32>
        %parallel_loop3A_810 = arith.constant 0.000000e+00 : f32
        %parallel_loop3A_811 = vector.broadcast %parallel_loop3A_810 : f32 to vector<16xf32>
        %parallel_loop3A_812 = arith.maximumf %parallel_loop3A_809, %parallel_loop3A_811 : vector<16xf32>
        %parallel_loop3A_813 = arith.constant 1 : i32
        %parallel_loop3A_814 = arith.index_cast %parallel_loop3A_813 : i32 to index
        %parallel_loop3A_815 = arith.index_cast %parallel_loop3A_707 : i32 to index
        %parallel_loop3A_816 = arith.constant 96 : index
        %parallel_loop3A_817 = tpu.vector_load %arg7[%parallel_loop3A_814, %parallel_loop3A_815, %parallel_loop3A_816] {strides = array<i32>} : memref<4x80x128xf32, #tpu.memory_space<vmem>>, vector<1x1x16xf32>,
        %parallel_loop3A_818 = vector.shape_cast %parallel_loop3A_817 : vector<1x1x16xf32> to vector<16xf32>
        %parallel_loop3A_819 = vector.shape_cast %parallel_loop3A_812 : vector<16xf32> to vector<1x1x16xf32>
        tpu.vector_store %arg7[%parallel_loop3A_814, %parallel_loop3A_815, %parallel_loop3A_816], %parallel_loop3A_819 {strides = array<i32>} : memref<4x80x128xf32, #tpu.memory_space<vmem>>, vector<1x1x16xf32>,
        %parallel_loop3A_820 = arith.constant 1 : i32
        %parallel_loop3A_821 = arith.index_cast %parallel_loop3A_820 : i32 to index
        %parallel_loop3A_822 = arith.index_cast %parallel_loop3A_707 : i32 to index
        %parallel_loop3A_823 = arith.constant 112 : index
        %parallel_loop3A_824 = tpu.vector_load %arg7[%parallel_loop3A_821, %parallel_loop3A_822, %parallel_loop3A_823] {strides = array<i32>} : memref<4x80x128xf32, #tpu.memory_space<vmem>>, vector<1x1x16xf32>,
        %parallel_loop3A_825 = vector.shape_cast %parallel_loop3A_824 : vector<1x1x16xf32> to vector<16xf32>
        %parallel_loop3A_826 = arith.constant 0.000000e+00 : f32
        %parallel_loop3A_827 = vector.broadcast %parallel_loop3A_826 : f32 to vector<16xf32>
        %parallel_loop3A_828 = arith.maximumf %parallel_loop3A_825, %parallel_loop3A_827 : vector<16xf32>
        %parallel_loop3A_829 = arith.constant 1 : i32
        %parallel_loop3A_830 = arith.index_cast %parallel_loop3A_829 : i32 to index
        %parallel_loop3A_831 = arith.index_cast %parallel_loop3A_707 : i32 to index
        %parallel_loop3A_832 = arith.constant 112 : index
        %parallel_loop3A_833 = tpu.vector_load %arg7[%parallel_loop3A_830, %parallel_loop3A_831, %parallel_loop3A_832] {strides = array<i32>} : memref<4x80x128xf32, #tpu.memory_space<vmem>>, vector<1x1x16xf32>,
        %parallel_loop3A_834 = vector.shape_cast %parallel_loop3A_833 : vector<1x1x16xf32> to vector<16xf32>
        %parallel_loop3A_835 = vector.shape_cast %parallel_loop3A_828 : vector<16xf32> to vector<1x1x16xf32>
        tpu.vector_store %arg7[%parallel_loop3A_830, %parallel_loop3A_831, %parallel_loop3A_832], %parallel_loop3A_835 {strides = array<i32>} : memref<4x80x128xf32, #tpu.memory_space<vmem>>, vector<1x1x16xf32>,
      } {sc.loop_unroll_factor = 4 : i64, sc.parallel_access}
      %dma_start3A_545 = arith.constant 1 : i32
      %dma_start3A_546 = arith.constant 1 : i32
      %dma_start3A_547 = arith.constant 1 : i32
      %dma_start3A_548 = arith.constant 0 : i32
      %dma_start3A_549 = arith.constant 0 : i32
      %dma_start3A_550 = tpu.memref_slice %arg7[%dma_start3A_545, %dma_start3A_548, %dma_start3A_549] : memref<4x80x128xf32, #tpu.memory_space<vmem>> -> memref<1x80x128xf32, #tpu.memory_space<vmem>>
      %dma_start3A_551 = tpu.memref_squeeze %dma_start3A_550 : memref<1x80x128xf32, #tpu.memory_space<vmem>> -> memref<80x128xf32, #tpu.memory_space<vmem>>
      %dma_start3A_552 = arith.constant 0 : i32
      %dma_start3A_553 = tpu.memref_slice %arg9[%dma_start3A_546, %dma_start3A_552] : memref<4x80xi32, #tpu.memory_space<vmem>> -> memref<1x80xi32, #tpu.memory_space<vmem>>
      %dma_start3A_554 = tpu.memref_squeeze %dma_start3A_553 : memref<1x80xi32, #tpu.memory_space<vmem>> -> memref<80xi32, #tpu.memory_space<vmem>>
      %dma_start3A_555 = arith.constant 0 : i32
      %dma_start3A_556 = arith.constant 0 : i32
      %dma_start3A_557 = tpu.memref_slice %arg10[%dma_start3A_555, %dma_start3A_556] : memref<10240x128xf32, #tpu.memory_space<vmem_shared>> -> memref<10240x128xf32, #tpu.memory_space<vmem_shared>>
      %dma_start3A_558 = tpu.memref_slice %arg13[%dma_start3A_547] : memref<4x!tpu.dma_semaphore, #tpu.memory_space<semaphore_mem>> -> memref<1x!tpu.dma_semaphore, #tpu.memory_space<semaphore_mem>>
      %dma_start3A_559 = tpu.memref_squeeze %dma_start3A_558 : memref<1x!tpu.dma_semaphore, #tpu.memory_space<semaphore_mem>> -> memref<!tpu.dma_semaphore, #tpu.memory_space<semaphore_mem>>
      tpu.enqueue_indirect_dma source(%dma_start3A_551 : memref<80x128xf32, #tpu.memory_space<vmem>>) target(%dma_start3A_557 : memref<10240x128xf32, #tpu.memory_space<vmem_shared>>) offsets(%dma_start3A_554 : memref<80xi32, #tpu.memory_space<vmem>>) semaphore(%dma_start3A_559 : memref<!tpu.dma_semaphore, #tpu.memory_space<semaphore_mem>>) {add = true}
      %dma_wait3A_560 = arith.constant 2 : i32
      %dma_wait3A_561 = arith.constant 2 : i32
      %dma_wait3A_562 = arith.constant 2 : i32
      %dma_wait3A_563 = arith.constant 0 : i32
      %dma_wait3A_564 = arith.constant 0 : i32
      %dma_wait3A_565 = tpu.memref_slice %arg7[%dma_wait3A_561, %dma_wait3A_563, %dma_wait3A_564] : memref<4x80x128xf32, #tpu.memory_space<vmem>> -> memref<1x80x128xf32, #tpu.memory_space<vmem>>
      %dma_wait3A_566 = tpu.memref_squeeze %dma_wait3A_565 : memref<1x80x128xf32, #tpu.memory_space<vmem>> -> memref<80x128xf32, #tpu.memory_space<vmem>>
      %dma_wait3A_567 = arith.constant 0 : i32
      %dma_wait3A_568 = tpu.memref_slice %arg8[%dma_wait3A_560, %dma_wait3A_567] : memref<4x80xi32, #tpu.memory_space<vmem>> -> memref<1x80xi32, #tpu.memory_space<vmem>>
      %dma_wait3A_569 = tpu.memref_squeeze %dma_wait3A_568 : memref<1x80xi32, #tpu.memory_space<vmem>> -> memref<80xi32, #tpu.memory_space<vmem>>
      %dma_wait3A_570 = arith.constant 0 : i32
      %dma_wait3A_571 = arith.constant 0 : i32
      %dma_wait3A_572 = tpu.memref_slice %arg2[%dma_wait3A_570, %dma_wait3A_571] : memref<10000x128xf32, #tpu.memory_space<hbm>> -> memref<10000x128xf32, #tpu.memory_space<hbm>>
      %dma_wait3A_573 = tpu.memref_slice %arg12[%dma_wait3A_562] : memref<4x!tpu.dma_semaphore, #tpu.memory_space<semaphore_mem>> -> memref<1x!tpu.dma_semaphore, #tpu.memory_space<semaphore_mem>>
      %dma_wait3A_574 = tpu.memref_squeeze %dma_wait3A_573 : memref<1x!tpu.dma_semaphore, #tpu.memory_space<semaphore_mem>> -> memref<!tpu.dma_semaphore, #tpu.memory_space<semaphore_mem>>
      tpu.wait_indirect_dma semaphore(%dma_wait3A_574 : memref<!tpu.dma_semaphore, #tpu.memory_space<semaphore_mem>>) src(%dma_wait3A_572 : memref<10000x128xf32, #tpu.memory_space<hbm>>) dst(%dma_wait3A_566 : memref<80x128xf32, #tpu.memory_space<vmem>>)
      %parallel_loop3A_575 = arith.constant 0 : i32
      %parallel_loop3A_576 = arith.constant 80 : i32
      %parallel_loop3A_577 = arith.constant 1 : i32
      scf.for %parallel_loop3A_707 = %parallel_loop3A_575 to %parallel_loop3A_576 step %parallel_loop3A_577  : i32 {
        %parallel_loop3A_708 = arith.constant 2 : i32
        %parallel_loop3A_709 = arith.index_cast %parallel_loop3A_708 : i32 to index
        %parallel_loop3A_710 = arith.index_cast %parallel_loop3A_707 : i32 to index
        %parallel_loop3A_711 = arith.constant 0 : index
        %parallel_loop3A_712 = tpu.vector_load %arg7[%parallel_loop3A_709, %parallel_loop3A_710, %parallel_loop3A_711] {strides = array<i32>} : memref<4x80x128xf32, #tpu.memory_space<vmem>>, vector<1x1x16xf32>,
        %parallel_loop3A_713 = vector.shape_cast %parallel_loop3A_712 : vector<1x1x16xf32> to vector<16xf32>
        %parallel_loop3A_714 = arith.constant 0.000000e+00 : f32
        %parallel_loop3A_715 = vector.broadcast %parallel_loop3A_714 : f32 to vector<16xf32>
        %parallel_loop3A_716 = arith.maximumf %parallel_loop3A_713, %parallel_loop3A_715 : vector<16xf32>
        %parallel_loop3A_717 = arith.constant 2 : i32
        %parallel_loop3A_718 = arith.index_cast %parallel_loop3A_717 : i32 to index
        %parallel_loop3A_719 = arith.index_cast %parallel_loop3A_707 : i32 to index
        %parallel_loop3A_720 = arith.constant 0 : index
        %parallel_loop3A_721 = tpu.vector_load %arg7[%parallel_loop3A_718, %parallel_loop3A_719, %parallel_loop3A_720] {strides = array<i32>} : memref<4x80x128xf32, #tpu.memory_space<vmem>>, vector<1x1x16xf32>,
        %parallel_loop3A_722 = vector.shape_cast %parallel_loop3A_721 : vector<1x1x16xf32> to vector<16xf32>
        %parallel_loop3A_723 = vector.shape_cast %parallel_loop3A_716 : vector<16xf32> to vector<1x1x16xf32>
        tpu.vector_store %arg7[%parallel_loop3A_718, %parallel_loop3A_719, %parallel_loop3A_720], %parallel_loop3A_723 {strides = array<i32>} : memref<4x80x128xf32, #tpu.memory_space<vmem>>, vector<1x1x16xf32>,
        %parallel_loop3A_724 = arith.constant 2 : i32
        %parallel_loop3A_725 = arith.index_cast %parallel_loop3A_724 : i32 to index
        %parallel_loop3A_726 = arith.index_cast %parallel_loop3A_707 : i32 to index
        %parallel_loop3A_727 = arith.constant 16 : index
        %parallel_loop3A_728 = tpu.vector_load %arg7[%parallel_loop3A_725, %parallel_loop3A_726, %parallel_loop3A_727] {strides = array<i32>} : memref<4x80x128xf32, #tpu.memory_space<vmem>>, vector<1x1x16xf32>,
        %parallel_loop3A_729 = vector.shape_cast %parallel_loop3A_728 : vector<1x1x16xf32> to vector<16xf32>
        %parallel_loop3A_730 = arith.constant 0.000000e+00 : f32
        %parallel_loop3A_731 = vector.broadcast %parallel_loop3A_730 : f32 to vector<16xf32>
        %parallel_loop3A_732 = arith.maximumf %parallel_loop3A_729, %parallel_loop3A_731 : vector<16xf32>
        %parallel_loop3A_733 = arith.constant 2 : i32
        %parallel_loop3A_734 = arith.index_cast %parallel_loop3A_733 : i32 to index
        %parallel_loop3A_735 = arith.index_cast %parallel_loop3A_707 : i32 to index
        %parallel_loop3A_736 = arith.constant 16 : index
        %parallel_loop3A_737 = tpu.vector_load %arg7[%parallel_loop3A_734, %parallel_loop3A_735, %parallel_loop3A_736] {strides = array<i32>} : memref<4x80x128xf32, #tpu.memory_space<vmem>>, vector<1x1x16xf32>,
        %parallel_loop3A_738 = vector.shape_cast %parallel_loop3A_737 : vector<1x1x16xf32> to vector<16xf32>
        %parallel_loop3A_739 = vector.shape_cast %parallel_loop3A_732 : vector<16xf32> to vector<1x1x16xf32>
        tpu.vector_store %arg7[%parallel_loop3A_734, %parallel_loop3A_735, %parallel_loop3A_736], %parallel_loop3A_739 {strides = array<i32>} : memref<4x80x128xf32, #tpu.memory_space<vmem>>, vector<1x1x16xf32>,
        %parallel_loop3A_740 = arith.constant 2 : i32
        %parallel_loop3A_741 = arith.index_cast %parallel_loop3A_740 : i32 to index
        %parallel_loop3A_742 = arith.index_cast %parallel_loop3A_707 : i32 to index
        %parallel_loop3A_743 = arith.constant 32 : index
        %parallel_loop3A_744 = tpu.vector_load %arg7[%parallel_loop3A_741, %parallel_loop3A_742, %parallel_loop3A_743] {strides = array<i32>} : memref<4x80x128xf32, #tpu.memory_space<vmem>>, vector<1x1x16xf32>,
        %parallel_loop3A_745 = vector.shape_cast %parallel_loop3A_744 : vector<1x1x16xf32> to vector<16xf32>
        %parallel_loop3A_746 = arith.constant 0.000000e+00 : f32
        %parallel_loop3A_747 = vector.broadcast %parallel_loop3A_746 : f32 to vector<16xf32>
        %parallel_loop3A_748 = arith.maximumf %parallel_loop3A_745, %parallel_loop3A_747 : vector<16xf32>
        %parallel_loop3A_749 = arith.constant 2 : i32
        %parallel_loop3A_750 = arith.index_cast %parallel_loop3A_749 : i32 to index
        %parallel_loop3A_751 = arith.index_cast %parallel_loop3A_707 : i32 to index
        %parallel_loop3A_752 = arith.constant 32 : index
        %parallel_loop3A_753 = tpu.vector_load %arg7[%parallel_loop3A_750, %parallel_loop3A_751, %parallel_loop3A_752] {strides = array<i32>} : memref<4x80x128xf32, #tpu.memory_space<vmem>>, vector<1x1x16xf32>,
        %parallel_loop3A_754 = vector.shape_cast %parallel_loop3A_753 : vector<1x1x16xf32> to vector<16xf32>
        %parallel_loop3A_755 = vector.shape_cast %parallel_loop3A_748 : vector<16xf32> to vector<1x1x16xf32>
        tpu.vector_store %arg7[%parallel_loop3A_750, %parallel_loop3A_751, %parallel_loop3A_752], %parallel_loop3A_755 {strides = array<i32>} : memref<4x80x128xf32, #tpu.memory_space<vmem>>, vector<1x1x16xf32>,
        %parallel_loop3A_756 = arith.constant 2 : i32
        %parallel_loop3A_757 = arith.index_cast %parallel_loop3A_756 : i32 to index
        %parallel_loop3A_758 = arith.index_cast %parallel_loop3A_707 : i32 to index
        %parallel_loop3A_759 = arith.constant 48 : index
        %parallel_loop3A_760 = tpu.vector_load %arg7[%parallel_loop3A_757, %parallel_loop3A_758, %parallel_loop3A_759] {strides = array<i32>} : memref<4x80x128xf32, #tpu.memory_space<vmem>>, vector<1x1x16xf32>,
        %parallel_loop3A_761 = vector.shape_cast %parallel_loop3A_760 : vector<1x1x16xf32> to vector<16xf32>
        %parallel_loop3A_762 = arith.constant 0.000000e+00 : f32
        %parallel_loop3A_763 = vector.broadcast %parallel_loop3A_762 : f32 to vector<16xf32>
        %parallel_loop3A_764 = arith.maximumf %parallel_loop3A_761, %parallel_loop3A_763 : vector<16xf32>
        %parallel_loop3A_765 = arith.constant 2 : i32
        %parallel_loop3A_766 = arith.index_cast %parallel_loop3A_765 : i32 to index
        %parallel_loop3A_767 = arith.index_cast %parallel_loop3A_707 : i32 to index
        %parallel_loop3A_768 = arith.constant 48 : index
        %parallel_loop3A_769 = tpu.vector_load %arg7[%parallel_loop3A_766, %parallel_loop3A_767, %parallel_loop3A_768] {strides = array<i32>} : memref<4x80x128xf32, #tpu.memory_space<vmem>>, vector<1x1x16xf32>,
        %parallel_loop3A_770 = vector.shape_cast %parallel_loop3A_769 : vector<1x1x16xf32> to vector<16xf32>
        %parallel_loop3A_771 = vector.shape_cast %parallel_loop3A_764 : vector<16xf32> to vector<1x1x16xf32>
        tpu.vector_store %arg7[%parallel_loop3A_766, %parallel_loop3A_767, %parallel_loop3A_768], %parallel_loop3A_771 {strides = array<i32>} : memref<4x80x128xf32, #tpu.memory_space<vmem>>, vector<1x1x16xf32>,
        %parallel_loop3A_772 = arith.constant 2 : i32
        %parallel_loop3A_773 = arith.index_cast %parallel_loop3A_772 : i32 to index
        %parallel_loop3A_774 = arith.index_cast %parallel_loop3A_707 : i32 to index
        %parallel_loop3A_775 = arith.constant 64 : index
        %parallel_loop3A_776 = tpu.vector_load %arg7[%parallel_loop3A_773, %parallel_loop3A_774, %parallel_loop3A_775] {strides = array<i32>} : memref<4x80x128xf32, #tpu.memory_space<vmem>>, vector<1x1x16xf32>,
        %parallel_loop3A_777 = vector.shape_cast %parallel_loop3A_776 : vector<1x1x16xf32> to vector<16xf32>
        %parallel_loop3A_778 = arith.constant 0.000000e+00 : f32
        %parallel_loop3A_779 = vector.broadcast %parallel_loop3A_778 : f32 to vector<16xf32>
        %parallel_loop3A_780 = arith.maximumf %parallel_loop3A_777, %parallel_loop3A_779 : vector<16xf32>
        %parallel_loop3A_781 = arith.constant 2 : i32
        %parallel_loop3A_782 = arith.index_cast %parallel_loop3A_781 : i32 to index
        %parallel_loop3A_783 = arith.index_cast %parallel_loop3A_707 : i32 to index
        %parallel_loop3A_784 = arith.constant 64 : index
        %parallel_loop3A_785 = tpu.vector_load %arg7[%parallel_loop3A_782, %parallel_loop3A_783, %parallel_loop3A_784] {strides = array<i32>} : memref<4x80x128xf32, #tpu.memory_space<vmem>>, vector<1x1x16xf32>,
        %parallel_loop3A_786 = vector.shape_cast %parallel_loop3A_785 : vector<1x1x16xf32> to vector<16xf32>
        %parallel_loop3A_787 = vector.shape_cast %parallel_loop3A_780 : vector<16xf32> to vector<1x1x16xf32>
        tpu.vector_store %arg7[%parallel_loop3A_782, %parallel_loop3A_783, %parallel_loop3A_784], %parallel_loop3A_787 {strides = array<i32>} : memref<4x80x128xf32, #tpu.memory_space<vmem>>, vector<1x1x16xf32>,
        %parallel_loop3A_788 = arith.constant 2 : i32
        %parallel_loop3A_789 = arith.index_cast %parallel_loop3A_788 : i32 to index
        %parallel_loop3A_790 = arith.index_cast %parallel_loop3A_707 : i32 to index
        %parallel_loop3A_791 = arith.constant 80 : index
        %parallel_loop3A_792 = tpu.vector_load %arg7[%parallel_loop3A_789, %parallel_loop3A_790, %parallel_loop3A_791] {strides = array<i32>} : memref<4x80x128xf32, #tpu.memory_space<vmem>>, vector<1x1x16xf32>,
        %parallel_loop3A_793 = vector.shape_cast %parallel_loop3A_792 : vector<1x1x16xf32> to vector<16xf32>
        %parallel_loop3A_794 = arith.constant 0.000000e+00 : f32
        %parallel_loop3A_795 = vector.broadcast %parallel_loop3A_794 : f32 to vector<16xf32>
        %parallel_loop3A_796 = arith.maximumf %parallel_loop3A_793, %parallel_loop3A_795 : vector<16xf32>
        %parallel_loop3A_797 = arith.constant 2 : i32
        %parallel_loop3A_798 = arith.index_cast %parallel_loop3A_797 : i32 to index
        %parallel_loop3A_799 = arith.index_cast %parallel_loop3A_707 : i32 to index
        %parallel_loop3A_800 = arith.constant 80 : index
        %parallel_loop3A_801 = tpu.vector_load %arg7[%parallel_loop3A_798, %parallel_loop3A_799, %parallel_loop3A_800] {strides = array<i32>} : memref<4x80x128xf32, #tpu.memory_space<vmem>>, vector<1x1x16xf32>,
        %parallel_loop3A_802 = vector.shape_cast %parallel_loop3A_801 : vector<1x1x16xf32> to vector<16xf32>
        %parallel_loop3A_803 = vector.shape_cast %parallel_loop3A_796 : vector<16xf32> to vector<1x1x16xf32>
        tpu.vector_store %arg7[%parallel_loop3A_798, %parallel_loop3A_799, %parallel_loop3A_800], %parallel_loop3A_803 {strides = array<i32>} : memref<4x80x128xf32, #tpu.memory_space<vmem>>, vector<1x1x16xf32>,
        %parallel_loop3A_804 = arith.constant 2 : i32
        %parallel_loop3A_805 = arith.index_cast %parallel_loop3A_804 : i32 to index
        %parallel_loop3A_806 = arith.index_cast %parallel_loop3A_707 : i32 to index
        %parallel_loop3A_807 = arith.constant 96 : index
        %parallel_loop3A_808 = tpu.vector_load %arg7[%parallel_loop3A_805, %parallel_loop3A_806, %parallel_loop3A_807] {strides = array<i32>} : memref<4x80x128xf32, #tpu.memory_space<vmem>>, vector<1x1x16xf32>,
        %parallel_loop3A_809 = vector.shape_cast %parallel_loop3A_808 : vector<1x1x16xf32> to vector<16xf32>
        %parallel_loop3A_810 = arith.constant 0.000000e+00 : f32
        %parallel_loop3A_811 = vector.broadcast %parallel_loop3A_810 : f32 to vector<16xf32>
        %parallel_loop3A_812 = arith.maximumf %parallel_loop3A_809, %parallel_loop3A_811 : vector<16xf32>
        %parallel_loop3A_813 = arith.constant 2 : i32
        %parallel_loop3A_814 = arith.index_cast %parallel_loop3A_813 : i32 to index
        %parallel_loop3A_815 = arith.index_cast %parallel_loop3A_707 : i32 to index
        %parallel_loop3A_816 = arith.constant 96 : index
        %parallel_loop3A_817 = tpu.vector_load %arg7[%parallel_loop3A_814, %parallel_loop3A_815, %parallel_loop3A_816] {strides = array<i32>} : memref<4x80x128xf32, #tpu.memory_space<vmem>>, vector<1x1x16xf32>,
        %parallel_loop3A_818 = vector.shape_cast %parallel_loop3A_817 : vector<1x1x16xf32> to vector<16xf32>
        %parallel_loop3A_819 = vector.shape_cast %parallel_loop3A_812 : vector<16xf32> to vector<1x1x16xf32>
        tpu.vector_store %arg7[%parallel_loop3A_814, %parallel_loop3A_815, %parallel_loop3A_816], %parallel_loop3A_819 {strides = array<i32>} : memref<4x80x128xf32, #tpu.memory_space<vmem>>, vector<1x1x16xf32>,
        %parallel_loop3A_820 = arith.constant 2 : i32
        %parallel_loop3A_821 = arith.index_cast %parallel_loop3A_820 : i32 to index
        %parallel_loop3A_822 = arith.index_cast %parallel_loop3A_707 : i32 to index
        %parallel_loop3A_823 = arith.constant 112 : index
        %parallel_loop3A_824 = tpu.vector_load %arg7[%parallel_loop3A_821, %parallel_loop3A_822, %parallel_loop3A_823] {strides = array<i32>} : memref<4x80x128xf32, #tpu.memory_space<vmem>>, vector<1x1x16xf32>,
        %parallel_loop3A_825 = vector.shape_cast %parallel_loop3A_824 : vector<1x1x16xf32> to vector<16xf32>
        %parallel_loop3A_826 = arith.constant 0.000000e+00 : f32
        %parallel_loop3A_827 = vector.broadcast %parallel_loop3A_826 : f32 to vector<16xf32>
        %parallel_loop3A_828 = arith.maximumf %parallel_loop3A_825, %parallel_loop3A_827 : vector<16xf32>
        %parallel_loop3A_829 = arith.constant 2 : i32
        %parallel_loop3A_830 = arith.index_cast %parallel_loop3A_829 : i32 to index
        %parallel_loop3A_831 = arith.index_cast %parallel_loop3A_707 : i32 to index
        %parallel_loop3A_832 = arith.constant 112 : index
        %parallel_loop3A_833 = tpu.vector_load %arg7[%parallel_loop3A_830, %parallel_loop3A_831, %parallel_loop3A_832] {strides = array<i32>} : memref<4x80x128xf32, #tpu.memory_space<vmem>>, vector<1x1x16xf32>,
        %parallel_loop3A_834 = vector.shape_cast %parallel_loop3A_833 : vector<1x1x16xf32> to vector<16xf32>
        %parallel_loop3A_835 = vector.shape_cast %parallel_loop3A_828 : vector<16xf32> to vector<1x1x16xf32>
        tpu.vector_store %arg7[%parallel_loop3A_830, %parallel_loop3A_831, %parallel_loop3A_832], %parallel_loop3A_835 {strides = array<i32>} : memref<4x80x128xf32, #tpu.memory_space<vmem>>, vector<1x1x16xf32>,
      } {sc.loop_unroll_factor = 4 : i64, sc.parallel_access}
      %dma_start3A_578 = arith.constant 2 : i32
      %dma_start3A_579 = arith.constant 2 : i32
      %dma_start3A_580 = arith.constant 2 : i32
      %dma_start3A_581 = arith.constant 0 : i32
      %dma_start3A_582 = arith.constant 0 : i32
      %dma_start3A_583 = tpu.memref_slice %arg7[%dma_start3A_578, %dma_start3A_581, %dma_start3A_582] : memref<4x80x128xf32, #tpu.memory_space<vmem>> -> memref<1x80x128xf32, #tpu.memory_space<vmem>>
      %dma_start3A_584 = tpu.memref_squeeze %dma_start3A_583 : memref<1x80x128xf32, #tpu.memory_space<vmem>> -> memref<80x128xf32, #tpu.memory_space<vmem>>
      %dma_start3A_585 = arith.constant 0 : i32
      %dma_start3A_586 = tpu.memref_slice %arg9[%dma_start3A_579, %dma_start3A_585] : memref<4x80xi32, #tpu.memory_space<vmem>> -> memref<1x80xi32, #tpu.memory_space<vmem>>
      %dma_start3A_587 = tpu.memref_squeeze %dma_start3A_586 : memref<1x80xi32, #tpu.memory_space<vmem>> -> memref<80xi32, #tpu.memory_space<vmem>>
      %dma_start3A_588 = arith.constant 0 : i32
      %dma_start3A_589 = arith.constant 0 : i32
      %dma_start3A_590 = tpu.memref_slice %arg10[%dma_start3A_588, %dma_start3A_589] : memref<10240x128xf32, #tpu.memory_space<vmem_shared>> -> memref<10240x128xf32, #tpu.memory_space<vmem_shared>>
      %dma_start3A_591 = tpu.memref_slice %arg13[%dma_start3A_580] : memref<4x!tpu.dma_semaphore, #tpu.memory_space<semaphore_mem>> -> memref<1x!tpu.dma_semaphore, #tpu.memory_space<semaphore_mem>>
      %dma_start3A_592 = tpu.memref_squeeze %dma_start3A_591 : memref<1x!tpu.dma_semaphore, #tpu.memory_space<semaphore_mem>> -> memref<!tpu.dma_semaphore, #tpu.memory_space<semaphore_mem>>
      tpu.enqueue_indirect_dma source(%dma_start3A_584 : memref<80x128xf32, #tpu.memory_space<vmem>>) target(%dma_start3A_590 : memref<10240x128xf32, #tpu.memory_space<vmem_shared>>) offsets(%dma_start3A_587 : memref<80xi32, #tpu.memory_space<vmem>>) semaphore(%dma_start3A_592 : memref<!tpu.dma_semaphore, #tpu.memory_space<semaphore_mem>>) {add = true}
      %dma_wait3A_593 = arith.constant 3 : i32
      %dma_wait3A_594 = arith.constant 3 : i32
      %dma_wait3A_595 = arith.constant 3 : i32
      %dma_wait3A_596 = arith.constant 0 : i32
      %dma_wait3A_597 = arith.constant 0 : i32
      %dma_wait3A_598 = tpu.memref_slice %arg7[%dma_wait3A_594, %dma_wait3A_596, %dma_wait3A_597] : memref<4x80x128xf32, #tpu.memory_space<vmem>> -> memref<1x80x128xf32, #tpu.memory_space<vmem>>
      %dma_wait3A_599 = tpu.memref_squeeze %dma_wait3A_598 : memref<1x80x128xf32, #tpu.memory_space<vmem>> -> memref<80x128xf32, #tpu.memory_space<vmem>>
      %dma_wait3A_600 = arith.constant 0 : i32
      %dma_wait3A_601 = tpu.memref_slice %arg8[%dma_wait3A_593, %dma_wait3A_600] : memref<4x80xi32, #tpu.memory_space<vmem>> -> memref<1x80xi32, #tpu.memory_space<vmem>>
      %dma_wait3A_602 = tpu.memref_squeeze %dma_wait3A_601 : memref<1x80xi32, #tpu.memory_space<vmem>> -> memref<80xi32, #tpu.memory_space<vmem>>
      %dma_wait3A_603 = arith.constant 0 : i32
      %dma_wait3A_604 = arith.constant 0 : i32
      %dma_wait3A_605 = tpu.memref_slice %arg2[%dma_wait3A_603, %dma_wait3A_604] : memref<10000x128xf32, #tpu.memory_space<hbm>> -> memref<10000x128xf32, #tpu.memory_space<hbm>>
      %dma_wait3A_606 = tpu.memref_slice %arg12[%dma_wait3A_595] : memref<4x!tpu.dma_semaphore, #tpu.memory_space<semaphore_mem>> -> memref<1x!tpu.dma_semaphore, #tpu.memory_space<semaphore_mem>>
      %dma_wait3A_607 = tpu.memref_squeeze %dma_wait3A_606 : memref<1x!tpu.dma_semaphore, #tpu.memory_space<semaphore_mem>> -> memref<!tpu.dma_semaphore, #tpu.memory_space<semaphore_mem>>
      tpu.wait_indirect_dma semaphore(%dma_wait3A_607 : memref<!tpu.dma_semaphore, #tpu.memory_space<semaphore_mem>>) src(%dma_wait3A_605 : memref<10000x128xf32, #tpu.memory_space<hbm>>) dst(%dma_wait3A_599 : memref<80x128xf32, #tpu.memory_space<vmem>>)
      %parallel_loop3A_608 = arith.constant 0 : i32
      %parallel_loop3A_609 = arith.constant 80 : i32
      %parallel_loop3A_610 = arith.constant 1 : i32
      scf.for %parallel_loop3A_707 = %parallel_loop3A_608 to %parallel_loop3A_609 step %parallel_loop3A_610  : i32 {
        %parallel_loop3A_708 = arith.constant 3 : i32
        %parallel_loop3A_709 = arith.index_cast %parallel_loop3A_708 : i32 to index
        %parallel_loop3A_710 = arith.index_cast %parallel_loop3A_707 : i32 to index
        %parallel_loop3A_711 = arith.constant 0 : index
        %parallel_loop3A_712 = tpu.vector_load %arg7[%parallel_loop3A_709, %parallel_loop3A_710, %parallel_loop3A_711] {strides = array<i32>} : memref<4x80x128xf32, #tpu.memory_space<vmem>>, vector<1x1x16xf32>,
        %parallel_loop3A_713 = vector.shape_cast %parallel_loop3A_712 : vector<1x1x16xf32> to vector<16xf32>
        %parallel_loop3A_714 = arith.constant 0.000000e+00 : f32
        %parallel_loop3A_715 = vector.broadcast %parallel_loop3A_714 : f32 to vector<16xf32>
        %parallel_loop3A_716 = arith.maximumf %parallel_loop3A_713, %parallel_loop3A_715 : vector<16xf32>
        %parallel_loop3A_717 = arith.constant 3 : i32
        %parallel_loop3A_718 = arith.index_cast %parallel_loop3A_717 : i32 to index
        %parallel_loop3A_719 = arith.index_cast %parallel_loop3A_707 : i32 to index
        %parallel_loop3A_720 = arith.constant 0 : index
        %parallel_loop3A_721 = tpu.vector_load %arg7[%parallel_loop3A_718, %parallel_loop3A_719, %parallel_loop3A_720] {strides = array<i32>} : memref<4x80x128xf32, #tpu.memory_space<vmem>>, vector<1x1x16xf32>,
        %parallel_loop3A_722 = vector.shape_cast %parallel_loop3A_721 : vector<1x1x16xf32> to vector<16xf32>
        %parallel_loop3A_723 = vector.shape_cast %parallel_loop3A_716 : vector<16xf32> to vector<1x1x16xf32>
        tpu.vector_store %arg7[%parallel_loop3A_718, %parallel_loop3A_719, %parallel_loop3A_720], %parallel_loop3A_723 {strides = array<i32>} : memref<4x80x128xf32, #tpu.memory_space<vmem>>, vector<1x1x16xf32>,
        %parallel_loop3A_724 = arith.constant 3 : i32
        %parallel_loop3A_725 = arith.index_cast %parallel_loop3A_724 : i32 to index
        %parallel_loop3A_726 = arith.index_cast %parallel_loop3A_707 : i32 to index
        %parallel_loop3A_727 = arith.constant 16 : index
        %parallel_loop3A_728 = tpu.vector_load %arg7[%parallel_loop3A_725, %parallel_loop3A_726, %parallel_loop3A_727] {strides = array<i32>} : memref<4x80x128xf32, #tpu.memory_space<vmem>>, vector<1x1x16xf32>,
        %parallel_loop3A_729 = vector.shape_cast %parallel_loop3A_728 : vector<1x1x16xf32> to vector<16xf32>
        %parallel_loop3A_730 = arith.constant 0.000000e+00 : f32
        %parallel_loop3A_731 = vector.broadcast %parallel_loop3A_730 : f32 to vector<16xf32>
        %parallel_loop3A_732 = arith.maximumf %parallel_loop3A_729, %parallel_loop3A_731 : vector<16xf32>
        %parallel_loop3A_733 = arith.constant 3 : i32
        %parallel_loop3A_734 = arith.index_cast %parallel_loop3A_733 : i32 to index
        %parallel_loop3A_735 = arith.index_cast %parallel_loop3A_707 : i32 to index
        %parallel_loop3A_736 = arith.constant 16 : index
        %parallel_loop3A_737 = tpu.vector_load %arg7[%parallel_loop3A_734, %parallel_loop3A_735, %parallel_loop3A_736] {strides = array<i32>} : memref<4x80x128xf32, #tpu.memory_space<vmem>>, vector<1x1x16xf32>,
        %parallel_loop3A_738 = vector.shape_cast %parallel_loop3A_737 : vector<1x1x16xf32> to vector<16xf32>
        %parallel_loop3A_739 = vector.shape_cast %parallel_loop3A_732 : vector<16xf32> to vector<1x1x16xf32>
        tpu.vector_store %arg7[%parallel_loop3A_734, %parallel_loop3A_735, %parallel_loop3A_736], %parallel_loop3A_739 {strides = array<i32>} : memref<4x80x128xf32, #tpu.memory_space<vmem>>, vector<1x1x16xf32>,
        %parallel_loop3A_740 = arith.constant 3 : i32
        %parallel_loop3A_741 = arith.index_cast %parallel_loop3A_740 : i32 to index
        %parallel_loop3A_742 = arith.index_cast %parallel_loop3A_707 : i32 to index
        %parallel_loop3A_743 = arith.constant 32 : index
        %parallel_loop3A_744 = tpu.vector_load %arg7[%parallel_loop3A_741, %parallel_loop3A_742, %parallel_loop3A_743] {strides = array<i32>} : memref<4x80x128xf32, #tpu.memory_space<vmem>>, vector<1x1x16xf32>,
        %parallel_loop3A_745 = vector.shape_cast %parallel_loop3A_744 : vector<1x1x16xf32> to vector<16xf32>
        %parallel_loop3A_746 = arith.constant 0.000000e+00 : f32
        %parallel_loop3A_747 = vector.broadcast %parallel_loop3A_746 : f32 to vector<16xf32>
        %parallel_loop3A_748 = arith.maximumf %parallel_loop3A_745, %parallel_loop3A_747 : vector<16xf32>
        %parallel_loop3A_749 = arith.constant 3 : i32
        %parallel_loop3A_750 = arith.index_cast %parallel_loop3A_749 : i32 to index
        %parallel_loop3A_751 = arith.index_cast %parallel_loop3A_707 : i32 to index
        %parallel_loop3A_752 = arith.constant 32 : index
        %parallel_loop3A_753 = tpu.vector_load %arg7[%parallel_loop3A_750, %parallel_loop3A_751, %parallel_loop3A_752] {strides = array<i32>} : memref<4x80x128xf32, #tpu.memory_space<vmem>>, vector<1x1x16xf32>,
        %parallel_loop3A_754 = vector.shape_cast %parallel_loop3A_753 : vector<1x1x16xf32> to vector<16xf32>
        %parallel_loop3A_755 = vector.shape_cast %parallel_loop3A_748 : vector<16xf32> to vector<1x1x16xf32>
        tpu.vector_store %arg7[%parallel_loop3A_750, %parallel_loop3A_751, %parallel_loop3A_752], %parallel_loop3A_755 {strides = array<i32>} : memref<4x80x128xf32, #tpu.memory_space<vmem>>, vector<1x1x16xf32>,
        %parallel_loop3A_756 = arith.constant 3 : i32
        %parallel_loop3A_757 = arith.index_cast %parallel_loop3A_756 : i32 to index
        %parallel_loop3A_758 = arith.index_cast %parallel_loop3A_707 : i32 to index
        %parallel_loop3A_759 = arith.constant 48 : index
        %parallel_loop3A_760 = tpu.vector_load %arg7[%parallel_loop3A_757, %parallel_loop3A_758, %parallel_loop3A_759] {strides = array<i32>} : memref<4x80x128xf32, #tpu.memory_space<vmem>>, vector<1x1x16xf32>,
        %parallel_loop3A_761 = vector.shape_cast %parallel_loop3A_760 : vector<1x1x16xf32> to vector<16xf32>
        %parallel_loop3A_762 = arith.constant 0.000000e+00 : f32
        %parallel_loop3A_763 = vector.broadcast %parallel_loop3A_762 : f32 to vector<16xf32>
        %parallel_loop3A_764 = arith.maximumf %parallel_loop3A_761, %parallel_loop3A_763 : vector<16xf32>
        %parallel_loop3A_765 = arith.constant 3 : i32
        %parallel_loop3A_766 = arith.index_cast %parallel_loop3A_765 : i32 to index
        %parallel_loop3A_767 = arith.index_cast %parallel_loop3A_707 : i32 to index
        %parallel_loop3A_768 = arith.constant 48 : index
        %parallel_loop3A_769 = tpu.vector_load %arg7[%parallel_loop3A_766, %parallel_loop3A_767, %parallel_loop3A_768] {strides = array<i32>} : memref<4x80x128xf32, #tpu.memory_space<vmem>>, vector<1x1x16xf32>,
        %parallel_loop3A_770 = vector.shape_cast %parallel_loop3A_769 : vector<1x1x16xf32> to vector<16xf32>
        %parallel_loop3A_771 = vector.shape_cast %parallel_loop3A_764 : vector<16xf32> to vector<1x1x16xf32>
        tpu.vector_store %arg7[%parallel_loop3A_766, %parallel_loop3A_767, %parallel_loop3A_768], %parallel_loop3A_771 {strides = array<i32>} : memref<4x80x128xf32, #tpu.memory_space<vmem>>, vector<1x1x16xf32>,
        %parallel_loop3A_772 = arith.constant 3 : i32
        %parallel_loop3A_773 = arith.index_cast %parallel_loop3A_772 : i32 to index
        %parallel_loop3A_774 = arith.index_cast %parallel_loop3A_707 : i32 to index
        %parallel_loop3A_775 = arith.constant 64 : index
        %parallel_loop3A_776 = tpu.vector_load %arg7[%parallel_loop3A_773, %parallel_loop3A_774, %parallel_loop3A_775] {strides = array<i32>} : memref<4x80x128xf32, #tpu.memory_space<vmem>>, vector<1x1x16xf32>,
        %parallel_loop3A_777 = vector.shape_cast %parallel_loop3A_776 : vector<1x1x16xf32> to vector<16xf32>
        %parallel_loop3A_778 = arith.constant 0.000000e+00 : f32
        %parallel_loop3A_779 = vector.broadcast %parallel_loop3A_778 : f32 to vector<16xf32>
        %parallel_loop3A_780 = arith.maximumf %parallel_loop3A_777, %parallel_loop3A_779 : vector<16xf32>
        %parallel_loop3A_781 = arith.constant 3 : i32
        %parallel_loop3A_782 = arith.index_cast %parallel_loop3A_781 : i32 to index
        %parallel_loop3A_783 = arith.index_cast %parallel_loop3A_707 : i32 to index
        %parallel_loop3A_784 = arith.constant 64 : index
        %parallel_loop3A_785 = tpu.vector_load %arg7[%parallel_loop3A_782, %parallel_loop3A_783, %parallel_loop3A_784] {strides = array<i32>} : memref<4x80x128xf32, #tpu.memory_space<vmem>>, vector<1x1x16xf32>,
        %parallel_loop3A_786 = vector.shape_cast %parallel_loop3A_785 : vector<1x1x16xf32> to vector<16xf32>
        %parallel_loop3A_787 = vector.shape_cast %parallel_loop3A_780 : vector<16xf32> to vector<1x1x16xf32>
        tpu.vector_store %arg7[%parallel_loop3A_782, %parallel_loop3A_783, %parallel_loop3A_784], %parallel_loop3A_787 {strides = array<i32>} : memref<4x80x128xf32, #tpu.memory_space<vmem>>, vector<1x1x16xf32>,
        %parallel_loop3A_788 = arith.constant 3 : i32
        %parallel_loop3A_789 = arith.index_cast %parallel_loop3A_788 : i32 to index
        %parallel_loop3A_790 = arith.index_cast %parallel_loop3A_707 : i32 to index
        %parallel_loop3A_791 = arith.constant 80 : index
        %parallel_loop3A_792 = tpu.vector_load %arg7[%parallel_loop3A_789, %parallel_loop3A_790, %parallel_loop3A_791] {strides = array<i32>} : memref<4x80x128xf32, #tpu.memory_space<vmem>>, vector<1x1x16xf32>,
        %parallel_loop3A_793 = vector.shape_cast %parallel_loop3A_792 : vector<1x1x16xf32> to vector<16xf32>
        %parallel_loop3A_794 = arith.constant 0.000000e+00 : f32
        %parallel_loop3A_795 = vector.broadcast %parallel_loop3A_794 : f32 to vector<16xf32>
        %parallel_loop3A_796 = arith.maximumf %parallel_loop3A_793, %parallel_loop3A_795 : vector<16xf32>
        %parallel_loop3A_797 = arith.constant 3 : i32
        %parallel_loop3A_798 = arith.index_cast %parallel_loop3A_797 : i32 to index
        %parallel_loop3A_799 = arith.index_cast %parallel_loop3A_707 : i32 to index
        %parallel_loop3A_800 = arith.constant 80 : index
        %parallel_loop3A_801 = tpu.vector_load %arg7[%parallel_loop3A_798, %parallel_loop3A_799, %parallel_loop3A_800] {strides = array<i32>} : memref<4x80x128xf32, #tpu.memory_space<vmem>>, vector<1x1x16xf32>,
        %parallel_loop3A_802 = vector.shape_cast %parallel_loop3A_801 : vector<1x1x16xf32> to vector<16xf32>
        %parallel_loop3A_803 = vector.shape_cast %parallel_loop3A_796 : vector<16xf32> to vector<1x1x16xf32>
        tpu.vector_store %arg7[%parallel_loop3A_798, %parallel_loop3A_799, %parallel_loop3A_800], %parallel_loop3A_803 {strides = array<i32>} : memref<4x80x128xf32, #tpu.memory_space<vmem>>, vector<1x1x16xf32>,
        %parallel_loop3A_804 = arith.constant 3 : i32
        %parallel_loop3A_805 = arith.index_cast %parallel_loop3A_804 : i32 to index
        %parallel_loop3A_806 = arith.index_cast %parallel_loop3A_707 : i32 to index
        %parallel_loop3A_807 = arith.constant 96 : index
        %parallel_loop3A_808 = tpu.vector_load %arg7[%parallel_loop3A_805, %parallel_loop3A_806, %parallel_loop3A_807] {strides = array<i32>} : memref<4x80x128xf32, #tpu.memory_space<vmem>>, vector<1x1x16xf32>,
        %parallel_loop3A_809 = vector.shape_cast %parallel_loop3A_808 : vector<1x1x16xf32> to vector<16xf32>
        %parallel_loop3A_810 = arith.constant 0.000000e+00 : f32
        %parallel_loop3A_811 = vector.broadcast %parallel_loop3A_810 : f32 to vector<16xf32>
        %parallel_loop3A_812 = arith.maximumf %parallel_loop3A_809, %parallel_loop3A_811 : vector<16xf32>
        %parallel_loop3A_813 = arith.constant 3 : i32
        %parallel_loop3A_814 = arith.index_cast %parallel_loop3A_813 : i32 to index
        %parallel_loop3A_815 = arith.index_cast %parallel_loop3A_707 : i32 to index
        %parallel_loop3A_816 = arith.constant 96 : index
        %parallel_loop3A_817 = tpu.vector_load %arg7[%parallel_loop3A_814, %parallel_loop3A_815, %parallel_loop3A_816] {strides = array<i32>} : memref<4x80x128xf32, #tpu.memory_space<vmem>>, vector<1x1x16xf32>,
        %parallel_loop3A_818 = vector.shape_cast %parallel_loop3A_817 : vector<1x1x16xf32> to vector<16xf32>
        %parallel_loop3A_819 = vector.shape_cast %parallel_loop3A_812 : vector<16xf32> to vector<1x1x16xf32>
        tpu.vector_store %arg7[%parallel_loop3A_814, %parallel_loop3A_815, %parallel_loop3A_816], %parallel_loop3A_819 {strides = array<i32>} : memref<4x80x128xf32, #tpu.memory_space<vmem>>, vector<1x1x16xf32>,
        %parallel_loop3A_820 = arith.constant 3 : i32
        %parallel_loop3A_821 = arith.index_cast %parallel_loop3A_820 : i32 to index
        %parallel_loop3A_822 = arith.index_cast %parallel_loop3A_707 : i32 to index
        %parallel_loop3A_823 = arith.constant 112 : index
        %parallel_loop3A_824 = tpu.vector_load %arg7[%parallel_loop3A_821, %parallel_loop3A_822, %parallel_loop3A_823] {strides = array<i32>} : memref<4x80x128xf32, #tpu.memory_space<vmem>>, vector<1x1x16xf32>,
        %parallel_loop3A_825 = vector.shape_cast %parallel_loop3A_824 : vector<1x1x16xf32> to vector<16xf32>
        %parallel_loop3A_826 = arith.constant 0.000000e+00 : f32
        %parallel_loop3A_827 = vector.broadcast %parallel_loop3A_826 : f32 to vector<16xf32>
        %parallel_loop3A_828 = arith.maximumf %parallel_loop3A_825, %parallel_loop3A_827 : vector<16xf32>
        %parallel_loop3A_829 = arith.constant 3 : i32
        %parallel_loop3A_830 = arith.index_cast %parallel_loop3A_829 : i32 to index
        %parallel_loop3A_831 = arith.index_cast %parallel_loop3A_707 : i32 to index
        %parallel_loop3A_832 = arith.constant 112 : index
        %parallel_loop3A_833 = tpu.vector_load %arg7[%parallel_loop3A_830, %parallel_loop3A_831, %parallel_loop3A_832] {strides = array<i32>} : memref<4x80x128xf32, #tpu.memory_space<vmem>>, vector<1x1x16xf32>,
        %parallel_loop3A_834 = vector.shape_cast %parallel_loop3A_833 : vector<1x1x16xf32> to vector<16xf32>
        %parallel_loop3A_835 = vector.shape_cast %parallel_loop3A_828 : vector<16xf32> to vector<1x1x16xf32>
        tpu.vector_store %arg7[%parallel_loop3A_830, %parallel_loop3A_831, %parallel_loop3A_832], %parallel_loop3A_835 {strides = array<i32>} : memref<4x80x128xf32, #tpu.memory_space<vmem>>, vector<1x1x16xf32>,
      } {sc.loop_unroll_factor = 4 : i64, sc.parallel_access}
      %dma_start3A_611 = arith.constant 3 : i32
      %dma_start3A_612 = arith.constant 3 : i32
      %dma_start3A_613 = arith.constant 3 : i32
      %dma_start3A_614 = arith.constant 0 : i32
      %dma_start3A_615 = arith.constant 0 : i32
      %dma_start3A_616 = tpu.memref_slice %arg7[%dma_start3A_611, %dma_start3A_614, %dma_start3A_615] : memref<4x80x128xf32, #tpu.memory_space<vmem>> -> memref<1x80x128xf32, #tpu.memory_space<vmem>>
      %dma_start3A_617 = tpu.memref_squeeze %dma_start3A_616 : memref<1x80x128xf32, #tpu.memory_space<vmem>> -> memref<80x128xf32, #tpu.memory_space<vmem>>
      %dma_start3A_618 = arith.constant 0 : i32
      %dma_start3A_619 = tpu.memref_slice %arg9[%dma_start3A_612, %dma_start3A_618] : memref<4x80xi32, #tpu.memory_space<vmem>> -> memref<1x80xi32, #tpu.memory_space<vmem>>
      %dma_start3A_620 = tpu.memref_squeeze %dma_start3A_619 : memref<1x80xi32, #tpu.memory_space<vmem>> -> memref<80xi32, #tpu.memory_space<vmem>>
      %dma_start3A_621 = arith.constant 0 : i32
      %dma_start3A_622 = arith.constant 0 : i32
      %dma_start3A_623 = tpu.memref_slice %arg10[%dma_start3A_621, %dma_start3A_622] : memref<10240x128xf32, #tpu.memory_space<vmem_shared>> -> memref<10240x128xf32, #tpu.memory_space<vmem_shared>>
      %dma_start3A_624 = tpu.memref_slice %arg13[%dma_start3A_613] : memref<4x!tpu.dma_semaphore, #tpu.memory_space<semaphore_mem>> -> memref<1x!tpu.dma_semaphore, #tpu.memory_space<semaphore_mem>>
      %dma_start3A_625 = tpu.memref_squeeze %dma_start3A_624 : memref<1x!tpu.dma_semaphore, #tpu.memory_space<semaphore_mem>> -> memref<!tpu.dma_semaphore, #tpu.memory_space<semaphore_mem>>
      tpu.enqueue_indirect_dma source(%dma_start3A_617 : memref<80x128xf32, #tpu.memory_space<vmem>>) target(%dma_start3A_623 : memref<10240x128xf32, #tpu.memory_space<vmem_shared>>) offsets(%dma_start3A_620 : memref<80xi32, #tpu.memory_space<vmem>>) semaphore(%dma_start3A_625 : memref<!tpu.dma_semaphore, #tpu.memory_space<semaphore_mem>>) {add = true}
      %dma_wait3A_626 = arith.constant 0 : i32
      %dma_wait3A_627 = arith.constant 0 : i32
      %dma_wait3A_628 = arith.constant 0 : i32
      %dma_wait3A_629 = arith.constant 0 : i32
      %dma_wait3A_630 = arith.constant 0 : i32
      %dma_wait3A_631 = tpu.memref_slice %arg7[%dma_wait3A_626, %dma_wait3A_629, %dma_wait3A_630] : memref<4x80x128xf32, #tpu.memory_space<vmem>> -> memref<1x80x128xf32, #tpu.memory_space<vmem>>
      %dma_wait3A_632 = tpu.memref_squeeze %dma_wait3A_631 : memref<1x80x128xf32, #tpu.memory_space<vmem>> -> memref<80x128xf32, #tpu.memory_space<vmem>>
      %dma_wait3A_633 = arith.constant 0 : i32
      %dma_wait3A_634 = tpu.memref_slice %arg9[%dma_wait3A_627, %dma_wait3A_633] : memref<4x80xi32, #tpu.memory_space<vmem>> -> memref<1x80xi32, #tpu.memory_space<vmem>>
      %dma_wait3A_635 = tpu.memref_squeeze %dma_wait3A_634 : memref<1x80xi32, #tpu.memory_space<vmem>> -> memref<80xi32, #tpu.memory_space<vmem>>
      %dma_wait3A_636 = arith.constant 0 : i32
      %dma_wait3A_637 = arith.constant 0 : i32
      %dma_wait3A_638 = tpu.memref_slice %arg10[%dma_wait3A_636, %dma_wait3A_637] : memref<10240x128xf32, #tpu.memory_space<vmem_shared>> -> memref<10240x128xf32, #tpu.memory_space<vmem_shared>>
      %dma_wait3A_639 = tpu.memref_slice %arg13[%dma_wait3A_628] : memref<4x!tpu.dma_semaphore, #tpu.memory_space<semaphore_mem>> -> memref<1x!tpu.dma_semaphore, #tpu.memory_space<semaphore_mem>>
      %dma_wait3A_640 = tpu.memref_squeeze %dma_wait3A_639 : memref<1x!tpu.dma_semaphore, #tpu.memory_space<semaphore_mem>> -> memref<!tpu.dma_semaphore, #tpu.memory_space<semaphore_mem>>
      tpu.wait_indirect_dma semaphore(%dma_wait3A_640 : memref<!tpu.dma_semaphore, #tpu.memory_space<semaphore_mem>>) src(%dma_wait3A_632 : memref<80x128xf32, #tpu.memory_space<vmem>>) dst(%dma_wait3A_638 : memref<10240x128xf32, #tpu.memory_space<vmem_shared>>)
      %add3A_641 = arith.constant 1 : i32
      %add3A_642 = arith.addi %while3A_240, %add3A_641 : i32
      %lt3A = arith.cmpi slt, %add3A_642, %select_n3A : i32
      %convert_element_type3A = arith.extui %lt3A : i1 to i32
      %cond3A = arith.constant 0 : i32
      %cond3A_643 = arith.cmpi ne, %convert_element_type3A, %cond3A : i32
      scf.if %cond3A_643 {
        %add3A_707 = arith.constant 1 : i32
        %add3A_708 = arith.addi %while3A_240, %add3A_707 : i32
        %mul3A_709 = arith.constant 4 : i32
        %mul3A_710 = arith.muli %add3A_708, %mul3A_709 : i32
        %add3A_711 = arith.constant 0 : i32
        %add3A_712 = arith.addi %mul3A_710, %add3A_711 : i32
        %mul3A_713 = arith.constant 10240 : i32
        %mul3A_714 = arith.muli %add3A, %mul3A_713 : i32
        %mul3A_715 = arith.constant 80 : i32
        %mul3A_716 = arith.muli %add3A_712, %mul3A_715 : i32
        %add3A_717 = arith.addi %mul3A_714, %mul3A_716 : i32
        %multiple_of3A_718 = tpu.assume_multiple %add3A_717, 8 : i32
        %dma_start3A_719 = arith.constant 0 : i32
        %dma_start3A_720 = arith.constant 0 : i32
        %dma_start3A_721 = arith.constant 0 : i32
        %dma_start3A_722 = arith.constant 0 : i32
        %dma_start3A_723 = tpu.memref_slice %arg7[%dma_start3A_719, %dma_start3A_721, %dma_start3A_722] : memref<4x80x128xf32, #tpu.memory_space<vmem>> -> memref<1x80x128xf32, #tpu.memory_space<vmem>>
        %dma_start3A_724 = tpu.memref_squeeze %dma_start3A_723 : memref<1x80x128xf32, #tpu.memory_space<vmem>> -> memref<80x128xf32, #tpu.memory_space<vmem>>
        %dma_start3A_725 = arith.constant 0 : i32
        %dma_start3A_726 = tpu.memref_slice %arg3[%multiple_of3A_718, %dma_start3A_725] : memref<320000x128xf32, #tpu.memory_space<hbm>> -> memref<80x128xf32, #tpu.memory_space<hbm>>
        %dma_start3A_727 = tpu.memref_slice %arg11[%dma_start3A_720] : memref<4x!tpu.dma_semaphore, #tpu.memory_space<semaphore_mem>> -> memref<1x!tpu.dma_semaphore, #tpu.memory_space<semaphore_mem>>
        %dma_start3A_728 = tpu.memref_squeeze %dma_start3A_727 : memref<1x!tpu.dma_semaphore, #tpu.memory_space<semaphore_mem>> -> memref<!tpu.dma_semaphore, #tpu.memory_space<semaphore_mem>>
        %dma_start3A_729 = arith.constant 0 : i32
        %dma_start3A_730 = arith.constant 0 : i32
        %dma_start3A_731 = tpu.memref_slice %arg7[%dma_start3A_719, %dma_start3A_729, %dma_start3A_730] : memref<4x80x128xf32, #tpu.memory_space<vmem>> -> memref<1x80x128xf32, #tpu.memory_space<vmem>>
        %dma_start3A_732 = tpu.memref_squeeze %dma_start3A_731 : memref<1x80x128xf32, #tpu.memory_space<vmem>> -> memref<80x128xf32, #tpu.memory_space<vmem>>
        %dma_start3A_733 = arith.constant 0 : i32
        %dma_start3A_734 = tpu.memref_slice %arg3[%multiple_of3A_718, %dma_start3A_733] : memref<320000x128xf32, #tpu.memory_space<hbm>> -> memref<80x128xf32, #tpu.memory_space<hbm>>
        tpu.enqueue_dma source(%dma_start3A_734 : memref<80x128xf32, #tpu.memory_space<hbm>>) target(%dma_start3A_732 : memref<80x128xf32, #tpu.memory_space<vmem>>) target_semaphore(%dma_start3A_728 : memref<!tpu.dma_semaphore, #tpu.memory_space<semaphore_mem>>)
        %dma_start3A_735 = arith.constant 0 : i32
        %dma_start3A_736 = arith.constant 0 : i32
        %dma_start3A_737 = arith.constant 0 : i32
        %dma_start3A_738 = tpu.memref_slice %arg8[%dma_start3A_735, %dma_start3A_737] : memref<4x80xi32, #tpu.memory_space<vmem>> -> memref<1x80xi32, #tpu.memory_space<vmem>>
        %dma_start3A_739 = tpu.memref_squeeze %dma_start3A_738 : memref<1x80xi32, #tpu.memory_space<vmem>> -> memref<80xi32, #tpu.memory_space<vmem>>
        %dma_start3A_740 = tpu.memref_slice %arg4[%multiple_of3A_718] : memref<320000xi32, #tpu.memory_space<hbm>> -> memref<80xi32, #tpu.memory_space<hbm>>
        %dma_start3A_741 = tpu.memref_slice %arg11[%dma_start3A_736] : memref<4x!tpu.dma_semaphore, #tpu.memory_space<semaphore_mem>> -> memref<1x!tpu.dma_semaphore, #tpu.memory_space<semaphore_mem>>
        %dma_start3A_742 = tpu.memref_squeeze %dma_start3A_741 : memref<1x!tpu.dma_semaphore, #tpu.memory_space<semaphore_mem>> -> memref<!tpu.dma_semaphore, #tpu.memory_space<semaphore_mem>>
        %dma_start3A_743 = arith.constant 0 : i32
        %dma_start3A_744 = tpu.memref_slice %arg8[%dma_start3A_735, %dma_start3A_743] : memref<4x80xi32, #tpu.memory_space<vmem>> -> memref<1x80xi32, #tpu.memory_space<vmem>>
        %dma_start3A_745 = tpu.memref_squeeze %dma_start3A_744 : memref<1x80xi32, #tpu.memory_space<vmem>> -> memref<80xi32, #tpu.memory_space<vmem>>
        %dma_start3A_746 = tpu.memref_slice %arg4[%multiple_of3A_718] : memref<320000xi32, #tpu.memory_space<hbm>> -> memref<80xi32, #tpu.memory_space<hbm>>
        tpu.enqueue_dma source(%dma_start3A_746 : memref<80xi32, #tpu.memory_space<hbm>>) target(%dma_start3A_745 : memref<80xi32, #tpu.memory_space<vmem>>) target_semaphore(%dma_start3A_742 : memref<!tpu.dma_semaphore, #tpu.memory_space<semaphore_mem>>)
        %dma_start3A_747 = arith.constant 0 : i32
        %dma_start3A_748 = arith.constant 0 : i32
        %dma_start3A_749 = arith.constant 0 : i32
        %dma_start3A_750 = tpu.memref_slice %arg9[%dma_start3A_747, %dma_start3A_749] : memref<4x80xi32, #tpu.memory_space<vmem>> -> memref<1x80xi32, #tpu.memory_space<vmem>>
        %dma_start3A_751 = tpu.memref_squeeze %dma_start3A_750 : memref<1x80xi32, #tpu.memory_space<vmem>> -> memref<80xi32, #tpu.memory_space<vmem>>
        %dma_start3A_752 = tpu.memref_slice %arg5[%multiple_of3A_718] : memref<320000xi32, #tpu.memory_space<hbm>> -> memref<80xi32, #tpu.memory_space<hbm>>
        %dma_start3A_753 = tpu.memref_slice %arg11[%dma_start3A_748] : memref<4x!tpu.dma_semaphore, #tpu.memory_space<semaphore_mem>> -> memref<1x!tpu.dma_semaphore, #tpu.memory_space<semaphore_mem>>
        %dma_start3A_754 = tpu.memref_squeeze %dma_start3A_753 : memref<1x!tpu.dma_semaphore, #tpu.memory_space<semaphore_mem>> -> memref<!tpu.dma_semaphore, #tpu.memory_space<semaphore_mem>>
        %dma_start3A_755 = arith.constant 0 : i32
        %dma_start3A_756 = tpu.memref_slice %arg9[%dma_start3A_747, %dma_start3A_755] : memref<4x80xi32, #tpu.memory_space<vmem>> -> memref<1x80xi32, #tpu.memory_space<vmem>>
        %dma_start3A_757 = tpu.memref_squeeze %dma_start3A_756 : memref<1x80xi32, #tpu.memory_space<vmem>> -> memref<80xi32, #tpu.memory_space<vmem>>
        %dma_start3A_758 = tpu.memref_slice %arg5[%multiple_of3A_718] : memref<320000xi32, #tpu.memory_space<hbm>> -> memref<80xi32, #tpu.memory_space<hbm>>
        tpu.enqueue_dma source(%dma_start3A_758 : memref<80xi32, #tpu.memory_space<hbm>>) target(%dma_start3A_757 : memref<80xi32, #tpu.memory_space<vmem>>) target_semaphore(%dma_start3A_754 : memref<!tpu.dma_semaphore, #tpu.memory_space<semaphore_mem>>)
      } else {
      }
      %dma_wait3A_644 = arith.constant 1 : i32
      %dma_wait3A_645 = arith.constant 1 : i32
      %dma_wait3A_646 = arith.constant 1 : i32
      %dma_wait3A_647 = arith.constant 0 : i32
      %dma_wait3A_648 = arith.constant 0 : i32
      %dma_wait3A_649 = tpu.memref_slice %arg7[%dma_wait3A_644, %dma_wait3A_647, %dma_wait3A_648] : memref<4x80x128xf32, #tpu.memory_space<vmem>> -> memref<1x80x128xf32, #tpu.memory_space<vmem>>
      %dma_wait3A_650 = tpu.memref_squeeze %dma_wait3A_649 : memref<1x80x128xf32, #tpu.memory_space<vmem>> -> memref<80x128xf32, #tpu.memory_space<vmem>>
      %dma_wait3A_651 = arith.constant 0 : i32
      %dma_wait3A_652 = tpu.memref_slice %arg9[%dma_wait3A_645, %dma_wait3A_651] : memref<4x80xi32, #tpu.memory_space<vmem>> -> memref<1x80xi32, #tpu.memory_space<vmem>>
      %dma_wait3A_653 = tpu.memref_squeeze %dma_wait3A_652 : memref<1x80xi32, #tpu.memory_space<vmem>> -> memref<80xi32, #tpu.memory_space<vmem>>
      %dma_wait3A_654 = arith.constant 0 : i32
      %dma_wait3A_655 = arith.constant 0 : i32
      %dma_wait3A_656 = tpu.memref_slice %arg10[%dma_wait3A_654, %dma_wait3A_655] : memref<10240x128xf32, #tpu.memory_space<vmem_shared>> -> memref<10240x128xf32, #tpu.memory_space<vmem_shared>>
      %dma_wait3A_657 = tpu.memref_slice %arg13[%dma_wait3A_646] : memref<4x!tpu.dma_semaphore, #tpu.memory_space<semaphore_mem>> -> memref<1x!tpu.dma_semaphore, #tpu.memory_space<semaphore_mem>>
      %dma_wait3A_658 = tpu.memref_squeeze %dma_wait3A_657 : memref<1x!tpu.dma_semaphore, #tpu.memory_space<semaphore_mem>> -> memref<!tpu.dma_semaphore, #tpu.memory_space<semaphore_mem>>
      tpu.wait_indirect_dma semaphore(%dma_wait3A_658 : memref<!tpu.dma_semaphore, #tpu.memory_space<semaphore_mem>>) src(%dma_wait3A_650 : memref<80x128xf32, #tpu.memory_space<vmem>>) dst(%dma_wait3A_656 : memref<10240x128xf32, #tpu.memory_space<vmem_shared>>)
      %add3A_659 = arith.constant 1 : i32
      %add3A_660 = arith.addi %while3A_240, %add3A_659 : i32
      %lt3A_661 = arith.cmpi slt, %add3A_660, %select_n3A : i32
      %convert_element_type3A_662 = arith.extui %lt3A_661 : i1 to i32
      %cond3A_663 = arith.constant 0 : i32
      %cond3A_664 = arith.cmpi ne, %convert_element_type3A_662, %cond3A_663 : i32
      scf.if %cond3A_664 {
        %add3A_707 = arith.constant 1 : i32
        %add3A_708 = arith.addi %while3A_240, %add3A_707 : i32
        %mul3A_709 = arith.constant 4 : i32
        %mul3A_710 = arith.muli %add3A_708, %mul3A_709 : i32
        %add3A_711 = arith.constant 1 : i32
        %add3A_712 = arith.addi %mul3A_710, %add3A_711 : i32
        %mul3A_713 = arith.constant 10240 : i32
        %mul3A_714 = arith.muli %add3A, %mul3A_713 : i32
        %mul3A_715 = arith.constant 80 : i32
        %mul3A_716 = arith.muli %add3A_712, %mul3A_715 : i32
        %add3A_717 = arith.addi %mul3A_714, %mul3A_716 : i32
        %multiple_of3A_718 = tpu.assume_multiple %add3A_717, 8 : i32
        %dma_start3A_719 = arith.constant 1 : i32
        %dma_start3A_720 = arith.constant 1 : i32
        %dma_start3A_721 = arith.constant 0 : i32
        %dma_start3A_722 = arith.constant 0 : i32
        %dma_start3A_723 = tpu.memref_slice %arg7[%dma_start3A_719, %dma_start3A_721, %dma_start3A_722] : memref<4x80x128xf32, #tpu.memory_space<vmem>> -> memref<1x80x128xf32, #tpu.memory_space<vmem>>
        %dma_start3A_724 = tpu.memref_squeeze %dma_start3A_723 : memref<1x80x128xf32, #tpu.memory_space<vmem>> -> memref<80x128xf32, #tpu.memory_space<vmem>>
        %dma_start3A_725 = arith.constant 0 : i32
        %dma_start3A_726 = tpu.memref_slice %arg3[%multiple_of3A_718, %dma_start3A_725] : memref<320000x128xf32, #tpu.memory_space<hbm>> -> memref<80x128xf32, #tpu.memory_space<hbm>>
        %dma_start3A_727 = tpu.memref_slice %arg11[%dma_start3A_720] : memref<4x!tpu.dma_semaphore, #tpu.memory_space<semaphore_mem>> -> memref<1x!tpu.dma_semaphore, #tpu.memory_space<semaphore_mem>>
        %dma_start3A_728 = tpu.memref_squeeze %dma_start3A_727 : memref<1x!tpu.dma_semaphore, #tpu.memory_space<semaphore_mem>> -> memref<!tpu.dma_semaphore, #tpu.memory_space<semaphore_mem>>
        %dma_start3A_729 = arith.constant 0 : i32
        %dma_start3A_730 = arith.constant 0 : i32
        %dma_start3A_731 = tpu.memref_slice %arg7[%dma_start3A_719, %dma_start3A_729, %dma_start3A_730] : memref<4x80x128xf32, #tpu.memory_space<vmem>> -> memref<1x80x128xf32, #tpu.memory_space<vmem>>
        %dma_start3A_732 = tpu.memref_squeeze %dma_start3A_731 : memref<1x80x128xf32, #tpu.memory_space<vmem>> -> memref<80x128xf32, #tpu.memory_space<vmem>>
        %dma_start3A_733 = arith.constant 0 : i32
        %dma_start3A_734 = tpu.memref_slice %arg3[%multiple_of3A_718, %dma_start3A_733] : memref<320000x128xf32, #tpu.memory_space<hbm>> -> memref<80x128xf32, #tpu.memory_space<hbm>>
        tpu.enqueue_dma source(%dma_start3A_734 : memref<80x128xf32, #tpu.memory_space<hbm>>) target(%dma_start3A_732 : memref<80x128xf32, #tpu.memory_space<vmem>>) target_semaphore(%dma_start3A_728 : memref<!tpu.dma_semaphore, #tpu.memory_space<semaphore_mem>>)
        %dma_start3A_735 = arith.constant 1 : i32
        %dma_start3A_736 = arith.constant 1 : i32
        %dma_start3A_737 = arith.constant 0 : i32
        %dma_start3A_738 = tpu.memref_slice %arg8[%dma_start3A_735, %dma_start3A_737] : memref<4x80xi32, #tpu.memory_space<vmem>> -> memref<1x80xi32, #tpu.memory_space<vmem>>
        %dma_start3A_739 = tpu.memref_squeeze %dma_start3A_738 : memref<1x80xi32, #tpu.memory_space<vmem>> -> memref<80xi32, #tpu.memory_space<vmem>>
        %dma_start3A_740 = tpu.memref_slice %arg4[%multiple_of3A_718] : memref<320000xi32, #tpu.memory_space<hbm>> -> memref<80xi32, #tpu.memory_space<hbm>>
        %dma_start3A_741 = tpu.memref_slice %arg11[%dma_start3A_736] : memref<4x!tpu.dma_semaphore, #tpu.memory_space<semaphore_mem>> -> memref<1x!tpu.dma_semaphore, #tpu.memory_space<semaphore_mem>>
        %dma_start3A_742 = tpu.memref_squeeze %dma_start3A_741 : memref<1x!tpu.dma_semaphore, #tpu.memory_space<semaphore_mem>> -> memref<!tpu.dma_semaphore, #tpu.memory_space<semaphore_mem>>
        %dma_start3A_743 = arith.constant 0 : i32
        %dma_start3A_744 = tpu.memref_slice %arg8[%dma_start3A_735, %dma_start3A_743] : memref<4x80xi32, #tpu.memory_space<vmem>> -> memref<1x80xi32, #tpu.memory_space<vmem>>
        %dma_start3A_745 = tpu.memref_squeeze %dma_start3A_744 : memref<1x80xi32, #tpu.memory_space<vmem>> -> memref<80xi32, #tpu.memory_space<vmem>>
        %dma_start3A_746 = tpu.memref_slice %arg4[%multiple_of3A_718] : memref<320000xi32, #tpu.memory_space<hbm>> -> memref<80xi32, #tpu.memory_space<hbm>>
        tpu.enqueue_dma source(%dma_start3A_746 : memref<80xi32, #tpu.memory_space<hbm>>) target(%dma_start3A_745 : memref<80xi32, #tpu.memory_space<vmem>>) target_semaphore(%dma_start3A_742 : memref<!tpu.dma_semaphore, #tpu.memory_space<semaphore_mem>>)
        %dma_start3A_747 = arith.constant 1 : i32
        %dma_start3A_748 = arith.constant 1 : i32
        %dma_start3A_749 = arith.constant 0 : i32
        %dma_start3A_750 = tpu.memref_slice %arg9[%dma_start3A_747, %dma_start3A_749] : memref<4x80xi32, #tpu.memory_space<vmem>> -> memref<1x80xi32, #tpu.memory_space<vmem>>
        %dma_start3A_751 = tpu.memref_squeeze %dma_start3A_750 : memref<1x80xi32, #tpu.memory_space<vmem>> -> memref<80xi32, #tpu.memory_space<vmem>>
        %dma_start3A_752 = tpu.memref_slice %arg5[%multiple_of3A_718] : memref<320000xi32, #tpu.memory_space<hbm>> -> memref<80xi32, #tpu.memory_space<hbm>>
        %dma_start3A_753 = tpu.memref_slice %arg11[%dma_start3A_748] : memref<4x!tpu.dma_semaphore, #tpu.memory_space<semaphore_mem>> -> memref<1x!tpu.dma_semaphore, #tpu.memory_space<semaphore_mem>>
        %dma_start3A_754 = tpu.memref_squeeze %dma_start3A_753 : memref<1x!tpu.dma_semaphore, #tpu.memory_space<semaphore_mem>> -> memref<!tpu.dma_semaphore, #tpu.memory_space<semaphore_mem>>
        %dma_start3A_755 = arith.constant 0 : i32
        %dma_start3A_756 = tpu.memref_slice %arg9[%dma_start3A_747, %dma_start3A_755] : memref<4x80xi32, #tpu.memory_space<vmem>> -> memref<1x80xi32, #tpu.memory_space<vmem>>
        %dma_start3A_757 = tpu.memref_squeeze %dma_start3A_756 : memref<1x80xi32, #tpu.memory_space<vmem>> -> memref<80xi32, #tpu.memory_space<vmem>>
        %dma_start3A_758 = tpu.memref_slice %arg5[%multiple_of3A_718] : memref<320000xi32, #tpu.memory_space<hbm>> -> memref<80xi32, #tpu.memory_space<hbm>>
        tpu.enqueue_dma source(%dma_start3A_758 : memref<80xi32, #tpu.memory_space<hbm>>) target(%dma_start3A_757 : memref<80xi32, #tpu.memory_space<vmem>>) target_semaphore(%dma_start3A_754 : memref<!tpu.dma_semaphore, #tpu.memory_space<semaphore_mem>>)
      } else {
      }
      %dma_wait3A_665 = arith.constant 2 : i32
      %dma_wait3A_666 = arith.constant 2 : i32
      %dma_wait3A_667 = arith.constant 2 : i32
      %dma_wait3A_668 = arith.constant 0 : i32
      %dma_wait3A_669 = arith.constant 0 : i32
      %dma_wait3A_670 = tpu.memref_slice %arg7[%dma_wait3A_665, %dma_wait3A_668, %dma_wait3A_669] : memref<4x80x128xf32, #tpu.memory_space<vmem>> -> memref<1x80x128xf32, #tpu.memory_space<vmem>>
      %dma_wait3A_671 = tpu.memref_squeeze %dma_wait3A_670 : memref<1x80x128xf32, #tpu.memory_space<vmem>> -> memref<80x128xf32, #tpu.memory_space<vmem>>
      %dma_wait3A_672 = arith.constant 0 : i32
      %dma_wait3A_673 = tpu.memref_slice %arg9[%dma_wait3A_666, %dma_wait3A_672] : memref<4x80xi32, #tpu.memory_space<vmem>> -> memref<1x80xi32, #tpu.memory_space<vmem>>
      %dma_wait3A_674 = tpu.memref_squeeze %dma_wait3A_673 : memref<1x80xi32, #tpu.memory_space<vmem>> -> memref<80xi32, #tpu.memory_space<vmem>>
      %dma_wait3A_675 = arith.constant 0 : i32
      %dma_wait3A_676 = arith.constant 0 : i32
      %dma_wait3A_677 = tpu.memref_slice %arg10[%dma_wait3A_675, %dma_wait3A_676] : memref<10240x128xf32, #tpu.memory_space<vmem_shared>> -> memref<10240x128xf32, #tpu.memory_space<vmem_shared>>
      %dma_wait3A_678 = tpu.memref_slice %arg13[%dma_wait3A_667] : memref<4x!tpu.dma_semaphore, #tpu.memory_space<semaphore_mem>> -> memref<1x!tpu.dma_semaphore, #tpu.memory_space<semaphore_mem>>
      %dma_wait3A_679 = tpu.memref_squeeze %dma_wait3A_678 : memref<1x!tpu.dma_semaphore, #tpu.memory_space<semaphore_mem>> -> memref<!tpu.dma_semaphore, #tpu.memory_space<semaphore_mem>>
      tpu.wait_indirect_dma semaphore(%dma_wait3A_679 : memref<!tpu.dma_semaphore, #tpu.memory_space<semaphore_mem>>) src(%dma_wait3A_671 : memref<80x128xf32, #tpu.memory_space<vmem>>) dst(%dma_wait3A_677 : memref<10240x128xf32, #tpu.memory_space<vmem_shared>>)
      %add3A_680 = arith.constant 1 : i32
      %add3A_681 = arith.addi %while3A_240, %add3A_680 : i32
      %lt3A_682 = arith.cmpi slt, %add3A_681, %select_n3A : i32
      %convert_element_type3A_683 = arith.extui %lt3A_682 : i1 to i32
      %cond3A_684 = arith.constant 0 : i32
      %cond3A_685 = arith.cmpi ne, %convert_element_type3A_683, %cond3A_684 : i32
      scf.if %cond3A_685 {
        %add3A_707 = arith.constant 1 : i32
        %add3A_708 = arith.addi %while3A_240, %add3A_707 : i32
        %mul3A_709 = arith.constant 4 : i32
        %mul3A_710 = arith.muli %add3A_708, %mul3A_709 : i32
        %add3A_711 = arith.constant 2 : i32
        %add3A_712 = arith.addi %mul3A_710, %add3A_711 : i32
        %mul3A_713 = arith.constant 10240 : i32
        %mul3A_714 = arith.muli %add3A, %mul3A_713 : i32
        %mul3A_715 = arith.constant 80 : i32
        %mul3A_716 = arith.muli %add3A_712, %mul3A_715 : i32
        %add3A_717 = arith.addi %mul3A_714, %mul3A_716 : i32
        %multiple_of3A_718 = tpu.assume_multiple %add3A_717, 8 : i32
        %dma_start3A_719 = arith.constant 2 : i32
        %dma_start3A_720 = arith.constant 2 : i32
        %dma_start3A_721 = arith.constant 0 : i32
        %dma_start3A_722 = arith.constant 0 : i32
        %dma_start3A_723 = tpu.memref_slice %arg7[%dma_start3A_719, %dma_start3A_721, %dma_start3A_722] : memref<4x80x128xf32, #tpu.memory_space<vmem>> -> memref<1x80x128xf32, #tpu.memory_space<vmem>>
        %dma_start3A_724 = tpu.memref_squeeze %dma_start3A_723 : memref<1x80x128xf32, #tpu.memory_space<vmem>> -> memref<80x128xf32, #tpu.memory_space<vmem>>
        %dma_start3A_725 = arith.constant 0 : i32
        %dma_start3A_726 = tpu.memref_slice %arg3[%multiple_of3A_718, %dma_start3A_725] : memref<320000x128xf32, #tpu.memory_space<hbm>> -> memref<80x128xf32, #tpu.memory_space<hbm>>
        %dma_start3A_727 = tpu.memref_slice %arg11[%dma_start3A_720] : memref<4x!tpu.dma_semaphore, #tpu.memory_space<semaphore_mem>> -> memref<1x!tpu.dma_semaphore, #tpu.memory_space<semaphore_mem>>
        %dma_start3A_728 = tpu.memref_squeeze %dma_start3A_727 : memref<1x!tpu.dma_semaphore, #tpu.memory_space<semaphore_mem>> -> memref<!tpu.dma_semaphore, #tpu.memory_space<semaphore_mem>>
        %dma_start3A_729 = arith.constant 0 : i32
        %dma_start3A_730 = arith.constant 0 : i32
        %dma_start3A_731 = tpu.memref_slice %arg7[%dma_start3A_719, %dma_start3A_729, %dma_start3A_730] : memref<4x80x128xf32, #tpu.memory_space<vmem>> -> memref<1x80x128xf32, #tpu.memory_space<vmem>>
        %dma_start3A_732 = tpu.memref_squeeze %dma_start3A_731 : memref<1x80x128xf32, #tpu.memory_space<vmem>> -> memref<80x128xf32, #tpu.memory_space<vmem>>
        %dma_start3A_733 = arith.constant 0 : i32
        %dma_start3A_734 = tpu.memref_slice %arg3[%multiple_of3A_718, %dma_start3A_733] : memref<320000x128xf32, #tpu.memory_space<hbm>> -> memref<80x128xf32, #tpu.memory_space<hbm>>
        tpu.enqueue_dma source(%dma_start3A_734 : memref<80x128xf32, #tpu.memory_space<hbm>>) target(%dma_start3A_732 : memref<80x128xf32, #tpu.memory_space<vmem>>) target_semaphore(%dma_start3A_728 : memref<!tpu.dma_semaphore, #tpu.memory_space<semaphore_mem>>)
        %dma_start3A_735 = arith.constant 2 : i32
        %dma_start3A_736 = arith.constant 2 : i32
        %dma_start3A_737 = arith.constant 0 : i32
        %dma_start3A_738 = tpu.memref_slice %arg8[%dma_start3A_735, %dma_start3A_737] : memref<4x80xi32, #tpu.memory_space<vmem>> -> memref<1x80xi32, #tpu.memory_space<vmem>>
        %dma_start3A_739 = tpu.memref_squeeze %dma_start3A_738 : memref<1x80xi32, #tpu.memory_space<vmem>> -> memref<80xi32, #tpu.memory_space<vmem>>
        %dma_start3A_740 = tpu.memref_slice %arg4[%multiple_of3A_718] : memref<320000xi32, #tpu.memory_space<hbm>> -> memref<80xi32, #tpu.memory_space<hbm>>
        %dma_start3A_741 = tpu.memref_slice %arg11[%dma_start3A_736] : memref<4x!tpu.dma_semaphore, #tpu.memory_space<semaphore_mem>> -> memref<1x!tpu.dma_semaphore, #tpu.memory_space<semaphore_mem>>
        %dma_start3A_742 = tpu.memref_squeeze %dma_start3A_741 : memref<1x!tpu.dma_semaphore, #tpu.memory_space<semaphore_mem>> -> memref<!tpu.dma_semaphore, #tpu.memory_space<semaphore_mem>>
        %dma_start3A_743 = arith.constant 0 : i32
        %dma_start3A_744 = tpu.memref_slice %arg8[%dma_start3A_735, %dma_start3A_743] : memref<4x80xi32, #tpu.memory_space<vmem>> -> memref<1x80xi32, #tpu.memory_space<vmem>>
        %dma_start3A_745 = tpu.memref_squeeze %dma_start3A_744 : memref<1x80xi32, #tpu.memory_space<vmem>> -> memref<80xi32, #tpu.memory_space<vmem>>
        %dma_start3A_746 = tpu.memref_slice %arg4[%multiple_of3A_718] : memref<320000xi32, #tpu.memory_space<hbm>> -> memref<80xi32, #tpu.memory_space<hbm>>
        tpu.enqueue_dma source(%dma_start3A_746 : memref<80xi32, #tpu.memory_space<hbm>>) target(%dma_start3A_745 : memref<80xi32, #tpu.memory_space<vmem>>) target_semaphore(%dma_start3A_742 : memref<!tpu.dma_semaphore, #tpu.memory_space<semaphore_mem>>)
        %dma_start3A_747 = arith.constant 2 : i32
        %dma_start3A_748 = arith.constant 2 : i32
        %dma_start3A_749 = arith.constant 0 : i32
        %dma_start3A_750 = tpu.memref_slice %arg9[%dma_start3A_747, %dma_start3A_749] : memref<4x80xi32, #tpu.memory_space<vmem>> -> memref<1x80xi32, #tpu.memory_space<vmem>>
        %dma_start3A_751 = tpu.memref_squeeze %dma_start3A_750 : memref<1x80xi32, #tpu.memory_space<vmem>> -> memref<80xi32, #tpu.memory_space<vmem>>
        %dma_start3A_752 = tpu.memref_slice %arg5[%multiple_of3A_718] : memref<320000xi32, #tpu.memory_space<hbm>> -> memref<80xi32, #tpu.memory_space<hbm>>
        %dma_start3A_753 = tpu.memref_slice %arg11[%dma_start3A_748] : memref<4x!tpu.dma_semaphore, #tpu.memory_space<semaphore_mem>> -> memref<1x!tpu.dma_semaphore, #tpu.memory_space<semaphore_mem>>
        %dma_start3A_754 = tpu.memref_squeeze %dma_start3A_753 : memref<1x!tpu.dma_semaphore, #tpu.memory_space<semaphore_mem>> -> memref<!tpu.dma_semaphore, #tpu.memory_space<semaphore_mem>>
        %dma_start3A_755 = arith.constant 0 : i32
        %dma_start3A_756 = tpu.memref_slice %arg9[%dma_start3A_747, %dma_start3A_755] : memref<4x80xi32, #tpu.memory_space<vmem>> -> memref<1x80xi32, #tpu.memory_space<vmem>>
        %dma_start3A_757 = tpu.memref_squeeze %dma_start3A_756 : memref<1x80xi32, #tpu.memory_space<vmem>> -> memref<80xi32, #tpu.memory_space<vmem>>
        %dma_start3A_758 = tpu.memref_slice %arg5[%multiple_of3A_718] : memref<320000xi32, #tpu.memory_space<hbm>> -> memref<80xi32, #tpu.memory_space<hbm>>
        tpu.enqueue_dma source(%dma_start3A_758 : memref<80xi32, #tpu.memory_space<hbm>>) target(%dma_start3A_757 : memref<80xi32, #tpu.memory_space<vmem>>) target_semaphore(%dma_start3A_754 : memref<!tpu.dma_semaphore, #tpu.memory_space<semaphore_mem>>)
      } else {
      }
      %dma_wait3A_686 = arith.constant 3 : i32
      %dma_wait3A_687 = arith.constant 3 : i32
      %dma_wait3A_688 = arith.constant 3 : i32
      %dma_wait3A_689 = arith.constant 0 : i32
      %dma_wait3A_690 = arith.constant 0 : i32
      %dma_wait3A_691 = tpu.memref_slice %arg7[%dma_wait3A_686, %dma_wait3A_689, %dma_wait3A_690] : memref<4x80x128xf32, #tpu.memory_space<vmem>> -> memref<1x80x128xf32, #tpu.memory_space<vmem>>
      %dma_wait3A_692 = tpu.memref_squeeze %dma_wait3A_691 : memref<1x80x128xf32, #tpu.memory_space<vmem>> -> memref<80x128xf32, #tpu.memory_space<vmem>>
      %dma_wait3A_693 = arith.constant 0 : i32
      %dma_wait3A_694 = tpu.memref_slice %arg9[%dma_wait3A_687, %dma_wait3A_693] : memref<4x80xi32, #tpu.memory_space<vmem>> -> memref<1x80xi32, #tpu.memory_space<vmem>>
      %dma_wait3A_695 = tpu.memref_squeeze %dma_wait3A_694 : memref<1x80xi32, #tpu.memory_space<vmem>> -> memref<80xi32, #tpu.memory_space<vmem>>
      %dma_wait3A_696 = arith.constant 0 : i32
      %dma_wait3A_697 = arith.constant 0 : i32
      %dma_wait3A_698 = tpu.memref_slice %arg10[%dma_wait3A_696, %dma_wait3A_697] : memref<10240x128xf32, #tpu.memory_space<vmem_shared>> -> memref<10240x128xf32, #tpu.memory_space<vmem_shared>>
      %dma_wait3A_699 = tpu.memref_slice %arg13[%dma_wait3A_688] : memref<4x!tpu.dma_semaphore, #tpu.memory_space<semaphore_mem>> -> memref<1x!tpu.dma_semaphore, #tpu.memory_space<semaphore_mem>>
      %dma_wait3A_700 = tpu.memref_squeeze %dma_wait3A_699 : memref<1x!tpu.dma_semaphore, #tpu.memory_space<semaphore_mem>> -> memref<!tpu.dma_semaphore, #tpu.memory_space<semaphore_mem>>
      tpu.wait_indirect_dma semaphore(%dma_wait3A_700 : memref<!tpu.dma_semaphore, #tpu.memory_space<semaphore_mem>>) src(%dma_wait3A_692 : memref<80x128xf32, #tpu.memory_space<vmem>>) dst(%dma_wait3A_698 : memref<10240x128xf32, #tpu.memory_space<vmem_shared>>)
      %add3A_701 = arith.constant 1 : i32
      %add3A_702 = arith.addi %while3A_240, %add3A_701 : i32
      %lt3A_703 = arith.cmpi slt, %add3A_702, %select_n3A : i32
      %convert_element_type3A_704 = arith.extui %lt3A_703 : i1 to i32
      %cond3A_705 = arith.constant 0 : i32
      %cond3A_706 = arith.cmpi ne, %convert_element_type3A_704, %cond3A_705 : i32
      scf.if %cond3A_706 {
        %add3A_707 = arith.constant 1 : i32
        %add3A_708 = arith.addi %while3A_240, %add3A_707 : i32
        %mul3A_709 = arith.constant 4 : i32
        %mul3A_710 = arith.muli %add3A_708, %mul3A_709 : i32
        %add3A_711 = arith.constant 3 : i32
        %add3A_712 = arith.addi %mul3A_710, %add3A_711 : i32
        %mul3A_713 = arith.constant 10240 : i32
        %mul3A_714 = arith.muli %add3A, %mul3A_713 : i32
        %mul3A_715 = arith.constant 80 : i32
        %mul3A_716 = arith.muli %add3A_712, %mul3A_715 : i32
        %add3A_717 = arith.addi %mul3A_714, %mul3A_716 : i32
        %multiple_of3A_718 = tpu.assume_multiple %add3A_717, 8 : i32
        %dma_start3A_719 = arith.constant 3 : i32
        %dma_start3A_720 = arith.constant 3 : i32
        %dma_start3A_721 = arith.constant 0 : i32
        %dma_start3A_722 = arith.constant 0 : i32
        %dma_start3A_723 = tpu.memref_slice %arg7[%dma_start3A_719, %dma_start3A_721, %dma_start3A_722] : memref<4x80x128xf32, #tpu.memory_space<vmem>> -> memref<1x80x128xf32, #tpu.memory_space<vmem>>
        %dma_start3A_724 = tpu.memref_squeeze %dma_start3A_723 : memref<1x80x128xf32, #tpu.memory_space<vmem>> -> memref<80x128xf32, #tpu.memory_space<vmem>>
        %dma_start3A_725 = arith.constant 0 : i32
        %dma_start3A_726 = tpu.memref_slice %arg3[%multiple_of3A_718, %dma_start3A_725] : memref<320000x128xf32, #tpu.memory_space<hbm>> -> memref<80x128xf32, #tpu.memory_space<hbm>>
        %dma_start3A_727 = tpu.memref_slice %arg11[%dma_start3A_720] : memref<4x!tpu.dma_semaphore, #tpu.memory_space<semaphore_mem>> -> memref<1x!tpu.dma_semaphore, #tpu.memory_space<semaphore_mem>>
        %dma_start3A_728 = tpu.memref_squeeze %dma_start3A_727 : memref<1x!tpu.dma_semaphore, #tpu.memory_space<semaphore_mem>> -> memref<!tpu.dma_semaphore, #tpu.memory_space<semaphore_mem>>
        %dma_start3A_729 = arith.constant 0 : i32
        %dma_start3A_730 = arith.constant 0 : i32
        %dma_start3A_731 = tpu.memref_slice %arg7[%dma_start3A_719, %dma_start3A_729, %dma_start3A_730] : memref<4x80x128xf32, #tpu.memory_space<vmem>> -> memref<1x80x128xf32, #tpu.memory_space<vmem>>
        %dma_start3A_732 = tpu.memref_squeeze %dma_start3A_731 : memref<1x80x128xf32, #tpu.memory_space<vmem>> -> memref<80x128xf32, #tpu.memory_space<vmem>>
        %dma_start3A_733 = arith.constant 0 : i32
        %dma_start3A_734 = tpu.memref_slice %arg3[%multiple_of3A_718, %dma_start3A_733] : memref<320000x128xf32, #tpu.memory_space<hbm>> -> memref<80x128xf32, #tpu.memory_space<hbm>>
        tpu.enqueue_dma source(%dma_start3A_734 : memref<80x128xf32, #tpu.memory_space<hbm>>) target(%dma_start3A_732 : memref<80x128xf32, #tpu.memory_space<vmem>>) target_semaphore(%dma_start3A_728 : memref<!tpu.dma_semaphore, #tpu.memory_space<semaphore_mem>>)
        %dma_start3A_735 = arith.constant 3 : i32
        %dma_start3A_736 = arith.constant 3 : i32
        %dma_start3A_737 = arith.constant 0 : i32
        %dma_start3A_738 = tpu.memref_slice %arg8[%dma_start3A_735, %dma_start3A_737] : memref<4x80xi32, #tpu.memory_space<vmem>> -> memref<1x80xi32, #tpu.memory_space<vmem>>
        %dma_start3A_739 = tpu.memref_squeeze %dma_start3A_738 : memref<1x80xi32, #tpu.memory_space<vmem>> -> memref<80xi32, #tpu.memory_space<vmem>>
        %dma_start3A_740 = tpu.memref_slice %arg4[%multiple_of3A_718] : memref<320000xi32, #tpu.memory_space<hbm>> -> memref<80xi32, #tpu.memory_space<hbm>>
        %dma_start3A_741 = tpu.memref_slice %arg11[%dma_start3A_736] : memref<4x!tpu.dma_semaphore, #tpu.memory_space<semaphore_mem>> -> memref<1x!tpu.dma_semaphore, #tpu.memory_space<semaphore_mem>>
        %dma_start3A_742 = tpu.memref_squeeze %dma_start3A_741 : memref<1x!tpu.dma_semaphore, #tpu.memory_space<semaphore_mem>> -> memref<!tpu.dma_semaphore, #tpu.memory_space<semaphore_mem>>
        %dma_start3A_743 = arith.constant 0 : i32
        %dma_start3A_744 = tpu.memref_slice %arg8[%dma_start3A_735, %dma_start3A_743] : memref<4x80xi32, #tpu.memory_space<vmem>> -> memref<1x80xi32, #tpu.memory_space<vmem>>
        %dma_start3A_745 = tpu.memref_squeeze %dma_start3A_744 : memref<1x80xi32, #tpu.memory_space<vmem>> -> memref<80xi32, #tpu.memory_space<vmem>>
        %dma_start3A_746 = tpu.memref_slice %arg4[%multiple_of3A_718] : memref<320000xi32, #tpu.memory_space<hbm>> -> memref<80xi32, #tpu.memory_space<hbm>>
        tpu.enqueue_dma source(%dma_start3A_746 : memref<80xi32, #tpu.memory_space<hbm>>) target(%dma_start3A_745 : memref<80xi32, #tpu.memory_space<vmem>>) target_semaphore(%dma_start3A_742 : memref<!tpu.dma_semaphore, #tpu.memory_space<semaphore_mem>>)
        %dma_start3A_747 = arith.constant 3 : i32
        %dma_start3A_748 = arith.constant 3 : i32
        %dma_start3A_749 = arith.constant 0 : i32
        %dma_start3A_750 = tpu.memref_slice %arg9[%dma_start3A_747, %dma_start3A_749] : memref<4x80xi32, #tpu.memory_space<vmem>> -> memref<1x80xi32, #tpu.memory_space<vmem>>
        %dma_start3A_751 = tpu.memref_squeeze %dma_start3A_750 : memref<1x80xi32, #tpu.memory_space<vmem>> -> memref<80xi32, #tpu.memory_space<vmem>>
        %dma_start3A_752 = tpu.memref_slice %arg5[%multiple_of3A_718] : memref<320000xi32, #tpu.memory_space<hbm>> -> memref<80xi32, #tpu.memory_space<hbm>>
        %dma_start3A_753 = tpu.memref_slice %arg11[%dma_start3A_748] : memref<4x!tpu.dma_semaphore, #tpu.memory_space<semaphore_mem>> -> memref<1x!tpu.dma_semaphore, #tpu.memory_space<semaphore_mem>>
        %dma_start3A_754 = tpu.memref_squeeze %dma_start3A_753 : memref<1x!tpu.dma_semaphore, #tpu.memory_space<semaphore_mem>> -> memref<!tpu.dma_semaphore, #tpu.memory_space<semaphore_mem>>
        %dma_start3A_755 = arith.constant 0 : i32
        %dma_start3A_756 = tpu.memref_slice %arg9[%dma_start3A_747, %dma_start3A_755] : memref<4x80xi32, #tpu.memory_space<vmem>> -> memref<1x80xi32, #tpu.memory_space<vmem>>
        %dma_start3A_757 = tpu.memref_squeeze %dma_start3A_756 : memref<1x80xi32, #tpu.memory_space<vmem>> -> memref<80xi32, #tpu.memory_space<vmem>>
        %dma_start3A_758 = tpu.memref_slice %arg5[%multiple_of3A_718] : memref<320000xi32, #tpu.memory_space<hbm>> -> memref<80xi32, #tpu.memory_space<hbm>>
        tpu.enqueue_dma source(%dma_start3A_758 : memref<80xi32, #tpu.memory_space<hbm>>) target(%dma_start3A_757 : memref<80xi32, #tpu.memory_space<vmem>>) target_semaphore(%dma_start3A_754 : memref<!tpu.dma_semaphore, #tpu.memory_space<semaphore_mem>>)
      } else {
      }
    }
    %while3A_231 = arith.constant 1 : i32
    scf.for %while3A_240 = %while3A_229 to %while3A_225 step %while3A_231  : i32 {
      %mul3A_241 = arith.constant 4 : i32
      %mul3A_242 = arith.muli %while3A_240, %mul3A_241 : i32
      %add3A_243 = arith.constant 0 : i32
      %add3A_244 = arith.addi %mul3A_242, %add3A_243 : i32
      %mul3A_245 = arith.constant 10240 : i32
      %mul3A_246 = arith.muli %add3A, %mul3A_245 : i32
      %mul3A_247 = arith.constant 80 : i32
      %mul3A_248 = arith.muli %add3A_244, %mul3A_247 : i32
      %add3A_249 = arith.addi %mul3A_246, %mul3A_248 : i32
      %multiple_of3A_250 = tpu.assume_multiple %add3A_249, 8 : i32
      %dma_wait3A = arith.constant 0 : i32
      %dma_wait3A_251 = arith.constant 0 : i32
      %dma_wait3A_252 = arith.constant 0 : i32
      %dma_wait3A_253 = arith.constant 0 : i32
      %dma_wait3A_254 = tpu.memref_slice %arg7[%dma_wait3A, %dma_wait3A_252, %dma_wait3A_253] : memref<4x80x128xf32, #tpu.memory_space<vmem>> -> memref<1x80x128xf32, #tpu.memory_space<vmem>>
      %dma_wait3A_255 = tpu.memref_squeeze %dma_wait3A_254 : memref<1x80x128xf32, #tpu.memory_space<vmem>> -> memref<80x128xf32, #tpu.memory_space<vmem>>
      %dma_wait3A_256 = arith.constant 0 : i32
      %dma_wait3A_257 = tpu.memref_slice %arg3[%multiple_of3A_250, %dma_wait3A_256] : memref<320000x128xf32, #tpu.memory_space<hbm>> -> memref<80x128xf32, #tpu.memory_space<hbm>>
      %dma_wait3A_258 = tpu.memref_slice %arg11[%dma_wait3A_251] : memref<4x!tpu.dma_semaphore, #tpu.memory_space<semaphore_mem>> -> memref<1x!tpu.dma_semaphore, #tpu.memory_space<semaphore_mem>>
      %dma_wait3A_259 = tpu.memref_squeeze %dma_wait3A_258 : memref<1x!tpu.dma_semaphore, #tpu.memory_space<semaphore_mem>> -> memref<!tpu.dma_semaphore, #tpu.memory_space<semaphore_mem>>
      %dma_wait3A_260 = arith.constant 0 : i32
      %dma_wait3A_261 = arith.constant 0 : i32
      %dma_wait3A_262 = tpu.memref_slice %arg7[%dma_wait3A, %dma_wait3A_260, %dma_wait3A_261] : memref<4x80x128xf32, #tpu.memory_space<vmem>> -> memref<1x80x128xf32, #tpu.memory_space<vmem>>
      %dma_wait3A_263 = tpu.memref_squeeze %dma_wait3A_262 : memref<1x80x128xf32, #tpu.memory_space<vmem>> -> memref<80x128xf32, #tpu.memory_space<vmem>>
      %dma_wait3A_264 = arith.constant 0 : i32
      %dma_wait3A_265 = tpu.memref_slice %arg3[%multiple_of3A_250, %dma_wait3A_264] : memref<320000x128xf32, #tpu.memory_space<hbm>> -> memref<80x128xf32, #tpu.memory_space<hbm>>
      tpu.wait_dma2 semaphore(%dma_wait3A_259 : memref<!tpu.dma_semaphore, #tpu.memory_space<semaphore_mem>>) src(%dma_wait3A_265 : memref<80x128xf32, #tpu.memory_space<hbm>>) dst(%dma_wait3A_263 : memref<80x128xf32, #tpu.memory_space<vmem>>)
      %dma_wait3A_266 = arith.constant 0 : i32
      %dma_wait3A_267 = arith.constant 0 : i32
      %dma_wait3A_268 = arith.constant 0 : i32
      %dma_wait3A_269 = tpu.memref_slice %arg8[%dma_wait3A_266, %dma_wait3A_268] : memref<4x80xi32, #tpu.memory_space<vmem>> -> memref<1x80xi32, #tpu.memory_space<vmem>>
      %dma_wait3A_270 = tpu.memref_squeeze %dma_wait3A_269 : memref<1x80xi32, #tpu.memory_space<vmem>> -> memref<80xi32, #tpu.memory_space<vmem>>
      %dma_wait3A_271 = tpu.memref_slice %arg4[%multiple_of3A_250] : memref<320000xi32, #tpu.memory_space<hbm>> -> memref<80xi32, #tpu.memory_space<hbm>>
      %dma_wait3A_272 = tpu.memref_slice %arg11[%dma_wait3A_267] : memref<4x!tpu.dma_semaphore, #tpu.memory_space<semaphore_mem>> -> memref<1x!tpu.dma_semaphore, #tpu.memory_space<semaphore_mem>>
      %dma_wait3A_273 = tpu.memref_squeeze %dma_wait3A_272 : memref<1x!tpu.dma_semaphore, #tpu.memory_space<semaphore_mem>> -> memref<!tpu.dma_semaphore, #tpu.memory_space<semaphore_mem>>
      %dma_wait3A_274 = arith.constant 0 : i32
      %dma_wait3A_275 = tpu.memref_slice %arg8[%dma_wait3A_266, %dma_wait3A_274] : memref<4x80xi32, #tpu.memory_space<vmem>> -> memref<1x80xi32, #tpu.memory_space<vmem>>
      %dma_wait3A_276 = tpu.memref_squeeze %dma_wait3A_275 : memref<1x80xi32, #tpu.memory_space<vmem>> -> memref<80xi32, #tpu.memory_space<vmem>>
      %dma_wait3A_277 = tpu.memref_slice %arg4[%multiple_of3A_250] : memref<320000xi32, #tpu.memory_space<hbm>> -> memref<80xi32, #tpu.memory_space<hbm>>
      tpu.wait_dma2 semaphore(%dma_wait3A_273 : memref<!tpu.dma_semaphore, #tpu.memory_space<semaphore_mem>>) src(%dma_wait3A_277 : memref<80xi32, #tpu.memory_space<hbm>>) dst(%dma_wait3A_276 : memref<80xi32, #tpu.memory_space<vmem>>)
      %dma_wait3A_278 = arith.constant 0 : i32
      %dma_wait3A_279 = arith.constant 0 : i32
      %dma_wait3A_280 = arith.constant 0 : i32
      %dma_wait3A_281 = tpu.memref_slice %arg9[%dma_wait3A_278, %dma_wait3A_280] : memref<4x80xi32, #tpu.memory_space<vmem>> -> memref<1x80xi32, #tpu.memory_space<vmem>>
      %dma_wait3A_282 = tpu.memref_squeeze %dma_wait3A_281 : memref<1x80xi32, #tpu.memory_space<vmem>> -> memref<80xi32, #tpu.memory_space<vmem>>
      %dma_wait3A_283 = tpu.memref_slice %arg5[%multiple_of3A_250] : memref<320000xi32, #tpu.memory_space<hbm>> -> memref<80xi32, #tpu.memory_space<hbm>>
      %dma_wait3A_284 = tpu.memref_slice %arg11[%dma_wait3A_279] : memref<4x!tpu.dma_semaphore, #tpu.memory_space<semaphore_mem>> -> memref<1x!tpu.dma_semaphore, #tpu.memory_space<semaphore_mem>>
      %dma_wait3A_285 = tpu.memref_squeeze %dma_wait3A_284 : memref<1x!tpu.dma_semaphore, #tpu.memory_space<semaphore_mem>> -> memref<!tpu.dma_semaphore, #tpu.memory_space<semaphore_mem>>
      %dma_wait3A_286 = arith.constant 0 : i32
      %dma_wait3A_287 = tpu.memref_slice %arg9[%dma_wait3A_278, %dma_wait3A_286] : memref<4x80xi32, #tpu.memory_space<vmem>> -> memref<1x80xi32, #tpu.memory_space<vmem>>
      %dma_wait3A_288 = tpu.memref_squeeze %dma_wait3A_287 : memref<1x80xi32, #tpu.memory_space<vmem>> -> memref<80xi32, #tpu.memory_space<vmem>>
      %dma_wait3A_289 = tpu.memref_slice %arg5[%multiple_of3A_250] : memref<320000xi32, #tpu.memory_space<hbm>> -> memref<80xi32, #tpu.memory_space<hbm>>
      tpu.wait_dma2 semaphore(%dma_wait3A_285 : memref<!tpu.dma_semaphore, #tpu.memory_space<semaphore_mem>>) src(%dma_wait3A_289 : memref<80xi32, #tpu.memory_space<hbm>>) dst(%dma_wait3A_288 : memref<80xi32, #tpu.memory_space<vmem>>)
      %dma_start3A_290 = arith.constant 0 : i32
      %dma_start3A_291 = arith.constant 0 : i32
      %dma_start3A_292 = arith.constant 0 : i32
      %dma_start3A_293 = arith.constant 0 : i32
      %dma_start3A_294 = arith.constant 0 : i32
      %dma_start3A_295 = tpu.memref_slice %arg7[%dma_start3A_291, %dma_start3A_293, %dma_start3A_294] : memref<4x80x128xf32, #tpu.memory_space<vmem>> -> memref<1x80x128xf32, #tpu.memory_space<vmem>>
      %dma_start3A_296 = tpu.memref_squeeze %dma_start3A_295 : memref<1x80x128xf32, #tpu.memory_space<vmem>> -> memref<80x128xf32, #tpu.memory_space<vmem>>
      %dma_start3A_297 = arith.constant 0 : i32
      %dma_start3A_298 = tpu.memref_slice %arg8[%dma_start3A_290, %dma_start3A_297] : memref<4x80xi32, #tpu.memory_space<vmem>> -> memref<1x80xi32, #tpu.memory_space<vmem>>
      %dma_start3A_299 = tpu.memref_squeeze %dma_start3A_298 : memref<1x80xi32, #tpu.memory_space<vmem>> -> memref<80xi32, #tpu.memory_space<vmem>>
      %dma_start3A_300 = arith.constant 0 : i32
      %dma_start3A_301 = arith.constant 0 : i32
      %dma_start3A_302 = tpu.memref_slice %arg2[%dma_start3A_300, %dma_start3A_301] : memref<10000x128xf32, #tpu.memory_space<hbm>> -> memref<10000x128xf32, #tpu.memory_space<hbm>>
      %dma_start3A_303 = tpu.memref_slice %arg12[%dma_start3A_292] : memref<4x!tpu.dma_semaphore, #tpu.memory_space<semaphore_mem>> -> memref<1x!tpu.dma_semaphore, #tpu.memory_space<semaphore_mem>>
      %dma_start3A_304 = tpu.memref_squeeze %dma_start3A_303 : memref<1x!tpu.dma_semaphore, #tpu.memory_space<semaphore_mem>> -> memref<!tpu.dma_semaphore, #tpu.memory_space<semaphore_mem>>
      tpu.enqueue_indirect_dma source(%dma_start3A_302 : memref<10000x128xf32, #tpu.memory_space<hbm>>) target(%dma_start3A_296 : memref<80x128xf32, #tpu.memory_space<vmem>>) offsets(%dma_start3A_299 : memref<80xi32, #tpu.memory_space<vmem>>) semaphore(%dma_start3A_304 : memref<!tpu.dma_semaphore, #tpu.memory_space<semaphore_mem>>) {add = true}
      %add3A_305 = arith.constant 1 : i32
      %add3A_306 = arith.addi %mul3A_242, %add3A_305 : i32
      %mul3A_307 = arith.constant 10240 : i32
      %mul3A_308 = arith.muli %add3A, %mul3A_307 : i32
      %mul3A_309 = arith.constant 80 : i32
      %mul3A_310 = arith.muli %add3A_306, %mul3A_309 : i32
      %add3A_311 = arith.addi %mul3A_308, %mul3A_310 : i32
      %multiple_of3A_312 = tpu.assume_multiple %add3A_311, 8 : i32
      %dma_wait3A_313 = arith.constant 1 : i32
      %dma_wait3A_314 = arith.constant 1 : i32
      %dma_wait3A_315 = arith.constant 0 : i32
      %dma_wait3A_316 = arith.constant 0 : i32
      %dma_wait3A_317 = tpu.memref_slice %arg7[%dma_wait3A_313, %dma_wait3A_315, %dma_wait3A_316] : memref<4x80x128xf32, #tpu.memory_space<vmem>> -> memref<1x80x128xf32, #tpu.memory_space<vmem>>
      %dma_wait3A_318 = tpu.memref_squeeze %dma_wait3A_317 : memref<1x80x128xf32, #tpu.memory_space<vmem>> -> memref<80x128xf32, #tpu.memory_space<vmem>>
      %dma_wait3A_319 = arith.constant 0 : i32
      %dma_wait3A_320 = tpu.memref_slice %arg3[%multiple_of3A_312, %dma_wait3A_319] : memref<320000x128xf32, #tpu.memory_space<hbm>> -> memref<80x128xf32, #tpu.memory_space<hbm>>
      %dma_wait3A_321 = tpu.memref_slice %arg11[%dma_wait3A_314] : memref<4x!tpu.dma_semaphore, #tpu.memory_space<semaphore_mem>> -> memref<1x!tpu.dma_semaphore, #tpu.memory_space<semaphore_mem>>
      %dma_wait3A_322 = tpu.memref_squeeze %dma_wait3A_321 : memref<1x!tpu.dma_semaphore, #tpu.memory_space<semaphore_mem>> -> memref<!tpu.dma_semaphore, #tpu.memory_space<semaphore_mem>>
      %dma_wait3A_323 = arith.constant 0 : i32
      %dma_wait3A_324 = arith.constant 0 : i32
      %dma_wait3A_325 = tpu.memref_slice %arg7[%dma_wait3A_313, %dma_wait3A_323, %dma_wait3A_324] : memref<4x80x128xf32, #tpu.memory_space<vmem>> -> memref<1x80x128xf32, #tpu.memory_space<vmem>>
      %dma_wait3A_326 = tpu.memref_squeeze %dma_wait3A_325 : memref<1x80x128xf32, #tpu.memory_space<vmem>> -> memref<80x128xf32, #tpu.memory_space<vmem>>
      %dma_wait3A_327 = arith.constant 0 : i32
      %dma_wait3A_328 = tpu.memref_slice %arg3[%multiple_of3A_312, %dma_wait3A_327] : memref<320000x128xf32, #tpu.memory_space<hbm>> -> memref<80x128xf32, #tpu.memory_space<hbm>>
      tpu.wait_dma2 semaphore(%dma_wait3A_322 : memref<!tpu.dma_semaphore, #tpu.memory_space<semaphore_mem>>) src(%dma_wait3A_328 : memref<80x128xf32, #tpu.memory_space<hbm>>) dst(%dma_wait3A_326 : memref<80x128xf32, #tpu.memory_space<vmem>>)
      %dma_wait3A_329 = arith.constant 1 : i32
      %dma_wait3A_330 = arith.constant 1 : i32
      %dma_wait3A_331 = arith.constant 0 : i32
      %dma_wait3A_332 = tpu.memref_slice %arg8[%dma_wait3A_329, %dma_wait3A_331] : memref<4x80xi32, #tpu.memory_space<vmem>> -> memref<1x80xi32, #tpu.memory_space<vmem>>
      %dma_wait3A_333 = tpu.memref_squeeze %dma_wait3A_332 : memref<1x80xi32, #tpu.memory_space<vmem>> -> memref<80xi32, #tpu.memory_space<vmem>>
      %dma_wait3A_334 = tpu.memref_slice %arg4[%multiple_of3A_312] : memref<320000xi32, #tpu.memory_space<hbm>> -> memref<80xi32, #tpu.memory_space<hbm>>
      %dma_wait3A_335 = tpu.memref_slice %arg11[%dma_wait3A_330] : memref<4x!tpu.dma_semaphore, #tpu.memory_space<semaphore_mem>> -> memref<1x!tpu.dma_semaphore, #tpu.memory_space<semaphore_mem>>
      %dma_wait3A_336 = tpu.memref_squeeze %dma_wait3A_335 : memref<1x!tpu.dma_semaphore, #tpu.memory_space<semaphore_mem>> -> memref<!tpu.dma_semaphore, #tpu.memory_space<semaphore_mem>>
      %dma_wait3A_337 = arith.constant 0 : i32
      %dma_wait3A_338 = tpu.memref_slice %arg8[%dma_wait3A_329, %dma_wait3A_337] : memref<4x80xi32, #tpu.memory_space<vmem>> -> memref<1x80xi32, #tpu.memory_space<vmem>>
      %dma_wait3A_339 = tpu.memref_squeeze %dma_wait3A_338 : memref<1x80xi32, #tpu.memory_space<vmem>> -> memref<80xi32, #tpu.memory_space<vmem>>
      %dma_wait3A_340 = tpu.memref_slice %arg4[%multiple_of3A_312] : memref<320000xi32, #tpu.memory_space<hbm>> -> memref<80xi32, #tpu.memory_space<hbm>>
      tpu.wait_dma2 semaphore(%dma_wait3A_336 : memref<!tpu.dma_semaphore, #tpu.memory_space<semaphore_mem>>) src(%dma_wait3A_340 : memref<80xi32, #tpu.memory_space<hbm>>) dst(%dma_wait3A_339 : memref<80xi32, #tpu.memory_space<vmem>>)
      %dma_wait3A_341 = arith.constant 1 : i32
      %dma_wait3A_342 = arith.constant 1 : i32
      %dma_wait3A_343 = arith.constant 0 : i32
      %dma_wait3A_344 = tpu.memref_slice %arg9[%dma_wait3A_341, %dma_wait3A_343] : memref<4x80xi32, #tpu.memory_space<vmem>> -> memref<1x80xi32, #tpu.memory_space<vmem>>
      %dma_wait3A_345 = tpu.memref_squeeze %dma_wait3A_344 : memref<1x80xi32, #tpu.memory_space<vmem>> -> memref<80xi32, #tpu.memory_space<vmem>>
      %dma_wait3A_346 = tpu.memref_slice %arg5[%multiple_of3A_312] : memref<320000xi32, #tpu.memory_space<hbm>> -> memref<80xi32, #tpu.memory_space<hbm>>
      %dma_wait3A_347 = tpu.memref_slice %arg11[%dma_wait3A_342] : memref<4x!tpu.dma_semaphore, #tpu.memory_space<semaphore_mem>> -> memref<1x!tpu.dma_semaphore, #tpu.memory_space<semaphore_mem>>
      %dma_wait3A_348 = tpu.memref_squeeze %dma_wait3A_347 : memref<1x!tpu.dma_semaphore, #tpu.memory_space<semaphore_mem>> -> memref<!tpu.dma_semaphore, #tpu.memory_space<semaphore_mem>>
      %dma_wait3A_349 = arith.constant 0 : i32
      %dma_wait3A_350 = tpu.memref_slice %arg9[%dma_wait3A_341, %dma_wait3A_349] : memref<4x80xi32, #tpu.memory_space<vmem>> -> memref<1x80xi32, #tpu.memory_space<vmem>>
      %dma_wait3A_351 = tpu.memref_squeeze %dma_wait3A_350 : memref<1x80xi32, #tpu.memory_space<vmem>> -> memref<80xi32, #tpu.memory_space<vmem>>
      %dma_wait3A_352 = tpu.memref_slice %arg5[%multiple_of3A_312] : memref<320000xi32, #tpu.memory_space<hbm>> -> memref<80xi32, #tpu.memory_space<hbm>>
      tpu.wait_dma2 semaphore(%dma_wait3A_348 : memref<!tpu.dma_semaphore, #tpu.memory_space<semaphore_mem>>) src(%dma_wait3A_352 : memref<80xi32, #tpu.memory_space<hbm>>) dst(%dma_wait3A_351 : memref<80xi32, #tpu.memory_space<vmem>>)
      %dma_start3A_353 = arith.constant 1 : i32
      %dma_start3A_354 = arith.constant 1 : i32
      %dma_start3A_355 = arith.constant 1 : i32
      %dma_start3A_356 = arith.constant 0 : i32
      %dma_start3A_357 = arith.constant 0 : i32
      %dma_start3A_358 = tpu.memref_slice %arg7[%dma_start3A_354, %dma_start3A_356, %dma_start3A_357] : memref<4x80x128xf32, #tpu.memory_space<vmem>> -> memref<1x80x128xf32, #tpu.memory_space<vmem>>
      %dma_start3A_359 = tpu.memref_squeeze %dma_start3A_358 : memref<1x80x128xf32, #tpu.memory_space<vmem>> -> memref<80x128xf32, #tpu.memory_space<vmem>>
      %dma_start3A_360 = arith.constant 0 : i32
      %dma_start3A_361 = tpu.memref_slice %arg8[%dma_start3A_353, %dma_start3A_360] : memref<4x80xi32, #tpu.memory_space<vmem>> -> memref<1x80xi32, #tpu.memory_space<vmem>>
      %dma_start3A_362 = tpu.memref_squeeze %dma_start3A_361 : memref<1x80xi32, #tpu.memory_space<vmem>> -> memref<80xi32, #tpu.memory_space<vmem>>
      %dma_start3A_363 = arith.constant 0 : i32
      %dma_start3A_364 = arith.constant 0 : i32
      %dma_start3A_365 = tpu.memref_slice %arg2[%dma_start3A_363, %dma_start3A_364] : memref<10000x128xf32, #tpu.memory_space<hbm>> -> memref<10000x128xf32, #tpu.memory_space<hbm>>
      %dma_start3A_366 = tpu.memref_slice %arg12[%dma_start3A_355] : memref<4x!tpu.dma_semaphore, #tpu.memory_space<semaphore_mem>> -> memref<1x!tpu.dma_semaphore, #tpu.memory_space<semaphore_mem>>
      %dma_start3A_367 = tpu.memref_squeeze %dma_start3A_366 : memref<1x!tpu.dma_semaphore, #tpu.memory_space<semaphore_mem>> -> memref<!tpu.dma_semaphore, #tpu.memory_space<semaphore_mem>>
      tpu.enqueue_indirect_dma source(%dma_start3A_365 : memref<10000x128xf32, #tpu.memory_space<hbm>>) target(%dma_start3A_359 : memref<80x128xf32, #tpu.memory_space<vmem>>) offsets(%dma_start3A_362 : memref<80xi32, #tpu.memory_space<vmem>>) semaphore(%dma_start3A_367 : memref<!tpu.dma_semaphore, #tpu.memory_space<semaphore_mem>>) {add = true}
      %add3A_368 = arith.constant 2 : i32
      %add3A_369 = arith.addi %mul3A_242, %add3A_368 : i32
      %mul3A_370 = arith.constant 10240 : i32
      %mul3A_371 = arith.muli %add3A, %mul3A_370 : i32
      %mul3A_372 = arith.constant 80 : i32
      %mul3A_373 = arith.muli %add3A_369, %mul3A_372 : i32
      %add3A_374 = arith.addi %mul3A_371, %mul3A_373 : i32
      %multiple_of3A_375 = tpu.assume_multiple %add3A_374, 8 : i32
      %dma_wait3A_376 = arith.constant 2 : i32
      %dma_wait3A_377 = arith.constant 2 : i32
      %dma_wait3A_378 = arith.constant 0 : i32
      %dma_wait3A_379 = arith.constant 0 : i32
      %dma_wait3A_380 = tpu.memref_slice %arg7[%dma_wait3A_376, %dma_wait3A_378, %dma_wait3A_379] : memref<4x80x128xf32, #tpu.memory_space<vmem>> -> memref<1x80x128xf32, #tpu.memory_space<vmem>>
      %dma_wait3A_381 = tpu.memref_squeeze %dma_wait3A_380 : memref<1x80x128xf32, #tpu.memory_space<vmem>> -> memref<80x128xf32, #tpu.memory_space<vmem>>
      %dma_wait3A_382 = arith.constant 0 : i32
      %dma_wait3A_383 = tpu.memref_slice %arg3[%multiple_of3A_375, %dma_wait3A_382] : memref<320000x128xf32, #tpu.memory_space<hbm>> -> memref<80x128xf32, #tpu.memory_space<hbm>>
      %dma_wait3A_384 = tpu.memref_slice %arg11[%dma_wait3A_377] : memref<4x!tpu.dma_semaphore, #tpu.memory_space<semaphore_mem>> -> memref<1x!tpu.dma_semaphore, #tpu.memory_space<semaphore_mem>>
      %dma_wait3A_385 = tpu.memref_squeeze %dma_wait3A_384 : memref<1x!tpu.dma_semaphore, #tpu.memory_space<semaphore_mem>> -> memref<!tpu.dma_semaphore, #tpu.memory_space<semaphore_mem>>
      %dma_wait3A_386 = arith.constant 0 : i32
      %dma_wait3A_387 = arith.constant 0 : i32
      %dma_wait3A_388 = tpu.memref_slice %arg7[%dma_wait3A_376, %dma_wait3A_386, %dma_wait3A_387] : memref<4x80x128xf32, #tpu.memory_space<vmem>> -> memref<1x80x128xf32, #tpu.memory_space<vmem>>
      %dma_wait3A_389 = tpu.memref_squeeze %dma_wait3A_388 : memref<1x80x128xf32, #tpu.memory_space<vmem>> -> memref<80x128xf32, #tpu.memory_space<vmem>>
      %dma_wait3A_390 = arith.constant 0 : i32
      %dma_wait3A_391 = tpu.memref_slice %arg3[%multiple_of3A_375, %dma_wait3A_390] : memref<320000x128xf32, #tpu.memory_space<hbm>> -> memref<80x128xf32, #tpu.memory_space<hbm>>
      tpu.wait_dma2 semaphore(%dma_wait3A_385 : memref<!tpu.dma_semaphore, #tpu.memory_space<semaphore_mem>>) src(%dma_wait3A_391 : memref<80x128xf32, #tpu.memory_space<hbm>>) dst(%dma_wait3A_389 : memref<80x128xf32, #tpu.memory_space<vmem>>)
      %dma_wait3A_392 = arith.constant 2 : i32
      %dma_wait3A_393 = arith.constant 2 : i32
      %dma_wait3A_394 = arith.constant 0 : i32
      %dma_wait3A_395 = tpu.memref_slice %arg8[%dma_wait3A_392, %dma_wait3A_394] : memref<4x80xi32, #tpu.memory_space<vmem>> -> memref<1x80xi32, #tpu.memory_space<vmem>>
      %dma_wait3A_396 = tpu.memref_squeeze %dma_wait3A_395 : memref<1x80xi32, #tpu.memory_space<vmem>> -> memref<80xi32, #tpu.memory_space<vmem>>
      %dma_wait3A_397 = tpu.memref_slice %arg4[%multiple_of3A_375] : memref<320000xi32, #tpu.memory_space<hbm>> -> memref<80xi32, #tpu.memory_space<hbm>>
      %dma_wait3A_398 = tpu.memref_slice %arg11[%dma_wait3A_393] : memref<4x!tpu.dma_semaphore, #tpu.memory_space<semaphore_mem>> -> memref<1x!tpu.dma_semaphore, #tpu.memory_space<semaphore_mem>>
      %dma_wait3A_399 = tpu.memref_squeeze %dma_wait3A_398 : memref<1x!tpu.dma_semaphore, #tpu.memory_space<semaphore_mem>> -> memref<!tpu.dma_semaphore, #tpu.memory_space<semaphore_mem>>
      %dma_wait3A_400 = arith.constant 0 : i32
      %dma_wait3A_401 = tpu.memref_slice %arg8[%dma_wait3A_392, %dma_wait3A_400] : memref<4x80xi32, #tpu.memory_space<vmem>> -> memref<1x80xi32, #tpu.memory_space<vmem>>
      %dma_wait3A_402 = tpu.memref_squeeze %dma_wait3A_401 : memref<1x80xi32, #tpu.memory_space<vmem>> -> memref<80xi32, #tpu.memory_space<vmem>>
      %dma_wait3A_403 = tpu.memref_slice %arg4[%multiple_of3A_375] : memref<320000xi32, #tpu.memory_space<hbm>> -> memref<80xi32, #tpu.memory_space<hbm>>
      tpu.wait_dma2 semaphore(%dma_wait3A_399 : memref<!tpu.dma_semaphore, #tpu.memory_space<semaphore_mem>>) src(%dma_wait3A_403 : memref<80xi32, #tpu.memory_space<hbm>>) dst(%dma_wait3A_402 : memref<80xi32, #tpu.memory_space<vmem>>)
      %dma_wait3A_404 = arith.constant 2 : i32
      %dma_wait3A_405 = arith.constant 2 : i32
      %dma_wait3A_406 = arith.constant 0 : i32
      %dma_wait3A_407 = tpu.memref_slice %arg9[%dma_wait3A_404, %dma_wait3A_406] : memref<4x80xi32, #tpu.memory_space<vmem>> -> memref<1x80xi32, #tpu.memory_space<vmem>>
      %dma_wait3A_408 = tpu.memref_squeeze %dma_wait3A_407 : memref<1x80xi32, #tpu.memory_space<vmem>> -> memref<80xi32, #tpu.memory_space<vmem>>
      %dma_wait3A_409 = tpu.memref_slice %arg5[%multiple_of3A_375] : memref<320000xi32, #tpu.memory_space<hbm>> -> memref<80xi32, #tpu.memory_space<hbm>>
      %dma_wait3A_410 = tpu.memref_slice %arg11[%dma_wait3A_405] : memref<4x!tpu.dma_semaphore, #tpu.memory_space<semaphore_mem>> -> memref<1x!tpu.dma_semaphore, #tpu.memory_space<semaphore_mem>>
      %dma_wait3A_411 = tpu.memref_squeeze %dma_wait3A_410 : memref<1x!tpu.dma_semaphore, #tpu.memory_space<semaphore_mem>> -> memref<!tpu.dma_semaphore, #tpu.memory_space<semaphore_mem>>
      %dma_wait3A_412 = arith.constant 0 : i32
      %dma_wait3A_413 = tpu.memref_slice %arg9[%dma_wait3A_404, %dma_wait3A_412] : memref<4x80xi32, #tpu.memory_space<vmem>> -> memref<1x80xi32, #tpu.memory_space<vmem>>
      %dma_wait3A_414 = tpu.memref_squeeze %dma_wait3A_413 : memref<1x80xi32, #tpu.memory_space<vmem>> -> memref<80xi32, #tpu.memory_space<vmem>>
      %dma_wait3A_415 = tpu.memref_slice %arg5[%multiple_of3A_375] : memref<320000xi32, #tpu.memory_space<hbm>> -> memref<80xi32, #tpu.memory_space<hbm>>
      tpu.wait_dma2 semaphore(%dma_wait3A_411 : memref<!tpu.dma_semaphore, #tpu.memory_space<semaphore_mem>>) src(%dma_wait3A_415 : memref<80xi32, #tpu.memory_space<hbm>>) dst(%dma_wait3A_414 : memref<80xi32, #tpu.memory_space<vmem>>)
      %dma_start3A_416 = arith.constant 2 : i32
      %dma_start3A_417 = arith.constant 2 : i32
      %dma_start3A_418 = arith.constant 2 : i32
      %dma_start3A_419 = arith.constant 0 : i32
      %dma_start3A_420 = arith.constant 0 : i32
      %dma_start3A_421 = tpu.memref_slice %arg7[%dma_start3A_417, %dma_start3A_419, %dma_start3A_420] : memref<4x80x128xf32, #tpu.memory_space<vmem>> -> memref<1x80x128xf32, #tpu.memory_space<vmem>>
      %dma_start3A_422 = tpu.memref_squeeze %dma_start3A_421 : memref<1x80x128xf32, #tpu.memory_space<vmem>> -> memref<80x128xf32, #tpu.memory_space<vmem>>
      %dma_start3A_423 = arith.constant 0 : i32
      %dma_start3A_424 = tpu.memref_slice %arg8[%dma_start3A_416, %dma_start3A_423] : memref<4x80xi32, #tpu.memory_space<vmem>> -> memref<1x80xi32, #tpu.memory_space<vmem>>
      %dma_start3A_425 = tpu.memref_squeeze %dma_start3A_424 : memref<1x80xi32, #tpu.memory_space<vmem>> -> memref<80xi32, #tpu.memory_space<vmem>>
      %dma_start3A_426 = arith.constant 0 : i32
      %dma_start3A_427 = arith.constant 0 : i32
      %dma_start3A_428 = tpu.memref_slice %arg2[%dma_start3A_426, %dma_start3A_427] : memref<10000x128xf32, #tpu.memory_space<hbm>> -> memref<10000x128xf32, #tpu.memory_space<hbm>>
      %dma_start3A_429 = tpu.memref_slice %arg12[%dma_start3A_418] : memref<4x!tpu.dma_semaphore, #tpu.memory_space<semaphore_mem>> -> memref<1x!tpu.dma_semaphore, #tpu.memory_space<semaphore_mem>>
      %dma_start3A_430 = tpu.memref_squeeze %dma_start3A_429 : memref<1x!tpu.dma_semaphore, #tpu.memory_space<semaphore_mem>> -> memref<!tpu.dma_semaphore, #tpu.memory_space<semaphore_mem>>
      tpu.enqueue_indirect_dma source(%dma_start3A_428 : memref<10000x128xf32, #tpu.memory_space<hbm>>) target(%dma_start3A_422 : memref<80x128xf32, #tpu.memory_space<vmem>>) offsets(%dma_start3A_425 : memref<80xi32, #tpu.memory_space<vmem>>) semaphore(%dma_start3A_430 : memref<!tpu.dma_semaphore, #tpu.memory_space<semaphore_mem>>) {add = true}
      %add3A_431 = arith.constant 3 : i32
      %add3A_432 = arith.addi %mul3A_242, %add3A_431 : i32
      %mul3A_433 = arith.constant 10240 : i32
      %mul3A_434 = arith.muli %add3A, %mul3A_433 : i32
      %mul3A_435 = arith.constant 80 : i32
      %mul3A_436 = arith.muli %add3A_432, %mul3A_435 : i32
      %add3A_437 = arith.addi %mul3A_434, %mul3A_436 : i32
      %multiple_of3A_438 = tpu.assume_multiple %add3A_437, 8 : i32
      %dma_wait3A_439 = arith.constant 3 : i32
      %dma_wait3A_440 = arith.constant 3 : i32
      %dma_wait3A_441 = arith.constant 0 : i32
      %dma_wait3A_442 = arith.constant 0 : i32
      %dma_wait3A_443 = tpu.memref_slice %arg7[%dma_wait3A_439, %dma_wait3A_441, %dma_wait3A_442] : memref<4x80x128xf32, #tpu.memory_space<vmem>> -> memref<1x80x128xf32, #tpu.memory_space<vmem>>
      %dma_wait3A_444 = tpu.memref_squeeze %dma_wait3A_443 : memref<1x80x128xf32, #tpu.memory_space<vmem>> -> memref<80x128xf32, #tpu.memory_space<vmem>>
      %dma_wait3A_445 = arith.constant 0 : i32
      %dma_wait3A_446 = tpu.memref_slice %arg3[%multiple_of3A_438, %dma_wait3A_445] : memref<320000x128xf32, #tpu.memory_space<hbm>> -> memref<80x128xf32, #tpu.memory_space<hbm>>
      %dma_wait3A_447 = tpu.memref_slice %arg11[%dma_wait3A_440] : memref<4x!tpu.dma_semaphore, #tpu.memory_space<semaphore_mem>> -> memref<1x!tpu.dma_semaphore, #tpu.memory_space<semaphore_mem>>
      %dma_wait3A_448 = tpu.memref_squeeze %dma_wait3A_447 : memref<1x!tpu.dma_semaphore, #tpu.memory_space<semaphore_mem>> -> memref<!tpu.dma_semaphore, #tpu.memory_space<semaphore_mem>>
      %dma_wait3A_449 = arith.constant 0 : i32
      %dma_wait3A_450 = arith.constant 0 : i32
      %dma_wait3A_451 = tpu.memref_slice %arg7[%dma_wait3A_439, %dma_wait3A_449, %dma_wait3A_450] : memref<4x80x128xf32, #tpu.memory_space<vmem>> -> memref<1x80x128xf32, #tpu.memory_space<vmem>>
      %dma_wait3A_452 = tpu.memref_squeeze %dma_wait3A_451 : memref<1x80x128xf32, #tpu.memory_space<vmem>> -> memref<80x128xf32, #tpu.memory_space<vmem>>
      %dma_wait3A_453 = arith.constant 0 : i32
      %dma_wait3A_454 = tpu.memref_slice %arg3[%multiple_of3A_438, %dma_wait3A_453] : memref<320000x128xf32, #tpu.memory_space<hbm>> -> memref<80x128xf32, #tpu.memory_space<hbm>>
      tpu.wait_dma2 semaphore(%dma_wait3A_448 : memref<!tpu.dma_semaphore, #tpu.memory_space<semaphore_mem>>) src(%dma_wait3A_454 : memref<80x128xf32, #tpu.memory_space<hbm>>) dst(%dma_wait3A_452 : memref<80x128xf32, #tpu.memory_space<vmem>>)
      %dma_wait3A_455 = arith.constant 3 : i32
      %dma_wait3A_456 = arith.constant 3 : i32
      %dma_wait3A_457 = arith.constant 0 : i32
      %dma_wait3A_458 = tpu.memref_slice %arg8[%dma_wait3A_455, %dma_wait3A_457] : memref<4x80xi32, #tpu.memory_space<vmem>> -> memref<1x80xi32, #tpu.memory_space<vmem>>
      %dma_wait3A_459 = tpu.memref_squeeze %dma_wait3A_458 : memref<1x80xi32, #tpu.memory_space<vmem>> -> memref<80xi32, #tpu.memory_space<vmem>>
      %dma_wait3A_460 = tpu.memref_slice %arg4[%multiple_of3A_438] : memref<320000xi32, #tpu.memory_space<hbm>> -> memref<80xi32, #tpu.memory_space<hbm>>
      %dma_wait3A_461 = tpu.memref_slice %arg11[%dma_wait3A_456] : memref<4x!tpu.dma_semaphore, #tpu.memory_space<semaphore_mem>> -> memref<1x!tpu.dma_semaphore, #tpu.memory_space<semaphore_mem>>
      %dma_wait3A_462 = tpu.memref_squeeze %dma_wait3A_461 : memref<1x!tpu.dma_semaphore, #tpu.memory_space<semaphore_mem>> -> memref<!tpu.dma_semaphore, #tpu.memory_space<semaphore_mem>>
      %dma_wait3A_463 = arith.constant 0 : i32
      %dma_wait3A_464 = tpu.memref_slice %arg8[%dma_wait3A_455, %dma_wait3A_463] : memref<4x80xi32, #tpu.memory_space<vmem>> -> memref<1x80xi32, #tpu.memory_space<vmem>>
      %dma_wait3A_465 = tpu.memref_squeeze %dma_wait3A_464 : memref<1x80xi32, #tpu.memory_space<vmem>> -> memref<80xi32, #tpu.memory_space<vmem>>
      %dma_wait3A_466 = tpu.memref_slice %arg4[%multiple_of3A_438] : memref<320000xi32, #tpu.memory_space<hbm>> -> memref<80xi32, #tpu.memory_space<hbm>>
      tpu.wait_dma2 semaphore(%dma_wait3A_462 : memref<!tpu.dma_semaphore, #tpu.memory_space<semaphore_mem>>) src(%dma_wait3A_466 : memref<80xi32, #tpu.memory_space<hbm>>) dst(%dma_wait3A_465 : memref<80xi32, #tpu.memory_space<vmem>>)
      %dma_wait3A_467 = arith.constant 3 : i32
      %dma_wait3A_468 = arith.constant 3 : i32
      %dma_wait3A_469 = arith.constant 0 : i32
      %dma_wait3A_470 = tpu.memref_slice %arg9[%dma_wait3A_467, %dma_wait3A_469] : memref<4x80xi32, #tpu.memory_space<vmem>> -> memref<1x80xi32, #tpu.memory_space<vmem>>
      %dma_wait3A_471 = tpu.memref_squeeze %dma_wait3A_470 : memref<1x80xi32, #tpu.memory_space<vmem>> -> memref<80xi32, #tpu.memory_space<vmem>>
      %dma_wait3A_472 = tpu.memref_slice %arg5[%multiple_of3A_438] : memref<320000xi32, #tpu.memory_space<hbm>> -> memref<80xi32, #tpu.memory_space<hbm>>
      %dma_wait3A_473 = tpu.memref_slice %arg11[%dma_wait3A_468] : memref<4x!tpu.dma_semaphore, #tpu.memory_space<semaphore_mem>> -> memref<1x!tpu.dma_semaphore, #tpu.memory_space<semaphore_mem>>
      %dma_wait3A_474 = tpu.memref_squeeze %dma_wait3A_473 : memref<1x!tpu.dma_semaphore, #tpu.memory_space<semaphore_mem>> -> memref<!tpu.dma_semaphore, #tpu.memory_space<semaphore_mem>>
      %dma_wait3A_475 = arith.constant 0 : i32
      %dma_wait3A_476 = tpu.memref_slice %arg9[%dma_wait3A_467, %dma_wait3A_475] : memref<4x80xi32, #tpu.memory_space<vmem>> -> memref<1x80xi32, #tpu.memory_space<vmem>>
      %dma_wait3A_477 = tpu.memref_squeeze %dma_wait3A_476 : memref<1x80xi32, #tpu.memory_space<vmem>> -> memref<80xi32, #tpu.memory_space<vmem>>
      %dma_wait3A_478 = tpu.memref_slice %arg5[%multiple_of3A_438] : memref<320000xi32, #tpu.memory_space<hbm>> -> memref<80xi32, #tpu.memory_space<hbm>>
      tpu.wait_dma2 semaphore(%dma_wait3A_474 : memref<!tpu.dma_semaphore, #tpu.memory_space<semaphore_mem>>) src(%dma_wait3A_478 : memref<80xi32, #tpu.memory_space<hbm>>) dst(%dma_wait3A_477 : memref<80xi32, #tpu.memory_space<vmem>>)
      %dma_start3A_479 = arith.constant 3 : i32
      %dma_start3A_480 = arith.constant 3 : i32
      %dma_start3A_481 = arith.constant 3 : i32
      %dma_start3A_482 = arith.constant 0 : i32
      %dma_start3A_483 = arith.constant 0 : i32
      %dma_start3A_484 = tpu.memref_slice %arg7[%dma_start3A_480, %dma_start3A_482, %dma_start3A_483] : memref<4x80x128xf32, #tpu.memory_space<vmem>> -> memref<1x80x128xf32, #tpu.memory_space<vmem>>
      %dma_start3A_485 = tpu.memref_squeeze %dma_start3A_484 : memref<1x80x128xf32, #tpu.memory_space<vmem>> -> memref<80x128xf32, #tpu.memory_space<vmem>>
      %dma_start3A_486 = arith.constant 0 : i32
      %dma_start3A_487 = tpu.memref_slice %arg8[%dma_start3A_479, %dma_start3A_486] : memref<4x80xi32, #tpu.memory_space<vmem>> -> memref<1x80xi32, #tpu.memory_space<vmem>>
      %dma_start3A_488 = tpu.memref_squeeze %dma_start3A_487 : memref<1x80xi32, #tpu.memory_space<vmem>> -> memref<80xi32, #tpu.memory_space<vmem>>
      %dma_start3A_489 = arith.constant 0 : i32
      %dma_start3A_490 = arith.constant 0 : i32
      %dma_start3A_491 = tpu.memref_slice %arg2[%dma_start3A_489, %dma_start3A_490] : memref<10000x128xf32, #tpu.memory_space<hbm>> -> memref<10000x128xf32, #tpu.memory_space<hbm>>
      %dma_start3A_492 = tpu.memref_slice %arg12[%dma_start3A_481] : memref<4x!tpu.dma_semaphore, #tpu.memory_space<semaphore_mem>> -> memref<1x!tpu.dma_semaphore, #tpu.memory_space<semaphore_mem>>
      %dma_start3A_493 = tpu.memref_squeeze %dma_start3A_492 : memref<1x!tpu.dma_semaphore, #tpu.memory_space<semaphore_mem>> -> memref<!tpu.dma_semaphore, #tpu.memory_space<semaphore_mem>>
      tpu.enqueue_indirect_dma source(%dma_start3A_491 : memref<10000x128xf32, #tpu.memory_space<hbm>>) target(%dma_start3A_485 : memref<80x128xf32, #tpu.memory_space<vmem>>) offsets(%dma_start3A_488 : memref<80xi32, #tpu.memory_space<vmem>>) semaphore(%dma_start3A_493 : memref<!tpu.dma_semaphore, #tpu.memory_space<semaphore_mem>>) {add = true}
      %dma_wait3A_494 = arith.constant 0 : i32
      %dma_wait3A_495 = arith.constant 0 : i32
      %dma_wait3A_496 = arith.constant 0 : i32
      %dma_wait3A_497 = arith.constant 0 : i32
      %dma_wait3A_498 = arith.constant 0 : i32
      %dma_wait3A_499 = tpu.memref_slice %arg7[%dma_wait3A_495, %dma_wait3A_497, %dma_wait3A_498] : memref<4x80x128xf32, #tpu.memory_space<vmem>> -> memref<1x80x128xf32, #tpu.memory_space<vmem>>
      %dma_wait3A_500 = tpu.memref_squeeze %dma_wait3A_499 : memref<1x80x128xf32, #tpu.memory_space<vmem>> -> memref<80x128xf32, #tpu.memory_space<vmem>>
      %dma_wait3A_501 = arith.constant 0 : i32
      %dma_wait3A_502 = tpu.memref_slice %arg8[%dma_wait3A_494, %dma_wait3A_501] : memref<4x80xi32, #tpu.memory_space<vmem>> -> memref<1x80xi32, #tpu.memory_space<vmem>>
      %dma_wait3A_503 = tpu.memref_squeeze %dma_wait3A_502 : memref<1x80xi32, #tpu.memory_space<vmem>> -> memref<80xi32, #tpu.memory_space<vmem>>
      %dma_wait3A_504 = arith.constant 0 : i32
      %dma_wait3A_505 = arith.constant 0 : i32
      %dma_wait3A_506 = tpu.memref_slice %arg2[%dma_wait3A_504, %dma_wait3A_505] : memref<10000x128xf32, #tpu.memory_space<hbm>> -> memref<10000x128xf32, #tpu.memory_space<hbm>>
      %dma_wait3A_507 = tpu.memref_slice %arg12[%dma_wait3A_496] : memref<4x!tpu.dma_semaphore, #tpu.memory_space<semaphore_mem>> -> memref<1x!tpu.dma_semaphore, #tpu.memory_space<semaphore_mem>>
      %dma_wait3A_508 = tpu.memref_squeeze %dma_wait3A_507 : memref<1x!tpu.dma_semaphore, #tpu.memory_space<semaphore_mem>> -> memref<!tpu.dma_semaphore, #tpu.memory_space<semaphore_mem>>
      tpu.wait_indirect_dma semaphore(%dma_wait3A_508 : memref<!tpu.dma_semaphore, #tpu.memory_space<semaphore_mem>>) src(%dma_wait3A_506 : memref<10000x128xf32, #tpu.memory_space<hbm>>) dst(%dma_wait3A_500 : memref<80x128xf32, #tpu.memory_space<vmem>>)
      %parallel_loop3A_509 = arith.constant 0 : i32
      %parallel_loop3A_510 = arith.constant 80 : i32
      %parallel_loop3A_511 = arith.constant 1 : i32
      scf.for %parallel_loop3A_707 = %parallel_loop3A_509 to %parallel_loop3A_510 step %parallel_loop3A_511  : i32 {
        %parallel_loop3A_708 = arith.constant 0 : i32
        %parallel_loop3A_709 = arith.index_cast %parallel_loop3A_708 : i32 to index
        %parallel_loop3A_710 = arith.index_cast %parallel_loop3A_707 : i32 to index
        %parallel_loop3A_711 = arith.constant 0 : index
        %parallel_loop3A_712 = tpu.vector_load %arg7[%parallel_loop3A_709, %parallel_loop3A_710, %parallel_loop3A_711] {strides = array<i32>} : memref<4x80x128xf32, #tpu.memory_space<vmem>>, vector<1x1x16xf32>,
        %parallel_loop3A_713 = vector.shape_cast %parallel_loop3A_712 : vector<1x1x16xf32> to vector<16xf32>
        %parallel_loop3A_714 = arith.constant 0.000000e+00 : f32
        %parallel_loop3A_715 = vector.broadcast %parallel_loop3A_714 : f32 to vector<16xf32>
        %parallel_loop3A_716 = arith.maximumf %parallel_loop3A_713, %parallel_loop3A_715 : vector<16xf32>
        %parallel_loop3A_717 = arith.constant 0 : i32
        %parallel_loop3A_718 = arith.index_cast %parallel_loop3A_717 : i32 to index
        %parallel_loop3A_719 = arith.index_cast %parallel_loop3A_707 : i32 to index
        %parallel_loop3A_720 = arith.constant 0 : index
        %parallel_loop3A_721 = tpu.vector_load %arg7[%parallel_loop3A_718, %parallel_loop3A_719, %parallel_loop3A_720] {strides = array<i32>} : memref<4x80x128xf32, #tpu.memory_space<vmem>>, vector<1x1x16xf32>,
        %parallel_loop3A_722 = vector.shape_cast %parallel_loop3A_721 : vector<1x1x16xf32> to vector<16xf32>
        %parallel_loop3A_723 = vector.shape_cast %parallel_loop3A_716 : vector<16xf32> to vector<1x1x16xf32>
        tpu.vector_store %arg7[%parallel_loop3A_718, %parallel_loop3A_719, %parallel_loop3A_720], %parallel_loop3A_723 {strides = array<i32>} : memref<4x80x128xf32, #tpu.memory_space<vmem>>, vector<1x1x16xf32>,
        %parallel_loop3A_724 = arith.constant 0 : i32
        %parallel_loop3A_725 = arith.index_cast %parallel_loop3A_724 : i32 to index
        %parallel_loop3A_726 = arith.index_cast %parallel_loop3A_707 : i32 to index
        %parallel_loop3A_727 = arith.constant 16 : index
        %parallel_loop3A_728 = tpu.vector_load %arg7[%parallel_loop3A_725, %parallel_loop3A_726, %parallel_loop3A_727] {strides = array<i32>} : memref<4x80x128xf32, #tpu.memory_space<vmem>>, vector<1x1x16xf32>,
        %parallel_loop3A_729 = vector.shape_cast %parallel_loop3A_728 : vector<1x1x16xf32> to vector<16xf32>
        %parallel_loop3A_730 = arith.constant 0.000000e+00 : f32
        %parallel_loop3A_731 = vector.broadcast %parallel_loop3A_730 : f32 to vector<16xf32>
        %parallel_loop3A_732 = arith.maximumf %parallel_loop3A_729, %parallel_loop3A_731 : vector<16xf32>
        %parallel_loop3A_733 = arith.constant 0 : i32
        %parallel_loop3A_734 = arith.index_cast %parallel_loop3A_733 : i32 to index
        %parallel_loop3A_735 = arith.index_cast %parallel_loop3A_707 : i32 to index
        %parallel_loop3A_736 = arith.constant 16 : index
        %parallel_loop3A_737 = tpu.vector_load %arg7[%parallel_loop3A_734, %parallel_loop3A_735, %parallel_loop3A_736] {strides = array<i32>} : memref<4x80x128xf32, #tpu.memory_space<vmem>>, vector<1x1x16xf32>,
        %parallel_loop3A_738 = vector.shape_cast %parallel_loop3A_737 : vector<1x1x16xf32> to vector<16xf32>
        %parallel_loop3A_739 = vector.shape_cast %parallel_loop3A_732 : vector<16xf32> to vector<1x1x16xf32>
        tpu.vector_store %arg7[%parallel_loop3A_734, %parallel_loop3A_735, %parallel_loop3A_736], %parallel_loop3A_739 {strides = array<i32>} : memref<4x80x128xf32, #tpu.memory_space<vmem>>, vector<1x1x16xf32>,
        %parallel_loop3A_740 = arith.constant 0 : i32
        %parallel_loop3A_741 = arith.index_cast %parallel_loop3A_740 : i32 to index
        %parallel_loop3A_742 = arith.index_cast %parallel_loop3A_707 : i32 to index
        %parallel_loop3A_743 = arith.constant 32 : index
        %parallel_loop3A_744 = tpu.vector_load %arg7[%parallel_loop3A_741, %parallel_loop3A_742, %parallel_loop3A_743] {strides = array<i32>} : memref<4x80x128xf32, #tpu.memory_space<vmem>>, vector<1x1x16xf32>,
        %parallel_loop3A_745 = vector.shape_cast %parallel_loop3A_744 : vector<1x1x16xf32> to vector<16xf32>
        %parallel_loop3A_746 = arith.constant 0.000000e+00 : f32
        %parallel_loop3A_747 = vector.broadcast %parallel_loop3A_746 : f32 to vector<16xf32>
        %parallel_loop3A_748 = arith.maximumf %parallel_loop3A_745, %parallel_loop3A_747 : vector<16xf32>
        %parallel_loop3A_749 = arith.constant 0 : i32
        %parallel_loop3A_750 = arith.index_cast %parallel_loop3A_749 : i32 to index
        %parallel_loop3A_751 = arith.index_cast %parallel_loop3A_707 : i32 to index
        %parallel_loop3A_752 = arith.constant 32 : index
        %parallel_loop3A_753 = tpu.vector_load %arg7[%parallel_loop3A_750, %parallel_loop3A_751, %parallel_loop3A_752] {strides = array<i32>} : memref<4x80x128xf32, #tpu.memory_space<vmem>>, vector<1x1x16xf32>,
        %parallel_loop3A_754 = vector.shape_cast %parallel_loop3A_753 : vector<1x1x16xf32> to vector<16xf32>
        %parallel_loop3A_755 = vector.shape_cast %parallel_loop3A_748 : vector<16xf32> to vector<1x1x16xf32>
        tpu.vector_store %arg7[%parallel_loop3A_750, %parallel_loop3A_751, %parallel_loop3A_752], %parallel_loop3A_755 {strides = array<i32>} : memref<4x80x128xf32, #tpu.memory_space<vmem>>, vector<1x1x16xf32>,
        %parallel_loop3A_756 = arith.constant 0 : i32
        %parallel_loop3A_757 = arith.index_cast %parallel_loop3A_756 : i32 to index
        %parallel_loop3A_758 = arith.index_cast %parallel_loop3A_707 : i32 to index
        %parallel_loop3A_759 = arith.constant 48 : index
        %parallel_loop3A_760 = tpu.vector_load %arg7[%parallel_loop3A_757, %parallel_loop3A_758, %parallel_loop3A_759] {strides = array<i32>} : memref<4x80x128xf32, #tpu.memory_space<vmem>>, vector<1x1x16xf32>,
        %parallel_loop3A_761 = vector.shape_cast %parallel_loop3A_760 : vector<1x1x16xf32> to vector<16xf32>
        %parallel_loop3A_762 = arith.constant 0.000000e+00 : f32
        %parallel_loop3A_763 = vector.broadcast %parallel_loop3A_762 : f32 to vector<16xf32>
        %parallel_loop3A_764 = arith.maximumf %parallel_loop3A_761, %parallel_loop3A_763 : vector<16xf32>
        %parallel_loop3A_765 = arith.constant 0 : i32
        %parallel_loop3A_766 = arith.index_cast %parallel_loop3A_765 : i32 to index
        %parallel_loop3A_767 = arith.index_cast %parallel_loop3A_707 : i32 to index
        %parallel_loop3A_768 = arith.constant 48 : index
        %parallel_loop3A_769 = tpu.vector_load %arg7[%parallel_loop3A_766, %parallel_loop3A_767, %parallel_loop3A_768] {strides = array<i32>} : memref<4x80x128xf32, #tpu.memory_space<vmem>>, vector<1x1x16xf32>,
        %parallel_loop3A_770 = vector.shape_cast %parallel_loop3A_769 : vector<1x1x16xf32> to vector<16xf32>
        %parallel_loop3A_771 = vector.shape_cast %parallel_loop3A_764 : vector<16xf32> to vector<1x1x16xf32>
        tpu.vector_store %arg7[%parallel_loop3A_766, %parallel_loop3A_767, %parallel_loop3A_768], %parallel_loop3A_771 {strides = array<i32>} : memref<4x80x128xf32, #tpu.memory_space<vmem>>, vector<1x1x16xf32>,
        %parallel_loop3A_772 = arith.constant 0 : i32
        %parallel_loop3A_773 = arith.index_cast %parallel_loop3A_772 : i32 to index
        %parallel_loop3A_774 = arith.index_cast %parallel_loop3A_707 : i32 to index
        %parallel_loop3A_775 = arith.constant 64 : index
        %parallel_loop3A_776 = tpu.vector_load %arg7[%parallel_loop3A_773, %parallel_loop3A_774, %parallel_loop3A_775] {strides = array<i32>} : memref<4x80x128xf32, #tpu.memory_space<vmem>>, vector<1x1x16xf32>,
        %parallel_loop3A_777 = vector.shape_cast %parallel_loop3A_776 : vector<1x1x16xf32> to vector<16xf32>
        %parallel_loop3A_778 = arith.constant 0.000000e+00 : f32
        %parallel_loop3A_779 = vector.broadcast %parallel_loop3A_778 : f32 to vector<16xf32>
        %parallel_loop3A_780 = arith.maximumf %parallel_loop3A_777, %parallel_loop3A_779 : vector<16xf32>
        %parallel_loop3A_781 = arith.constant 0 : i32
        %parallel_loop3A_782 = arith.index_cast %parallel_loop3A_781 : i32 to index
        %parallel_loop3A_783 = arith.index_cast %parallel_loop3A_707 : i32 to index
        %parallel_loop3A_784 = arith.constant 64 : index
        %parallel_loop3A_785 = tpu.vector_load %arg7[%parallel_loop3A_782, %parallel_loop3A_783, %parallel_loop3A_784] {strides = array<i32>} : memref<4x80x128xf32, #tpu.memory_space<vmem>>, vector<1x1x16xf32>,
        %parallel_loop3A_786 = vector.shape_cast %parallel_loop3A_785 : vector<1x1x16xf32> to vector<16xf32>
        %parallel_loop3A_787 = vector.shape_cast %parallel_loop3A_780 : vector<16xf32> to vector<1x1x16xf32>
        tpu.vector_store %arg7[%parallel_loop3A_782, %parallel_loop3A_783, %parallel_loop3A_784], %parallel_loop3A_787 {strides = array<i32>} : memref<4x80x128xf32, #tpu.memory_space<vmem>>, vector<1x1x16xf32>,
        %parallel_loop3A_788 = arith.constant 0 : i32
        %parallel_loop3A_789 = arith.index_cast %parallel_loop3A_788 : i32 to index
        %parallel_loop3A_790 = arith.index_cast %parallel_loop3A_707 : i32 to index
        %parallel_loop3A_791 = arith.constant 80 : index
        %parallel_loop3A_792 = tpu.vector_load %arg7[%parallel_loop3A_789, %parallel_loop3A_790, %parallel_loop3A_791] {strides = array<i32>} : memref<4x80x128xf32, #tpu.memory_space<vmem>>, vector<1x1x16xf32>,
        %parallel_loop3A_793 = vector.shape_cast %parallel_loop3A_792 : vector<1x1x16xf32> to vector<16xf32>
        %parallel_loop3A_794 = arith.constant 0.000000e+00 : f32
        %parallel_loop3A_795 = vector.broadcast %parallel_loop3A_794 : f32 to vector<16xf32>
        %parallel_loop3A_796 = arith.maximumf %parallel_loop3A_793, %parallel_loop3A_795 : vector<16xf32>
        %parallel_loop3A_797 = arith.constant 0 : i32
        %parallel_loop3A_798 = arith.index_cast %parallel_loop3A_797 : i32 to index
        %parallel_loop3A_799 = arith.index_cast %parallel_loop3A_707 : i32 to index
        %parallel_loop3A_800 = arith.constant 80 : index
        %parallel_loop3A_801 = tpu.vector_load %arg7[%parallel_loop3A_798, %parallel_loop3A_799, %parallel_loop3A_800] {strides = array<i32>} : memref<4x80x128xf32, #tpu.memory_space<vmem>>, vector<1x1x16xf32>,
        %parallel_loop3A_802 = vector.shape_cast %parallel_loop3A_801 : vector<1x1x16xf32> to vector<16xf32>
        %parallel_loop3A_803 = vector.shape_cast %parallel_loop3A_796 : vector<16xf32> to vector<1x1x16xf32>
        tpu.vector_store %arg7[%parallel_loop3A_798, %parallel_loop3A_799, %parallel_loop3A_800], %parallel_loop3A_803 {strides = array<i32>} : memref<4x80x128xf32, #tpu.memory_space<vmem>>, vector<1x1x16xf32>,
        %parallel_loop3A_804 = arith.constant 0 : i32
        %parallel_loop3A_805 = arith.index_cast %parallel_loop3A_804 : i32 to index
        %parallel_loop3A_806 = arith.index_cast %parallel_loop3A_707 : i32 to index
        %parallel_loop3A_807 = arith.constant 96 : index
        %parallel_loop3A_808 = tpu.vector_load %arg7[%parallel_loop3A_805, %parallel_loop3A_806, %parallel_loop3A_807] {strides = array<i32>} : memref<4x80x128xf32, #tpu.memory_space<vmem>>, vector<1x1x16xf32>,
        %parallel_loop3A_809 = vector.shape_cast %parallel_loop3A_808 : vector<1x1x16xf32> to vector<16xf32>
        %parallel_loop3A_810 = arith.constant 0.000000e+00 : f32
        %parallel_loop3A_811 = vector.broadcast %parallel_loop3A_810 : f32 to vector<16xf32>
        %parallel_loop3A_812 = arith.maximumf %parallel_loop3A_809, %parallel_loop3A_811 : vector<16xf32>
        %parallel_loop3A_813 = arith.constant 0 : i32
        %parallel_loop3A_814 = arith.index_cast %parallel_loop3A_813 : i32 to index
        %parallel_loop3A_815 = arith.index_cast %parallel_loop3A_707 : i32 to index
        %parallel_loop3A_816 = arith.constant 96 : index
        %parallel_loop3A_817 = tpu.vector_load %arg7[%parallel_loop3A_814, %parallel_loop3A_815, %parallel_loop3A_816] {strides = array<i32>} : memref<4x80x128xf32, #tpu.memory_space<vmem>>, vector<1x1x16xf32>,
        %parallel_loop3A_818 = vector.shape_cast %parallel_loop3A_817 : vector<1x1x16xf32> to vector<16xf32>
        %parallel_loop3A_819 = vector.shape_cast %parallel_loop3A_812 : vector<16xf32> to vector<1x1x16xf32>
        tpu.vector_store %arg7[%parallel_loop3A_814, %parallel_loop3A_815, %parallel_loop3A_816], %parallel_loop3A_819 {strides = array<i32>} : memref<4x80x128xf32, #tpu.memory_space<vmem>>, vector<1x1x16xf32>,
        %parallel_loop3A_820 = arith.constant 0 : i32
        %parallel_loop3A_821 = arith.index_cast %parallel_loop3A_820 : i32 to index
        %parallel_loop3A_822 = arith.index_cast %parallel_loop3A_707 : i32 to index
        %parallel_loop3A_823 = arith.constant 112 : index
        %parallel_loop3A_824 = tpu.vector_load %arg7[%parallel_loop3A_821, %parallel_loop3A_822, %parallel_loop3A_823] {strides = array<i32>} : memref<4x80x128xf32, #tpu.memory_space<vmem>>, vector<1x1x16xf32>,
        %parallel_loop3A_825 = vector.shape_cast %parallel_loop3A_824 : vector<1x1x16xf32> to vector<16xf32>
        %parallel_loop3A_826 = arith.constant 0.000000e+00 : f32
        %parallel_loop3A_827 = vector.broadcast %parallel_loop3A_826 : f32 to vector<16xf32>
        %parallel_loop3A_828 = arith.maximumf %parallel_loop3A_825, %parallel_loop3A_827 : vector<16xf32>
        %parallel_loop3A_829 = arith.constant 0 : i32
        %parallel_loop3A_830 = arith.index_cast %parallel_loop3A_829 : i32 to index
        %parallel_loop3A_831 = arith.index_cast %parallel_loop3A_707 : i32 to index
        %parallel_loop3A_832 = arith.constant 112 : index
        %parallel_loop3A_833 = tpu.vector_load %arg7[%parallel_loop3A_830, %parallel_loop3A_831, %parallel_loop3A_832] {strides = array<i32>} : memref<4x80x128xf32, #tpu.memory_space<vmem>>, vector<1x1x16xf32>,
        %parallel_loop3A_834 = vector.shape_cast %parallel_loop3A_833 : vector<1x1x16xf32> to vector<16xf32>
        %parallel_loop3A_835 = vector.shape_cast %parallel_loop3A_828 : vector<16xf32> to vector<1x1x16xf32>
        tpu.vector_store %arg7[%parallel_loop3A_830, %parallel_loop3A_831, %parallel_loop3A_832], %parallel_loop3A_835 {strides = array<i32>} : memref<4x80x128xf32, #tpu.memory_space<vmem>>, vector<1x1x16xf32>,
      } {sc.loop_unroll_factor = 4 : i64, sc.parallel_access}
      %dma_start3A_512 = arith.constant 0 : i32
      %dma_start3A_513 = arith.constant 0 : i32
      %dma_start3A_514 = arith.constant 0 : i32
      %dma_start3A_515 = arith.constant 0 : i32
      %dma_start3A_516 = arith.constant 0 : i32
      %dma_start3A_517 = tpu.memref_slice %arg7[%dma_start3A_512, %dma_start3A_515, %dma_start3A_516] : memref<4x80x128xf32, #tpu.memory_space<vmem>> -> memref<1x80x128xf32, #tpu.memory_space<vmem>>
      %dma_start3A_518 = tpu.memref_squeeze %dma_start3A_517 : memref<1x80x128xf32, #tpu.memory_space<vmem>> -> memref<80x128xf32, #tpu.memory_space<vmem>>
      %dma_start3A_519 = arith.constant 0 : i32
      %dma_start3A_520 = tpu.memref_slice %arg9[%dma_start3A_513, %dma_start3A_519] : memref<4x80xi32, #tpu.memory_space<vmem>> -> memref<1x80xi32, #tpu.memory_space<vmem>>
      %dma_start3A_521 = tpu.memref_squeeze %dma_start3A_520 : memref<1x80xi32, #tpu.memory_space<vmem>> -> memref<80xi32, #tpu.memory_space<vmem>>
      %dma_start3A_522 = arith.constant 0 : i32
      %dma_start3A_523 = arith.constant 0 : i32
      %dma_start3A_524 = tpu.memref_slice %arg10[%dma_start3A_522, %dma_start3A_523] : memref<10240x128xf32, #tpu.memory_space<vmem_shared>> -> memref<10240x128xf32, #tpu.memory_space<vmem_shared>>
      %dma_start3A_525 = tpu.memref_slice %arg13[%dma_start3A_514] : memref<4x!tpu.dma_semaphore, #tpu.memory_space<semaphore_mem>> -> memref<1x!tpu.dma_semaphore, #tpu.memory_space<semaphore_mem>>
      %dma_start3A_526 = tpu.memref_squeeze %dma_start3A_525 : memref<1x!tpu.dma_semaphore, #tpu.memory_space<semaphore_mem>> -> memref<!tpu.dma_semaphore, #tpu.memory_space<semaphore_mem>>
      tpu.enqueue_indirect_dma source(%dma_start3A_518 : memref<80x128xf32, #tpu.memory_space<vmem>>) target(%dma_start3A_524 : memref<10240x128xf32, #tpu.memory_space<vmem_shared>>) offsets(%dma_start3A_521 : memref<80xi32, #tpu.memory_space<vmem>>) semaphore(%dma_start3A_526 : memref<!tpu.dma_semaphore, #tpu.memory_space<semaphore_mem>>) {add = true}
      %dma_wait3A_527 = arith.constant 1 : i32
      %dma_wait3A_528 = arith.constant 1 : i32
      %dma_wait3A_529 = arith.constant 1 : i32
      %dma_wait3A_530 = arith.constant 0 : i32
      %dma_wait3A_531 = arith.constant 0 : i32
      %dma_wait3A_532 = tpu.memref_slice %arg7[%dma_wait3A_528, %dma_wait3A_530, %dma_wait3A_531] : memref<4x80x128xf32, #tpu.memory_space<vmem>> -> memref<1x80x128xf32, #tpu.memory_space<vmem>>
      %dma_wait3A_533 = tpu.memref_squeeze %dma_wait3A_532 : memref<1x80x128xf32, #tpu.memory_space<vmem>> -> memref<80x128xf32, #tpu.memory_space<vmem>>
      %dma_wait3A_534 = arith.constant 0 : i32
      %dma_wait3A_535 = tpu.memref_slice %arg8[%dma_wait3A_527, %dma_wait3A_534] : memref<4x80xi32, #tpu.memory_space<vmem>> -> memref<1x80xi32, #tpu.memory_space<vmem>>
      %dma_wait3A_536 = tpu.memref_squeeze %dma_wait3A_535 : memref<1x80xi32, #tpu.memory_space<vmem>> -> memref<80xi32, #tpu.memory_space<vmem>>
      %dma_wait3A_537 = arith.constant 0 : i32
      %dma_wait3A_538 = arith.constant 0 : i32
      %dma_wait3A_539 = tpu.memref_slice %arg2[%dma_wait3A_537, %dma_wait3A_538] : memref<10000x128xf32, #tpu.memory_space<hbm>> -> memref<10000x128xf32, #tpu.memory_space<hbm>>
      %dma_wait3A_540 = tpu.memref_slice %arg12[%dma_wait3A_529] : memref<4x!tpu.dma_semaphore, #tpu.memory_space<semaphore_mem>> -> memref<1x!tpu.dma_semaphore, #tpu.memory_space<semaphore_mem>>
      %dma_wait3A_541 = tpu.memref_squeeze %dma_wait3A_540 : memref<1x!tpu.dma_semaphore, #tpu.memory_space<semaphore_mem>> -> memref<!tpu.dma_semaphore, #tpu.memory_space<semaphore_mem>>
      tpu.wait_indirect_dma semaphore(%dma_wait3A_541 : memref<!tpu.dma_semaphore, #tpu.memory_space<semaphore_mem>>) src(%dma_wait3A_539 : memref<10000x128xf32, #tpu.memory_space<hbm>>) dst(%dma_wait3A_533 : memref<80x128xf32, #tpu.memory_space<vmem>>)
      %parallel_loop3A_542 = arith.constant 0 : i32
      %parallel_loop3A_543 = arith.constant 80 : i32
      %parallel_loop3A_544 = arith.constant 1 : i32
      scf.for %parallel_loop3A_707 = %parallel_loop3A_542 to %parallel_loop3A_543 step %parallel_loop3A_544  : i32 {
        %parallel_loop3A_708 = arith.constant 1 : i32
        %parallel_loop3A_709 = arith.index_cast %parallel_loop3A_708 : i32 to index
        %parallel_loop3A_710 = arith.index_cast %parallel_loop3A_707 : i32 to index
        %parallel_loop3A_711 = arith.constant 0 : index
        %parallel_loop3A_712 = tpu.vector_load %arg7[%parallel_loop3A_709, %parallel_loop3A_710, %parallel_loop3A_711] {strides = array<i32>} : memref<4x80x128xf32, #tpu.memory_space<vmem>>, vector<1x1x16xf32>,
        %parallel_loop3A_713 = vector.shape_cast %parallel_loop3A_712 : vector<1x1x16xf32> to vector<16xf32>
        %parallel_loop3A_714 = arith.constant 0.000000e+00 : f32
        %parallel_loop3A_715 = vector.broadcast %parallel_loop3A_714 : f32 to vector<16xf32>
        %parallel_loop3A_716 = arith.maximumf %parallel_loop3A_713, %parallel_loop3A_715 : vector<16xf32>
        %parallel_loop3A_717 = arith.constant 1 : i32
        %parallel_loop3A_718 = arith.index_cast %parallel_loop3A_717 : i32 to index
        %parallel_loop3A_719 = arith.index_cast %parallel_loop3A_707 : i32 to index
        %parallel_loop3A_720 = arith.constant 0 : index
        %parallel_loop3A_721 = tpu.vector_load %arg7[%parallel_loop3A_718, %parallel_loop3A_719, %parallel_loop3A_720] {strides = array<i32>} : memref<4x80x128xf32, #tpu.memory_space<vmem>>, vector<1x1x16xf32>,
        %parallel_loop3A_722 = vector.shape_cast %parallel_loop3A_721 : vector<1x1x16xf32> to vector<16xf32>
        %parallel_loop3A_723 = vector.shape_cast %parallel_loop3A_716 : vector<16xf32> to vector<1x1x16xf32>
        tpu.vector_store %arg7[%parallel_loop3A_718, %parallel_loop3A_719, %parallel_loop3A_720], %parallel_loop3A_723 {strides = array<i32>} : memref<4x80x128xf32, #tpu.memory_space<vmem>>, vector<1x1x16xf32>,
        %parallel_loop3A_724 = arith.constant 1 : i32
        %parallel_loop3A_725 = arith.index_cast %parallel_loop3A_724 : i32 to index
        %parallel_loop3A_726 = arith.index_cast %parallel_loop3A_707 : i32 to index
        %parallel_loop3A_727 = arith.constant 16 : index
        %parallel_loop3A_728 = tpu.vector_load %arg7[%parallel_loop3A_725, %parallel_loop3A_726, %parallel_loop3A_727] {strides = array<i32>} : memref<4x80x128xf32, #tpu.memory_space<vmem>>, vector<1x1x16xf32>,
        %parallel_loop3A_729 = vector.shape_cast %parallel_loop3A_728 : vector<1x1x16xf32> to vector<16xf32>
        %parallel_loop3A_730 = arith.constant 0.000000e+00 : f32
        %parallel_loop3A_731 = vector.broadcast %parallel_loop3A_730 : f32 to vector<16xf32>
        %parallel_loop3A_732 = arith.maximumf %parallel_loop3A_729, %parallel_loop3A_731 : vector<16xf32>
        %parallel_loop3A_733 = arith.constant 1 : i32
        %parallel_loop3A_734 = arith.index_cast %parallel_loop3A_733 : i32 to index
        %parallel_loop3A_735 = arith.index_cast %parallel_loop3A_707 : i32 to index
        %parallel_loop3A_736 = arith.constant 16 : index
        %parallel_loop3A_737 = tpu.vector_load %arg7[%parallel_loop3A_734, %parallel_loop3A_735, %parallel_loop3A_736] {strides = array<i32>} : memref<4x80x128xf32, #tpu.memory_space<vmem>>, vector<1x1x16xf32>,
        %parallel_loop3A_738 = vector.shape_cast %parallel_loop3A_737 : vector<1x1x16xf32> to vector<16xf32>
        %parallel_loop3A_739 = vector.shape_cast %parallel_loop3A_732 : vector<16xf32> to vector<1x1x16xf32>
        tpu.vector_store %arg7[%parallel_loop3A_734, %parallel_loop3A_735, %parallel_loop3A_736], %parallel_loop3A_739 {strides = array<i32>} : memref<4x80x128xf32, #tpu.memory_space<vmem>>, vector<1x1x16xf32>,
        %parallel_loop3A_740 = arith.constant 1 : i32
        %parallel_loop3A_741 = arith.index_cast %parallel_loop3A_740 : i32 to index
        %parallel_loop3A_742 = arith.index_cast %parallel_loop3A_707 : i32 to index
        %parallel_loop3A_743 = arith.constant 32 : index
        %parallel_loop3A_744 = tpu.vector_load %arg7[%parallel_loop3A_741, %parallel_loop3A_742, %parallel_loop3A_743] {strides = array<i32>} : memref<4x80x128xf32, #tpu.memory_space<vmem>>, vector<1x1x16xf32>,
        %parallel_loop3A_745 = vector.shape_cast %parallel_loop3A_744 : vector<1x1x16xf32> to vector<16xf32>
        %parallel_loop3A_746 = arith.constant 0.000000e+00 : f32
        %parallel_loop3A_747 = vector.broadcast %parallel_loop3A_746 : f32 to vector<16xf32>
        %parallel_loop3A_748 = arith.maximumf %parallel_loop3A_745, %parallel_loop3A_747 : vector<16xf32>
        %parallel_loop3A_749 = arith.constant 1 : i32
        %parallel_loop3A_750 = arith.index_cast %parallel_loop3A_749 : i32 to index
        %parallel_loop3A_751 = arith.index_cast %parallel_loop3A_707 : i32 to index
        %parallel_loop3A_752 = arith.constant 32 : index
        %parallel_loop3A_753 = tpu.vector_load %arg7[%parallel_loop3A_750, %parallel_loop3A_751, %parallel_loop3A_752] {strides = array<i32>} : memref<4x80x128xf32, #tpu.memory_space<vmem>>, vector<1x1x16xf32>,
        %parallel_loop3A_754 = vector.shape_cast %parallel_loop3A_753 : vector<1x1x16xf32> to vector<16xf32>
        %parallel_loop3A_755 = vector.shape_cast %parallel_loop3A_748 : vector<16xf32> to vector<1x1x16xf32>
        tpu.vector_store %arg7[%parallel_loop3A_750, %parallel_loop3A_751, %parallel_loop3A_752], %parallel_loop3A_755 {strides = array<i32>} : memref<4x80x128xf32, #tpu.memory_space<vmem>>, vector<1x1x16xf32>,
        %parallel_loop3A_756 = arith.constant 1 : i32
        %parallel_loop3A_757 = arith.index_cast %parallel_loop3A_756 : i32 to index
        %parallel_loop3A_758 = arith.index_cast %parallel_loop3A_707 : i32 to index
        %parallel_loop3A_759 = arith.constant 48 : index
        %parallel_loop3A_760 = tpu.vector_load %arg7[%parallel_loop3A_757, %parallel_loop3A_758, %parallel_loop3A_759] {strides = array<i32>} : memref<4x80x128xf32, #tpu.memory_space<vmem>>, vector<1x1x16xf32>,
        %parallel_loop3A_761 = vector.shape_cast %parallel_loop3A_760 : vector<1x1x16xf32> to vector<16xf32>
        %parallel_loop3A_762 = arith.constant 0.000000e+00 : f32
        %parallel_loop3A_763 = vector.broadcast %parallel_loop3A_762 : f32 to vector<16xf32>
        %parallel_loop3A_764 = arith.maximumf %parallel_loop3A_761, %parallel_loop3A_763 : vector<16xf32>
        %parallel_loop3A_765 = arith.constant 1 : i32
        %parallel_loop3A_766 = arith.index_cast %parallel_loop3A_765 : i32 to index
        %parallel_loop3A_767 = arith.index_cast %parallel_loop3A_707 : i32 to index
        %parallel_loop3A_768 = arith.constant 48 : index
        %parallel_loop3A_769 = tpu.vector_load %arg7[%parallel_loop3A_766, %parallel_loop3A_767, %parallel_loop3A_768] {strides = array<i32>} : memref<4x80x128xf32, #tpu.memory_space<vmem>>, vector<1x1x16xf32>,
        %parallel_loop3A_770 = vector.shape_cast %parallel_loop3A_769 : vector<1x1x16xf32> to vector<16xf32>
        %parallel_loop3A_771 = vector.shape_cast %parallel_loop3A_764 : vector<16xf32> to vector<1x1x16xf32>
        tpu.vector_store %arg7[%parallel_loop3A_766, %parallel_loop3A_767, %parallel_loop3A_768], %parallel_loop3A_771 {strides = array<i32>} : memref<4x80x128xf32, #tpu.memory_space<vmem>>, vector<1x1x16xf32>,
        %parallel_loop3A_772 = arith.constant 1 : i32
        %parallel_loop3A_773 = arith.index_cast %parallel_loop3A_772 : i32 to index
        %parallel_loop3A_774 = arith.index_cast %parallel_loop3A_707 : i32 to index
        %parallel_loop3A_775 = arith.constant 64 : index
        %parallel_loop3A_776 = tpu.vector_load %arg7[%parallel_loop3A_773, %parallel_loop3A_774, %parallel_loop3A_775] {strides = array<i32>} : memref<4x80x128xf32, #tpu.memory_space<vmem>>, vector<1x1x16xf32>,
        %parallel_loop3A_777 = vector.shape_cast %parallel_loop3A_776 : vector<1x1x16xf32> to vector<16xf32>
        %parallel_loop3A_778 = arith.constant 0.000000e+00 : f32
        %parallel_loop3A_779 = vector.broadcast %parallel_loop3A_778 : f32 to vector<16xf32>
        %parallel_loop3A_780 = arith.maximumf %parallel_loop3A_777, %parallel_loop3A_779 : vector<16xf32>
        %parallel_loop3A_781 = arith.constant 1 : i32
        %parallel_loop3A_782 = arith.index_cast %parallel_loop3A_781 : i32 to index
        %parallel_loop3A_783 = arith.index_cast %parallel_loop3A_707 : i32 to index
        %parallel_loop3A_784 = arith.constant 64 : index
        %parallel_loop3A_785 = tpu.vector_load %arg7[%parallel_loop3A_782, %parallel_loop3A_783, %parallel_loop3A_784] {strides = array<i32>} : memref<4x80x128xf32, #tpu.memory_space<vmem>>, vector<1x1x16xf32>,
        %parallel_loop3A_786 = vector.shape_cast %parallel_loop3A_785 : vector<1x1x16xf32> to vector<16xf32>
        %parallel_loop3A_787 = vector.shape_cast %parallel_loop3A_780 : vector<16xf32> to vector<1x1x16xf32>
        tpu.vector_store %arg7[%parallel_loop3A_782, %parallel_loop3A_783, %parallel_loop3A_784], %parallel_loop3A_787 {strides = array<i32>} : memref<4x80x128xf32, #tpu.memory_space<vmem>>, vector<1x1x16xf32>,
        %parallel_loop3A_788 = arith.constant 1 : i32
        %parallel_loop3A_789 = arith.index_cast %parallel_loop3A_788 : i32 to index
        %parallel_loop3A_790 = arith.index_cast %parallel_loop3A_707 : i32 to index
        %parallel_loop3A_791 = arith.constant 80 : index
        %parallel_loop3A_792 = tpu.vector_load %arg7[%parallel_loop3A_789, %parallel_loop3A_790, %parallel_loop3A_791] {strides = array<i32>} : memref<4x80x128xf32, #tpu.memory_space<vmem>>, vector<1x1x16xf32>,
        %parallel_loop3A_793 = vector.shape_cast %parallel_loop3A_792 : vector<1x1x16xf32> to vector<16xf32>
        %parallel_loop3A_794 = arith.constant 0.000000e+00 : f32
        %parallel_loop3A_795 = vector.broadcast %parallel_loop3A_794 : f32 to vector<16xf32>
        %parallel_loop3A_796 = arith.maximumf %parallel_loop3A_793, %parallel_loop3A_795 : vector<16xf32>
        %parallel_loop3A_797 = arith.constant 1 : i32
        %parallel_loop3A_798 = arith.index_cast %parallel_loop3A_797 : i32 to index
        %parallel_loop3A_799 = arith.index_cast %parallel_loop3A_707 : i32 to index
        %parallel_loop3A_800 = arith.constant 80 : index
        %parallel_loop3A_801 = tpu.vector_load %arg7[%parallel_loop3A_798, %parallel_loop3A_799, %parallel_loop3A_800] {strides = array<i32>} : memref<4x80x128xf32, #tpu.memory_space<vmem>>, vector<1x1x16xf32>,
        %parallel_loop3A_802 = vector.shape_cast %parallel_loop3A_801 : vector<1x1x16xf32> to vector<16xf32>
        %parallel_loop3A_803 = vector.shape_cast %parallel_loop3A_796 : vector<16xf32> to vector<1x1x16xf32>
        tpu.vector_store %arg7[%parallel_loop3A_798, %parallel_loop3A_799, %parallel_loop3A_800], %parallel_loop3A_803 {strides = array<i32>} : memref<4x80x128xf32, #tpu.memory_space<vmem>>, vector<1x1x16xf32>,
        %parallel_loop3A_804 = arith.constant 1 : i32
        %parallel_loop3A_805 = arith.index_cast %parallel_loop3A_804 : i32 to index
        %parallel_loop3A_806 = arith.index_cast %parallel_loop3A_707 : i32 to index
        %parallel_loop3A_807 = arith.constant 96 : index
        %parallel_loop3A_808 = tpu.vector_load %arg7[%parallel_loop3A_805, %parallel_loop3A_806, %parallel_loop3A_807] {strides = array<i32>} : memref<4x80x128xf32, #tpu.memory_space<vmem>>, vector<1x1x16xf32>,
        %parallel_loop3A_809 = vector.shape_cast %parallel_loop3A_808 : vector<1x1x16xf32> to vector<16xf32>
        %parallel_loop3A_810 = arith.constant 0.000000e+00 : f32
        %parallel_loop3A_811 = vector.broadcast %parallel_loop3A_810 : f32 to vector<16xf32>
        %parallel_loop3A_812 = arith.maximumf %parallel_loop3A_809, %parallel_loop3A_811 : vector<16xf32>
        %parallel_loop3A_813 = arith.constant 1 : i32
        %parallel_loop3A_814 = arith.index_cast %parallel_loop3A_813 : i32 to index
        %parallel_loop3A_815 = arith.index_cast %parallel_loop3A_707 : i32 to index
        %parallel_loop3A_816 = arith.constant 96 : index
        %parallel_loop3A_817 = tpu.vector_load %arg7[%parallel_loop3A_814, %parallel_loop3A_815, %parallel_loop3A_816] {strides = array<i32>} : memref<4x80x128xf32, #tpu.memory_space<vmem>>, vector<1x1x16xf32>,
        %parallel_loop3A_818 = vector.shape_cast %parallel_loop3A_817 : vector<1x1x16xf32> to vector<16xf32>
        %parallel_loop3A_819 = vector.shape_cast %parallel_loop3A_812 : vector<16xf32> to vector<1x1x16xf32>
        tpu.vector_store %arg7[%parallel_loop3A_814, %parallel_loop3A_815, %parallel_loop3A_816], %parallel_loop3A_819 {strides = array<i32>} : memref<4x80x128xf32, #tpu.memory_space<vmem>>, vector<1x1x16xf32>,
        %parallel_loop3A_820 = arith.constant 1 : i32
        %parallel_loop3A_821 = arith.index_cast %parallel_loop3A_820 : i32 to index
        %parallel_loop3A_822 = arith.index_cast %parallel_loop3A_707 : i32 to index
        %parallel_loop3A_823 = arith.constant 112 : index
        %parallel_loop3A_824 = tpu.vector_load %arg7[%parallel_loop3A_821, %parallel_loop3A_822, %parallel_loop3A_823] {strides = array<i32>} : memref<4x80x128xf32, #tpu.memory_space<vmem>>, vector<1x1x16xf32>,
        %parallel_loop3A_825 = vector.shape_cast %parallel_loop3A_824 : vector<1x1x16xf32> to vector<16xf32>
        %parallel_loop3A_826 = arith.constant 0.000000e+00 : f32
        %parallel_loop3A_827 = vector.broadcast %parallel_loop3A_826 : f32 to vector<16xf32>
        %parallel_loop3A_828 = arith.maximumf %parallel_loop3A_825, %parallel_loop3A_827 : vector<16xf32>
        %parallel_loop3A_829 = arith.constant 1 : i32
        %parallel_loop3A_830 = arith.index_cast %parallel_loop3A_829 : i32 to index
        %parallel_loop3A_831 = arith.index_cast %parallel_loop3A_707 : i32 to index
        %parallel_loop3A_832 = arith.constant 112 : index
        %parallel_loop3A_833 = tpu.vector_load %arg7[%parallel_loop3A_830, %parallel_loop3A_831, %parallel_loop3A_832] {strides = array<i32>} : memref<4x80x128xf32, #tpu.memory_space<vmem>>, vector<1x1x16xf32>,
        %parallel_loop3A_834 = vector.shape_cast %parallel_loop3A_833 : vector<1x1x16xf32> to vector<16xf32>
        %parallel_loop3A_835 = vector.shape_cast %parallel_loop3A_828 : vector<16xf32> to vector<1x1x16xf32>
        tpu.vector_store %arg7[%parallel_loop3A_830, %parallel_loop3A_831, %parallel_loop3A_832], %parallel_loop3A_835 {strides = array<i32>} : memref<4x80x128xf32, #tpu.memory_space<vmem>>, vector<1x1x16xf32>,
      } {sc.loop_unroll_factor = 4 : i64, sc.parallel_access}
      %dma_start3A_545 = arith.constant 1 : i32
      %dma_start3A_546 = arith.constant 1 : i32
      %dma_start3A_547 = arith.constant 1 : i32
      %dma_start3A_548 = arith.constant 0 : i32
      %dma_start3A_549 = arith.constant 0 : i32
      %dma_start3A_550 = tpu.memref_slice %arg7[%dma_start3A_545, %dma_start3A_548, %dma_start3A_549] : memref<4x80x128xf32, #tpu.memory_space<vmem>> -> memref<1x80x128xf32, #tpu.memory_space<vmem>>
      %dma_start3A_551 = tpu.memref_squeeze %dma_start3A_550 : memref<1x80x128xf32, #tpu.memory_space<vmem>> -> memref<80x128xf32, #tpu.memory_space<vmem>>
      %dma_start3A_552 = arith.constant 0 : i32
      %dma_start3A_553 = tpu.memref_slice %arg9[%dma_start3A_546, %dma_start3A_552] : memref<4x80xi32, #tpu.memory_space<vmem>> -> memref<1x80xi32, #tpu.memory_space<vmem>>
      %dma_start3A_554 = tpu.memref_squeeze %dma_start3A_553 : memref<1x80xi32, #tpu.memory_space<vmem>> -> memref<80xi32, #tpu.memory_space<vmem>>
      %dma_start3A_555 = arith.constant 0 : i32
      %dma_start3A_556 = arith.constant 0 : i32
      %dma_start3A_557 = tpu.memref_slice %arg10[%dma_start3A_555, %dma_start3A_556] : memref<10240x128xf32, #tpu.memory_space<vmem_shared>> -> memref<10240x128xf32, #tpu.memory_space<vmem_shared>>
      %dma_start3A_558 = tpu.memref_slice %arg13[%dma_start3A_547] : memref<4x!tpu.dma_semaphore, #tpu.memory_space<semaphore_mem>> -> memref<1x!tpu.dma_semaphore, #tpu.memory_space<semaphore_mem>>
      %dma_start3A_559 = tpu.memref_squeeze %dma_start3A_558 : memref<1x!tpu.dma_semaphore, #tpu.memory_space<semaphore_mem>> -> memref<!tpu.dma_semaphore, #tpu.memory_space<semaphore_mem>>
      tpu.enqueue_indirect_dma source(%dma_start3A_551 : memref<80x128xf32, #tpu.memory_space<vmem>>) target(%dma_start3A_557 : memref<10240x128xf32, #tpu.memory_space<vmem_shared>>) offsets(%dma_start3A_554 : memref<80xi32, #tpu.memory_space<vmem>>) semaphore(%dma_start3A_559 : memref<!tpu.dma_semaphore, #tpu.memory_space<semaphore_mem>>) {add = true}
      %dma_wait3A_560 = arith.constant 2 : i32
      %dma_wait3A_561 = arith.constant 2 : i32
      %dma_wait3A_562 = arith.constant 2 : i32
      %dma_wait3A_563 = arith.constant 0 : i32
      %dma_wait3A_564 = arith.constant 0 : i32
      %dma_wait3A_565 = tpu.memref_slice %arg7[%dma_wait3A_561, %dma_wait3A_563, %dma_wait3A_564] : memref<4x80x128xf32, #tpu.memory_space<vmem>> -> memref<1x80x128xf32, #tpu.memory_space<vmem>>
      %dma_wait3A_566 = tpu.memref_squeeze %dma_wait3A_565 : memref<1x80x128xf32, #tpu.memory_space<vmem>> -> memref<80x128xf32, #tpu.memory_space<vmem>>
      %dma_wait3A_567 = arith.constant 0 : i32
      %dma_wait3A_568 = tpu.memref_slice %arg8[%dma_wait3A_560, %dma_wait3A_567] : memref<4x80xi32, #tpu.memory_space<vmem>> -> memref<1x80xi32, #tpu.memory_space<vmem>>
      %dma_wait3A_569 = tpu.memref_squeeze %dma_wait3A_568 : memref<1x80xi32, #tpu.memory_space<vmem>> -> memref<80xi32, #tpu.memory_space<vmem>>
      %dma_wait3A_570 = arith.constant 0 : i32
      %dma_wait3A_571 = arith.constant 0 : i32
      %dma_wait3A_572 = tpu.memref_slice %arg2[%dma_wait3A_570, %dma_wait3A_571] : memref<10000x128xf32, #tpu.memory_space<hbm>> -> memref<10000x128xf32, #tpu.memory_space<hbm>>
      %dma_wait3A_573 = tpu.memref_slice %arg12[%dma_wait3A_562] : memref<4x!tpu.dma_semaphore, #tpu.memory_space<semaphore_mem>> -> memref<1x!tpu.dma_semaphore, #tpu.memory_space<semaphore_mem>>
      %dma_wait3A_574 = tpu.memref_squeeze %dma_wait3A_573 : memref<1x!tpu.dma_semaphore, #tpu.memory_space<semaphore_mem>> -> memref<!tpu.dma_semaphore, #tpu.memory_space<semaphore_mem>>
      tpu.wait_indirect_dma semaphore(%dma_wait3A_574 : memref<!tpu.dma_semaphore, #tpu.memory_space<semaphore_mem>>) src(%dma_wait3A_572 : memref<10000x128xf32, #tpu.memory_space<hbm>>) dst(%dma_wait3A_566 : memref<80x128xf32, #tpu.memory_space<vmem>>)
      %parallel_loop3A_575 = arith.constant 0 : i32
      %parallel_loop3A_576 = arith.constant 80 : i32
      %parallel_loop3A_577 = arith.constant 1 : i32
      scf.for %parallel_loop3A_707 = %parallel_loop3A_575 to %parallel_loop3A_576 step %parallel_loop3A_577  : i32 {
        %parallel_loop3A_708 = arith.constant 2 : i32
        %parallel_loop3A_709 = arith.index_cast %parallel_loop3A_708 : i32 to index
        %parallel_loop3A_710 = arith.index_cast %parallel_loop3A_707 : i32 to index
        %parallel_loop3A_711 = arith.constant 0 : index
        %parallel_loop3A_712 = tpu.vector_load %arg7[%parallel_loop3A_709, %parallel_loop3A_710, %parallel_loop3A_711] {strides = array<i32>} : memref<4x80x128xf32, #tpu.memory_space<vmem>>, vector<1x1x16xf32>,
        %parallel_loop3A_713 = vector.shape_cast %parallel_loop3A_712 : vector<1x1x16xf32> to vector<16xf32>
        %parallel_loop3A_714 = arith.constant 0.000000e+00 : f32
        %parallel_loop3A_715 = vector.broadcast %parallel_loop3A_714 : f32 to vector<16xf32>
        %parallel_loop3A_716 = arith.maximumf %parallel_loop3A_713, %parallel_loop3A_715 : vector<16xf32>
        %parallel_loop3A_717 = arith.constant 2 : i32
        %parallel_loop3A_718 = arith.index_cast %parallel_loop3A_717 : i32 to index
        %parallel_loop3A_719 = arith.index_cast %parallel_loop3A_707 : i32 to index
        %parallel_loop3A_720 = arith.constant 0 : index
        %parallel_loop3A_721 = tpu.vector_load %arg7[%parallel_loop3A_718, %parallel_loop3A_719, %parallel_loop3A_720] {strides = array<i32>} : memref<4x80x128xf32, #tpu.memory_space<vmem>>, vector<1x1x16xf32>,
        %parallel_loop3A_722 = vector.shape_cast %parallel_loop3A_721 : vector<1x1x16xf32> to vector<16xf32>
        %parallel_loop3A_723 = vector.shape_cast %parallel_loop3A_716 : vector<16xf32> to vector<1x1x16xf32>
        tpu.vector_store %arg7[%parallel_loop3A_718, %parallel_loop3A_719, %parallel_loop3A_720], %parallel_loop3A_723 {strides = array<i32>} : memref<4x80x128xf32, #tpu.memory_space<vmem>>, vector<1x1x16xf32>,
        %parallel_loop3A_724 = arith.constant 2 : i32
        %parallel_loop3A_725 = arith.index_cast %parallel_loop3A_724 : i32 to index
        %parallel_loop3A_726 = arith.index_cast %parallel_loop3A_707 : i32 to index
        %parallel_loop3A_727 = arith.constant 16 : index
        %parallel_loop3A_728 = tpu.vector_load %arg7[%parallel_loop3A_725, %parallel_loop3A_726, %parallel_loop3A_727] {strides = array<i32>} : memref<4x80x128xf32, #tpu.memory_space<vmem>>, vector<1x1x16xf32>,
        %parallel_loop3A_729 = vector.shape_cast %parallel_loop3A_728 : vector<1x1x16xf32> to vector<16xf32>
        %parallel_loop3A_730 = arith.constant 0.000000e+00 : f32
        %parallel_loop3A_731 = vector.broadcast %parallel_loop3A_730 : f32 to vector<16xf32>
        %parallel_loop3A_732 = arith.maximumf %parallel_loop3A_729, %parallel_loop3A_731 : vector<16xf32>
        %parallel_loop3A_733 = arith.constant 2 : i32
        %parallel_loop3A_734 = arith.index_cast %parallel_loop3A_733 : i32 to index
        %parallel_loop3A_735 = arith.index_cast %parallel_loop3A_707 : i32 to index
        %parallel_loop3A_736 = arith.constant 16 : index
        %parallel_loop3A_737 = tpu.vector_load %arg7[%parallel_loop3A_734, %parallel_loop3A_735, %parallel_loop3A_736] {strides = array<i32>} : memref<4x80x128xf32, #tpu.memory_space<vmem>>, vector<1x1x16xf32>,
        %parallel_loop3A_738 = vector.shape_cast %parallel_loop3A_737 : vector<1x1x16xf32> to vector<16xf32>
        %parallel_loop3A_739 = vector.shape_cast %parallel_loop3A_732 : vector<16xf32> to vector<1x1x16xf32>
        tpu.vector_store %arg7[%parallel_loop3A_734, %parallel_loop3A_735, %parallel_loop3A_736], %parallel_loop3A_739 {strides = array<i32>} : memref<4x80x128xf32, #tpu.memory_space<vmem>>, vector<1x1x16xf32>,
        %parallel_loop3A_740 = arith.constant 2 : i32
        %parallel_loop3A_741 = arith.index_cast %parallel_loop3A_740 : i32 to index
        %parallel_loop3A_742 = arith.index_cast %parallel_loop3A_707 : i32 to index
        %parallel_loop3A_743 = arith.constant 32 : index
        %parallel_loop3A_744 = tpu.vector_load %arg7[%parallel_loop3A_741, %parallel_loop3A_742, %parallel_loop3A_743] {strides = array<i32>} : memref<4x80x128xf32, #tpu.memory_space<vmem>>, vector<1x1x16xf32>,
        %parallel_loop3A_745 = vector.shape_cast %parallel_loop3A_744 : vector<1x1x16xf32> to vector<16xf32>
        %parallel_loop3A_746 = arith.constant 0.000000e+00 : f32
        %parallel_loop3A_747 = vector.broadcast %parallel_loop3A_746 : f32 to vector<16xf32>
        %parallel_loop3A_748 = arith.maximumf %parallel_loop3A_745, %parallel_loop3A_747 : vector<16xf32>
        %parallel_loop3A_749 = arith.constant 2 : i32
        %parallel_loop3A_750 = arith.index_cast %parallel_loop3A_749 : i32 to index
        %parallel_loop3A_751 = arith.index_cast %parallel_loop3A_707 : i32 to index
        %parallel_loop3A_752 = arith.constant 32 : index
        %parallel_loop3A_753 = tpu.vector_load %arg7[%parallel_loop3A_750, %parallel_loop3A_751, %parallel_loop3A_752] {strides = array<i32>} : memref<4x80x128xf32, #tpu.memory_space<vmem>>, vector<1x1x16xf32>,
        %parallel_loop3A_754 = vector.shape_cast %parallel_loop3A_753 : vector<1x1x16xf32> to vector<16xf32>
        %parallel_loop3A_755 = vector.shape_cast %parallel_loop3A_748 : vector<16xf32> to vector<1x1x16xf32>
        tpu.vector_store %arg7[%parallel_loop3A_750, %parallel_loop3A_751, %parallel_loop3A_752], %parallel_loop3A_755 {strides = array<i32>} : memref<4x80x128xf32, #tpu.memory_space<vmem>>, vector<1x1x16xf32>,
        %parallel_loop3A_756 = arith.constant 2 : i32
        %parallel_loop3A_757 = arith.index_cast %parallel_loop3A_756 : i32 to index
        %parallel_loop3A_758 = arith.index_cast %parallel_loop3A_707 : i32 to index
        %parallel_loop3A_759 = arith.constant 48 : index
        %parallel_loop3A_760 = tpu.vector_load %arg7[%parallel_loop3A_757, %parallel_loop3A_758, %parallel_loop3A_759] {strides = array<i32>} : memref<4x80x128xf32, #tpu.memory_space<vmem>>, vector<1x1x16xf32>,
        %parallel_loop3A_761 = vector.shape_cast %parallel_loop3A_760 : vector<1x1x16xf32> to vector<16xf32>
        %parallel_loop3A_762 = arith.constant 0.000000e+00 : f32
        %parallel_loop3A_763 = vector.broadcast %parallel_loop3A_762 : f32 to vector<16xf32>
        %parallel_loop3A_764 = arith.maximumf %parallel_loop3A_761, %parallel_loop3A_763 : vector<16xf32>
        %parallel_loop3A_765 = arith.constant 2 : i32
        %parallel_loop3A_766 = arith.index_cast %parallel_loop3A_765 : i32 to index
        %parallel_loop3A_767 = arith.index_cast %parallel_loop3A_707 : i32 to index
        %parallel_loop3A_768 = arith.constant 48 : index
        %parallel_loop3A_769 = tpu.vector_load %arg7[%parallel_loop3A_766, %parallel_loop3A_767, %parallel_loop3A_768] {strides = array<i32>} : memref<4x80x128xf32, #tpu.memory_space<vmem>>, vector<1x1x16xf32>,
        %parallel_loop3A_770 = vector.shape_cast %parallel_loop3A_769 : vector<1x1x16xf32> to vector<16xf32>
        %parallel_loop3A_771 = vector.shape_cast %parallel_loop3A_764 : vector<16xf32> to vector<1x1x16xf32>
        tpu.vector_store %arg7[%parallel_loop3A_766, %parallel_loop3A_767, %parallel_loop3A_768], %parallel_loop3A_771 {strides = array<i32>} : memref<4x80x128xf32, #tpu.memory_space<vmem>>, vector<1x1x16xf32>,
        %parallel_loop3A_772 = arith.constant 2 : i32
        %parallel_loop3A_773 = arith.index_cast %parallel_loop3A_772 : i32 to index
        %parallel_loop3A_774 = arith.index_cast %parallel_loop3A_707 : i32 to index
        %parallel_loop3A_775 = arith.constant 64 : index
        %parallel_loop3A_776 = tpu.vector_load %arg7[%parallel_loop3A_773, %parallel_loop3A_774, %parallel_loop3A_775] {strides = array<i32>} : memref<4x80x128xf32, #tpu.memory_space<vmem>>, vector<1x1x16xf32>,
        %parallel_loop3A_777 = vector.shape_cast %parallel_loop3A_776 : vector<1x1x16xf32> to vector<16xf32>
        %parallel_loop3A_778 = arith.constant 0.000000e+00 : f32
        %parallel_loop3A_779 = vector.broadcast %parallel_loop3A_778 : f32 to vector<16xf32>
        %parallel_loop3A_780 = arith.maximumf %parallel_loop3A_777, %parallel_loop3A_779 : vector<16xf32>
        %parallel_loop3A_781 = arith.constant 2 : i32
        %parallel_loop3A_782 = arith.index_cast %parallel_loop3A_781 : i32 to index
        %parallel_loop3A_783 = arith.index_cast %parallel_loop3A_707 : i32 to index
        %parallel_loop3A_784 = arith.constant 64 : index
        %parallel_loop3A_785 = tpu.vector_load %arg7[%parallel_loop3A_782, %parallel_loop3A_783, %parallel_loop3A_784] {strides = array<i32>} : memref<4x80x128xf32, #tpu.memory_space<vmem>>, vector<1x1x16xf32>,
        %parallel_loop3A_786 = vector.shape_cast %parallel_loop3A_785 : vector<1x1x16xf32> to vector<16xf32>
        %parallel_loop3A_787 = vector.shape_cast %parallel_loop3A_780 : vector<16xf32> to vector<1x1x16xf32>
        tpu.vector_store %arg7[%parallel_loop3A_782, %parallel_loop3A_783, %parallel_loop3A_784], %parallel_loop3A_787 {strides = array<i32>} : memref<4x80x128xf32, #tpu.memory_space<vmem>>, vector<1x1x16xf32>,
        %parallel_loop3A_788 = arith.constant 2 : i32
        %parallel_loop3A_789 = arith.index_cast %parallel_loop3A_788 : i32 to index
        %parallel_loop3A_790 = arith.index_cast %parallel_loop3A_707 : i32 to index
        %parallel_loop3A_791 = arith.constant 80 : index
        %parallel_loop3A_792 = tpu.vector_load %arg7[%parallel_loop3A_789, %parallel_loop3A_790, %parallel_loop3A_791] {strides = array<i32>} : memref<4x80x128xf32, #tpu.memory_space<vmem>>, vector<1x1x16xf32>,
        %parallel_loop3A_793 = vector.shape_cast %parallel_loop3A_792 : vector<1x1x16xf32> to vector<16xf32>
        %parallel_loop3A_794 = arith.constant 0.000000e+00 : f32
        %parallel_loop3A_795 = vector.broadcast %parallel_loop3A_794 : f32 to vector<16xf32>
        %parallel_loop3A_796 = arith.maximumf %parallel_loop3A_793, %parallel_loop3A_795 : vector<16xf32>
        %parallel_loop3A_797 = arith.constant 2 : i32
        %parallel_loop3A_798 = arith.index_cast %parallel_loop3A_797 : i32 to index
        %parallel_loop3A_799 = arith.index_cast %parallel_loop3A_707 : i32 to index
        %parallel_loop3A_800 = arith.constant 80 : index
        %parallel_loop3A_801 = tpu.vector_load %arg7[%parallel_loop3A_798, %parallel_loop3A_799, %parallel_loop3A_800] {strides = array<i32>} : memref<4x80x128xf32, #tpu.memory_space<vmem>>, vector<1x1x16xf32>,
        %parallel_loop3A_802 = vector.shape_cast %parallel_loop3A_801 : vector<1x1x16xf32> to vector<16xf32>
        %parallel_loop3A_803 = vector.shape_cast %parallel_loop3A_796 : vector<16xf32> to vector<1x1x16xf32>
        tpu.vector_store %arg7[%parallel_loop3A_798, %parallel_loop3A_799, %parallel_loop3A_800], %parallel_loop3A_803 {strides = array<i32>} : memref<4x80x128xf32, #tpu.memory_space<vmem>>, vector<1x1x16xf32>,
        %parallel_loop3A_804 = arith.constant 2 : i32
        %parallel_loop3A_805 = arith.index_cast %parallel_loop3A_804 : i32 to index
        %parallel_loop3A_806 = arith.index_cast %parallel_loop3A_707 : i32 to index
        %parallel_loop3A_807 = arith.constant 96 : index
        %parallel_loop3A_808 = tpu.vector_load %arg7[%parallel_loop3A_805, %parallel_loop3A_806, %parallel_loop3A_807] {strides = array<i32>} : memref<4x80x128xf32, #tpu.memory_space<vmem>>, vector<1x1x16xf32>,
        %parallel_loop3A_809 = vector.shape_cast %parallel_loop3A_808 : vector<1x1x16xf32> to vector<16xf32>
        %parallel_loop3A_810 = arith.constant 0.000000e+00 : f32
        %parallel_loop3A_811 = vector.broadcast %parallel_loop3A_810 : f32 to vector<16xf32>
        %parallel_loop3A_812 = arith.maximumf %parallel_loop3A_809, %parallel_loop3A_811 : vector<16xf32>
        %parallel_loop3A_813 = arith.constant 2 : i32
        %parallel_loop3A_814 = arith.index_cast %parallel_loop3A_813 : i32 to index
        %parallel_loop3A_815 = arith.index_cast %parallel_loop3A_707 : i32 to index
        %parallel_loop3A_816 = arith.constant 96 : index
        %parallel_loop3A_817 = tpu.vector_load %arg7[%parallel_loop3A_814, %parallel_loop3A_815, %parallel_loop3A_816] {strides = array<i32>} : memref<4x80x128xf32, #tpu.memory_space<vmem>>, vector<1x1x16xf32>,
        %parallel_loop3A_818 = vector.shape_cast %parallel_loop3A_817 : vector<1x1x16xf32> to vector<16xf32>
        %parallel_loop3A_819 = vector.shape_cast %parallel_loop3A_812 : vector<16xf32> to vector<1x1x16xf32>
        tpu.vector_store %arg7[%parallel_loop3A_814, %parallel_loop3A_815, %parallel_loop3A_816], %parallel_loop3A_819 {strides = array<i32>} : memref<4x80x128xf32, #tpu.memory_space<vmem>>, vector<1x1x16xf32>,
        %parallel_loop3A_820 = arith.constant 2 : i32
        %parallel_loop3A_821 = arith.index_cast %parallel_loop3A_820 : i32 to index
        %parallel_loop3A_822 = arith.index_cast %parallel_loop3A_707 : i32 to index
        %parallel_loop3A_823 = arith.constant 112 : index
        %parallel_loop3A_824 = tpu.vector_load %arg7[%parallel_loop3A_821, %parallel_loop3A_822, %parallel_loop3A_823] {strides = array<i32>} : memref<4x80x128xf32, #tpu.memory_space<vmem>>, vector<1x1x16xf32>,
        %parallel_loop3A_825 = vector.shape_cast %parallel_loop3A_824 : vector<1x1x16xf32> to vector<16xf32>
        %parallel_loop3A_826 = arith.constant 0.000000e+00 : f32
        %parallel_loop3A_827 = vector.broadcast %parallel_loop3A_826 : f32 to vector<16xf32>
        %parallel_loop3A_828 = arith.maximumf %parallel_loop3A_825, %parallel_loop3A_827 : vector<16xf32>
        %parallel_loop3A_829 = arith.constant 2 : i32
        %parallel_loop3A_830 = arith.index_cast %parallel_loop3A_829 : i32 to index
        %parallel_loop3A_831 = arith.index_cast %parallel_loop3A_707 : i32 to index
        %parallel_loop3A_832 = arith.constant 112 : index
        %parallel_loop3A_833 = tpu.vector_load %arg7[%parallel_loop3A_830, %parallel_loop3A_831, %parallel_loop3A_832] {strides = array<i32>} : memref<4x80x128xf32, #tpu.memory_space<vmem>>, vector<1x1x16xf32>,
        %parallel_loop3A_834 = vector.shape_cast %parallel_loop3A_833 : vector<1x1x16xf32> to vector<16xf32>
        %parallel_loop3A_835 = vector.shape_cast %parallel_loop3A_828 : vector<16xf32> to vector<1x1x16xf32>
        tpu.vector_store %arg7[%parallel_loop3A_830, %parallel_loop3A_831, %parallel_loop3A_832], %parallel_loop3A_835 {strides = array<i32>} : memref<4x80x128xf32, #tpu.memory_space<vmem>>, vector<1x1x16xf32>,
      } {sc.loop_unroll_factor = 4 : i64, sc.parallel_access}
      %dma_start3A_578 = arith.constant 2 : i32
      %dma_start3A_579 = arith.constant 2 : i32
      %dma_start3A_580 = arith.constant 2 : i32
      %dma_start3A_581 = arith.constant 0 : i32
      %dma_start3A_582 = arith.constant 0 : i32
      %dma_start3A_583 = tpu.memref_slice %arg7[%dma_start3A_578, %dma_start3A_581, %dma_start3A_582] : memref<4x80x128xf32, #tpu.memory_space<vmem>> -> memref<1x80x128xf32, #tpu.memory_space<vmem>>
      %dma_start3A_584 = tpu.memref_squeeze %dma_start3A_583 : memref<1x80x128xf32, #tpu.memory_space<vmem>> -> memref<80x128xf32, #tpu.memory_space<vmem>>
      %dma_start3A_585 = arith.constant 0 : i32
      %dma_start3A_586 = tpu.memref_slice %arg9[%dma_start3A_579, %dma_start3A_585] : memref<4x80xi32, #tpu.memory_space<vmem>> -> memref<1x80xi32, #tpu.memory_space<vmem>>
      %dma_start3A_587 = tpu.memref_squeeze %dma_start3A_586 : memref<1x80xi32, #tpu.memory_space<vmem>> -> memref<80xi32, #tpu.memory_space<vmem>>
      %dma_start3A_588 = arith.constant 0 : i32
      %dma_start3A_589 = arith.constant 0 : i32
      %dma_start3A_590 = tpu.memref_slice %arg10[%dma_start3A_588, %dma_start3A_589] : memref<10240x128xf32, #tpu.memory_space<vmem_shared>> -> memref<10240x128xf32, #tpu.memory_space<vmem_shared>>
      %dma_start3A_591 = tpu.memref_slice %arg13[%dma_start3A_580] : memref<4x!tpu.dma_semaphore, #tpu.memory_space<semaphore_mem>> -> memref<1x!tpu.dma_semaphore, #tpu.memory_space<semaphore_mem>>
      %dma_start3A_592 = tpu.memref_squeeze %dma_start3A_591 : memref<1x!tpu.dma_semaphore, #tpu.memory_space<semaphore_mem>> -> memref<!tpu.dma_semaphore, #tpu.memory_space<semaphore_mem>>
      tpu.enqueue_indirect_dma source(%dma_start3A_584 : memref<80x128xf32, #tpu.memory_space<vmem>>) target(%dma_start3A_590 : memref<10240x128xf32, #tpu.memory_space<vmem_shared>>) offsets(%dma_start3A_587 : memref<80xi32, #tpu.memory_space<vmem>>) semaphore(%dma_start3A_592 : memref<!tpu.dma_semaphore, #tpu.memory_space<semaphore_mem>>) {add = true}
      %dma_wait3A_593 = arith.constant 3 : i32
      %dma_wait3A_594 = arith.constant 3 : i32
      %dma_wait3A_595 = arith.constant 3 : i32
      %dma_wait3A_596 = arith.constant 0 : i32
      %dma_wait3A_597 = arith.constant 0 : i32
      %dma_wait3A_598 = tpu.memref_slice %arg7[%dma_wait3A_594, %dma_wait3A_596, %dma_wait3A_597] : memref<4x80x128xf32, #tpu.memory_space<vmem>> -> memref<1x80x128xf32, #tpu.memory_space<vmem>>
      %dma_wait3A_599 = tpu.memref_squeeze %dma_wait3A_598 : memref<1x80x128xf32, #tpu.memory_space<vmem>> -> memref<80x128xf32, #tpu.memory_space<vmem>>
      %dma_wait3A_600 = arith.constant 0 : i32
      %dma_wait3A_601 = tpu.memref_slice %arg8[%dma_wait3A_593, %dma_wait3A_600] : memref<4x80xi32, #tpu.memory_space<vmem>> -> memref<1x80xi32, #tpu.memory_space<vmem>>
      %dma_wait3A_602 = tpu.memref_squeeze %dma_wait3A_601 : memref<1x80xi32, #tpu.memory_space<vmem>> -> memref<80xi32, #tpu.memory_space<vmem>>
      %dma_wait3A_603 = arith.constant 0 : i32
      %dma_wait3A_604 = arith.constant 0 : i32
      %dma_wait3A_605 = tpu.memref_slice %arg2[%dma_wait3A_603, %dma_wait3A_604] : memref<10000x128xf32, #tpu.memory_space<hbm>> -> memref<10000x128xf32, #tpu.memory_space<hbm>>
      %dma_wait3A_606 = tpu.memref_slice %arg12[%dma_wait3A_595] : memref<4x!tpu.dma_semaphore, #tpu.memory_space<semaphore_mem>> -> memref<1x!tpu.dma_semaphore, #tpu.memory_space<semaphore_mem>>
      %dma_wait3A_607 = tpu.memref_squeeze %dma_wait3A_606 : memref<1x!tpu.dma_semaphore, #tpu.memory_space<semaphore_mem>> -> memref<!tpu.dma_semaphore, #tpu.memory_space<semaphore_mem>>
      tpu.wait_indirect_dma semaphore(%dma_wait3A_607 : memref<!tpu.dma_semaphore, #tpu.memory_space<semaphore_mem>>) src(%dma_wait3A_605 : memref<10000x128xf32, #tpu.memory_space<hbm>>) dst(%dma_wait3A_599 : memref<80x128xf32, #tpu.memory_space<vmem>>)
      %parallel_loop3A_608 = arith.constant 0 : i32
      %parallel_loop3A_609 = arith.constant 80 : i32
      %parallel_loop3A_610 = arith.constant 1 : i32
      scf.for %parallel_loop3A_707 = %parallel_loop3A_608 to %parallel_loop3A_609 step %parallel_loop3A_610  : i32 {
        %parallel_loop3A_708 = arith.constant 3 : i32
        %parallel_loop3A_709 = arith.index_cast %parallel_loop3A_708 : i32 to index
        %parallel_loop3A_710 = arith.index_cast %parallel_loop3A_707 : i32 to index
        %parallel_loop3A_711 = arith.constant 0 : index
        %parallel_loop3A_712 = tpu.vector_load %arg7[%parallel_loop3A_709, %parallel_loop3A_710, %parallel_loop3A_711] {strides = array<i32>} : memref<4x80x128xf32, #tpu.memory_space<vmem>>, vector<1x1x16xf32>,
        %parallel_loop3A_713 = vector.shape_cast %parallel_loop3A_712 : vector<1x1x16xf32> to vector<16xf32>
        %parallel_loop3A_714 = arith.constant 0.000000e+00 : f32
        %parallel_loop3A_715 = vector.broadcast %parallel_loop3A_714 : f32 to vector<16xf32>
        %parallel_loop3A_716 = arith.maximumf %parallel_loop3A_713, %parallel_loop3A_715 : vector<16xf32>
        %parallel_loop3A_717 = arith.constant 3 : i32
        %parallel_loop3A_718 = arith.index_cast %parallel_loop3A_717 : i32 to index
        %parallel_loop3A_719 = arith.index_cast %parallel_loop3A_707 : i32 to index
        %parallel_loop3A_720 = arith.constant 0 : index
        %parallel_loop3A_721 = tpu.vector_load %arg7[%parallel_loop3A_718, %parallel_loop3A_719, %parallel_loop3A_720] {strides = array<i32>} : memref<4x80x128xf32, #tpu.memory_space<vmem>>, vector<1x1x16xf32>,
        %parallel_loop3A_722 = vector.shape_cast %parallel_loop3A_721 : vector<1x1x16xf32> to vector<16xf32>
        %parallel_loop3A_723 = vector.shape_cast %parallel_loop3A_716 : vector<16xf32> to vector<1x1x16xf32>
        tpu.vector_store %arg7[%parallel_loop3A_718, %parallel_loop3A_719, %parallel_loop3A_720], %parallel_loop3A_723 {strides = array<i32>} : memref<4x80x128xf32, #tpu.memory_space<vmem>>, vector<1x1x16xf32>,
        %parallel_loop3A_724 = arith.constant 3 : i32
        %parallel_loop3A_725 = arith.index_cast %parallel_loop3A_724 : i32 to index
        %parallel_loop3A_726 = arith.index_cast %parallel_loop3A_707 : i32 to index
        %parallel_loop3A_727 = arith.constant 16 : index
        %parallel_loop3A_728 = tpu.vector_load %arg7[%parallel_loop3A_725, %parallel_loop3A_726, %parallel_loop3A_727] {strides = array<i32>} : memref<4x80x128xf32, #tpu.memory_space<vmem>>, vector<1x1x16xf32>,
        %parallel_loop3A_729 = vector.shape_cast %parallel_loop3A_728 : vector<1x1x16xf32> to vector<16xf32>
        %parallel_loop3A_730 = arith.constant 0.000000e+00 : f32
        %parallel_loop3A_731 = vector.broadcast %parallel_loop3A_730 : f32 to vector<16xf32>
        %parallel_loop3A_732 = arith.maximumf %parallel_loop3A_729, %parallel_loop3A_731 : vector<16xf32>
        %parallel_loop3A_733 = arith.constant 3 : i32
        %parallel_loop3A_734 = arith.index_cast %parallel_loop3A_733 : i32 to index
        %parallel_loop3A_735 = arith.index_cast %parallel_loop3A_707 : i32 to index
        %parallel_loop3A_736 = arith.constant 16 : index
        %parallel_loop3A_737 = tpu.vector_load %arg7[%parallel_loop3A_734, %parallel_loop3A_735, %parallel_loop3A_736] {strides = array<i32>} : memref<4x80x128xf32, #tpu.memory_space<vmem>>, vector<1x1x16xf32>,
        %parallel_loop3A_738 = vector.shape_cast %parallel_loop3A_737 : vector<1x1x16xf32> to vector<16xf32>
        %parallel_loop3A_739 = vector.shape_cast %parallel_loop3A_732 : vector<16xf32> to vector<1x1x16xf32>
        tpu.vector_store %arg7[%parallel_loop3A_734, %parallel_loop3A_735, %parallel_loop3A_736], %parallel_loop3A_739 {strides = array<i32>} : memref<4x80x128xf32, #tpu.memory_space<vmem>>, vector<1x1x16xf32>,
        %parallel_loop3A_740 = arith.constant 3 : i32
        %parallel_loop3A_741 = arith.index_cast %parallel_loop3A_740 : i32 to index
        %parallel_loop3A_742 = arith.index_cast %parallel_loop3A_707 : i32 to index
        %parallel_loop3A_743 = arith.constant 32 : index
        %parallel_loop3A_744 = tpu.vector_load %arg7[%parallel_loop3A_741, %parallel_loop3A_742, %parallel_loop3A_743] {strides = array<i32>} : memref<4x80x128xf32, #tpu.memory_space<vmem>>, vector<1x1x16xf32>,
        %parallel_loop3A_745 = vector.shape_cast %parallel_loop3A_744 : vector<1x1x16xf32> to vector<16xf32>
        %parallel_loop3A_746 = arith.constant 0.000000e+00 : f32
        %parallel_loop3A_747 = vector.broadcast %parallel_loop3A_746 : f32 to vector<16xf32>
        %parallel_loop3A_748 = arith.maximumf %parallel_loop3A_745, %parallel_loop3A_747 : vector<16xf32>
        %parallel_loop3A_749 = arith.constant 3 : i32
        %parallel_loop3A_750 = arith.index_cast %parallel_loop3A_749 : i32 to index
        %parallel_loop3A_751 = arith.index_cast %parallel_loop3A_707 : i32 to index
        %parallel_loop3A_752 = arith.constant 32 : index
        %parallel_loop3A_753 = tpu.vector_load %arg7[%parallel_loop3A_750, %parallel_loop3A_751, %parallel_loop3A_752] {strides = array<i32>} : memref<4x80x128xf32, #tpu.memory_space<vmem>>, vector<1x1x16xf32>,
        %parallel_loop3A_754 = vector.shape_cast %parallel_loop3A_753 : vector<1x1x16xf32> to vector<16xf32>
        %parallel_loop3A_755 = vector.shape_cast %parallel_loop3A_748 : vector<16xf32> to vector<1x1x16xf32>
        tpu.vector_store %arg7[%parallel_loop3A_750, %parallel_loop3A_751, %parallel_loop3A_752], %parallel_loop3A_755 {strides = array<i32>} : memref<4x80x128xf32, #tpu.memory_space<vmem>>, vector<1x1x16xf32>,
        %parallel_loop3A_756 = arith.constant 3 : i32
        %parallel_loop3A_757 = arith.index_cast %parallel_loop3A_756 : i32 to index
        %parallel_loop3A_758 = arith.index_cast %parallel_loop3A_707 : i32 to index
        %parallel_loop3A_759 = arith.constant 48 : index
        %parallel_loop3A_760 = tpu.vector_load %arg7[%parallel_loop3A_757, %parallel_loop3A_758, %parallel_loop3A_759] {strides = array<i32>} : memref<4x80x128xf32, #tpu.memory_space<vmem>>, vector<1x1x16xf32>,
        %parallel_loop3A_761 = vector.shape_cast %parallel_loop3A_760 : vector<1x1x16xf32> to vector<16xf32>
        %parallel_loop3A_762 = arith.constant 0.000000e+00 : f32
        %parallel_loop3A_763 = vector.broadcast %parallel_loop3A_762 : f32 to vector<16xf32>
        %parallel_loop3A_764 = arith.maximumf %parallel_loop3A_761, %parallel_loop3A_763 : vector<16xf32>
        %parallel_loop3A_765 = arith.constant 3 : i32
        %parallel_loop3A_766 = arith.index_cast %parallel_loop3A_765 : i32 to index
        %parallel_loop3A_767 = arith.index_cast %parallel_loop3A_707 : i32 to index
        %parallel_loop3A_768 = arith.constant 48 : index
        %parallel_loop3A_769 = tpu.vector_load %arg7[%parallel_loop3A_766, %parallel_loop3A_767, %parallel_loop3A_768] {strides = array<i32>} : memref<4x80x128xf32, #tpu.memory_space<vmem>>, vector<1x1x16xf32>,
        %parallel_loop3A_770 = vector.shape_cast %parallel_loop3A_769 : vector<1x1x16xf32> to vector<16xf32>
        %parallel_loop3A_771 = vector.shape_cast %parallel_loop3A_764 : vector<16xf32> to vector<1x1x16xf32>
        tpu.vector_store %arg7[%parallel_loop3A_766, %parallel_loop3A_767, %parallel_loop3A_768], %parallel_loop3A_771 {strides = array<i32>} : memref<4x80x128xf32, #tpu.memory_space<vmem>>, vector<1x1x16xf32>,
        %parallel_loop3A_772 = arith.constant 3 : i32
        %parallel_loop3A_773 = arith.index_cast %parallel_loop3A_772 : i32 to index
        %parallel_loop3A_774 = arith.index_cast %parallel_loop3A_707 : i32 to index
        %parallel_loop3A_775 = arith.constant 64 : index
        %parallel_loop3A_776 = tpu.vector_load %arg7[%parallel_loop3A_773, %parallel_loop3A_774, %parallel_loop3A_775] {strides = array<i32>} : memref<4x80x128xf32, #tpu.memory_space<vmem>>, vector<1x1x16xf32>,
        %parallel_loop3A_777 = vector.shape_cast %parallel_loop3A_776 : vector<1x1x16xf32> to vector<16xf32>
        %parallel_loop3A_778 = arith.constant 0.000000e+00 : f32
        %parallel_loop3A_779 = vector.broadcast %parallel_loop3A_778 : f32 to vector<16xf32>
        %parallel_loop3A_780 = arith.maximumf %parallel_loop3A_777, %parallel_loop3A_779 : vector<16xf32>
        %parallel_loop3A_781 = arith.constant 3 : i32
        %parallel_loop3A_782 = arith.index_cast %parallel_loop3A_781 : i32 to index
        %parallel_loop3A_783 = arith.index_cast %parallel_loop3A_707 : i32 to index
        %parallel_loop3A_784 = arith.constant 64 : index
        %parallel_loop3A_785 = tpu.vector_load %arg7[%parallel_loop3A_782, %parallel_loop3A_783, %parallel_loop3A_784] {strides = array<i32>} : memref<4x80x128xf32, #tpu.memory_space<vmem>>, vector<1x1x16xf32>,
        %parallel_loop3A_786 = vector.shape_cast %parallel_loop3A_785 : vector<1x1x16xf32> to vector<16xf32>
        %parallel_loop3A_787 = vector.shape_cast %parallel_loop3A_780 : vector<16xf32> to vector<1x1x16xf32>
        tpu.vector_store %arg7[%parallel_loop3A_782, %parallel_loop3A_783, %parallel_loop3A_784], %parallel_loop3A_787 {strides = array<i32>} : memref<4x80x128xf32, #tpu.memory_space<vmem>>, vector<1x1x16xf32>,
        %parallel_loop3A_788 = arith.constant 3 : i32
        %parallel_loop3A_789 = arith.index_cast %parallel_loop3A_788 : i32 to index
        %parallel_loop3A_790 = arith.index_cast %parallel_loop3A_707 : i32 to index
        %parallel_loop3A_791 = arith.constant 80 : index
        %parallel_loop3A_792 = tpu.vector_load %arg7[%parallel_loop3A_789, %parallel_loop3A_790, %parallel_loop3A_791] {strides = array<i32>} : memref<4x80x128xf32, #tpu.memory_space<vmem>>, vector<1x1x16xf32>,
        %parallel_loop3A_793 = vector.shape_cast %parallel_loop3A_792 : vector<1x1x16xf32> to vector<16xf32>
        %parallel_loop3A_794 = arith.constant 0.000000e+00 : f32
        %parallel_loop3A_795 = vector.broadcast %parallel_loop3A_794 : f32 to vector<16xf32>
        %parallel_loop3A_796 = arith.maximumf %parallel_loop3A_793, %parallel_loop3A_795 : vector<16xf32>
        %parallel_loop3A_797 = arith.constant 3 : i32
        %parallel_loop3A_798 = arith.index_cast %parallel_loop3A_797 : i32 to index
        %parallel_loop3A_799 = arith.index_cast %parallel_loop3A_707 : i32 to index
        %parallel_loop3A_800 = arith.constant 80 : index
        %parallel_loop3A_801 = tpu.vector_load %arg7[%parallel_loop3A_798, %parallel_loop3A_799, %parallel_loop3A_800] {strides = array<i32>} : memref<4x80x128xf32, #tpu.memory_space<vmem>>, vector<1x1x16xf32>,
        %parallel_loop3A_802 = vector.shape_cast %parallel_loop3A_801 : vector<1x1x16xf32> to vector<16xf32>
        %parallel_loop3A_803 = vector.shape_cast %parallel_loop3A_796 : vector<16xf32> to vector<1x1x16xf32>
        tpu.vector_store %arg7[%parallel_loop3A_798, %parallel_loop3A_799, %parallel_loop3A_800], %parallel_loop3A_803 {strides = array<i32>} : memref<4x80x128xf32, #tpu.memory_space<vmem>>, vector<1x1x16xf32>,
        %parallel_loop3A_804 = arith.constant 3 : i32
        %parallel_loop3A_805 = arith.index_cast %parallel_loop3A_804 : i32 to index
        %parallel_loop3A_806 = arith.index_cast %parallel_loop3A_707 : i32 to index
        %parallel_loop3A_807 = arith.constant 96 : index
        %parallel_loop3A_808 = tpu.vector_load %arg7[%parallel_loop3A_805, %parallel_loop3A_806, %parallel_loop3A_807] {strides = array<i32>} : memref<4x80x128xf32, #tpu.memory_space<vmem>>, vector<1x1x16xf32>,
        %parallel_loop3A_809 = vector.shape_cast %parallel_loop3A_808 : vector<1x1x16xf32> to vector<16xf32>
        %parallel_loop3A_810 = arith.constant 0.000000e+00 : f32
        %parallel_loop3A_811 = vector.broadcast %parallel_loop3A_810 : f32 to vector<16xf32>
        %parallel_loop3A_812 = arith.maximumf %parallel_loop3A_809, %parallel_loop3A_811 : vector<16xf32>
        %parallel_loop3A_813 = arith.constant 3 : i32
        %parallel_loop3A_814 = arith.index_cast %parallel_loop3A_813 : i32 to index
        %parallel_loop3A_815 = arith.index_cast %parallel_loop3A_707 : i32 to index
        %parallel_loop3A_816 = arith.constant 96 : index
        %parallel_loop3A_817 = tpu.vector_load %arg7[%parallel_loop3A_814, %parallel_loop3A_815, %parallel_loop3A_816] {strides = array<i32>} : memref<4x80x128xf32, #tpu.memory_space<vmem>>, vector<1x1x16xf32>,
        %parallel_loop3A_818 = vector.shape_cast %parallel_loop3A_817 : vector<1x1x16xf32> to vector<16xf32>
        %parallel_loop3A_819 = vector.shape_cast %parallel_loop3A_812 : vector<16xf32> to vector<1x1x16xf32>
        tpu.vector_store %arg7[%parallel_loop3A_814, %parallel_loop3A_815, %parallel_loop3A_816], %parallel_loop3A_819 {strides = array<i32>} : memref<4x80x128xf32, #tpu.memory_space<vmem>>, vector<1x1x16xf32>,
        %parallel_loop3A_820 = arith.constant 3 : i32
        %parallel_loop3A_821 = arith.index_cast %parallel_loop3A_820 : i32 to index
        %parallel_loop3A_822 = arith.index_cast %parallel_loop3A_707 : i32 to index
        %parallel_loop3A_823 = arith.constant 112 : index
        %parallel_loop3A_824 = tpu.vector_load %arg7[%parallel_loop3A_821, %parallel_loop3A_822, %parallel_loop3A_823] {strides = array<i32>} : memref<4x80x128xf32, #tpu.memory_space<vmem>>, vector<1x1x16xf32>,
        %parallel_loop3A_825 = vector.shape_cast %parallel_loop3A_824 : vector<1x1x16xf32> to vector<16xf32>
        %parallel_loop3A_826 = arith.constant 0.000000e+00 : f32
        %parallel_loop3A_827 = vector.broadcast %parallel_loop3A_826 : f32 to vector<16xf32>
        %parallel_loop3A_828 = arith.maximumf %parallel_loop3A_825, %parallel_loop3A_827 : vector<16xf32>
        %parallel_loop3A_829 = arith.constant 3 : i32
        %parallel_loop3A_830 = arith.index_cast %parallel_loop3A_829 : i32 to index
        %parallel_loop3A_831 = arith.index_cast %parallel_loop3A_707 : i32 to index
        %parallel_loop3A_832 = arith.constant 112 : index
        %parallel_loop3A_833 = tpu.vector_load %arg7[%parallel_loop3A_830, %parallel_loop3A_831, %parallel_loop3A_832] {strides = array<i32>} : memref<4x80x128xf32, #tpu.memory_space<vmem>>, vector<1x1x16xf32>,
        %parallel_loop3A_834 = vector.shape_cast %parallel_loop3A_833 : vector<1x1x16xf32> to vector<16xf32>
        %parallel_loop3A_835 = vector.shape_cast %parallel_loop3A_828 : vector<16xf32> to vector<1x1x16xf32>
        tpu.vector_store %arg7[%parallel_loop3A_830, %parallel_loop3A_831, %parallel_loop3A_832], %parallel_loop3A_835 {strides = array<i32>} : memref<4x80x128xf32, #tpu.memory_space<vmem>>, vector<1x1x16xf32>,
      } {sc.loop_unroll_factor = 4 : i64, sc.parallel_access}
      %dma_start3A_611 = arith.constant 3 : i32
      %dma_start3A_612 = arith.constant 3 : i32
      %dma_start3A_613 = arith.constant 3 : i32
      %dma_start3A_614 = arith.constant 0 : i32
      %dma_start3A_615 = arith.constant 0 : i32
      %dma_start3A_616 = tpu.memref_slice %arg7[%dma_start3A_611, %dma_start3A_614, %dma_start3A_615] : memref<4x80x128xf32, #tpu.memory_space<vmem>> -> memref<1x80x128xf32, #tpu.memory_space<vmem>>
      %dma_start3A_617 = tpu.memref_squeeze %dma_start3A_616 : memref<1x80x128xf32, #tpu.memory_space<vmem>> -> memref<80x128xf32, #tpu.memory_space<vmem>>
      %dma_start3A_618 = arith.constant 0 : i32
      %dma_start3A_619 = tpu.memref_slice %arg9[%dma_start3A_612, %dma_start3A_618] : memref<4x80xi32, #tpu.memory_space<vmem>> -> memref<1x80xi32, #tpu.memory_space<vmem>>
      %dma_start3A_620 = tpu.memref_squeeze %dma_start3A_619 : memref<1x80xi32, #tpu.memory_space<vmem>> -> memref<80xi32, #tpu.memory_space<vmem>>
      %dma_start3A_621 = arith.constant 0 : i32
      %dma_start3A_622 = arith.constant 0 : i32
      %dma_start3A_623 = tpu.memref_slice %arg10[%dma_start3A_621, %dma_start3A_622] : memref<10240x128xf32, #tpu.memory_space<vmem_shared>> -> memref<10240x128xf32, #tpu.memory_space<vmem_shared>>
      %dma_start3A_624 = tpu.memref_slice %arg13[%dma_start3A_613] : memref<4x!tpu.dma_semaphore, #tpu.memory_space<semaphore_mem>> -> memref<1x!tpu.dma_semaphore, #tpu.memory_space<semaphore_mem>>
      %dma_start3A_625 = tpu.memref_squeeze %dma_start3A_624 : memref<1x!tpu.dma_semaphore, #tpu.memory_space<semaphore_mem>> -> memref<!tpu.dma_semaphore, #tpu.memory_space<semaphore_mem>>
      tpu.enqueue_indirect_dma source(%dma_start3A_617 : memref<80x128xf32, #tpu.memory_space<vmem>>) target(%dma_start3A_623 : memref<10240x128xf32, #tpu.memory_space<vmem_shared>>) offsets(%dma_start3A_620 : memref<80xi32, #tpu.memory_space<vmem>>) semaphore(%dma_start3A_625 : memref<!tpu.dma_semaphore, #tpu.memory_space<semaphore_mem>>) {add = true}
      %dma_wait3A_626 = arith.constant 0 : i32
      %dma_wait3A_627 = arith.constant 0 : i32
      %dma_wait3A_628 = arith.constant 0 : i32
      %dma_wait3A_629 = arith.constant 0 : i32
      %dma_wait3A_630 = arith.constant 0 : i32
      %dma_wait3A_631 = tpu.memref_slice %arg7[%dma_wait3A_626, %dma_wait3A_629, %dma_wait3A_630] : memref<4x80x128xf32, #tpu.memory_space<vmem>> -> memref<1x80x128xf32, #tpu.memory_space<vmem>>
      %dma_wait3A_632 = tpu.memref_squeeze %dma_wait3A_631 : memref<1x80x128xf32, #tpu.memory_space<vmem>> -> memref<80x128xf32, #tpu.memory_space<vmem>>
      %dma_wait3A_633 = arith.constant 0 : i32
      %dma_wait3A_634 = tpu.memref_slice %arg9[%dma_wait3A_627, %dma_wait3A_633] : memref<4x80xi32, #tpu.memory_space<vmem>> -> memref<1x80xi32, #tpu.memory_space<vmem>>
      %dma_wait3A_635 = tpu.memref_squeeze %dma_wait3A_634 : memref<1x80xi32, #tpu.memory_space<vmem>> -> memref<80xi32, #tpu.memory_space<vmem>>
      %dma_wait3A_636 = arith.constant 0 : i32
      %dma_wait3A_637 = arith.constant 0 : i32
      %dma_wait3A_638 = tpu.memref_slice %arg10[%dma_wait3A_636, %dma_wait3A_637] : memref<10240x128xf32, #tpu.memory_space<vmem_shared>> -> memref<10240x128xf32, #tpu.memory_space<vmem_shared>>
      %dma_wait3A_639 = tpu.memref_slice %arg13[%dma_wait3A_628] : memref<4x!tpu.dma_semaphore, #tpu.memory_space<semaphore_mem>> -> memref<1x!tpu.dma_semaphore, #tpu.memory_space<semaphore_mem>>
      %dma_wait3A_640 = tpu.memref_squeeze %dma_wait3A_639 : memref<1x!tpu.dma_semaphore, #tpu.memory_space<semaphore_mem>> -> memref<!tpu.dma_semaphore, #tpu.memory_space<semaphore_mem>>
      tpu.wait_indirect_dma semaphore(%dma_wait3A_640 : memref<!tpu.dma_semaphore, #tpu.memory_space<semaphore_mem>>) src(%dma_wait3A_632 : memref<80x128xf32, #tpu.memory_space<vmem>>) dst(%dma_wait3A_638 : memref<10240x128xf32, #tpu.memory_space<vmem_shared>>)
      %add3A_641 = arith.constant 1 : i32
      %add3A_642 = arith.addi %while3A_240, %add3A_641 : i32
      %lt3A = arith.cmpi slt, %add3A_642, %select_n3A : i32
      %convert_element_type3A = arith.extui %lt3A : i1 to i32
      %cond3A = arith.constant 0 : i32
      %cond3A_643 = arith.cmpi ne, %convert_element_type3A, %cond3A : i32
      scf.if %cond3A_643 {
        %add3A_707 = arith.constant 1 : i32
        %add3A_708 = arith.addi %while3A_240, %add3A_707 : i32
        %mul3A_709 = arith.constant 4 : i32
        %mul3A_710 = arith.muli %add3A_708, %mul3A_709 : i32
        %add3A_711 = arith.constant 0 : i32
        %add3A_712 = arith.addi %mul3A_710, %add3A_711 : i32
        %mul3A_713 = arith.constant 10240 : i32
        %mul3A_714 = arith.muli %add3A, %mul3A_713 : i32
        %mul3A_715 = arith.constant 80 : i32
        %mul3A_716 = arith.muli %add3A_712, %mul3A_715 : i32
        %add3A_717 = arith.addi %mul3A_714, %mul3A_716 : i32
        %multiple_of3A_718 = tpu.assume_multiple %add3A_717, 8 : i32
        %dma_start3A_719 = arith.constant 0 : i32
        %dma_start3A_720 = arith.constant 0 : i32
        %dma_start3A_721 = arith.constant 0 : i32
        %dma_start3A_722 = arith.constant 0 : i32
        %dma_start3A_723 = tpu.memref_slice %arg7[%dma_start3A_719, %dma_start3A_721, %dma_start3A_722] : memref<4x80x128xf32, #tpu.memory_space<vmem>> -> memref<1x80x128xf32, #tpu.memory_space<vmem>>
        %dma_start3A_724 = tpu.memref_squeeze %dma_start3A_723 : memref<1x80x128xf32, #tpu.memory_space<vmem>> -> memref<80x128xf32, #tpu.memory_space<vmem>>
        %dma_start3A_725 = arith.constant 0 : i32
        %dma_start3A_726 = tpu.memref_slice %arg3[%multiple_of3A_718, %dma_start3A_725] : memref<320000x128xf32, #tpu.memory_space<hbm>> -> memref<80x128xf32, #tpu.memory_space<hbm>>
        %dma_start3A_727 = tpu.memref_slice %arg11[%dma_start3A_720] : memref<4x!tpu.dma_semaphore, #tpu.memory_space<semaphore_mem>> -> memref<1x!tpu.dma_semaphore, #tpu.memory_space<semaphore_mem>>
        %dma_start3A_728 = tpu.memref_squeeze %dma_start3A_727 : memref<1x!tpu.dma_semaphore, #tpu.memory_space<semaphore_mem>> -> memref<!tpu.dma_semaphore, #tpu.memory_space<semaphore_mem>>
        %dma_start3A_729 = arith.constant 0 : i32
        %dma_start3A_730 = arith.constant 0 : i32
        %dma_start3A_731 = tpu.memref_slice %arg7[%dma_start3A_719, %dma_start3A_729, %dma_start3A_730] : memref<4x80x128xf32, #tpu.memory_space<vmem>> -> memref<1x80x128xf32, #tpu.memory_space<vmem>>
        %dma_start3A_732 = tpu.memref_squeeze %dma_start3A_731 : memref<1x80x128xf32, #tpu.memory_space<vmem>> -> memref<80x128xf32, #tpu.memory_space<vmem>>
        %dma_start3A_733 = arith.constant 0 : i32
        %dma_start3A_734 = tpu.memref_slice %arg3[%multiple_of3A_718, %dma_start3A_733] : memref<320000x128xf32, #tpu.memory_space<hbm>> -> memref<80x128xf32, #tpu.memory_space<hbm>>
        tpu.enqueue_dma source(%dma_start3A_734 : memref<80x128xf32, #tpu.memory_space<hbm>>) target(%dma_start3A_732 : memref<80x128xf32, #tpu.memory_space<vmem>>) target_semaphore(%dma_start3A_728 : memref<!tpu.dma_semaphore, #tpu.memory_space<semaphore_mem>>)
        %dma_start3A_735 = arith.constant 0 : i32
        %dma_start3A_736 = arith.constant 0 : i32
        %dma_start3A_737 = arith.constant 0 : i32
        %dma_start3A_738 = tpu.memref_slice %arg8[%dma_start3A_735, %dma_start3A_737] : memref<4x80xi32, #tpu.memory_space<vmem>> -> memref<1x80xi32, #tpu.memory_space<vmem>>
        %dma_start3A_739 = tpu.memref_squeeze %dma_start3A_738 : memref<1x80xi32, #tpu.memory_space<vmem>> -> memref<80xi32, #tpu.memory_space<vmem>>
        %dma_start3A_740 = tpu.memref_slice %arg4[%multiple_of3A_718] : memref<320000xi32, #tpu.memory_space<hbm>> -> memref<80xi32, #tpu.memory_space<hbm>>
        %dma_start3A_741 = tpu.memref_slice %arg11[%dma_start3A_736] : memref<4x!tpu.dma_semaphore, #tpu.memory_space<semaphore_mem>> -> memref<1x!tpu.dma_semaphore, #tpu.memory_space<semaphore_mem>>
        %dma_start3A_742 = tpu.memref_squeeze %dma_start3A_741 : memref<1x!tpu.dma_semaphore, #tpu.memory_space<semaphore_mem>> -> memref<!tpu.dma_semaphore, #tpu.memory_space<semaphore_mem>>
        %dma_start3A_743 = arith.constant 0 : i32
        %dma_start3A_744 = tpu.memref_slice %arg8[%dma_start3A_735, %dma_start3A_743] : memref<4x80xi32, #tpu.memory_space<vmem>> -> memref<1x80xi32, #tpu.memory_space<vmem>>
        %dma_start3A_745 = tpu.memref_squeeze %dma_start3A_744 : memref<1x80xi32, #tpu.memory_space<vmem>> -> memref<80xi32, #tpu.memory_space<vmem>>
        %dma_start3A_746 = tpu.memref_slice %arg4[%multiple_of3A_718] : memref<320000xi32, #tpu.memory_space<hbm>> -> memref<80xi32, #tpu.memory_space<hbm>>
        tpu.enqueue_dma source(%dma_start3A_746 : memref<80xi32, #tpu.memory_space<hbm>>) target(%dma_start3A_745 : memref<80xi32, #tpu.memory_space<vmem>>) target_semaphore(%dma_start3A_742 : memref<!tpu.dma_semaphore, #tpu.memory_space<semaphore_mem>>)
        %dma_start3A_747 = arith.constant 0 : i32
        %dma_start3A_748 = arith.constant 0 : i32
        %dma_start3A_749 = arith.constant 0 : i32
        %dma_start3A_750 = tpu.memref_slice %arg9[%dma_start3A_747, %dma_start3A_749] : memref<4x80xi32, #tpu.memory_space<vmem>> -> memref<1x80xi32, #tpu.memory_space<vmem>>
        %dma_start3A_751 = tpu.memref_squeeze %dma_start3A_750 : memref<1x80xi32, #tpu.memory_space<vmem>> -> memref<80xi32, #tpu.memory_space<vmem>>
        %dma_start3A_752 = tpu.memref_slice %arg5[%multiple_of3A_718] : memref<320000xi32, #tpu.memory_space<hbm>> -> memref<80xi32, #tpu.memory_space<hbm>>
        %dma_start3A_753 = tpu.memref_slice %arg11[%dma_start3A_748] : memref<4x!tpu.dma_semaphore, #tpu.memory_space<semaphore_mem>> -> memref<1x!tpu.dma_semaphore, #tpu.memory_space<semaphore_mem>>
        %dma_start3A_754 = tpu.memref_squeeze %dma_start3A_753 : memref<1x!tpu.dma_semaphore, #tpu.memory_space<semaphore_mem>> -> memref<!tpu.dma_semaphore, #tpu.memory_space<semaphore_mem>>
        %dma_start3A_755 = arith.constant 0 : i32
        %dma_start3A_756 = tpu.memref_slice %arg9[%dma_start3A_747, %dma_start3A_755] : memref<4x80xi32, #tpu.memory_space<vmem>> -> memref<1x80xi32, #tpu.memory_space<vmem>>
        %dma_start3A_757 = tpu.memref_squeeze %dma_start3A_756 : memref<1x80xi32, #tpu.memory_space<vmem>> -> memref<80xi32, #tpu.memory_space<vmem>>
        %dma_start3A_758 = tpu.memref_slice %arg5[%multiple_of3A_718] : memref<320000xi32, #tpu.memory_space<hbm>> -> memref<80xi32, #tpu.memory_space<hbm>>
        tpu.enqueue_dma source(%dma_start3A_758 : memref<80xi32, #tpu.memory_space<hbm>>) target(%dma_start3A_757 : memref<80xi32, #tpu.memory_space<vmem>>) target_semaphore(%dma_start3A_754 : memref<!tpu.dma_semaphore, #tpu.memory_space<semaphore_mem>>)
      } else {
      }
      %dma_wait3A_644 = arith.constant 1 : i32
      %dma_wait3A_645 = arith.constant 1 : i32
      %dma_wait3A_646 = arith.constant 1 : i32
      %dma_wait3A_647 = arith.constant 0 : i32
      %dma_wait3A_648 = arith.constant 0 : i32
      %dma_wait3A_649 = tpu.memref_slice %arg7[%dma_wait3A_644, %dma_wait3A_647, %dma_wait3A_648] : memref<4x80x128xf32, #tpu.memory_space<vmem>> -> memref<1x80x128xf32, #tpu.memory_space<vmem>>
      %dma_wait3A_650 = tpu.memref_squeeze %dma_wait3A_649 : memref<1x80x128xf32, #tpu.memory_space<vmem>> -> memref<80x128xf32, #tpu.memory_space<vmem>>
      %dma_wait3A_651 = arith.constant 0 : i32
      %dma_wait3A_652 = tpu.memref_slice %arg9[%dma_wait3A_645, %dma_wait3A_651] : memref<4x80xi32, #tpu.memory_space<vmem>> -> memref<1x80xi32, #tpu.memory_space<vmem>>
      %dma_wait3A_653 = tpu.memref_squeeze %dma_wait3A_652 : memref<1x80xi32, #tpu.memory_space<vmem>> -> memref<80xi32, #tpu.memory_space<vmem>>
      %dma_wait3A_654 = arith.constant 0 : i32
      %dma_wait3A_655 = arith.constant 0 : i32
      %dma_wait3A_656 = tpu.memref_slice %arg10[%dma_wait3A_654, %dma_wait3A_655] : memref<10240x128xf32, #tpu.memory_space<vmem_shared>> -> memref<10240x128xf32, #tpu.memory_space<vmem_shared>>
      %dma_wait3A_657 = tpu.memref_slice %arg13[%dma_wait3A_646] : memref<4x!tpu.dma_semaphore, #tpu.memory_space<semaphore_mem>> -> memref<1x!tpu.dma_semaphore, #tpu.memory_space<semaphore_mem>>
      %dma_wait3A_658 = tpu.memref_squeeze %dma_wait3A_657 : memref<1x!tpu.dma_semaphore, #tpu.memory_space<semaphore_mem>> -> memref<!tpu.dma_semaphore, #tpu.memory_space<semaphore_mem>>
      tpu.wait_indirect_dma semaphore(%dma_wait3A_658 : memref<!tpu.dma_semaphore, #tpu.memory_space<semaphore_mem>>) src(%dma_wait3A_650 : memref<80x128xf32, #tpu.memory_space<vmem>>) dst(%dma_wait3A_656 : memref<10240x128xf32, #tpu.memory_space<vmem_shared>>)
      %add3A_659 = arith.constant 1 : i32
      %add3A_660 = arith.addi %while3A_240, %add3A_659 : i32
      %lt3A_661 = arith.cmpi slt, %add3A_660, %select_n3A : i32
      %convert_element_type3A_662 = arith.extui %lt3A_661 : i1 to i32
      %cond3A_663 = arith.constant 0 : i32
      %cond3A_664 = arith.cmpi ne, %convert_element_type3A_662, %cond3A_663 : i32
      scf.if %cond3A_664 {
        %add3A_707 = arith.constant 1 : i32
        %add3A_708 = arith.addi %while3A_240, %add3A_707 : i32
        %mul3A_709 = arith.constant 4 : i32
        %mul3A_710 = arith.muli %add3A_708, %mul3A_709 : i32
        %add3A_711 = arith.constant 1 : i32
        %add3A_712 = arith.addi %mul3A_710, %add3A_711 : i32
        %mul3A_713 = arith.constant 10240 : i32
        %mul3A_714 = arith.muli %add3A, %mul3A_713 : i32
        %mul3A_715 = arith.constant 80 : i32
        %mul3A_716 = arith.muli %add3A_712, %mul3A_715 : i32
        %add3A_717 = arith.addi %mul3A_714, %mul3A_716 : i32
        %multiple_of3A_718 = tpu.assume_multiple %add3A_717, 8 : i32
        %dma_start3A_719 = arith.constant 1 : i32
        %dma_start3A_720 = arith.constant 1 : i32
        %dma_start3A_721 = arith.constant 0 : i32
        %dma_start3A_722 = arith.constant 0 : i32
        %dma_start3A_723 = tpu.memref_slice %arg7[%dma_start3A_719, %dma_start3A_721, %dma_start3A_722] : memref<4x80x128xf32, #tpu.memory_space<vmem>> -> memref<1x80x128xf32, #tpu.memory_space<vmem>>
        %dma_start3A_724 = tpu.memref_squeeze %dma_start3A_723 : memref<1x80x128xf32, #tpu.memory_space<vmem>> -> memref<80x128xf32, #tpu.memory_space<vmem>>
        %dma_start3A_725 = arith.constant 0 : i32
        %dma_start3A_726 = tpu.memref_slice %arg3[%multiple_of3A_718, %dma_start3A_725] : memref<320000x128xf32, #tpu.memory_space<hbm>> -> memref<80x128xf32, #tpu.memory_space<hbm>>
        %dma_start3A_727 = tpu.memref_slice %arg11[%dma_start3A_720] : memref<4x!tpu.dma_semaphore, #tpu.memory_space<semaphore_mem>> -> memref<1x!tpu.dma_semaphore, #tpu.memory_space<semaphore_mem>>
        %dma_start3A_728 = tpu.memref_squeeze %dma_start3A_727 : memref<1x!tpu.dma_semaphore, #tpu.memory_space<semaphore_mem>> -> memref<!tpu.dma_semaphore, #tpu.memory_space<semaphore_mem>>
        %dma_start3A_729 = arith.constant 0 : i32
        %dma_start3A_730 = arith.constant 0 : i32
        %dma_start3A_731 = tpu.memref_slice %arg7[%dma_start3A_719, %dma_start3A_729, %dma_start3A_730] : memref<4x80x128xf32, #tpu.memory_space<vmem>> -> memref<1x80x128xf32, #tpu.memory_space<vmem>>
        %dma_start3A_732 = tpu.memref_squeeze %dma_start3A_731 : memref<1x80x128xf32, #tpu.memory_space<vmem>> -> memref<80x128xf32, #tpu.memory_space<vmem>>
        %dma_start3A_733 = arith.constant 0 : i32
        %dma_start3A_734 = tpu.memref_slice %arg3[%multiple_of3A_718, %dma_start3A_733] : memref<320000x128xf32, #tpu.memory_space<hbm>> -> memref<80x128xf32, #tpu.memory_space<hbm>>
        tpu.enqueue_dma source(%dma_start3A_734 : memref<80x128xf32, #tpu.memory_space<hbm>>) target(%dma_start3A_732 : memref<80x128xf32, #tpu.memory_space<vmem>>) target_semaphore(%dma_start3A_728 : memref<!tpu.dma_semaphore, #tpu.memory_space<semaphore_mem>>)
        %dma_start3A_735 = arith.constant 1 : i32
        %dma_start3A_736 = arith.constant 1 : i32
        %dma_start3A_737 = arith.constant 0 : i32
        %dma_start3A_738 = tpu.memref_slice %arg8[%dma_start3A_735, %dma_start3A_737] : memref<4x80xi32, #tpu.memory_space<vmem>> -> memref<1x80xi32, #tpu.memory_space<vmem>>
        %dma_start3A_739 = tpu.memref_squeeze %dma_start3A_738 : memref<1x80xi32, #tpu.memory_space<vmem>> -> memref<80xi32, #tpu.memory_space<vmem>>
        %dma_start3A_740 = tpu.memref_slice %arg4[%multiple_of3A_718] : memref<320000xi32, #tpu.memory_space<hbm>> -> memref<80xi32, #tpu.memory_space<hbm>>
        %dma_start3A_741 = tpu.memref_slice %arg11[%dma_start3A_736] : memref<4x!tpu.dma_semaphore, #tpu.memory_space<semaphore_mem>> -> memref<1x!tpu.dma_semaphore, #tpu.memory_space<semaphore_mem>>
        %dma_start3A_742 = tpu.memref_squeeze %dma_start3A_741 : memref<1x!tpu.dma_semaphore, #tpu.memory_space<semaphore_mem>> -> memref<!tpu.dma_semaphore, #tpu.memory_space<semaphore_mem>>
        %dma_start3A_743 = arith.constant 0 : i32
        %dma_start3A_744 = tpu.memref_slice %arg8[%dma_start3A_735, %dma_start3A_743] : memref<4x80xi32, #tpu.memory_space<vmem>> -> memref<1x80xi32, #tpu.memory_space<vmem>>
        %dma_start3A_745 = tpu.memref_squeeze %dma_start3A_744 : memref<1x80xi32, #tpu.memory_space<vmem>> -> memref<80xi32, #tpu.memory_space<vmem>>
        %dma_start3A_746 = tpu.memref_slice %arg4[%multiple_of3A_718] : memref<320000xi32, #tpu.memory_space<hbm>> -> memref<80xi32, #tpu.memory_space<hbm>>
        tpu.enqueue_dma source(%dma_start3A_746 : memref<80xi32, #tpu.memory_space<hbm>>) target(%dma_start3A_745 : memref<80xi32, #tpu.memory_space<vmem>>) target_semaphore(%dma_start3A_742 : memref<!tpu.dma_semaphore, #tpu.memory_space<semaphore_mem>>)
        %dma_start3A_747 = arith.constant 1 : i32
        %dma_start3A_748 = arith.constant 1 : i32
        %dma_start3A_749 = arith.constant 0 : i32
        %dma_start3A_750 = tpu.memref_slice %arg9[%dma_start3A_747, %dma_start3A_749] : memref<4x80xi32, #tpu.memory_space<vmem>> -> memref<1x80xi32, #tpu.memory_space<vmem>>
        %dma_start3A_751 = tpu.memref_squeeze %dma_start3A_750 : memref<1x80xi32, #tpu.memory_space<vmem>> -> memref<80xi32, #tpu.memory_space<vmem>>
        %dma_start3A_752 = tpu.memref_slice %arg5[%multiple_of3A_718] : memref<320000xi32, #tpu.memory_space<hbm>> -> memref<80xi32, #tpu.memory_space<hbm>>
        %dma_start3A_753 = tpu.memref_slice %arg11[%dma_start3A_748] : memref<4x!tpu.dma_semaphore, #tpu.memory_space<semaphore_mem>> -> memref<1x!tpu.dma_semaphore, #tpu.memory_space<semaphore_mem>>
        %dma_start3A_754 = tpu.memref_squeeze %dma_start3A_753 : memref<1x!tpu.dma_semaphore, #tpu.memory_space<semaphore_mem>> -> memref<!tpu.dma_semaphore, #tpu.memory_space<semaphore_mem>>
        %dma_start3A_755 = arith.constant 0 : i32
        %dma_start3A_756 = tpu.memref_slice %arg9[%dma_start3A_747, %dma_start3A_755] : memref<4x80xi32, #tpu.memory_space<vmem>> -> memref<1x80xi32, #tpu.memory_space<vmem>>
        %dma_start3A_757 = tpu.memref_squeeze %dma_start3A_756 : memref<1x80xi32, #tpu.memory_space<vmem>> -> memref<80xi32, #tpu.memory_space<vmem>>
        %dma_start3A_758 = tpu.memref_slice %arg5[%multiple_of3A_718] : memref<320000xi32, #tpu.memory_space<hbm>> -> memref<80xi32, #tpu.memory_space<hbm>>
        tpu.enqueue_dma source(%dma_start3A_758 : memref<80xi32, #tpu.memory_space<hbm>>) target(%dma_start3A_757 : memref<80xi32, #tpu.memory_space<vmem>>) target_semaphore(%dma_start3A_754 : memref<!tpu.dma_semaphore, #tpu.memory_space<semaphore_mem>>)
      } else {
      }
      %dma_wait3A_665 = arith.constant 2 : i32
      %dma_wait3A_666 = arith.constant 2 : i32
      %dma_wait3A_667 = arith.constant 2 : i32
      %dma_wait3A_668 = arith.constant 0 : i32
      %dma_wait3A_669 = arith.constant 0 : i32
      %dma_wait3A_670 = tpu.memref_slice %arg7[%dma_wait3A_665, %dma_wait3A_668, %dma_wait3A_669] : memref<4x80x128xf32, #tpu.memory_space<vmem>> -> memref<1x80x128xf32, #tpu.memory_space<vmem>>
      %dma_wait3A_671 = tpu.memref_squeeze %dma_wait3A_670 : memref<1x80x128xf32, #tpu.memory_space<vmem>> -> memref<80x128xf32, #tpu.memory_space<vmem>>
      %dma_wait3A_672 = arith.constant 0 : i32
      %dma_wait3A_673 = tpu.memref_slice %arg9[%dma_wait3A_666, %dma_wait3A_672] : memref<4x80xi32, #tpu.memory_space<vmem>> -> memref<1x80xi32, #tpu.memory_space<vmem>>
      %dma_wait3A_674 = tpu.memref_squeeze %dma_wait3A_673 : memref<1x80xi32, #tpu.memory_space<vmem>> -> memref<80xi32, #tpu.memory_space<vmem>>
      %dma_wait3A_675 = arith.constant 0 : i32
      %dma_wait3A_676 = arith.constant 0 : i32
      %dma_wait3A_677 = tpu.memref_slice %arg10[%dma_wait3A_675, %dma_wait3A_676] : memref<10240x128xf32, #tpu.memory_space<vmem_shared>> -> memref<10240x128xf32, #tpu.memory_space<vmem_shared>>
      %dma_wait3A_678 = tpu.memref_slice %arg13[%dma_wait3A_667] : memref<4x!tpu.dma_semaphore, #tpu.memory_space<semaphore_mem>> -> memref<1x!tpu.dma_semaphore, #tpu.memory_space<semaphore_mem>>
      %dma_wait3A_679 = tpu.memref_squeeze %dma_wait3A_678 : memref<1x!tpu.dma_semaphore, #tpu.memory_space<semaphore_mem>> -> memref<!tpu.dma_semaphore, #tpu.memory_space<semaphore_mem>>
      tpu.wait_indirect_dma semaphore(%dma_wait3A_679 : memref<!tpu.dma_semaphore, #tpu.memory_space<semaphore_mem>>) src(%dma_wait3A_671 : memref<80x128xf32, #tpu.memory_space<vmem>>) dst(%dma_wait3A_677 : memref<10240x128xf32, #tpu.memory_space<vmem_shared>>)
      %add3A_680 = arith.constant 1 : i32
      %add3A_681 = arith.addi %while3A_240, %add3A_680 : i32
      %lt3A_682 = arith.cmpi slt, %add3A_681, %select_n3A : i32
      %convert_element_type3A_683 = arith.extui %lt3A_682 : i1 to i32
      %cond3A_684 = arith.constant 0 : i32
      %cond3A_685 = arith.cmpi ne, %convert_element_type3A_683, %cond3A_684 : i32
      scf.if %cond3A_685 {
        %add3A_707 = arith.constant 1 : i32
        %add3A_708 = arith.addi %while3A_240, %add3A_707 : i32
        %mul3A_709 = arith.constant 4 : i32
        %mul3A_710 = arith.muli %add3A_708, %mul3A_709 : i32
        %add3A_711 = arith.constant 2 : i32
        %add3A_712 = arith.addi %mul3A_710, %add3A_711 : i32
        %mul3A_713 = arith.constant 10240 : i32
        %mul3A_714 = arith.muli %add3A, %mul3A_713 : i32
        %mul3A_715 = arith.constant 80 : i32
        %mul3A_716 = arith.muli %add3A_712, %mul3A_715 : i32
        %add3A_717 = arith.addi %mul3A_714, %mul3A_716 : i32
        %multiple_of3A_718 = tpu.assume_multiple %add3A_717, 8 : i32
        %dma_start3A_719 = arith.constant 2 : i32
        %dma_start3A_720 = arith.constant 2 : i32
        %dma_start3A_721 = arith.constant 0 : i32
        %dma_start3A_722 = arith.constant 0 : i32
        %dma_start3A_723 = tpu.memref_slice %arg7[%dma_start3A_719, %dma_start3A_721, %dma_start3A_722] : memref<4x80x128xf32, #tpu.memory_space<vmem>> -> memref<1x80x128xf32, #tpu.memory_space<vmem>>
        %dma_start3A_724 = tpu.memref_squeeze %dma_start3A_723 : memref<1x80x128xf32, #tpu.memory_space<vmem>> -> memref<80x128xf32, #tpu.memory_space<vmem>>
        %dma_start3A_725 = arith.constant 0 : i32
        %dma_start3A_726 = tpu.memref_slice %arg3[%multiple_of3A_718, %dma_start3A_725] : memref<320000x128xf32, #tpu.memory_space<hbm>> -> memref<80x128xf32, #tpu.memory_space<hbm>>
        %dma_start3A_727 = tpu.memref_slice %arg11[%dma_start3A_720] : memref<4x!tpu.dma_semaphore, #tpu.memory_space<semaphore_mem>> -> memref<1x!tpu.dma_semaphore, #tpu.memory_space<semaphore_mem>>
        %dma_start3A_728 = tpu.memref_squeeze %dma_start3A_727 : memref<1x!tpu.dma_semaphore, #tpu.memory_space<semaphore_mem>> -> memref<!tpu.dma_semaphore, #tpu.memory_space<semaphore_mem>>
        %dma_start3A_729 = arith.constant 0 : i32
        %dma_start3A_730 = arith.constant 0 : i32
        %dma_start3A_731 = tpu.memref_slice %arg7[%dma_start3A_719, %dma_start3A_729, %dma_start3A_730] : memref<4x80x128xf32, #tpu.memory_space<vmem>> -> memref<1x80x128xf32, #tpu.memory_space<vmem>>
        %dma_start3A_732 = tpu.memref_squeeze %dma_start3A_731 : memref<1x80x128xf32, #tpu.memory_space<vmem>> -> memref<80x128xf32, #tpu.memory_space<vmem>>
        %dma_start3A_733 = arith.constant 0 : i32
        %dma_start3A_734 = tpu.memref_slice %arg3[%multiple_of3A_718, %dma_start3A_733] : memref<320000x128xf32, #tpu.memory_space<hbm>> -> memref<80x128xf32, #tpu.memory_space<hbm>>
        tpu.enqueue_dma source(%dma_start3A_734 : memref<80x128xf32, #tpu.memory_space<hbm>>) target(%dma_start3A_732 : memref<80x128xf32, #tpu.memory_space<vmem>>) target_semaphore(%dma_start3A_728 : memref<!tpu.dma_semaphore, #tpu.memory_space<semaphore_mem>>)
        %dma_start3A_735 = arith.constant 2 : i32
        %dma_start3A_736 = arith.constant 2 : i32
        %dma_start3A_737 = arith.constant 0 : i32
        %dma_start3A_738 = tpu.memref_slice %arg8[%dma_start3A_735, %dma_start3A_737] : memref<4x80xi32, #tpu.memory_space<vmem>> -> memref<1x80xi32, #tpu.memory_space<vmem>>
        %dma_start3A_739 = tpu.memref_squeeze %dma_start3A_738 : memref<1x80xi32, #tpu.memory_space<vmem>> -> memref<80xi32, #tpu.memory_space<vmem>>
        %dma_start3A_740 = tpu.memref_slice %arg4[%multiple_of3A_718] : memref<320000xi32, #tpu.memory_space<hbm>> -> memref<80xi32, #tpu.memory_space<hbm>>
        %dma_start3A_741 = tpu.memref_slice %arg11[%dma_start3A_736] : memref<4x!tpu.dma_semaphore, #tpu.memory_space<semaphore_mem>> -> memref<1x!tpu.dma_semaphore, #tpu.memory_space<semaphore_mem>>
        %dma_start3A_742 = tpu.memref_squeeze %dma_start3A_741 : memref<1x!tpu.dma_semaphore, #tpu.memory_space<semaphore_mem>> -> memref<!tpu.dma_semaphore, #tpu.memory_space<semaphore_mem>>
        %dma_start3A_743 = arith.constant 0 : i32
        %dma_start3A_744 = tpu.memref_slice %arg8[%dma_start3A_735, %dma_start3A_743] : memref<4x80xi32, #tpu.memory_space<vmem>> -> memref<1x80xi32, #tpu.memory_space<vmem>>
        %dma_start3A_745 = tpu.memref_squeeze %dma_start3A_744 : memref<1x80xi32, #tpu.memory_space<vmem>> -> memref<80xi32, #tpu.memory_space<vmem>>
        %dma_start3A_746 = tpu.memref_slice %arg4[%multiple_of3A_718] : memref<320000xi32, #tpu.memory_space<hbm>> -> memref<80xi32, #tpu.memory_space<hbm>>
        tpu.enqueue_dma source(%dma_start3A_746 : memref<80xi32, #tpu.memory_space<hbm>>) target(%dma_start3A_745 : memref<80xi32, #tpu.memory_space<vmem>>) target_semaphore(%dma_start3A_742 : memref<!tpu.dma_semaphore, #tpu.memory_space<semaphore_mem>>)
        %dma_start3A_747 = arith.constant 2 : i32
        %dma_start3A_748 = arith.constant 2 : i32
        %dma_start3A_749 = arith.constant 0 : i32
        %dma_start3A_750 = tpu.memref_slice %arg9[%dma_start3A_747, %dma_start3A_749] : memref<4x80xi32, #tpu.memory_space<vmem>> -> memref<1x80xi32, #tpu.memory_space<vmem>>
        %dma_start3A_751 = tpu.memref_squeeze %dma_start3A_750 : memref<1x80xi32, #tpu.memory_space<vmem>> -> memref<80xi32, #tpu.memory_space<vmem>>
        %dma_start3A_752 = tpu.memref_slice %arg5[%multiple_of3A_718] : memref<320000xi32, #tpu.memory_space<hbm>> -> memref<80xi32, #tpu.memory_space<hbm>>
        %dma_start3A_753 = tpu.memref_slice %arg11[%dma_start3A_748] : memref<4x!tpu.dma_semaphore, #tpu.memory_space<semaphore_mem>> -> memref<1x!tpu.dma_semaphore, #tpu.memory_space<semaphore_mem>>
        %dma_start3A_754 = tpu.memref_squeeze %dma_start3A_753 : memref<1x!tpu.dma_semaphore, #tpu.memory_space<semaphore_mem>> -> memref<!tpu.dma_semaphore, #tpu.memory_space<semaphore_mem>>
        %dma_start3A_755 = arith.constant 0 : i32
        %dma_start3A_756 = tpu.memref_slice %arg9[%dma_start3A_747, %dma_start3A_755] : memref<4x80xi32, #tpu.memory_space<vmem>> -> memref<1x80xi32, #tpu.memory_space<vmem>>
        %dma_start3A_757 = tpu.memref_squeeze %dma_start3A_756 : memref<1x80xi32, #tpu.memory_space<vmem>> -> memref<80xi32, #tpu.memory_space<vmem>>
        %dma_start3A_758 = tpu.memref_slice %arg5[%multiple_of3A_718] : memref<320000xi32, #tpu.memory_space<hbm>> -> memref<80xi32, #tpu.memory_space<hbm>>
        tpu.enqueue_dma source(%dma_start3A_758 : memref<80xi32, #tpu.memory_space<hbm>>) target(%dma_start3A_757 : memref<80xi32, #tpu.memory_space<vmem>>) target_semaphore(%dma_start3A_754 : memref<!tpu.dma_semaphore, #tpu.memory_space<semaphore_mem>>)
      } else {
      }
      %dma_wait3A_686 = arith.constant 3 : i32
      %dma_wait3A_687 = arith.constant 3 : i32
      %dma_wait3A_688 = arith.constant 3 : i32
      %dma_wait3A_689 = arith.constant 0 : i32
      %dma_wait3A_690 = arith.constant 0 : i32
      %dma_wait3A_691 = tpu.memref_slice %arg7[%dma_wait3A_686, %dma_wait3A_689, %dma_wait3A_690] : memref<4x80x128xf32, #tpu.memory_space<vmem>> -> memref<1x80x128xf32, #tpu.memory_space<vmem>>
      %dma_wait3A_692 = tpu.memref_squeeze %dma_wait3A_691 : memref<1x80x128xf32, #tpu.memory_space<vmem>> -> memref<80x128xf32, #tpu.memory_space<vmem>>
      %dma_wait3A_693 = arith.constant 0 : i32
      %dma_wait3A_694 = tpu.memref_slice %arg9[%dma_wait3A_687, %dma_wait3A_693] : memref<4x80xi32, #tpu.memory_space<vmem>> -> memref<1x80xi32, #tpu.memory_space<vmem>>
      %dma_wait3A_695 = tpu.memref_squeeze %dma_wait3A_694 : memref<1x80xi32, #tpu.memory_space<vmem>> -> memref<80xi32, #tpu.memory_space<vmem>>
      %dma_wait3A_696 = arith.constant 0 : i32
      %dma_wait3A_697 = arith.constant 0 : i32
      %dma_wait3A_698 = tpu.memref_slice %arg10[%dma_wait3A_696, %dma_wait3A_697] : memref<10240x128xf32, #tpu.memory_space<vmem_shared>> -> memref<10240x128xf32, #tpu.memory_space<vmem_shared>>
      %dma_wait3A_699 = tpu.memref_slice %arg13[%dma_wait3A_688] : memref<4x!tpu.dma_semaphore, #tpu.memory_space<semaphore_mem>> -> memref<1x!tpu.dma_semaphore, #tpu.memory_space<semaphore_mem>>
      %dma_wait3A_700 = tpu.memref_squeeze %dma_wait3A_699 : memref<1x!tpu.dma_semaphore, #tpu.memory_space<semaphore_mem>> -> memref<!tpu.dma_semaphore, #tpu.memory_space<semaphore_mem>>
      tpu.wait_indirect_dma semaphore(%dma_wait3A_700 : memref<!tpu.dma_semaphore, #tpu.memory_space<semaphore_mem>>) src(%dma_wait3A_692 : memref<80x128xf32, #tpu.memory_space<vmem>>) dst(%dma_wait3A_698 : memref<10240x128xf32, #tpu.memory_space<vmem_shared>>)
      %add3A_701 = arith.constant 1 : i32
      %add3A_702 = arith.addi %while3A_240, %add3A_701 : i32
      %lt3A_703 = arith.cmpi slt, %add3A_702, %select_n3A : i32
      %convert_element_type3A_704 = arith.extui %lt3A_703 : i1 to i32
      %cond3A_705 = arith.constant 0 : i32
      %cond3A_706 = arith.cmpi ne, %convert_element_type3A_704, %cond3A_705 : i32
      scf.if %cond3A_706 {
        %add3A_707 = arith.constant 1 : i32
        %add3A_708 = arith.addi %while3A_240, %add3A_707 : i32
        %mul3A_709 = arith.constant 4 : i32
        %mul3A_710 = arith.muli %add3A_708, %mul3A_709 : i32
        %add3A_711 = arith.constant 3 : i32
        %add3A_712 = arith.addi %mul3A_710, %add3A_711 : i32
        %mul3A_713 = arith.constant 10240 : i32
        %mul3A_714 = arith.muli %add3A, %mul3A_713 : i32
        %mul3A_715 = arith.constant 80 : i32
        %mul3A_716 = arith.muli %add3A_712, %mul3A_715 : i32
        %add3A_717 = arith.addi %mul3A_714, %mul3A_716 : i32
        %multiple_of3A_718 = tpu.assume_multiple %add3A_717, 8 : i32
        %dma_start3A_719 = arith.constant 3 : i32
        %dma_start3A_720 = arith.constant 3 : i32
        %dma_start3A_721 = arith.constant 0 : i32
        %dma_start3A_722 = arith.constant 0 : i32
        %dma_start3A_723 = tpu.memref_slice %arg7[%dma_start3A_719, %dma_start3A_721, %dma_start3A_722] : memref<4x80x128xf32, #tpu.memory_space<vmem>> -> memref<1x80x128xf32, #tpu.memory_space<vmem>>
        %dma_start3A_724 = tpu.memref_squeeze %dma_start3A_723 : memref<1x80x128xf32, #tpu.memory_space<vmem>> -> memref<80x128xf32, #tpu.memory_space<vmem>>
        %dma_start3A_725 = arith.constant 0 : i32
        %dma_start3A_726 = tpu.memref_slice %arg3[%multiple_of3A_718, %dma_start3A_725] : memref<320000x128xf32, #tpu.memory_space<hbm>> -> memref<80x128xf32, #tpu.memory_space<hbm>>
        %dma_start3A_727 = tpu.memref_slice %arg11[%dma_start3A_720] : memref<4x!tpu.dma_semaphore, #tpu.memory_space<semaphore_mem>> -> memref<1x!tpu.dma_semaphore, #tpu.memory_space<semaphore_mem>>
        %dma_start3A_728 = tpu.memref_squeeze %dma_start3A_727 : memref<1x!tpu.dma_semaphore, #tpu.memory_space<semaphore_mem>> -> memref<!tpu.dma_semaphore, #tpu.memory_space<semaphore_mem>>
        %dma_start3A_729 = arith.constant 0 : i32
        %dma_start3A_730 = arith.constant 0 : i32
        %dma_start3A_731 = tpu.memref_slice %arg7[%dma_start3A_719, %dma_start3A_729, %dma_start3A_730] : memref<4x80x128xf32, #tpu.memory_space<vmem>> -> memref<1x80x128xf32, #tpu.memory_space<vmem>>
        %dma_start3A_732 = tpu.memref_squeeze %dma_start3A_731 : memref<1x80x128xf32, #tpu.memory_space<vmem>> -> memref<80x128xf32, #tpu.memory_space<vmem>>
        %dma_start3A_733 = arith.constant 0 : i32
        %dma_start3A_734 = tpu.memref_slice %arg3[%multiple_of3A_718, %dma_start3A_733] : memref<320000x128xf32, #tpu.memory_space<hbm>> -> memref<80x128xf32, #tpu.memory_space<hbm>>
        tpu.enqueue_dma source(%dma_start3A_734 : memref<80x128xf32, #tpu.memory_space<hbm>>) target(%dma_start3A_732 : memref<80x128xf32, #tpu.memory_space<vmem>>) target_semaphore(%dma_start3A_728 : memref<!tpu.dma_semaphore, #tpu.memory_space<semaphore_mem>>)
        %dma_start3A_735 = arith.constant 3 : i32
        %dma_start3A_736 = arith.constant 3 : i32
        %dma_start3A_737 = arith.constant 0 : i32
        %dma_start3A_738 = tpu.memref_slice %arg8[%dma_start3A_735, %dma_start3A_737] : memref<4x80xi32, #tpu.memory_space<vmem>> -> memref<1x80xi32, #tpu.memory_space<vmem>>
        %dma_start3A_739 = tpu.memref_squeeze %dma_start3A_738 : memref<1x80xi32, #tpu.memory_space<vmem>> -> memref<80xi32, #tpu.memory_space<vmem>>
        %dma_start3A_740 = tpu.memref_slice %arg4[%multiple_of3A_718] : memref<320000xi32, #tpu.memory_space<hbm>> -> memref<80xi32, #tpu.memory_space<hbm>>
        %dma_start3A_741 = tpu.memref_slice %arg11[%dma_start3A_736] : memref<4x!tpu.dma_semaphore, #tpu.memory_space<semaphore_mem>> -> memref<1x!tpu.dma_semaphore, #tpu.memory_space<semaphore_mem>>
        %dma_start3A_742 = tpu.memref_squeeze %dma_start3A_741 : memref<1x!tpu.dma_semaphore, #tpu.memory_space<semaphore_mem>> -> memref<!tpu.dma_semaphore, #tpu.memory_space<semaphore_mem>>
        %dma_start3A_743 = arith.constant 0 : i32
        %dma_start3A_744 = tpu.memref_slice %arg8[%dma_start3A_735, %dma_start3A_743] : memref<4x80xi32, #tpu.memory_space<vmem>> -> memref<1x80xi32, #tpu.memory_space<vmem>>
        %dma_start3A_745 = tpu.memref_squeeze %dma_start3A_744 : memref<1x80xi32, #tpu.memory_space<vmem>> -> memref<80xi32, #tpu.memory_space<vmem>>
        %dma_start3A_746 = tpu.memref_slice %arg4[%multiple_of3A_718] : memref<320000xi32, #tpu.memory_space<hbm>> -> memref<80xi32, #tpu.memory_space<hbm>>
        tpu.enqueue_dma source(%dma_start3A_746 : memref<80xi32, #tpu.memory_space<hbm>>) target(%dma_start3A_745 : memref<80xi32, #tpu.memory_space<vmem>>) target_semaphore(%dma_start3A_742 : memref<!tpu.dma_semaphore, #tpu.memory_space<semaphore_mem>>)
        %dma_start3A_747 = arith.constant 3 : i32
        %dma_start3A_748 = arith.constant 3 : i32
        %dma_start3A_749 = arith.constant 0 : i32
        %dma_start3A_750 = tpu.memref_slice %arg9[%dma_start3A_747, %dma_start3A_749] : memref<4x80xi32, #tpu.memory_space<vmem>> -> memref<1x80xi32, #tpu.memory_space<vmem>>
        %dma_start3A_751 = tpu.memref_squeeze %dma_start3A_750 : memref<1x80xi32, #tpu.memory_space<vmem>> -> memref<80xi32, #tpu.memory_space<vmem>>
        %dma_start3A_752 = tpu.memref_slice %arg5[%multiple_of3A_718] : memref<320000xi32, #tpu.memory_space<hbm>> -> memref<80xi32, #tpu.memory_space<hbm>>
        %dma_start3A_753 = tpu.memref_slice %arg11[%dma_start3A_748] : memref<4x!tpu.dma_semaphore, #tpu.memory_space<semaphore_mem>> -> memref<1x!tpu.dma_semaphore, #tpu.memory_space<semaphore_mem>>
        %dma_start3A_754 = tpu.memref_squeeze %dma_start3A_753 : memref<1x!tpu.dma_semaphore, #tpu.memory_space<semaphore_mem>> -> memref<!tpu.dma_semaphore, #tpu.memory_space<semaphore_mem>>
        %dma_start3A_755 = arith.constant 0 : i32
        %dma_start3A_756 = tpu.memref_slice %arg9[%dma_start3A_747, %dma_start3A_755] : memref<4x80xi32, #tpu.memory_space<vmem>> -> memref<1x80xi32, #tpu.memory_space<vmem>>
        %dma_start3A_757 = tpu.memref_squeeze %dma_start3A_756 : memref<1x80xi32, #tpu.memory_space<vmem>> -> memref<80xi32, #tpu.memory_space<vmem>>
        %dma_start3A_758 = tpu.memref_slice %arg5[%multiple_of3A_718] : memref<320000xi32, #tpu.memory_space<hbm>> -> memref<80xi32, #tpu.memory_space<hbm>>
        tpu.enqueue_dma source(%dma_start3A_758 : memref<80xi32, #tpu.memory_space<hbm>>) target(%dma_start3A_757 : memref<80xi32, #tpu.memory_space<vmem>>) target_semaphore(%dma_start3A_754 : memref<!tpu.dma_semaphore, #tpu.memory_space<semaphore_mem>>)
      } else {
      }
    }
    %barrier3A_232 = arith.constant 0 : index
    tpu.barrier barrier_id(%barrier3A_232)
    %mul3A_233 = arith.constant 640 : i32
    %mul3A_234 = arith.muli %arg1, %mul3A_233 : i32
    %mul3A_235 = arith.constant 10240 : i32
    %mul3A_236 = arith.muli %arg0, %mul3A_235 : i32
    %mul3A_237 = arith.constant 640 : i32
    %mul3A_238 = arith.muli %arg1, %mul3A_237 : i32
    %add3A_239 = arith.addi %mul3A_236, %mul3A_238 : i32
    "tpu.region"() ({
      %run_scoped3A_240 = tpu.sem_alloc : memref<!tpu.dma_semaphore, #tpu.memory_space<semaphore_mem>>
      %dma_start3A_241 = arith.constant 0 : i32
      %dma_start3A_242 = tpu.memref_slice %arg6[%add3A_239, %dma_start3A_241] : memref<20480x128xf32, #tpu.memory_space<hbm>> -> memref<640x128xf32, #tpu.memory_space<hbm>>
      %dma_start3A_243 = arith.constant 0 : i32
      %dma_start3A_244 = tpu.memref_slice %arg10[%mul3A_234, %dma_start3A_243] : memref<10240x128xf32, #tpu.memory_space<vmem_shared>> -> memref<640x128xf32, #tpu.memory_space<vmem_shared>>
      tpu.enqueue_dma source(%dma_start3A_244 : memref<640x128xf32, #tpu.memory_space<vmem_shared>>) target(%dma_start3A_242 : memref<640x128xf32, #tpu.memory_space<hbm>>) target_semaphore(%run_scoped3A_240 : memref<!tpu.dma_semaphore, #tpu.memory_space<semaphore_mem>>)
      %dma_wait3A = arith.constant 0 : i32
      %dma_wait3A_245 = tpu.memref_slice %arg6[%add3A_239, %dma_wait3A] : memref<20480x128xf32, #tpu.memory_space<hbm>> -> memref<640x128xf32, #tpu.memory_space<hbm>>
      %dma_wait3A_246 = arith.constant 0 : i32
      %dma_wait3A_247 = tpu.memref_slice %arg10[%mul3A_234, %dma_wait3A_246] : memref<10240x128xf32, #tpu.memory_space<vmem_shared>> -> memref<640x128xf32, #tpu.memory_space<vmem_shared>>
      tpu.wait_dma2 semaphore(%run_scoped3A_240 : memref<!tpu.dma_semaphore, #tpu.memory_space<semaphore_mem>>) src(%dma_wait3A_247 : memref<640x128xf32, #tpu.memory_space<vmem_shared>>) dst(%dma_wait3A_245 : memref<640x128xf32, #tpu.memory_space<hbm>>)
      tpu.yield
    }) : () -> ()
    return
  }
}

module attributes {stable_mosaic.version = 14 : i64} {
  func.func @_mm_body(%arg0: i32, %arg1: memref<1000x128xf32, #tpu.memory_space<vmem>>, %arg2: memref<128x128xf32, #tpu.memory_space<vmem>>, %arg3: memref<1000x128xf32, #tpu.memory_space<vmem>>) attributes {dimension_semantics = [#tpu.dimension_semantics<arbitrary>], iteration_bounds = array<i64: 10>, scalar_prefetch = 0 : i64, scratch_operands = 0 : i64, tpu.core_type = #tpu.core_type<tc>, window_params = [{transform_indices = @transform_0, window_bounds = array<i64: 1000, 128>}, {pipeline_mode = #tpu.pipeline_mode<synchronous>, transform_indices = @transform_1, window_bounds = array<i64: 128, 128>}, {transform_indices = @transform_2, window_bounds = array<i64: 1000, 128>}]} {
    %get3A = arith.constant 0 : index
    %get3A_0 = arith.constant 0 : index
    %get3A_1 = vector.load %arg1[%get3A, %get3A_0] : memref<1000x128xf32, #tpu.memory_space<vmem>>, vector<1000x128xf32>
    %get3A_2 = arith.constant 0 : index
    %get3A_3 = arith.constant 0 : index
    %get3A_4 = vector.load %arg2[%get3A_2, %get3A_3] : memref<128x128xf32, #tpu.memory_space<vmem>>, vector<128x128xf32>
    %dot_general3A = arith.constant dense<0.000000e+00> : vector<1000x128xf32>
    %dot_general3A_5 = tpu.matmul %get3A_1, %get3A_4, %dot_general3A {dimension_numbers = #tpu.dot_dimension_numbers<[1], [0], [0], [1], [0, 0, 1, 1], [], []>, transpose_lhs_hint = false} : vector<1000x128xf32>, vector<128x128xf32>, vector<1000x128xf32> -> vector<1000x128xf32>
    %swap3A = arith.constant 0 : index
    %swap3A_6 = arith.constant 0 : index
    %swap3A_7 = vector.load %arg3[%swap3A, %swap3A_6] : memref<1000x128xf32, #tpu.memory_space<vmem>>, vector<1000x128xf32>
    tpu.vector_store %arg3[%swap3A, %swap3A_6], %dot_general3A_5 {strides = array<i32>} : memref<1000x128xf32, #tpu.memory_space<vmem>>, vector<1000x128xf32>,
    return
  }
  func.func @transform_0(%arg0: i32) -> (i32, i32) {
    %c0_i32 = arith.constant 0 : i32
    %c0_i32_0 = arith.constant 0 : i32
    return %arg0, %c0_i32 : i32, i32
  }
  func.func @transform_1(%arg0: i32) -> (i32, i32) {
    %c0_i32 = arith.constant 0 : i32
    %c0_i32_0 = arith.constant 0 : i32
    %c0_i32_1 = arith.constant 0 : i32
    return %c0_i32, %c0_i32_0 : i32, i32
  }
  func.func @transform_2(%arg0: i32) -> (i32, i32) {
    %c0_i32 = arith.constant 0 : i32
    %c0_i32_0 = arith.constant 0 : i32
    return %arg0, %c0_i32 : i32, i32
  }
}

module attributes {stable_mosaic.version = 14 : i64} {
  func.func @_mm_body(%arg0: i32, %arg1: memref<4000x16xf32, #tpu.memory_space<vmem>>, %arg2: memref<16x128xf32, #tpu.memory_space<vmem>>, %arg3: memref<4000x128xf32, #tpu.memory_space<vmem>>) attributes {dimension_semantics = [#tpu.dimension_semantics<arbitrary>], iteration_bounds = array<i64: 80>, scalar_prefetch = 0 : i64, scratch_operands = 0 : i64, tpu.core_type = #tpu.core_type<tc>, window_params = [{transform_indices = @transform_0, window_bounds = array<i64: 4000, 16>}, {pipeline_mode = #tpu.pipeline_mode<synchronous>, transform_indices = @transform_1, window_bounds = array<i64: 16, 128>}, {transform_indices = @transform_2, window_bounds = array<i64: 4000, 128>}]} {
    %get3A = arith.constant 0 : index
    %get3A_0 = arith.constant 0 : index
    %get3A_1 = vector.load %arg1[%get3A, %get3A_0] : memref<4000x16xf32, #tpu.memory_space<vmem>>, vector<4000x16xf32>
    %get3A_2 = arith.constant 0 : index
    %get3A_3 = arith.constant 0 : index
    %get3A_4 = vector.load %arg2[%get3A_2, %get3A_3] : memref<16x128xf32, #tpu.memory_space<vmem>>, vector<16x128xf32>
    %dot_general3A = arith.constant dense<0.000000e+00> : vector<4000x128xf32>
    %dot_general3A_5 = tpu.matmul %get3A_1, %get3A_4, %dot_general3A {dimension_numbers = #tpu.dot_dimension_numbers<[1], [0], [0], [1], [0, 0, 1, 1], [], []>, transpose_lhs_hint = false} : vector<4000x16xf32>, vector<16x128xf32>, vector<4000x128xf32> -> vector<4000x128xf32>
    %swap3A = arith.constant 0 : index
    %swap3A_6 = arith.constant 0 : index
    %swap3A_7 = vector.load %arg3[%swap3A, %swap3A_6] : memref<4000x128xf32, #tpu.memory_space<vmem>>, vector<4000x128xf32>
    tpu.vector_store %arg3[%swap3A, %swap3A_6], %dot_general3A_5 {strides = array<i32>} : memref<4000x128xf32, #tpu.memory_space<vmem>>, vector<4000x128xf32>,
    return
  }
  func.func @transform_0(%arg0: i32) -> (i32, i32) {
    %c0_i32 = arith.constant 0 : i32
    %c0_i32_0 = arith.constant 0 : i32
    return %arg0, %c0_i32 : i32, i32
  }
  func.func @transform_1(%arg0: i32) -> (i32, i32) {
    %c0_i32 = arith.constant 0 : i32
    %c0_i32_0 = arith.constant 0 : i32
    %c0_i32_1 = arith.constant 0 : i32
    return %c0_i32, %c0_i32_0 : i32, i32
  }
  func.func @transform_2(%arg0: i32) -> (i32, i32) {
    %c0_i32 = arith.constant 0 : i32
    %c0_i32_0 = arith.constant 0 : i32
    return %arg0, %c0_i32 : i32, i32
  }
}

module attributes {stable_mosaic.version = 14 : i64} {
  func.func @_pool_body(%arg0: i32, %arg1: memref<1000x128xf32, #tpu.memory_space<vmem>>, %arg2: memref<1x1000x128xf32, #tpu.memory_space<vmem>>, %arg3: memref<1x1000x128xf32, #tpu.memory_space<vmem>>, %arg4: memref<1x1x1000xi32, #tpu.memory_space<vmem>>, %arg5: memref<128x128xf32, #tpu.memory_space<vmem>>, %arg6: memref<1x128xf32, #tpu.memory_space<vmem>>, %arg7: memref<64x128xf32, #tpu.memory_space<vmem>>, %arg8: memref<64x128xf32, #tpu.memory_space<vmem>>, %arg9: memref<64x1xf32, #tpu.memory_space<vmem>>) attributes {dimension_semantics = [#tpu.dimension_semantics<arbitrary>], iteration_bounds = array<i64: 10>, scalar_prefetch = 0 : i64, scratch_operands = 2 : i64, tpu.core_type = #tpu.core_type<tc>, window_params = [{transform_indices = @transform_0, window_bounds = array<i64: 1000, 128>}, {transform_indices = @transform_1, window_bounds = array<i64: 1, 1000, 128>}, {transform_indices = @transform_2, window_bounds = array<i64: 1, 1000, 128>}, {transform_indices = @transform_3, window_bounds = array<i64: 1, 1, 1000>}, {pipeline_mode = #tpu.pipeline_mode<synchronous>, transform_indices = @transform_4, window_bounds = array<i64: 128, 128>}, {pipeline_mode = #tpu.pipeline_mode<synchronous>, transform_indices = @transform_5, window_bounds = array<i64: 1, 128>}, {pipeline_mode = #tpu.pipeline_mode<synchronous>, transform_indices = @transform_6, window_bounds = array<i64: 64, 128>}]} {
    %eq3A = arith.constant 0 : i32
    %eq3A_0 = arith.cmpi eq, %arg0, %eq3A : i32
    %convert_element_type3A = arith.extui %eq3A_0 : i1 to i32
    %cond3A = arith.constant 0 : i32
    %cond3A_1 = arith.cmpi ne, %convert_element_type3A, %cond3A : i32
    scf.if %cond3A_1 {
      %broadcast_in_dim3A_57 = arith.constant 0.000000e+00 : f32
      %broadcast_in_dim3A_58 = vector.broadcast %broadcast_in_dim3A_57 : f32 to vector<64x128xf32>
      %swap3A_59 = arith.constant 0 : index
      %swap3A_60 = arith.constant 0 : index
      %swap3A_61 = vector.load %arg8[%swap3A_59, %swap3A_60] : memref<64x128xf32, #tpu.memory_space<vmem>>, vector<64x128xf32>
      tpu.vector_store %arg8[%swap3A_59, %swap3A_60], %broadcast_in_dim3A_58 {strides = array<i32>} : memref<64x128xf32, #tpu.memory_space<vmem>>, vector<64x128xf32>,
      %broadcast_in_dim3A_62 = arith.constant 0.000000e+00 : f32
      %broadcast_in_dim3A_63 = vector.broadcast %broadcast_in_dim3A_62 : f32 to vector<64x1xf32>
      %swap3A_64 = arith.constant 0 : index
      %swap3A_65 = arith.constant 0 : index
      %swap3A_66 = vector.load %arg9[%swap3A_64, %swap3A_65] : memref<64x1xf32, #tpu.memory_space<vmem>>, vector<64x1xf32>
      tpu.vector_store %arg9[%swap3A_64, %swap3A_65], %broadcast_in_dim3A_63 {strides = array<i32>} : memref<64x1xf32, #tpu.memory_space<vmem>>, vector<64x1xf32>,
    } else {
    }
    %get3A = arith.constant 0 : index
    %get3A_2 = arith.constant 0 : index
    %get3A_3 = vector.load %arg1[%get3A, %get3A_2] : memref<1000x128xf32, #tpu.memory_space<vmem>>, vector<1000x128xf32>
    %get3A_4 = arith.constant 0 : index
    %get3A_5 = arith.constant 0 : index
    %get3A_6 = vector.load %arg5[%get3A_4, %get3A_5] : memref<128x128xf32, #tpu.memory_space<vmem>>, vector<128x128xf32>
    %dot_general3A = arith.constant dense<0.000000e+00> : vector<1000x128xf32>
    %dot_general3A_7 = tpu.matmul %get3A_3, %get3A_6, %dot_general3A {dimension_numbers = #tpu.dot_dimension_numbers<[1], [0], [0], [1], [0, 0, 1, 1], [], []>, transpose_lhs_hint = false} : vector<1000x128xf32>, vector<128x128xf32>, vector<1000x128xf32> -> vector<1000x128xf32>
    %get3A_8 = arith.constant 0 : index
    %get3A_9 = arith.constant 0 : index
    %get3A_10 = vector.load %arg6[%get3A_8, %get3A_9] : memref<1x128xf32, #tpu.memory_space<vmem>>, vector<1x128xf32>
    %add3A = vector.broadcast %get3A_10 : vector<1x128xf32> to vector<1000x128xf32>
    %add3A_11 = arith.addf %dot_general3A_7, %add3A : vector<1000x128xf32>
    %get3A_12 = arith.constant 0 : index
    %get3A_13 = arith.constant 0 : index
    %get3A_14 = arith.constant 0 : index
    %get3A_15 = vector.load %arg2[%get3A_12, %get3A_13, %get3A_14] : memref<1x1000x128xf32, #tpu.memory_space<vmem>>, vector<1x1000x128xf32>
    %get3A_16 = vector.shape_cast %get3A_15 : vector<1x1000x128xf32> to vector<1000x128xf32>
    %add3A_17 = arith.addf %add3A_11, %get3A_16 : vector<1000x128xf32>
    %get3A_18 = arith.constant 0 : index
    %get3A_19 = arith.constant 0 : index
    %get3A_20 = arith.constant 0 : index
    %get3A_21 = vector.load %arg3[%get3A_18, %get3A_19, %get3A_20] : memref<1x1000x128xf32, #tpu.memory_space<vmem>>, vector<1x1000x128xf32>
    %get3A_22 = vector.shape_cast %get3A_21 : vector<1x1000x128xf32> to vector<1000x128xf32>
    %add3A_23 = arith.addf %add3A_17, %get3A_22 : vector<1000x128xf32>
    %max3A = arith.constant 0.000000e+00 : f32
    %max3A_24 = vector.broadcast %max3A : f32 to vector<1000x128xf32>
    %max3A_25 = arith.maximumf %add3A_23, %max3A_24 : vector<1000x128xf32>
    %get3A_26 = arith.constant 0 : index
    %get3A_27 = arith.constant 0 : index
    %get3A_28 = arith.constant 0 : index
    %get3A_29 = vector.load %arg4[%get3A_26, %get3A_27, %get3A_28] : memref<1x1x1000xi32, #tpu.memory_space<vmem>>, vector<1x1x1000xi32>
    %get3A_30 = vector.shape_cast %get3A_29 : vector<1x1x1000xi32> to vector<1x1000xi32>
    %broadcast_in_dim3A = vector.shape_cast %get3A_30 : vector<1x1000xi32> to vector<1x1000xi32>
    %broadcast_in_dim3A_31 = vector.broadcast %broadcast_in_dim3A : vector<1x1000xi32> to vector<64x1000xi32>
    %iota3A = tpu.iota {dimensions = array<i32: 0>} : vector<64x1000xi32>
    %eq3A_32 = arith.cmpi eq, %iota3A, %broadcast_in_dim3A_31 : vector<64x1000xi32>
    %convert_element_type3A_33 = arith.extui %eq3A_32 : vector<64x1000xi1> to vector<64x1000xi32>
    %convert_element_type3A_34 = arith.sitofp %convert_element_type3A_33 : vector<64x1000xi32> to vector<64x1000xf32>
    %get3A_35 = arith.constant 0 : index
    %get3A_36 = arith.constant 0 : index
    %get3A_37 = vector.load %arg8[%get3A_35, %get3A_36] : memref<64x128xf32, #tpu.memory_space<vmem>>, vector<64x128xf32>
    %dot_general3A_38 = arith.constant dense<0.000000e+00> : vector<64x128xf32>
    %dot_general3A_39 = tpu.matmul %convert_element_type3A_34, %max3A_25, %dot_general3A_38 {dimension_numbers = #tpu.dot_dimension_numbers<[1], [0], [0], [1], [0, 0, 1, 1], [], []>, transpose_lhs_hint = false} : vector<64x1000xf32>, vector<1000x128xf32>, vector<64x128xf32> -> vector<64x128xf32>
    %add3A_40 = arith.addf %get3A_37, %dot_general3A_39 : vector<64x128xf32>
    %swap3A = arith.constant 0 : index
    %swap3A_41 = arith.constant 0 : index
    %swap3A_42 = vector.load %arg8[%swap3A, %swap3A_41] : memref<64x128xf32, #tpu.memory_space<vmem>>, vector<64x128xf32>
    tpu.vector_store %arg8[%swap3A, %swap3A_41], %add3A_40 {strides = array<i32>} : memref<64x128xf32, #tpu.memory_space<vmem>>, vector<64x128xf32>,
    %get3A_43 = arith.constant 0 : index
    %get3A_44 = arith.constant 0 : index
    %get3A_45 = vector.load %arg9[%get3A_43, %get3A_44] : memref<64x1xf32, #tpu.memory_space<vmem>>, vector<64x1xf32>
    %reduce_sum3A = arith.constant dense<0.000000e+00> : vector<64xf32>
    %reduce_sum3A_46 = vector.multi_reduction <add>, %convert_element_type3A_34, %reduce_sum3A [1] : vector<64x1000xf32> to vector<64xf32>
    %broadcast_in_dim3A_47 = vector.shape_cast %reduce_sum3A_46 : vector<64xf32> to vector<64x1xf32>
    %add3A_48 = arith.addf %get3A_45, %broadcast_in_dim3A_47 : vector<64x1xf32>
    %swap3A_49 = arith.constant 0 : index
    %swap3A_50 = arith.constant 0 : index
    %swap3A_51 = vector.load %arg9[%swap3A_49, %swap3A_50] : memref<64x1xf32, #tpu.memory_space<vmem>>, vector<64x1xf32>
    tpu.vector_store %arg9[%swap3A_49, %swap3A_50], %add3A_48 {strides = array<i32>} : memref<64x1xf32, #tpu.memory_space<vmem>>, vector<64x1xf32>,
    %eq3A_52 = arith.constant 9 : i32
    %eq3A_53 = arith.cmpi eq, %arg0, %eq3A_52 : i32
    %convert_element_type3A_54 = arith.extui %eq3A_53 : i1 to i32
    %cond3A_55 = arith.constant 0 : i32
    %cond3A_56 = arith.cmpi ne, %convert_element_type3A_54, %cond3A_55 : i32
    scf.if %cond3A_56 {
      %get3A_57 = arith.constant 0 : index
      %get3A_58 = arith.constant 0 : index
      %get3A_59 = vector.load %arg8[%get3A_57, %get3A_58] : memref<64x128xf32, #tpu.memory_space<vmem>>, vector<64x128xf32>
      %get3A_60 = arith.constant 0 : index
      %get3A_61 = arith.constant 0 : index
      %get3A_62 = vector.load %arg9[%get3A_60, %get3A_61] : memref<64x1xf32, #tpu.memory_space<vmem>>, vector<64x1xf32>
      %max3A_63 = arith.constant 1.000000e+00 : f32
      %max3A_64 = vector.broadcast %max3A_63 : f32 to vector<64x1xf32>
      %max3A_65 = arith.maximumf %get3A_62, %max3A_64 : vector<64x1xf32>
      %div3A = vector.broadcast %max3A_65 : vector<64x1xf32> to vector<64x128xf32>
      %div3A_66 = arith.divf %get3A_59, %div3A : vector<64x128xf32>
      %max3A_67 = arith.constant 0.000000e+00 : f32
      %max3A_68 = vector.broadcast %max3A_67 : f32 to vector<64x128xf32>
      %max3A_69 = arith.maximumf %div3A_66, %max3A_68 : vector<64x128xf32>
      %swap3A_70 = arith.constant 0 : index
      %swap3A_71 = arith.constant 0 : index
      %swap3A_72 = vector.load %arg7[%swap3A_70, %swap3A_71] : memref<64x128xf32, #tpu.memory_space<vmem>>, vector<64x128xf32>
      tpu.vector_store %arg7[%swap3A_70, %swap3A_71], %max3A_69 {strides = array<i32>} : memref<64x128xf32, #tpu.memory_space<vmem>>, vector<64x128xf32>,
    } else {
    }
    return
  }
  func.func @transform_0(%arg0: i32) -> (i32, i32) {
    %c0_i32 = arith.constant 0 : i32
    %c0_i32_0 = arith.constant 0 : i32
    return %arg0, %c0_i32 : i32, i32
  }
  func.func @transform_1(%arg0: i32) -> (i32, i32, i32) {
    %c0_i32 = arith.constant 0 : i32
    %c0_i32_0 = arith.constant 0 : i32
    %c0_i32_1 = arith.constant 0 : i32
    return %c0_i32, %arg0, %c0_i32_0 : i32, i32, i32
  }
  func.func @transform_2(%arg0: i32) -> (i32, i32, i32) {
    %c1_i32 = arith.constant 1 : i32
    %c0_i32 = arith.constant 0 : i32
    %c0_i32_0 = arith.constant 0 : i32
    return %c1_i32, %arg0, %c0_i32 : i32, i32, i32
  }
  func.func @transform_3(%arg0: i32) -> (i32, i32, i32) {
    %c0_i32 = arith.constant 0 : i32
    %c0_i32_0 = arith.constant 0 : i32
    %c0_i32_1 = arith.constant 0 : i32
    return %arg0, %c0_i32, %c0_i32_0 : i32, i32, i32
  }
  func.func @transform_4(%arg0: i32) -> (i32, i32) {
    %c0_i32 = arith.constant 0 : i32
    %c0_i32_0 = arith.constant 0 : i32
    %c0_i32_1 = arith.constant 0 : i32
    return %c0_i32, %c0_i32_0 : i32, i32
  }
  func.func @transform_5(%arg0: i32) -> (i32, i32) {
    %c0_i32 = arith.constant 0 : i32
    %c0_i32_0 = arith.constant 0 : i32
    %c0_i32_1 = arith.constant 0 : i32
    return %c0_i32, %c0_i32_0 : i32, i32
  }
  func.func @transform_6(%arg0: i32) -> (i32, i32) {
    %c0_i32 = arith.constant 0 : i32
    %c0_i32_0 = arith.constant 0 : i32
    %c0_i32_1 = arith.constant 0 : i32
    return %c0_i32, %c0_i32_0 : i32, i32
  }
}

</mosaic_0001>

<sc_bundles>
// kernel: kernel.6.cloned.1.call-start
scs
__scs_entry_jumppad:
0x0: {  	(pc) =	sbr.rel $0x88, $3  }
0x1: {  	(tag) =	ssettag $0x0;
	lr =	simm.s32 $0x1  }
0x2: {  	[smem:$0x3F99] =	sst lr;
	_ =	strace $0xD0000000  }
0x3: {  	_ = 	snop  }
0x4: {  	_ = 	snop  }
0x5: {  	_ = 	snop  }
0x6: {  	_ = 	snop  }
0x7: {  	_ = 	snop  }
__scs_overlays_trampoline_lowered:
0x8: {  	[smem:$0x3FA8] =	sst s0  }
0x9: {  	[smem:$0x3FA9] =	sst s1  }
0xa: {  	[smem:$0x3FAA] =	sst s2  }
0xb: {  	[smem:$0x3FAB] =	sst s3  }
0xc: {  	[smem:$0x3FAC] =	sst s4  }
0xd: {  	[smem:$0x3FAD] =	sst s5  }
0xe: {  	[smem:$0x3FAE] =	sst s6  }
0xf: {  	[smem:$0x3FAF] =	sst s7  }
0x10: {  	[smem:$0x3FB0] =	sst s8  }
0x11: {  	[smem:$0x3FB1] =	sst s9;
	s0 =	simm.s32 @!p0 $0x0  }
0x12: {  	s1 =	sld [smem:$0x3F97];
	s0 =	simm.s32 @p0 $0x1  }
0x13: {  	[smem:$0x3FB2] =	sst s0;
	s0 =	simm.s32 @!p1 $0x0  }
0x14: {  	s2 =	sld [smem:$0x3F96];
	s0 =	simm.s32 @p1 $0x1  }
0x15: {  	[smem:$0x3FB3] =	sst s0;
	s0 =	simm.s32 @!p2 $0x0  }
0x16: {  	s3 =	sld [smem:$0x3FDB];
	s0 =	simm.s32 @p2 $0x1  }
0x17: {  	s4 =	simm.s32 $0x1BF5;
	[smem:$0x3FB5] =	sst s0  }
0x18: {  	s0 =	sld [smem:$0x3F98];
	_ =	swait.ge [sflag:s4], $0x0  }
0x19: {  	s7 =	sld [smem:$0x3F99]  }
0x1a: {  	s8 =	sadd.s32 $0xFFFFE003, lr  }
0x1b: {  	s9 =	sadd.s32 $0xFFFFFEF7, lr;
	s5 =	simm.s32 $0xFFFFFFFF;
	p2 =	slt.u32 s8, $0xFFFFF086  }
0x1c: {  	p1 =	slt.u32 s9, $0xF7A;
	s5 =	simm.s32 @!p2 $0x0  }
0x1d: {  	s5 =	simm.s32 @p1 $0x1;
	p0 =	seq.s32 s7, s2  }
0x1e: {  	s7 =	smul.u32 @!p0 $0xF7A, s2;
	p2 =	seq.s32 @!p0 s5, $0x0  }
0x1f: {  	s9 =	smul.u32 $0xF7A, s1;
	s8 =	simm.s32 @!p0 $0x1BF5;
	p2 =	por !p2, p0  }
0x20: {  	[sflag:s8] =	ssyncset.s32 @!p0 $0xFFFFF086;
	s6 =	sadd.s32 @!p0 s3, s7;
	s7 =	simm.s32 @!p0 $0x108  }
0x21: {  	s3 =	sadd.s32 s3, s9;
	s6 =	sadd.s32 @!p0 $0x88, s6;
	s7 =	simm.s32 @p2 $0x1082  }
0x22: {  	[simem:s7], [sflag:s8] =	dma.local @!p0 [hbm:s6], $0xF7A  }
0x23: {  	s9 =	sor.u32 $0xD0000000, s2;
	s6 =	simm.s32 $0x108;
	_ =	swait.ge @!p0 [sflag:s8], $0x0  }
0x24: {  	s3 =	sadd.s32 $0x88, s3;
	s6 =	simm.s32 @!p1 $0x1082;
	[sflag:s4] =	ssyncset.s32 $0xFFFFF086  }
0x25: {  	[simem:s6], [sflag:s4] =	dma.local [hbm:s3], $0xF7A  }
0x26: {  	[smem:$0x3F99] =	sst s1;
	(tag) =	ssettag s2;
	_ =	strace s9  }
0x27: {  	s1 =	sld [smem:$0x3FA9]  }
0x28: {  	s2 =	sld [smem:$0x3FAA]  }
0x29: {  	s4 =	sld [smem:$0x3FAC]  }
0x2a: {  	p0 =	seq.s32 s5, $0x0;
	s5 =	sld [smem:$0x3FAD]  }
0x2b: {  	s6 =	sld [smem:$0x3FAE]  }
0x2c: {  	s7 =	sld [smem:$0x3FAF]  }
0x2d: {  	s3 =	simm.s32 $0x108;
	s8 =	sld [smem:$0x3FB0]  }
0x2e: {  	s3 =	simm.s32 @!p0 $0x1082;
	s9 =	sld [smem:$0x3FB1]  }
0x2f: {  	lr =	sadd.s32 s0, s3;
	s0 =	sld [smem:$0x3FA8]  }
0x30: {  	s3 =	sld [smem:$0x3FAB]  }
0x31: {  	[smem:$0x3FB4] =	sst s10  }
0x32: {  	s10 =	sld [smem:$0x3FB2];
	_ =	sdelay $0x3  }
0x33: {  	p0 =	seq.s32 s10, $0x1;
	s10 =	sld [smem:$0x3FB4];
	_ =	sdelay $0x3  }
0x34: {  	[smem:$0x3FB4] =	sst s10  }
0x35: {  	s10 =	sld [smem:$0x3FB3];
	_ =	sdelay $0x3  }
0x36: {  	p1 =	seq.s32 s10, $0x1;
	s10 =	sld [smem:$0x3FB4];
	_ =	sdelay $0x3  }
0x37: {  	[smem:$0x3FB4] =	sst s10  }
0x38: {  	s10 =	sld [smem:$0x3FB5]  }
0x39: {  	_ = 	snop;
	(pc) =	sbr.ind lr, $3  }
0x3a: {  	_ = 	snop  }
0x3b: {  	_ = 	snop  }
0x3c: {  	p2 =	seq.s32 s10, $0x1;
	s10 =	sld [smem:$0x3FB4]  }
0x3d: {  	_ =	shalt  }
0x3e: {  	_ =	shalt  }
0x3f: {  	_ =	shalt  }
0x40: {  	_ =	shalt  }
0x41: {  	_ =	shalt  }
0x42: {  	_ =	shalt  }
0x43: {  	_ =	shalt  }
0x44: {  	_ =	shalt  }
0x45: {  	_ =	shalt  }
0x46: {  	_ =	shalt  }
0x47: {  	_ =	shalt  }
0x48: {  	_ =	shalt  }
0x49: {  	_ =	shalt  }
0x4a: {  	_ =	shalt  }
0x4b: {  	_ =	shalt  }
0x4c: {  	_ =	shalt  }
0x4d: {  	_ =	shalt  }
0x4e: {  	_ =	shalt  }
0x4f: {  	_ =	shalt  }
0x50: {  	_ =	shalt  }
0x51: {  	_ =	shalt  }
0x52: {  	_ =	shalt  }
0x53: {  	_ =	shalt  }
0x54: {  	_ =	shalt  }
0x55: {  	_ =	shalt  }
0x56: {  	_ =	shalt  }
0x57: {  	_ =	shalt  }
0x58: {  	_ =	shalt  }
0x59: {  	_ =	shalt  }
0x5a: {  	_ =	shalt  }
0x5b: {  	_ =	shalt  }
0x5c: {  	_ =	shalt  }
0x5d: {  	_ =	shalt  }
0x5e: {  	_ =	shalt  }
0x5f: {  	_ =	shalt  }
0x60: {  	_ =	shalt  }
0x61: {  	_ =	shalt  }
0x62: {  	_ =	shalt  }
0x63: {  	_ =	shalt  }
0x64: {  	_ =	shalt  }
0x65: {  	_ =	shalt  }
0x66: {  	_ =	shalt  }
0x67: {  	_ =	shalt  }
0x68: {  	_ =	shalt  }
0x69: {  	_ =	shalt  }
0x6a: {  	_ =	shalt  }
0x6b: {  	_ =	shalt  }
0x6c: {  	_ =	shalt  }
0x6d: {  	_ =	shalt  }
0x6e: {  	_ =	shalt  }
0x6f: {  	_ =	shalt  }
0x70: {  	_ =	shalt  }
0x71: {  	_ =	shalt  }
0x72: {  	_ =	shalt  }
0x73: {  	_ =	shalt  }
0x74: {  	_ =	shalt  }
0x75: {  	_ =	shalt  }
0x76: {  	_ =	shalt  }
0x77: {  	_ =	shalt  }
0x78: {  	_ =	shalt  }
0x79: {  	_ =	shalt  }
0x7a: {  	_ =	shalt  }
0x7b: {  	_ =	shalt  }
0x7c: {  	_ =	shalt  }
0x7d: {  	_ =	shalt  }
0x7e: {  	_ =	shalt  }
0x7f: {  	_ =	shalt  }
0x80: {  	_ =	shalt  }
0x81: {  	_ =	shalt  }
0x82: {  	_ =	shalt  }
0x83: {  	_ =	shalt  }
0x84: {  	_ =	shalt  }
0x85: {  	_ =	shalt  }
0x86: {  	_ =	shalt  }
0x87: {  	_ =	shalt  }
.Lfunc_end0:
.L_simem_size_0:
called_computation_lowered:
.L_overlay_start_0:
0x88: {  	s2 =	sld [smem:$0x3FD9]  }
0x89: {  	s3 =	sld [smem:$0x3FFE];
	_ =	sdelay $0x1  }
0x8a: {  	s1 =	srdreg.scid  }
0x8b: {  	s0 =	sand.u32 $0x1, s1  }
0x8c: {  	s16 =	sshll.u32 s0, $0xA;
	s2 =	sadd.s32 s3, s2  }
0x8d: {  	s2 =	sadd.s32 s2, s16  }
0x8e: {  	[smem:$0x3FC0] =	sst s2  }
0x8f: {  	_ = 	snop  }
0x90: {  	(tm) =	ssettm $0x1  }
0x91: {  	s17 =	sld [smem:$0x3FFB];
	_ =	sdelay $0x3  }
0x92: {  	_ =	strace s17  }
0x93: {  	s2 =	sld [smem:$0x3FFC];
	_ =	sdelay $0x3  }
0x94: {  	_ =	strace s2  }
0x95: {  	s2 =	sld [smem:$0x3FFD];
	_ =	sdelay $0x3  }
0x96: {  	_ =	strace s2  }
0x97: {  	_ =	strace $0x8FFFFFFF  }
0x98: {  	s18 =	sld [smem:$0x3FDB];
	_ =	sdelay $0x1  }
0x99: {  	s19 =	simm.s32 $_scs_section_size  }
0x9a: {  	s4 =	simm.s32 $_size__tile_overlayer_lowered;
	s5 =	simm.s32 $_tile_overlayer_lowered  }
0x9b: {  	s22 =	simm.s32 $0x1BFF;
	s21 =	sshll.u32 s5, $0x1;
	s2 =	sadd.s32 s19, s18  }
0x9c: {  	s6 =	simm.s32 $0x0;
	s20 =	sshll.u32 s4, $0x1;
	s4 =	sadd.s32 s21, s2  }
0x9d: {  	[timem:s6], [sflag:s22] =	dma.local [hbm:s4], s20  }
0x9e: {  	_ =	swait.ge [sflag:s22], s20  }
0x9f: {  	s3 =	ssub.s32 $0x0, s20;
	[sflag:s22] =	ssyncset.done $0x0  }
0xa0: {  	[sflag:s22] =	ssyncadd.s32 s3;
	_ =	sdelay $0x1  }
0xa1: {  	s23 =	simm.s32 $0x1B8B  }
0xa2: {  	_ =	swait.ge [sflag:s23], $0x1  }
0xa3: {  	[sflag:s23] =	ssyncset.done $0x0  }
0xa4: {  	s25 =	simm.s32 $0x1B8E;
	s24 =	sld [smem:$0x3FFE];
	[sflag:s23] =	ssyncadd.s32 $0xFFFFFFFF  }
0xa5: {  	s26 =	simm.s32 $execute0_lowered;
	[smem:$0x3FD2] =	sst s25  }
0xa6: {  	s4 =	sshll.u32 s26, $0x1;
	_ =	strace $0x80000046;
	[dreg:$0x1] =	wrdreg $0xFFFFFFFF  }
0xa7: {  	s28 =	simm.s32 $_size_execute0_lowered;
	s2 =	sadd.s32 s2, s4;
	[dreg:$0x0] =	wrdreg $0x0  }
0xa8: {  	s4 =	sshll.u32 s28, $0x1;
	[dreg:$0x2] =	wrdreg s2  }
0xa9: {  	[dreg:$0x3] =	wrdreg s4  }
0xaa: {  	[dreg:$0x4] =	wrdreg $0xC0  }
0xab: {  	_ =	task [dreg:s6], $0x5FFFF  }
0xac: {  	[dreg:$0x1] =	wrdreg $0xFFFFFFFF  }
0xad: {  	[dreg:$0x0] =	wrdreg $0x60  }
0xae: {  	[dreg:$0x2] =	wrdreg s24  }
0xaf: {  	[dreg:$0x3] =	wrdreg $0xA4000  }
0xb0: {  	[dreg:$0x4] =	wrdreg $0x9  }
0xb1: {  	_ =	task.clear_ibuf [dreg:s6], $0x5FFFF;
	_ =	strace $0x90000046  }
0xb2: {  	s29 =	simm.s32 $0x9;
	_ =	strace $0x80000048  }
0xb3: {  	_ =	swait.ge [sflag:s29], $0x1  }
0xb4: {  	[sflag:s29] =	ssyncadd.s32 $0xFFFFFFFF  }
0xb5: {  	_ =	strace $0x90000048  }
0xb6: {  	_ =	sfence  }
0xb7: {  	s30 =	sld [smem:$0x0];
	_ =	sdelay $0x2  }
0xb8: {  	s31 =	sshll.u32 s1, $0xD;
	s1 =	sshrl.u32 s1, $0x2  }
0xb9: {  	s3 =	sand.u32 $0x4000, s31;
	s1 =	sadd.s32 s1, s30  }
0xba: {  	s0 =	sor.u32 s3, s0;
	s1 =	sshll.u32 s1, $0x11  }
0xbb: {  	s0 =	sor.u32 s1, s0  }
0xbc: {  	s0 =	sadd.s32 $0x8F2B, s0  }
0xbd: {  	[sflag:s0] =	ssyncadd.remote.s32 $0x1  }
0xbe: {  	_ =	sfence.sel $0xFFFF  }
0xbf: {  	[dreg:$0x0] =	wrdreg $0xFFFFFFFF;
	(pc) =	sbr.abs _section_cstart, $3  }
0xc0: {  	[dreg:$0x1] =	wrdreg $0xFFFFFFFF  }
0xc1: {  	_ =	task.clear_ibuf [dreg:s6], $0x2FFFF;
	_ =	strace $0x9FFFFFFF  }
0xc2: {  	(tm) =	ssettm $0x7FFFFFFF  }
0xc3: {  	_ =	shalt  }
tec
execute0_lowered:
.L_overlay_start_1:
0x0: {  	(tag) =	ssettag $0x1  }
0x1: {  	s0 =	rddreg [dreg:$0x0]  }
0x2: {  	s1 =	rddreg [dreg:$0x1]  }
0x3: {  	s2 =	simm.s32 $0x0;
	s3 =	srdreg.scid;
	s11 =	stileid.u32  }
0x4: {  	s29 =	simm.s32 $0xA380;
	s30 =	simm.s32 $0x1;
	s31 =	simm.s32 $0x50  }
0x5: {  	[smem:$0x7FF] =	sst s2;
	s4 =	sadd.s32 $0x15000, s0;
	s5 =	sadd.s32 $0x4F7000, s0  }
0x6: {  	s3 =	sand.u32 $0x1, s3;
	s8 =	smul.u32 $0x2800, s11;
	s6 =	sadd.s32 $0xB200, s0  }
0x7: {  	s7 =	sadd.s32 $0x1400, s0;
	s9 =	smul.u32 $0x28000, s3;
	s10 =	sshll.u32 s3, $0x4  }
0x8: {  	s3 =	ssub.s32 $0x2, s3;
	s10 =	sor.u32 s11, s10;
	s11 =	smul.u32 $0x50000, s11  }
0x9: {  	s12 =	sshrl.u32 s3, $0x1;
	s9 =	sadd.s32 s8, s9;
	s8 =	smul.u32 $0x2800, s10  }
0xa: {  	_ =	strace $0x80000047;
	s13 =	smul.u32 $0x28000, s10;
	s3 =	ssub.s32 s3, s12  }
0xb: {  	p0 =	seq.s32 s10, $0x1F;
	s10 =	simm.s32 $0x4;
	s12 =	simm.s32 $0x5  }
0xc: {  	s11 =	sshrl.u32 s11, $0x2;
	s0 =	sadd.s32 s9, s0;
	s17 =	smax.u32 s3, $0x1  }
0xd: {  	s3 =	simm.s32 $0x3;
	s18 =	sadd.s32 s5, s13;
	[dreg:$0x11] =	wrdreg s17  }
0xe: {  	s21 =	sadd.s32 s11, s1;
	s0 =	sadd.s32 $0x3C200, s0;
	[dreg:$0x4] =	wrdreg s18  }
0xf: {  	s19 =	sshrl.u32 s8, $0x3;
	s11 =	sor.u32 $0x50, s8;
	[dreg:$0x10] =	wrdreg s0  }
0x10: {  	s15 =	sor.u32 $0xA0, s8;
	s20 =	sadd.s32 s6, s19;
	[dreg:$0x3] =	wrdreg s21  }
0x11: {  	s9 =	sadd.s32 s7, s19;
	s22 =	sshll.u32 s11, $0x4;
	[dreg:$0x5] =	wrdreg s20  }
0x12: {  	s23 =	sshrl.u32 s11, $0x3;
	s18 =	sadd.s32 $0x2800, s21;
	[dreg:$0x6] =	wrdreg s9  }
0x13: {  	s25 =	sshll.u32 s15, $0x4;
	s9 =	sadd.s32 s5, s22;
	[dreg:$0x12] =	wrdreg s18  }
0x14: {  	s26 =	sshrl.u32 s15, $0x3;
	s24 =	sadd.s32 s6, s23;
	[dreg:$0x7] =	wrdreg s9  }
0x15: {  	s19 =	sor.u32 $0xF0, s8;
	s28 =	sadd.s32 s6, s26;
	[dreg:$0x8] =	wrdreg s24  }
0x16: {  	s0 =	simm.s32 $0x2;
	s20 =	sadd.s32 $0x5000, s21;
	[dreg:$0xb] =	wrdreg s28  }
0x17: {  	s13 =	sshll.u32 s19, $0x4;
	s22 =	sadd.s32 $0x7800, s21;
	[dreg:$0x13] =	wrdreg s20  }
0x18: {  	s14 =	sshrl.u32 s19, $0x3;
	s9 =	sadd.s32 s7, s23;
	[dreg:$0x14] =	wrdreg s22  }
0x19: {  	s18 =	simm.s32 $0x2800;
	s16 =	sadd.s32 s6, s14;
	[dreg:$0x9] =	wrdreg s9  }
0x1a: {  	s23 =	sadd.s32 $0xA000, s21;
	s24 =	sadd.s32 $0xC800, s21;
	[dreg:$0xe] =	wrdreg s16  }
0x1b: {  	s28 =	sadd.s32 $0x11800, s21;
	s22 =	simm.s32 $0x5000;
	[dreg:$0x15] =	wrdreg s23  }
0x1c: {  	s20 =	simm.s32 $0x0;
	s9 =	sadd.s32 s5, s25;
	[dreg:$0x16] =	wrdreg s24  }
0x1d: {  	s25 =	simm.s32 $0x8;
	[dreg:$0x18] =	wrdreg s28;
	s23 =	simm.s32 $0xD  }
0x1e: {  	s16 =	simm.s32 $0x9;
	[dreg:$0xa] =	wrdreg s9;
	s9 =	sadd.s32 s7, s26  }
0x1f: {  	s25 =	simm.s32 @!p0 $0x20;
	s26 =	sadd.s32 $0xF000, s21;
	[dreg:$0xc] =	wrdreg s9  }
0x20: {  	s9 =	sadd.s32 s5, s13;
	[dreg:$0x17] =	wrdreg s26;
	s13 =	simm.s32 $0x8  }
0x21: {  	s26 =	simm.s32 $0x7800;
	[dreg:$0xd] =	wrdreg s9;
	s9 =	sadd.s32 s7, s14  }
0x22: {  	v0 =	vimm.f32 $0.0e+00;
	s14 =	simm.s32 $0x7;
	[dreg:$0xf] =	wrdreg s9;
	s9 =	simm.s32 $0x6  }
.LBB2_1:
0x23: {  	[dreg:$0x19] =	wrdreg s20;
	s17 =	simm.s32 $0x100  }
0x24: {  	[tilespmem:s17+$0xFFFFFF00] =	vst v0  }
0x25: {  	[tilespmem:s17+$0xF0] =	vst v0  }
0x26: {  	[tilespmem:s17+$0xE0] =	vst v0  }
0x27: {  	[tilespmem:s17+$0xD0] =	vst v0  }
0x28: {  	[tilespmem:s17+$0xC0] =	vst v0  }
0x29: {  	[tilespmem:s17+$0xB0] =	vst v0  }
0x2a: {  	[tilespmem:s17+$0xA0] =	vst v0  }
0x2b: {  	[tilespmem:s17+$0x90] =	vst v0  }
0x2c: {  	[tilespmem:s17+$0x80] =	vst v0  }
0x2d: {  	[tilespmem:s17+$0x70] =	vst v0  }
0x2e: {  	[tilespmem:s17+$0x60] =	vst v0  }
0x2f: {  	[tilespmem:s17+$0x50] =	vst v0  }
0x30: {  	[tilespmem:s17+$0x40] =	vst v0  }
0x31: {  	[tilespmem:s17+$0x30] =	vst v0  }
0x32: {  	[tilespmem:s17+$0x20] =	vst v0  }
0x33: {  	[tilespmem:s17+$0x10] =	vst v0  }
0x34: {  	[tilespmem:s17+$0x0] =	vst v0  }
0x35: {  	[tilespmem:s17+$0xFFFFFFF0] =	vst v0  }
0x36: {  	[tilespmem:s17+$0xFFFFFFE0] =	vst v0  }
0x37: {  	[tilespmem:s17+$0xFFFFFFD0] =	vst v0  }
0x38: {  	[tilespmem:s17+$0xFFFFFFC0] =	vst v0  }
0x39: {  	[tilespmem:s17+$0xFFFFFFB0] =	vst v0  }
0x3a: {  	[tilespmem:s17+$0xFFFFFFA0] =	vst v0  }
0x3b: {  	[tilespmem:s17+$0xFFFFFF90] =	vst v0  }
0x3c: {  	[tilespmem:s17+$0xFFFFFF80] =	vst v0  }
0x3d: {  	[tilespmem:s17+$0xFFFFFF70] =	vst v0  }
0x3e: {  	[tilespmem:s17+$0xFFFFFF60] =	vst v0  }
0x3f: {  	[tilespmem:s17+$0xFFFFFF50] =	vst v0  }
0x40: {  	[tilespmem:s17+$0xFFFFFF40] =	vst v0  }
0x41: {  	[tilespmem:s17+$0xFFFFFF30] =	vst v0  }
0x42: {  	s20 =	simm.s32 $0x0;
	[tilespmem:s17+$0xFFFFFF20] =	vst v0  }
.LBB2_2:
0x43: {  	s20 =	sadd.s32 $0x4, s20;
	[tilespmem:s17+$0xFFFFFF10] =	vst v0;
	s17 =	sadd.s32 $0x200, s17  }
0x44: {  	[tilespmem:s17+$0xFFFFFF00] =	vst v0;
	p0 =	slt.u32 s20, $0x4C  }
0x45: {  	[tilespmem:s17+$0xF0] =	vst v0  }
0x46: {  	[tilespmem:s17+$0xE0] =	vst v0  }
0x47: {  	[tilespmem:s17+$0xD0] =	vst v0  }
0x48: {  	[tilespmem:s17+$0xC0] =	vst v0  }
0x49: {  	[tilespmem:s17+$0xB0] =	vst v0  }
0x4a: {  	[tilespmem:s17+$0xA0] =	vst v0  }
0x4b: {  	[tilespmem:s17+$0x90] =	vst v0  }
0x4c: {  	[tilespmem:s17+$0x80] =	vst v0  }
0x4d: {  	[tilespmem:s17+$0x70] =	vst v0  }
0x4e: {  	[tilespmem:s17+$0x60] =	vst v0  }
0x4f: {  	[tilespmem:s17+$0x50] =	vst v0  }
0x50: {  	[tilespmem:s17+$0x40] =	vst v0  }
0x51: {  	[tilespmem:s17+$0x30] =	vst v0  }
0x52: {  	[tilespmem:s17+$0x20] =	vst v0  }
0x53: {  	[tilespmem:s17+$0x10] =	vst v0  }
0x54: {  	[tilespmem:s17+$0x0] =	vst v0  }
0x55: {  	[tilespmem:s17+$0xFFFFFFF0] =	vst v0  }
0x56: {  	[tilespmem:s17+$0xFFFFFFE0] =	vst v0  }
0x57: {  	[tilespmem:s17+$0xFFFFFFD0] =	vst v0  }
0x58: {  	[tilespmem:s17+$0xFFFFFFC0] =	vst v0  }
0x59: {  	[tilespmem:s17+$0xFFFFFFB0] =	vst v0  }
0x5a: {  	[tilespmem:s17+$0xFFFFFFA0] =	vst v0  }
0x5b: {  	[tilespmem:s17+$0xFFFFFF90] =	vst v0  }
0x5c: {  	[tilespmem:s17+$0xFFFFFF80] =	vst v0  }
0x5d: {  	[tilespmem:s17+$0xFFFFFF70] =	vst v0  }
.Ltmp0:
0x5e: {  	[tilespmem:s17+$0xFFFFFF60] =	vst v0;
	(pc) =	sbr.rel @p0 .LBB2_2-.Ltmp0, $4  }
0x5f: {  	[tilespmem:s17+$0xFFFFFF50] =	vst v0  }
0x60: {  	[tilespmem:s17+$0xFFFFFF40] =	vst v0  }
0x61: {  	[tilespmem:s17+$0xFFFFFF30] =	vst v0  }
0x62: {  	[tilespmem:s17+$0xFFFFFF20] =	vst v0  }
0x63: {  	[tilespmem:s17+$0xFFFFFF10] =	vst v0;
	s17 =	simm.s32 $0x0  }
0x64: {  	[spmem:s21] =	stream.linear.scatter [tilespmem:s17], [sflag:$0xD], $0x2800, $0x38;
	[tilespmem:$0x1E400] =	vst v63  }
0x65: {  	_ =	swait.ge [sflag:s23], $0x2800  }
0x66: {  	[sflag:s23] =	ssyncset.done $0x0  }
0x67: {  	s20 =	rddreg [dreg:$0x12];
	[sflag:s23] =	ssyncadd.s32 $0xFFFFD800  }
0x68: {  	[spmem:s20] =	stream.linear.scatter [tilespmem:s17], [sflag:$0xD], $0x2800, $0x38;
	[tilespmem:$0x1E400] =	vst v63  }
0x69: {  	_ =	swait.ge [sflag:s23], $0x2800  }
0x6a: {  	[sflag:s23] =	ssyncset.done $0x0  }
0x6b: {  	s28 =	rddreg [dreg:$0x13];
	[sflag:s23] =	ssyncadd.s32 $0xFFFFD800  }
0x6c: {  	[spmem:s28] =	stream.linear.scatter [tilespmem:s17], [sflag:$0xD], $0x2800, $0x38;
	[tilespmem:$0x1E400] =	vst v63  }
0x6d: {  	_ =	swait.ge [sflag:s23], $0x2800  }
0x6e: {  	[sflag:s23] =	ssyncset.done $0x0  }
0x6f: {  	s21 =	rddreg [dreg:$0x14];
	[sflag:s23] =	ssyncadd.s32 $0xFFFFD800  }
0x70: {  	[spmem:s21] =	stream.linear.scatter [tilespmem:s17], [sflag:$0xD], $0x2800, $0x38;
	[tilespmem:$0x1E400] =	vst v63  }
0x71: {  	_ =	swait.ge [sflag:s23], $0x2800  }
0x72: {  	[sflag:s23] =	ssyncset.done $0x0  }
0x73: {  	s24 =	rddreg [dreg:$0x15];
	[sflag:s23] =	ssyncadd.s32 $0xFFFFD800  }
0x74: {  	[spmem:s24] =	stream.linear.scatter [tilespmem:s17], [sflag:$0xD], $0x2800, $0x38;
	[tilespmem:$0x1E400] =	vst v63  }
0x75: {  	_ =	swait.ge [sflag:s23], $0x2800  }
0x76: {  	[sflag:s23] =	ssyncset.done $0x0  }
0x77: {  	s28 =	rddreg [dreg:$0x16];
	[sflag:s23] =	ssyncadd.s32 $0xFFFFD800  }
0x78: {  	[spmem:s28] =	stream.linear.scatter [tilespmem:s17], [sflag:$0xD], $0x2800, $0x38;
	[tilespmem:$0x1E400] =	vst v63  }
0x79: {  	_ =	swait.ge [sflag:s23], $0x2800  }
0x7a: {  	[sflag:s23] =	ssyncset.done $0x0  }
0x7b: {  	s21 =	rddreg [dreg:$0x17];
	[sflag:s23] =	ssyncadd.s32 $0xFFFFD800  }
0x7c: {  	[spmem:s21] =	stream.linear.scatter [tilespmem:s17], [sflag:$0xD], $0x2800, $0x38;
	[tilespmem:$0x1E400] =	vst v63  }
0x7d: {  	_ =	swait.ge [sflag:s23], $0x2800  }
0x7e: {  	[sflag:s23] =	ssyncset.done $0x0  }
0x7f: {  	s24 =	rddreg [dreg:$0x18];
	[sflag:s23] =	ssyncadd.s32 $0xFFFFD800  }
0x80: {  	[spmem:s24] =	stream.linear.scatter [tilespmem:s17], [sflag:$0xD], $0x2800, $0x38;
	[tilespmem:$0x1E400] =	vst v63  }
0x81: {  	_ =	swait.ge [sflag:s23], $0x2800  }
0x82: {  	[sflag:s23] =	ssyncset.done $0x0  }
0x83: {  	s28 =	rddreg [dreg:$0x4];
	[sflag:s23] =	ssyncadd.s32 $0xFFFFD800  }
0x84: {  	[tilespmem:s17], [sflag:$0x1] =	stream.linear.gather [hbm4b:s28+s17], $0x2800, $0x38;
	[tilespmem:$0x1E400] =	vst v63  }
0x85: {  	s21 =	rddreg [dreg:$0x5];
	s23 =	simm.s32 $0xA000  }
0x86: {  	[tilespmem:s23], [sflag:$0x1] =	stream.linear.gather [hbm4b:s21+s17], $0x50, $0x38;
	[tilespmem:$0x1E400] =	vst v63  }
0x87: {  	s24 =	rddreg [dreg:$0x6];
	s28 =	simm.s32 $0xA200  }
0x88: {  	[tilespmem:s28], [sflag:$0x1] =	stream.linear.gather [hbm4b:s24+s17], $0x50, $0x38;
	[tilespmem:$0x1E400] =	vst v63  }
0x89: {  	s23 =	rddreg [dreg:$0x7]  }
0x8a: {  	[tilespmem:s18], [sflag:$0x2] =	stream.linear.gather [hbm4b:s23+s17], $0x2800, $0x38;
	[tilespmem:$0x1E400] =	vst v63  }
0x8b: {  	s24 =	rddreg [dreg:$0x8];
	s28 =	simm.s32 $0xA080  }
0x8c: {  	[tilespmem:s28], [sflag:$0x2] =	stream.linear.gather [hbm4b:s24+s17], $0x50, $0x38;
	[tilespmem:$0x1E400] =	vst v63  }
0x8d: {  	s23 =	rddreg [dreg:$0x9];
	s24 =	simm.s32 $0xA280  }
0x8e: {  	[tilespmem:s24], [sflag:$0x2] =	stream.linear.gather [hbm4b:s23+s17], $0x50, $0x38;
	[tilespmem:$0x1E400] =	vst v63  }
0x8f: {  	s28 =	rddreg [dreg:$0xa]  }
0x90: {  	[tilespmem:s22], [sflag:$0x3] =	stream.linear.gather [hbm4b:s28+s17], $0x2800, $0x38;
	[tilespmem:$0x1E400] =	vst v63  }
0x91: {  	s21 =	rddreg [dreg:$0xb];
	s23 =	simm.s32 $0xA100  }
0x92: {  	[tilespmem:s23], [sflag:$0x3] =	stream.linear.gather [hbm4b:s21+s17], $0x50, $0x38;
	[tilespmem:$0x1E400] =	vst v63  }
0x93: {  	s24 =	rddreg [dreg:$0xc];
	s28 =	simm.s32 $0xA300  }
0x94: {  	[tilespmem:s28], [sflag:$0x3] =	stream.linear.gather [hbm4b:s24+s17], $0x50, $0x38;
	[tilespmem:$0x1E400] =	vst v63  }
0x95: {  	s21 =	rddreg [dreg:$0xd]  }
0x96: {  	[tilespmem:s26], [sflag:$0x4] =	stream.linear.gather [hbm4b:s21+s17], $0x2800, $0x38;
	[tilespmem:$0x1E400] =	vst v63  }
0x97: {  	s23 =	rddreg [dreg:$0xe];
	s24 =	simm.s32 $0xA180  }
0x98: {  	[tilespmem:s24], [sflag:$0x4] =	stream.linear.gather [hbm4b:s23+s17], $0x50, $0x38;
	[tilespmem:$0x1E400] =	vst v63  }
0x99: {  	s28 =	rddreg [dreg:$0xf]  }
0x9a: {  	[tilespmem:s29], [sflag:$0x4] =	stream.linear.gather [hbm4b:s28+s17], $0x50, $0x38;
	[tilespmem:$0x1E400] =	vst v63  }
0x9b: {  	[bflag:$0x0] =	sbarrier.arrive $0xFFFF  }
.LBB2_4:
0x9c: {  	_ =	swait.ge [sflag:s30], $0x2800  }
0x9d: {  	[sflag:s30] =	ssyncset.done $0x0  }
0x9e: {  	[sflag:s30] =	ssyncadd.s32 $0xFFFFD800  }
0x9f: {  	_ =	swait.ge [sflag:s30], $0x50  }
0xa0: {  	[sflag:s30] =	ssyncset.done $0x0  }
0xa1: {  	[sflag:s30] =	ssyncadd.s32 $0xFFFFFFB0  }
0xa2: {  	_ =	swait.ge [sflag:s30], $0x50  }
0xa3: {  	[sflag:s30] =	ssyncset.done $0x0  }
0xa4: {  	s20 =	simm.s32 $0xA000;
	[sflag:s30] =	ssyncadd.s32 $0xFFFFFFB0  }
0xa5: {  	[tilespmem:s2], [sflag:$0x5] =	stream.indirect.gather.add.f32 [hbm:s4], $0x80, s20, s31, $0xb8;
	[tilespmem:$0x1E400] =	vst v63  }
0xa6: {  	_ =	swait.ge [sflag:s0], $0x2800  }
0xa7: {  	[sflag:s0] =	ssyncset.done $0x0  }
0xa8: {  	[sflag:s0] =	ssyncadd.s32 $0xFFFFD800  }
0xa9: {  	_ =	swait.ge [sflag:s0], $0x50  }
0xaa: {  	[sflag:s0] =	ssyncset.done $0x0  }
0xab: {  	[sflag:s0] =	ssyncadd.s32 $0xFFFFFFB0  }
0xac: {  	_ =	swait.ge [sflag:s0], $0x50  }
0xad: {  	[sflag:s0] =	ssyncset.done $0x0  }
0xae: {  	s23 =	simm.s32 $0xA080;
	[sflag:s0] =	ssyncadd.s32 $0xFFFFFFB0  }
0xaf: {  	[tilespmem:s18], [sflag:$0x6] =	stream.indirect.gather.add.f32 [hbm:s4], $0x80, s23, s31, $0xb8;
	[tilespmem:$0x1E400] =	vst v63  }
0xb0: {  	_ =	swait.ge [sflag:s3], $0x2800  }
0xb1: {  	[sflag:s3] =	ssyncset.done $0x0  }
0xb2: {  	[sflag:s3] =	ssyncadd.s32 $0xFFFFD800  }
0xb3: {  	_ =	swait.ge [sflag:s3], $0x50  }
0xb4: {  	[sflag:s3] =	ssyncset.done $0x0  }
0xb5: {  	[sflag:s3] =	ssyncadd.s32 $0xFFFFFFB0  }
0xb6: {  	_ =	swait.ge [sflag:s3], $0x50  }
0xb7: {  	[sflag:s3] =	ssyncset.done $0x0  }
0xb8: {  	s24 =	simm.s32 $0xA100;
	[sflag:s3] =	ssyncadd.s32 $0xFFFFFFB0  }
0xb9: {  	[tilespmem:s22], [sflag:$0x7] =	stream.indirect.gather.add.f32 [hbm:s4], $0x80, s24, s31, $0xb8;
	[tilespmem:$0x1E400] =	vst v63  }
0xba: {  	_ =	swait.ge [sflag:s10], $0x2800  }
0xbb: {  	[sflag:s10] =	ssyncset.done $0x0  }
0xbc: {  	[sflag:s10] =	ssyncadd.s32 $0xFFFFD800  }
0xbd: {  	_ =	swait.ge [sflag:s10], $0x50  }
0xbe: {  	[sflag:s10] =	ssyncset.done $0x0  }
0xbf: {  	[sflag:s10] =	ssyncadd.s32 $0xFFFFFFB0  }
0xc0: {  	_ =	swait.ge [sflag:s10], $0x50  }
0xc1: {  	[sflag:s10] =	ssyncset.done $0x0  }
0xc2: {  	s28 =	simm.s32 $0xA180;
	[sflag:s10] =	ssyncadd.s32 $0xFFFFFFB0  }
0xc3: {  	[tilespmem:s26], [sflag:$0x8] =	stream.indirect.gather.add.f32 [hbm:s4], $0x80, s28, s31, $0xb8;
	[tilespmem:$0x1E400] =	vst v63  }
0xc4: {  	_ =	swait.ge [sflag:s12], $0x2800  }
0xc5: {  	[sflag:s12] =	ssyncset.done $0x0  }
0xc6: {  	s20 =	simm.s32 $0x100;
	[sflag:s12] =	ssyncadd.s32 $0xFFFFD800  }
0xc7: {  	v1 =	vld [tilespmem:s20+$0xFFFFFF10]  }
0xc8: {  	v7 =	vld [tilespmem:s20+$0xF0]  }
0xc9: {  	v2 =	vld [tilespmem:s20+$0xFFFFFF20]  }
0xca: {  	v8 =	vld [tilespmem:s20+$0xFFFFFF80]  }
0xcb: {  	v3 =	vld [tilespmem:s20+$0xFFFFFF30]  }
0xcc: {  	v9 =	vld [tilespmem:s20+$0xFFFFFF90];
	v1 =	vmax.f32 v1, $0.0e+00  }
0xcd: {  	v4 =	vld [tilespmem:s20+$0xFFFFFF40];
	v7 =	vmax.f32 v7, $0.0e+00;
	[tilespmem:s20+$0xFFFFFF10] =	vst v1  }
0xce: {  	v5 =	vld [tilespmem:s20+$0xFFFFFF50];
	v2 =	vmax.f32 v2, $0.0e+00;
	[tilespmem:s20+$0xF0] =	vst v7  }
0xcf: {  	v6 =	vld [tilespmem:s20+$0xFFFFFF60];
	[tilespmem:s20+$0xFFFFFF20] =	vst v2;
	v2 =	vmax.f32 v8, $0.0e+00  }
0xd0: {  	v1 =	vld [tilespmem:s20+$0xFFFFFF70];
	[tilespmem:s20+$0xFFFFFF80] =	vst v2;
	v2 =	vmax.f32 v3, $0.0e+00  }
0xd1: {  	v10 =	vld [tilespmem:s20+$0xFFFFFFA0];
	[tilespmem:s20+$0xFFFFFF30] =	vst v2;
	v2 =	vmax.f32 v9, $0.0e+00  }
0xd2: {  	v11 =	vld [tilespmem:s20+$0xFFFFFFB0];
	[tilespmem:s20+$0xFFFFFF90] =	vst v2;
	v2 =	vmax.f32 v4, $0.0e+00  }
0xd3: {  	v7 =	vld [tilespmem:s20+$0xFFFFFFC0];
	[tilespmem:s20+$0xFFFFFF40] =	vst v2;
	v2 =	vmax.f32 v5, $0.0e+00  }
0xd4: {  	v5 =	vld [tilespmem:s20+$0x0];
	[tilespmem:s20+$0xFFFFFF50] =	vst v2;
	v2 =	vmax.f32 v6, $0.0e+00  }
0xd5: {  	v8 =	vld [tilespmem:s20+$0xFFFFFFD0];
	v1 =	vmax.f32 v1, $0.0e+00;
	[tilespmem:s20+$0xFFFFFF60] =	vst v2  }
0xd6: {  	v2 =	vld [tilespmem:s20+$0x10];
	[tilespmem:s20+$0xFFFFFF70] =	vst v1;
	v1 =	vmax.f32 v10, $0.0e+00  }
0xd7: {  	v3 =	vld [tilespmem:s20+$0xFFFFFFE0];
	[tilespmem:s20+$0xFFFFFFA0] =	vst v1;
	v1 =	vmax.f32 v11, $0.0e+00  }
0xd8: {  	v4 =	vld [tilespmem:s20+$0xFFFFFFF0];
	[tilespmem:s20+$0xFFFFFFB0] =	vst v1;
	v1 =	vmax.f32 v7, $0.0e+00  }
0xd9: {  	v6 =	vld [tilespmem:s20+$0x20];
	[tilespmem:s20+$0xFFFFFFC0] =	vst v1;
	v1 =	vmax.f32 v5, $0.0e+00  }
0xda: {  	v5 =	vld [tilespmem:s20+$0x50];
	[tilespmem:s20+$0x0] =	vst v1;
	v1 =	vmax.f32 v8, $0.0e+00  }
0xdb: {  	v63 =	vld [tilespmem:s20+$0x30];
	[tilespmem:s20+$0xFFFFFFD0] =	vst v1;
	v1 =	vmax.f32 v2, $0.0e+00  }
0xdc: {  	v7 =	vld [tilespmem:s20+$0x40];
	[tilespmem:s20+$0x10] =	vst v1;
	v1 =	vmax.f32 v3, $0.0e+00  }
0xdd: {  	v2 =	vld [tilespmem:s20+$0x60];
	[tilespmem:s20+$0xFFFFFFE0] =	vst v1;
	v1 =	vmax.f32 v4, $0.0e+00  }
0xde: {  	v3 =	vld [tilespmem:s20+$0x80];
	[tilespmem:s20+$0xFFFFFFF0] =	vst v1;
	v1 =	vmax.f32 v6, $0.0e+00  }
0xdf: {  	v4 =	vld [tilespmem:s20+$0x70];
	v5 =	vmax.f32 v5, $0.0e+00;
	[tilespmem:s20+$0x20] =	vst v1  }
0xe0: {  	v6 =	vld [tilespmem:s20+$0x90];
	v1 =	vmax.f32 v63, $0.0e+00;
	[tilespmem:s20+$0x50] =	vst v5  }
0xe1: {  	[tilespmem:s20+$0x30] =	vst v1;
	v1 =	vmax.f32 v7, $0.0e+00;
	v7 =	vld [tilespmem:s20+$0xA0]  }
0xe2: {  	v5 =	vmax.f32 v2, $0.0e+00;
	[tilespmem:s20+$0x40] =	vst v1;
	v1 =	vld [tilespmem:s20+$0xB0]  }
0xe3: {  	v2 =	vld [tilespmem:s20+$0xC0];
	[tilespmem:s20+$0x60] =	vst v5;
	v5 =	vmax.f32 v3, $0.0e+00  }
0xe4: {  	v3 =	vld [tilespmem:s20+$0xD0];
	v4 =	vmax.f32 v4, $0.0e+00;
	[tilespmem:s20+$0x80] =	vst v5  }
0xe5: {  	[tilespmem:s20+$0x70] =	vst v4;
	v6 =	vmax.f32 v6, $0.0e+00;
	v4 =	vld [tilespmem:s20+$0xE0]  }
0xe6: {  	s21 =	simm.s32 $0x0;
	s23 =	simm.s32 $0x300;
	v5 =	vld [tilespmem:s20+$0xFFFFFF00];
	[tilespmem:s20+$0x90] =	vst v6;
	v6 =	vmax.f32 v7, $0.0e+00  }
.LBB2_5:
0xe7: {  	v7 =	vld [tilespmem:s23+$0xF0];
	s21 =	sadd.s32 $0x4, s21;
	[tilespmem:s20+$0xA0] =	vst v6;
	v1 =	vmax.f32 v1, $0.0e+00  }
0xe8: {  	v6 =	vld [tilespmem:s23+$0xFFFFFF10];
	p0 =	slt.u32 s21, $0x4C;
	[tilespmem:s20+$0xB0] =	vst v1;
	v1 =	vmax.f32 v2, $0.0e+00  }
0xe9: {  	v2 =	vld [tilespmem:s23+$0xFFFFFF20];
	[tilespmem:s20+$0xC0] =	vst v1;
	v1 =	vmax.f32 v3, $0.0e+00  }
0xea: {  	v3 =	vld [tilespmem:s23+$0xFFFFFF30];
	[tilespmem:s20+$0xD0] =	vst v1;
	v1 =	vmax.f32 v4, $0.0e+00  }
0xeb: {  	v4 =	vld [tilespmem:s23+$0xFFFFFF40];
	v5 =	vmax.f32 v5, $0.0e+00;
	[tilespmem:s20+$0xE0] =	vst v1  }
0xec: {  	v1 =	vld [tilespmem:s23+$0xFFFFFF50];
	v7 =	vmax.f32 v7, $0.0e+00;
	[tilespmem:s20+$0xFFFFFF00] =	vst v5;
	s20 =	smov.u32 s23  }
0xed: {  	v5 =	vmax.f32 v6, $0.0e+00;
	v6 =	vld [tilespmem:s23+$0xFFFFFF60];
	[tilespmem:s23+$0xF0] =	vst v7  }
0xee: {  	[tilespmem:s23+$0xFFFFFF10] =	vst v5;
	v2 =	vmax.f32 v2, $0.0e+00;
	v5 =	vld [tilespmem:s23+$0xFFFFFF70]  }
0xef: {  	[tilespmem:s23+$0xFFFFFF20] =	vst v2;
	v2 =	vmax.f32 v3, $0.0e+00;
	v3 =	vld [tilespmem:s23+$0xFFFFFF80]  }
0xf0: {  	[tilespmem:s23+$0xFFFFFF30] =	vst v2;
	v2 =	vmax.f32 v4, $0.0e+00;
	v4 =	vld [tilespmem:s23+$0xFFFFFF90]  }
0xf1: {  	[tilespmem:s23+$0xFFFFFF40] =	vst v2;
	v1 =	vmax.f32 v1, $0.0e+00;
	v2 =	vld [tilespmem:s23+$0xFFFFFFA0]  }
0xf2: {  	[tilespmem:s23+$0xFFFFFF50] =	vst v1;
	v1 =	vmax.f32 v6, $0.0e+00;
	v6 =	vld [tilespmem:s23+$0xFFFFFFB0]  }
0xf3: {  	[tilespmem:s23+$0xFFFFFF60] =	vst v1;
	v1 =	vmax.f32 v5, $0.0e+00;
	v5 =	vld [tilespmem:s23+$0xFFFFFFC0]  }
0xf4: {  	[tilespmem:s23+$0xFFFFFF70] =	vst v1;
	v1 =	vmax.f32 v3, $0.0e+00;
	v3 =	vld [tilespmem:s23+$0xFFFFFFD0]  }
0xf5: {  	[tilespmem:s23+$0xFFFFFF80] =	vst v1;
	v1 =	vmax.f32 v4, $0.0e+00;
	v4 =	vld [tilespmem:s23+$0xFFFFFFE0]  }
0xf6: {  	[tilespmem:s23+$0xFFFFFF90] =	vst v1;
	v1 =	vmax.f32 v2, $0.0e+00;
	v2 =	vld [tilespmem:s23+$0xFFFFFFF0]  }
0xf7: {  	[tilespmem:s23+$0xFFFFFFA0] =	vst v1;
	v1 =	vmax.f32 v6, $0.0e+00;
	v6 =	vld [tilespmem:s23+$0x0]  }
0xf8: {  	[tilespmem:s23+$0xFFFFFFB0] =	vst v1;
	v1 =	vmax.f32 v5, $0.0e+00;
	v5 =	vld [tilespmem:s23+$0x10]  }
0xf9: {  	[tilespmem:s23+$0xFFFFFFC0] =	vst v1;
	v1 =	vmax.f32 v3, $0.0e+00;
	v3 =	vld [tilespmem:s23+$0x20]  }
0xfa: {  	[tilespmem:s23+$0xFFFFFFD0] =	vst v1;
	v1 =	vmax.f32 v4, $0.0e+00;
	v4 =	vld [tilespmem:s23+$0x30]  }
0xfb: {  	[tilespmem:s23+$0xFFFFFFE0] =	vst v1;
	v1 =	vmax.f32 v2, $0.0e+00;
	v2 =	vld [tilespmem:s23+$0x40]  }
0xfc: {  	[tilespmem:s23+$0xFFFFFFF0] =	vst v1;
	v1 =	vmax.f32 v6, $0.0e+00;
	v6 =	vld [tilespmem:s23+$0x50]  }
0xfd: {  	[tilespmem:s23+$0x0] =	vst v1;
	v1 =	vmax.f32 v5, $0.0e+00;
	v5 =	vld [tilespmem:s23+$0x60]  }
0xfe: {  	[tilespmem:s23+$0x10] =	vst v1;
	v1 =	vmax.f32 v3, $0.0e+00;
	v3 =	vld [tilespmem:s23+$0x70]  }
0xff: {  	[tilespmem:s23+$0x20] =	vst v1;
	v1 =	vmax.f32 v4, $0.0e+00;
	v4 =	vld [tilespmem:s23+$0x80]  }
0x100: {  	[tilespmem:s23+$0x30] =	vst v1;
	v1 =	vmax.f32 v2, $0.0e+00;
	v7 =	vld [tilespmem:s23+$0x90]  }
0x101: {  	[tilespmem:s23+$0x40] =	vst v1;
	v1 =	vmax.f32 v6, $0.0e+00;
	v6 =	vld [tilespmem:s23+$0xA0]  }
.Ltmp1:
0x102: {  	[tilespmem:s23+$0x50] =	vst v1;
	v2 =	vmax.f32 v5, $0.0e+00;
	v1 =	vld [tilespmem:s23+$0xB0];
	(pc) =	sbr.rel @p0 .LBB2_5-.Ltmp1, $4  }
0x103: {  	[tilespmem:s23+$0x60] =	vst v2;
	v3 =	vmax.f32 v3, $0.0e+00;
	v2 =	vld [tilespmem:s23+$0xC0]  }
0x104: {  	[tilespmem:s23+$0x70] =	vst v3;
	v4 =	vmax.f32 v4, $0.0e+00;
	v3 =	vld [tilespmem:s23+$0xD0]  }
0x105: {  	[tilespmem:s23+$0x80] =	vst v4;
	v7 =	vmax.f32 v7, $0.0e+00;
	v4 =	vld [tilespmem:s23+$0xE0]  }
0x106: {  	s23 =	sadd.s32 $0x200, s23;
	v5 =	vld [tilespmem:s20+$0xFFFFFF00];
	[tilespmem:s20+$0x90] =	vst v7;
	v6 =	vmax.f32 v6, $0.0e+00  }
0x107: {  	[tilespmem:s20+$0xA0] =	vst v6;
	v1 =	vmax.f32 v1, $0.0e+00  }
0x108: {  	[tilespmem:s20+$0xB0] =	vst v1;
	v1 =	vmax.f32 v2, $0.0e+00  }
0x109: {  	[tilespmem:s20+$0xC0] =	vst v1;
	v1 =	vmax.f32 v3, $0.0e+00  }
0x10a: {  	[tilespmem:s20+$0xD0] =	vst v1;
	v1 =	vmax.f32 v4, $0.0e+00  }
0x10b: {  	v2 =	vmax.f32 v5, $0.0e+00;
	[tilespmem:s20+$0xE0] =	vst v1  }
0x10c: {  	s28 =	simm.s32 $0xA200;
	[tilespmem:s20+$0xFFFFFF00] =	vst v2  }
0x10d: {  	[spmem:s1] =	stream.indirect.scatter.add.f32 [tilespmem:s2], [sflag:$0x9], $0x80, s28, s31, $0xb8;
	[tilespmem:$0x1E400] =	vst v63  }
0x10e: {  	_ =	swait.ge [sflag:s9], $0x2800  }
0x10f: {  	[sflag:s9] =	ssyncset.done $0x0  }
0x110: {  	s20 =	simm.s32 $0x29F0;
	[sflag:s9] =	ssyncadd.s32 $0xFFFFD800  }
0x111: {  	v1 =	vld [tilespmem:s20+$0xFFFFFE20]  }
0x112: {  	v7 =	vld [tilespmem:s20+$0x0]  }
0x113: {  	v2 =	vld [tilespmem:s20+$0xFFFFFE30]  }
0x114: {  	v8 =	vld [tilespmem:s20+$0xFFFFFE90]  }
0x115: {  	v3 =	vld [tilespmem:s20+$0xFFFFFE40]  }
0x116: {  	v9 =	vld [tilespmem:s20+$0xFFFFFEA0];
	v1 =	vmax.f32 v1, $0.0e+00  }
0x117: {  	v4 =	vld [tilespmem:s20+$0xFFFFFE50];
	v7 =	vmax.f32 v7, $0.0e+00;
	[tilespmem:s20+$0xFFFFFE20] =	vst v1  }
0x118: {  	v5 =	vld [tilespmem:s20+$0xFFFFFE60];
	v2 =	vmax.f32 v2, $0.0e+00;
	[tilespmem:s20+$0x0] =	vst v7  }
0x119: {  	v6 =	vld [tilespmem:s20+$0xFFFFFE70];
	[tilespmem:s20+$0xFFFFFE30] =	vst v2;
	v2 =	vmax.f32 v8, $0.0e+00  }
0x11a: {  	v1 =	vld [tilespmem:s20+$0xFFFFFE80];
	[tilespmem:s20+$0xFFFFFE90] =	vst v2;
	v2 =	vmax.f32 v3, $0.0e+00  }
0x11b: {  	v10 =	vld [tilespmem:s20+$0xFFFFFEB0];
	[tilespmem:s20+$0xFFFFFE40] =	vst v2;
	v2 =	vmax.f32 v9, $0.0e+00  }
0x11c: {  	v11 =	vld [tilespmem:s20+$0xFFFFFEC0];
	[tilespmem:s20+$0xFFFFFEA0] =	vst v2;
	v2 =	vmax.f32 v4, $0.0e+00  }
0x11d: {  	v7 =	vld [tilespmem:s20+$0xFFFFFED0];
	[tilespmem:s20+$0xFFFFFE50] =	vst v2;
	v2 =	vmax.f32 v5, $0.0e+00  }
0x11e: {  	v5 =	vld [tilespmem:s20+$0xFFFFFF10];
	[tilespmem:s20+$0xFFFFFE60] =	vst v2;
	v2 =	vmax.f32 v6, $0.0e+00  }
0x11f: {  	v8 =	vld [tilespmem:s20+$0xFFFFFEE0];
	v1 =	vmax.f32 v1, $0.0e+00;
	[tilespmem:s20+$0xFFFFFE70] =	vst v2  }
0x120: {  	v2 =	vld [tilespmem:s20+$0xFFFFFF20];
	[tilespmem:s20+$0xFFFFFE80] =	vst v1;
	v1 =	vmax.f32 v10, $0.0e+00  }
0x121: {  	v3 =	vld [tilespmem:s20+$0xFFFFFEF0];
	[tilespmem:s20+$0xFFFFFEB0] =	vst v1;
	v1 =	vmax.f32 v11, $0.0e+00  }
0x122: {  	v4 =	vld [tilespmem:s20+$0xFFFFFF00];
	[tilespmem:s20+$0xFFFFFEC0] =	vst v1;
	v1 =	vmax.f32 v7, $0.0e+00  }
0x123: {  	v6 =	vld [tilespmem:s20+$0xFFFFFF30];
	[tilespmem:s20+$0xFFFFFED0] =	vst v1;
	v1 =	vmax.f32 v5, $0.0e+00  }
0x124: {  	v5 =	vld [tilespmem:s20+$0xFFFFFF60];
	[tilespmem:s20+$0xFFFFFF10] =	vst v1;
	v1 =	vmax.f32 v8, $0.0e+00  }
0x125: {  	v63 =	vld [tilespmem:s20+$0xFFFFFF40];
	[tilespmem:s20+$0xFFFFFEE0] =	vst v1;
	v1 =	vmax.f32 v2, $0.0e+00  }
0x126: {  	v7 =	vld [tilespmem:s20+$0xFFFFFF50];
	[tilespmem:s20+$0xFFFFFF20] =	vst v1;
	v1 =	vmax.f32 v3, $0.0e+00  }
0x127: {  	v2 =	vld [tilespmem:s20+$0xFFFFFF70];
	[tilespmem:s20+$0xFFFFFEF0] =	vst v1;
	v1 =	vmax.f32 v4, $0.0e+00  }
0x128: {  	v3 =	vld [tilespmem:s20+$0xFFFFFF90];
	[tilespmem:s20+$0xFFFFFF00] =	vst v1;
	v1 =	vmax.f32 v6, $0.0e+00  }
0x129: {  	v4 =	vld [tilespmem:s20+$0xFFFFFF80];
	v5 =	vmax.f32 v5, $0.0e+00;
	[tilespmem:s20+$0xFFFFFF30] =	vst v1  }
0x12a: {  	v6 =	vld [tilespmem:s20+$0xFFFFFFA0];
	v1 =	vmax.f32 v63, $0.0e+00;
	[tilespmem:s20+$0xFFFFFF60] =	vst v5  }
0x12b: {  	[tilespmem:s20+$0xFFFFFF40] =	vst v1;
	v1 =	vmax.f32 v7, $0.0e+00;
	v7 =	vld [tilespmem:s20+$0xFFFFFFB0]  }
0x12c: {  	v5 =	vmax.f32 v2, $0.0e+00;
	[tilespmem:s20+$0xFFFFFF50] =	vst v1;
	v1 =	vld [tilespmem:s20+$0xFFFFFFC0]  }
0x12d: {  	v2 =	vld [tilespmem:s20+$0xFFFFFFD0];
	[tilespmem:s20+$0xFFFFFF70] =	vst v5;
	v5 =	vmax.f32 v3, $0.0e+00  }
0x12e: {  	v3 =	vld [tilespmem:s20+$0xFFFFFFE0];
	v4 =	vmax.f32 v4, $0.0e+00;
	[tilespmem:s20+$0xFFFFFF90] =	vst v5  }
0x12f: {  	[tilespmem:s20+$0xFFFFFF80] =	vst v4;
	v6 =	vmax.f32 v6, $0.0e+00;
	v4 =	vld [tilespmem:s20+$0xFFFFFFF0]  }
0x130: {  	s21 =	simm.s32 $0x0;
	s23 =	simm.s32 $0x2BF0;
	v5 =	vld [tilespmem:s20+$0xFFFFFE10];
	[tilespmem:s20+$0xFFFFFFA0] =	vst v6;
	v6 =	vmax.f32 v7, $0.0e+00  }
.LBB2_7:
0x131: {  	v7 =	vld [tilespmem:s23+$0x0];
	s21 =	sadd.s32 $0x4, s21;
	[tilespmem:s20+$0xFFFFFFB0] =	vst v6;
	v1 =	vmax.f32 v1, $0.0e+00  }
0x132: {  	v6 =	vld [tilespmem:s23+$0xFFFFFE20];
	p0 =	slt.u32 s21, $0x4C;
	[tilespmem:s20+$0xFFFFFFC0] =	vst v1;
	v1 =	vmax.f32 v2, $0.0e+00  }
0x133: {  	v2 =	vld [tilespmem:s23+$0xFFFFFE30];
	[tilespmem:s20+$0xFFFFFFD0] =	vst v1;
	v1 =	vmax.f32 v3, $0.0e+00  }
0x134: {  	v3 =	vld [tilespmem:s23+$0xFFFFFE40];
	[tilespmem:s20+$0xFFFFFFE0] =	vst v1;
	v1 =	vmax.f32 v4, $0.0e+00  }
0x135: {  	v4 =	vld [tilespmem:s23+$0xFFFFFE50];
	v5 =	vmax.f32 v5, $0.0e+00;
	[tilespmem:s20+$0xFFFFFFF0] =	vst v1  }
0x136: {  	v1 =	vld [tilespmem:s23+$0xFFFFFE60];
	v7 =	vmax.f32 v7, $0.0e+00;
	[tilespmem:s20+$0xFFFFFE10] =	vst v5;
	s20 =	smov.u32 s23  }
0x137: {  	v5 =	vmax.f32 v6, $0.0e+00;
	v6 =	vld [tilespmem:s23+$0xFFFFFE70];
	[tilespmem:s23+$0x0] =	vst v7  }
0x138: {  	[tilespmem:s23+$0xFFFFFE20] =	vst v5;
	v2 =	vmax.f32 v2, $0.0e+00;
	v5 =	vld [tilespmem:s23+$0xFFFFFE80]  }
0x139: {  	[tilespmem:s23+$0xFFFFFE30] =	vst v2;
	v2 =	vmax.f32 v3, $0.0e+00;
	v3 =	vld [tilespmem:s23+$0xFFFFFE90]  }
0x13a: {  	[tilespmem:s23+$0xFFFFFE40] =	vst v2;
	v2 =	vmax.f32 v4, $0.0e+00;
	v4 =	vld [tilespmem:s23+$0xFFFFFEA0]  }
0x13b: {  	[tilespmem:s23+$0xFFFFFE50] =	vst v2;
	v1 =	vmax.f32 v1, $0.0e+00;
	v2 =	vld [tilespmem:s23+$0xFFFFFEB0]  }
0x13c: {  	[tilespmem:s23+$0xFFFFFE60] =	vst v1;
	v1 =	vmax.f32 v6, $0.0e+00;
	v6 =	vld [tilespmem:s23+$0xFFFFFEC0]  }
0x13d: {  	[tilespmem:s23+$0xFFFFFE70] =	vst v1;
	v1 =	vmax.f32 v5, $0.0e+00;
	v5 =	vld [tilespmem:s23+$0xFFFFFED0]  }
0x13e: {  	[tilespmem:s23+$0xFFFFFE80] =	vst v1;
	v1 =	vmax.f32 v3, $0.0e+00;
	v3 =	vld [tilespmem:s23+$0xFFFFFEE0]  }
0x13f: {  	[tilespmem:s23+$0xFFFFFE90] =	vst v1;
	v1 =	vmax.f32 v4, $0.0e+00;
	v4 =	vld [tilespmem:s23+$0xFFFFFEF0]  }
0x140: {  	[tilespmem:s23+$0xFFFFFEA0] =	vst v1;
	v1 =	vmax.f32 v2, $0.0e+00;
	v2 =	vld [tilespmem:s23+$0xFFFFFF00]  }
0x141: {  	[tilespmem:s23+$0xFFFFFEB0] =	vst v1;
	v1 =	vmax.f32 v6, $0.0e+00;
	v6 =	vld [tilespmem:s23+$0xFFFFFF10]  }
0x142: {  	[tilespmem:s23+$0xFFFFFEC0] =	vst v1;
	v1 =	vmax.f32 v5, $0.0e+00;
	v5 =	vld [tilespmem:s23+$0xFFFFFF20]  }
0x143: {  	[tilespmem:s23+$0xFFFFFED0] =	vst v1;
	v1 =	vmax.f32 v3, $0.0e+00;
	v3 =	vld [tilespmem:s23+$0xFFFFFF30]  }
0x144: {  	[tilespmem:s23+$0xFFFFFEE0] =	vst v1;
	v1 =	vmax.f32 v4, $0.0e+00;
	v4 =	vld [tilespmem:s23+$0xFFFFFF40]  }
0x145: {  	[tilespmem:s23+$0xFFFFFEF0] =	vst v1;
	v1 =	vmax.f32 v2, $0.0e+00;
	v2 =	vld [tilespmem:s23+$0xFFFFFF50]  }
0x146: {  	[tilespmem:s23+$0xFFFFFF00] =	vst v1;
	v1 =	vmax.f32 v6, $0.0e+00;
	v6 =	vld [tilespmem:s23+$0xFFFFFF60]  }
0x147: {  	[tilespmem:s23+$0xFFFFFF10] =	vst v1;
	v1 =	vmax.f32 v5, $0.0e+00;
	v5 =	vld [tilespmem:s23+$0xFFFFFF70]  }
0x148: {  	[tilespmem:s23+$0xFFFFFF20] =	vst v1;
	v1 =	vmax.f32 v3, $0.0e+00;
	v3 =	vld [tilespmem:s23+$0xFFFFFF80]  }
0x149: {  	[tilespmem:s23+$0xFFFFFF30] =	vst v1;
	v1 =	vmax.f32 v4, $0.0e+00;
	v4 =	vld [tilespmem:s23+$0xFFFFFF90]  }
0x14a: {  	[tilespmem:s23+$0xFFFFFF40] =	vst v1;
	v1 =	vmax.f32 v2, $0.0e+00;
	v7 =	vld [tilespmem:s23+$0xFFFFFFA0]  }
0x14b: {  	[tilespmem:s23+$0xFFFFFF50] =	vst v1;
	v1 =	vmax.f32 v6, $0.0e+00;
	v6 =	vld [tilespmem:s23+$0xFFFFFFB0]  }
.Ltmp2:
0x14c: {  	[tilespmem:s23+$0xFFFFFF60] =	vst v1;
	v2 =	vmax.f32 v5, $0.0e+00;
	v1 =	vld [tilespmem:s23+$0xFFFFFFC0];
	(pc) =	sbr.rel @p0 .LBB2_7-.Ltmp2, $4  }
0x14d: {  	[tilespmem:s23+$0xFFFFFF70] =	vst v2;
	v3 =	vmax.f32 v3, $0.0e+00;
	v2 =	vld [tilespmem:s23+$0xFFFFFFD0]  }
0x14e: {  	[tilespmem:s23+$0xFFFFFF80] =	vst v3;
	v4 =	vmax.f32 v4, $0.0e+00;
	v3 =	vld [tilespmem:s23+$0xFFFFFFE0]  }
0x14f: {  	[tilespmem:s23+$0xFFFFFF90] =	vst v4;
	v7 =	vmax.f32 v7, $0.0e+00;
	v4 =	vld [tilespmem:s23+$0xFFFFFFF0]  }
0x150: {  	s23 =	sadd.s32 $0x200, s23;
	v5 =	vld [tilespmem:s20+$0xFFFFFE10];
	[tilespmem:s20+$0xFFFFFFA0] =	vst v7;
	v6 =	vmax.f32 v6, $0.0e+00  }
0x151: {  	[tilespmem:s20+$0xFFFFFFB0] =	vst v6;
	v1 =	vmax.f32 v1, $0.0e+00  }
0x152: {  	[tilespmem:s20+$0xFFFFFFC0] =	vst v1;
	v1 =	vmax.f32 v2, $0.0e+00  }
0x153: {  	[tilespmem:s20+$0xFFFFFFD0] =	vst v1;
	v1 =	vmax.f32 v3, $0.0e+00  }
0x154: {  	[tilespmem:s20+$0xFFFFFFE0] =	vst v1;
	v1 =	vmax.f32 v4, $0.0e+00  }
0x155: {  	v2 =	vmax.f32 v5, $0.0e+00;
	[tilespmem:s20+$0xFFFFFFF0] =	vst v1  }
0x156: {  	s28 =	simm.s32 $0xA280;
	[tilespmem:s20+$0xFFFFFE10] =	vst v2  }
0x157: {  	[spmem:s1] =	stream.indirect.scatter.add.f32 [tilespmem:s18], [sflag:$0xA], $0x80, s28, s31, $0xb8;
	[tilespmem:$0x1E400] =	vst v63  }
0x158: {  	_ =	swait.ge [sflag:s14], $0x2800  }
0x159: {  	[sflag:s14] =	ssyncset.done $0x0  }
0x15a: {  	s20 =	simm.s32 $0x5000;
	[sflag:s14] =	ssyncadd.s32 $0xFFFFD800  }
0x15b: {  	v1 =	vld [tilespmem:s20+$0x10]  }
0x15c: {  	v7 =	vld [tilespmem:s20+$0x1F0]  }
0x15d: {  	v2 =	vld [tilespmem:s20+$0x20]  }
0x15e: {  	v8 =	vld [tilespmem:s20+$0x80]  }
0x15f: {  	v3 =	vld [tilespmem:s20+$0x30]  }
0x160: {  	v9 =	vld [tilespmem:s20+$0x90];
	v1 =	vmax.f32 v1, $0.0e+00  }
0x161: {  	v4 =	vld [tilespmem:s20+$0x40];
	v7 =	vmax.f32 v7, $0.0e+00;
	[tilespmem:s20+$0x10] =	vst v1  }
0x162: {  	v5 =	vld [tilespmem:s20+$0x50];
	v2 =	vmax.f32 v2, $0.0e+00;
	[tilespmem:s20+$0x1F0] =	vst v7  }
0x163: {  	v6 =	vld [tilespmem:s20+$0x60];
	[tilespmem:s20+$0x20] =	vst v2;
	v2 =	vmax.f32 v8, $0.0e+00  }
0x164: {  	v1 =	vld [tilespmem:s20+$0x70];
	[tilespmem:s20+$0x80] =	vst v2;
	v2 =	vmax.f32 v3, $0.0e+00  }
0x165: {  	v10 =	vld [tilespmem:s20+$0xA0];
	[tilespmem:s20+$0x30] =	vst v2;
	v2 =	vmax.f32 v9, $0.0e+00  }
0x166: {  	v11 =	vld [tilespmem:s20+$0xB0];
	[tilespmem:s20+$0x90] =	vst v2;
	v2 =	vmax.f32 v4, $0.0e+00  }
0x167: {  	v7 =	vld [tilespmem:s20+$0xC0];
	[tilespmem:s20+$0x40] =	vst v2;
	v2 =	vmax.f32 v5, $0.0e+00  }
0x168: {  	v5 =	vld [tilespmem:s20+$0x100];
	[tilespmem:s20+$0x50] =	vst v2;
	v2 =	vmax.f32 v6, $0.0e+00  }
0x169: {  	v8 =	vld [tilespmem:s20+$0xD0];
	v1 =	vmax.f32 v1, $0.0e+00;
	[tilespmem:s20+$0x60] =	vst v2  }
0x16a: {  	v2 =	vld [tilespmem:s20+$0x110];
	[tilespmem:s20+$0x70] =	vst v1;
	v1 =	vmax.f32 v10, $0.0e+00  }
0x16b: {  	v3 =	vld [tilespmem:s20+$0xE0];
	[tilespmem:s20+$0xA0] =	vst v1;
	v1 =	vmax.f32 v11, $0.0e+00  }
0x16c: {  	v4 =	vld [tilespmem:s20+$0xF0];
	[tilespmem:s20+$0xB0] =	vst v1;
	v1 =	vmax.f32 v7, $0.0e+00  }
0x16d: {  	v6 =	vld [tilespmem:s20+$0x120];
	[tilespmem:s20+$0xC0] =	vst v1;
	v1 =	vmax.f32 v5, $0.0e+00  }
0x16e: {  	v5 =	vld [tilespmem:s20+$0x150];
	[tilespmem:s20+$0x100] =	vst v1;
	v1 =	vmax.f32 v8, $0.0e+00  }
0x16f: {  	v63 =	vld [tilespmem:s20+$0x130];
	[tilespmem:s20+$0xD0] =	vst v1;
	v1 =	vmax.f32 v2, $0.0e+00  }
0x170: {  	v7 =	vld [tilespmem:s20+$0x140];
	[tilespmem:s20+$0x110] =	vst v1;
	v1 =	vmax.f32 v3, $0.0e+00  }
0x171: {  	v2 =	vld [tilespmem:s20+$0x160];
	[tilespmem:s20+$0xE0] =	vst v1;
	v1 =	vmax.f32 v4, $0.0e+00  }
0x172: {  	v3 =	vld [tilespmem:s20+$0x180];
	[tilespmem:s20+$0xF0] =	vst v1;
	v1 =	vmax.f32 v6, $0.0e+00  }
0x173: {  	v4 =	vld [tilespmem:s20+$0x170];
	v5 =	vmax.f32 v5, $0.0e+00;
	[tilespmem:s20+$0x120] =	vst v1  }
0x174: {  	v6 =	vld [tilespmem:s20+$0x190];
	v1 =	vmax.f32 v63, $0.0e+00;
	[tilespmem:s20+$0x150] =	vst v5  }
0x175: {  	[tilespmem:s20+$0x130] =	vst v1;
	v1 =	vmax.f32 v7, $0.0e+00;
	v7 =	vld [tilespmem:s20+$0x1A0]  }
0x176: {  	v5 =	vmax.f32 v2, $0.0e+00;
	[tilespmem:s20+$0x140] =	vst v1;
	v1 =	vld [tilespmem:s20+$0x1B0]  }
0x177: {  	v2 =	vld [tilespmem:s20+$0x1C0];
	[tilespmem:s20+$0x160] =	vst v5;
	v5 =	vmax.f32 v3, $0.0e+00  }
0x178: {  	v3 =	vld [tilespmem:s20+$0x1D0];
	v4 =	vmax.f32 v4, $0.0e+00;
	[tilespmem:s20+$0x180] =	vst v5  }
0x179: {  	[tilespmem:s20+$0x170] =	vst v4;
	v6 =	vmax.f32 v6, $0.0e+00;
	v4 =	vld [tilespmem:s20+$0x1E0]  }
0x17a: {  	s21 =	simm.s32 $0x0;
	s23 =	simm.s32 $0x5200;
	v5 =	vld [tilespmem:s20+$0x0];
	[tilespmem:s20+$0x190] =	vst v6;
	v6 =	vmax.f32 v7, $0.0e+00  }
.LBB2_9:
0x17b: {  	v7 =	vld [tilespmem:s23+$0x1F0];
	s21 =	sadd.s32 $0x4, s21;
	[tilespmem:s20+$0x1A0] =	vst v6;
	v1 =	vmax.f32 v1, $0.0e+00  }
0x17c: {  	v6 =	vld [tilespmem:s23+$0x10];
	p0 =	slt.u32 s21, $0x4C;
	[tilespmem:s20+$0x1B0] =	vst v1;
	v1 =	vmax.f32 v2, $0.0e+00  }
0x17d: {  	v2 =	vld [tilespmem:s23+$0x20];
	[tilespmem:s20+$0x1C0] =	vst v1;
	v1 =	vmax.f32 v3, $0.0e+00  }
0x17e: {  	v3 =	vld [tilespmem:s23+$0x30];
	[tilespmem:s20+$0x1D0] =	vst v1;
	v1 =	vmax.f32 v4, $0.0e+00  }
0x17f: {  	v4 =	vld [tilespmem:s23+$0x40];
	v5 =	vmax.f32 v5, $0.0e+00;
	[tilespmem:s20+$0x1E0] =	vst v1  }
0x180: {  	v1 =	vld [tilespmem:s23+$0x50];
	v7 =	vmax.f32 v7, $0.0e+00;
	[tilespmem:s20+$0x0] =	vst v5;
	s20 =	smov.u32 s23  }
0x181: {  	v5 =	vmax.f32 v6, $0.0e+00;
	v6 =	vld [tilespmem:s23+$0x60];
	[tilespmem:s23+$0x1F0] =	vst v7  }
0x182: {  	[tilespmem:s23+$0x10] =	vst v5;
	v2 =	vmax.f32 v2, $0.0e+00;
	v5 =	vld [tilespmem:s23+$0x70]  }
0x183: {  	[tilespmem:s23+$0x20] =	vst v2;
	v2 =	vmax.f32 v3, $0.0e+00;
	v3 =	vld [tilespmem:s23+$0x80]  }
0x184: {  	[tilespmem:s23+$0x30] =	vst v2;
	v2 =	vmax.f32 v4, $0.0e+00;
	v4 =	vld [tilespmem:s23+$0x90]  }
0x185: {  	[tilespmem:s23+$0x40] =	vst v2;
	v1 =	vmax.f32 v1, $0.0e+00;
	v2 =	vld [tilespmem:s23+$0xA0]  }
0x186: {  	[tilespmem:s23+$0x50] =	vst v1;
	v1 =	vmax.f32 v6, $0.0e+00;
	v6 =	vld [tilespmem:s23+$0xB0]  }
0x187: {  	[tilespmem:s23+$0x60] =	vst v1;
	v1 =	vmax.f32 v5, $0.0e+00;
	v5 =	vld [tilespmem:s23+$0xC0]  }
0x188: {  	[tilespmem:s23+$0x70] =	vst v1;
	v1 =	vmax.f32 v3, $0.0e+00;
	v3 =	vld [tilespmem:s23+$0xD0]  }
0x189: {  	[tilespmem:s23+$0x80] =	vst v1;
	v1 =	vmax.f32 v4, $0.0e+00;
	v4 =	vld [tilespmem:s23+$0xE0]  }
0x18a: {  	[tilespmem:s23+$0x90] =	vst v1;
	v1 =	vmax.f32 v2, $0.0e+00;
	v2 =	vld [tilespmem:s23+$0xF0]  }
0x18b: {  	[tilespmem:s23+$0xA0] =	vst v1;
	v1 =	vmax.f32 v6, $0.0e+00;
	v6 =	vld [tilespmem:s23+$0x100]  }
0x18c: {  	[tilespmem:s23+$0xB0] =	vst v1;
	v1 =	vmax.f32 v5, $0.0e+00;
	v5 =	vld [tilespmem:s23+$0x110]  }
0x18d: {  	[tilespmem:s23+$0xC0] =	vst v1;
	v1 =	vmax.f32 v3, $0.0e+00;
	v3 =	vld [tilespmem:s23+$0x120]  }
0x18e: {  	[tilespmem:s23+$0xD0] =	vst v1;
	v1 =	vmax.f32 v4, $0.0e+00;
	v4 =	vld [tilespmem:s23+$0x130]  }
0x18f: {  	[tilespmem:s23+$0xE0] =	vst v1;
	v1 =	vmax.f32 v2, $0.0e+00;
	v2 =	vld [tilespmem:s23+$0x140]  }
0x190: {  	[tilespmem:s23+$0xF0] =	vst v1;
	v1 =	vmax.f32 v6, $0.0e+00;
	v6 =	vld [tilespmem:s23+$0x150]  }
0x191: {  	[tilespmem:s23+$0x100] =	vst v1;
	v1 =	vmax.f32 v5, $0.0e+00;
	v5 =	vld [tilespmem:s23+$0x160]  }
0x192: {  	[tilespmem:s23+$0x110] =	vst v1;
	v1 =	vmax.f32 v3, $0.0e+00;
	v3 =	vld [tilespmem:s23+$0x170]  }
0x193: {  	[tilespmem:s23+$0x120] =	vst v1;
	v1 =	vmax.f32 v4, $0.0e+00;
	v4 =	vld [tilespmem:s23+$0x180]  }
0x194: {  	[tilespmem:s23+$0x130] =	vst v1;
	v1 =	vmax.f32 v2, $0.0e+00;
	v7 =	vld [tilespmem:s23+$0x190]  }
0x195: {  	[tilespmem:s23+$0x140] =	vst v1;
	v1 =	vmax.f32 v6, $0.0e+00;
	v6 =	vld [tilespmem:s23+$0x1A0]  }
.Ltmp3:
0x196: {  	[tilespmem:s23+$0x150] =	vst v1;
	v2 =	vmax.f32 v5, $0.0e+00;
	v1 =	vld [tilespmem:s23+$0x1B0];
	(pc) =	sbr.rel @p0 .LBB2_9-.Ltmp3, $4  }
0x197: {  	[tilespmem:s23+$0x160] =	vst v2;
	v3 =	vmax.f32 v3, $0.0e+00;
	v2 =	vld [tilespmem:s23+$0x1C0]  }
0x198: {  	[tilespmem:s23+$0x170] =	vst v3;
	v4 =	vmax.f32 v4, $0.0e+00;
	v3 =	vld [tilespmem:s23+$0x1D0]  }
0x199: {  	[tilespmem:s23+$0x180] =	vst v4;
	v7 =	vmax.f32 v7, $0.0e+00;
	v4 =	vld [tilespmem:s23+$0x1E0]  }
0x19a: {  	s23 =	sadd.s32 $0x200, s23;
	v5 =	vld [tilespmem:s20+$0x0];
	[tilespmem:s20+$0x190] =	vst v7;
	v6 =	vmax.f32 v6, $0.0e+00  }
0x19b: {  	[tilespmem:s20+$0x1A0] =	vst v6;
	v1 =	vmax.f32 v1, $0.0e+00  }
0x19c: {  	[tilespmem:s20+$0x1B0] =	vst v1;
	v1 =	vmax.f32 v2, $0.0e+00  }
0x19d: {  	[tilespmem:s20+$0x1C0] =	vst v1;
	v1 =	vmax.f32 v3, $0.0e+00  }
0x19e: {  	[tilespmem:s20+$0x1D0] =	vst v1;
	v1 =	vmax.f32 v4, $0.0e+00  }
0x19f: {  	v2 =	vmax.f32 v5, $0.0e+00;
	[tilespmem:s20+$0x1E0] =	vst v1  }
0x1a0: {  	s28 =	simm.s32 $0xA300;
	[tilespmem:s20+$0x0] =	vst v2  }
0x1a1: {  	[spmem:s1] =	stream.indirect.scatter.add.f32 [tilespmem:s22], [sflag:$0xB], $0x80, s28, s31, $0xb8;
	[tilespmem:$0x1E400] =	vst v63  }
0x1a2: {  	_ =	swait.ge [sflag:s13], $0x2800  }
0x1a3: {  	[sflag:s13] =	ssyncset.done $0x0  }
0x1a4: {  	s20 =	simm.s32 $0x7800;
	[sflag:s13] =	ssyncadd.s32 $0xFFFFD800  }
0x1a5: {  	v1 =	vld [tilespmem:s20+$0x10]  }
0x1a6: {  	v7 =	vld [tilespmem:s20+$0x1F0]  }
0x1a7: {  	v2 =	vld [tilespmem:s20+$0x20]  }
0x1a8: {  	v8 =	vld [tilespmem:s20+$0x80]  }
0x1a9: {  	v3 =	vld [tilespmem:s20+$0x30]  }
0x1aa: {  	v9 =	vld [tilespmem:s20+$0x90];
	v1 =	vmax.f32 v1, $0.0e+00  }
0x1ab: {  	v4 =	vld [tilespmem:s20+$0x40];
	v7 =	vmax.f32 v7, $0.0e+00;
	[tilespmem:s20+$0x10] =	vst v1  }
0x1ac: {  	v5 =	vld [tilespmem:s20+$0x50];
	v2 =	vmax.f32 v2, $0.0e+00;
	[tilespmem:s20+$0x1F0] =	vst v7  }
0x1ad: {  	v6 =	vld [tilespmem:s20+$0x60];
	[tilespmem:s20+$0x20] =	vst v2;
	v2 =	vmax.f32 v8, $0.0e+00  }
0x1ae: {  	v1 =	vld [tilespmem:s20+$0x70];
	[tilespmem:s20+$0x80] =	vst v2;
	v2 =	vmax.f32 v3, $0.0e+00  }
0x1af: {  	v10 =	vld [tilespmem:s20+$0xA0];
	[tilespmem:s20+$0x30] =	vst v2;
	v2 =	vmax.f32 v9, $0.0e+00  }
0x1b0: {  	v11 =	vld [tilespmem:s20+$0xB0];
	[tilespmem:s20+$0x90] =	vst v2;
	v2 =	vmax.f32 v4, $0.0e+00  }
0x1b1: {  	v7 =	vld [tilespmem:s20+$0xC0];
	[tilespmem:s20+$0x40] =	vst v2;
	v2 =	vmax.f32 v5, $0.0e+00  }
0x1b2: {  	v5 =	vld [tilespmem:s20+$0x100];
	[tilespmem:s20+$0x50] =	vst v2;
	v2 =	vmax.f32 v6, $0.0e+00  }
0x1b3: {  	v8 =	vld [tilespmem:s20+$0xD0];
	v1 =	vmax.f32 v1, $0.0e+00;
	[tilespmem:s20+$0x60] =	vst v2  }
0x1b4: {  	v2 =	vld [tilespmem:s20+$0x110];
	[tilespmem:s20+$0x70] =	vst v1;
	v1 =	vmax.f32 v10, $0.0e+00  }
0x1b5: {  	v3 =	vld [tilespmem:s20+$0xE0];
	[tilespmem:s20+$0xA0] =	vst v1;
	v1 =	vmax.f32 v11, $0.0e+00  }
0x1b6: {  	v4 =	vld [tilespmem:s20+$0xF0];
	[tilespmem:s20+$0xB0] =	vst v1;
	v1 =	vmax.f32 v7, $0.0e+00  }
0x1b7: {  	v6 =	vld [tilespmem:s20+$0x120];
	[tilespmem:s20+$0xC0] =	vst v1;
	v1 =	vmax.f32 v5, $0.0e+00  }
0x1b8: {  	v5 =	vld [tilespmem:s20+$0x150];
	[tilespmem:s20+$0x100] =	vst v1;
	v1 =	vmax.f32 v8, $0.0e+00  }
0x1b9: {  	v63 =	vld [tilespmem:s20+$0x130];
	[tilespmem:s20+$0xD0] =	vst v1;
	v1 =	vmax.f32 v2, $0.0e+00  }
0x1ba: {  	v7 =	vld [tilespmem:s20+$0x140];
	[tilespmem:s20+$0x110] =	vst v1;
	v1 =	vmax.f32 v3, $0.0e+00  }
0x1bb: {  	v2 =	vld [tilespmem:s20+$0x160];
	[tilespmem:s20+$0xE0] =	vst v1;
	v1 =	vmax.f32 v4, $0.0e+00  }
0x1bc: {  	v3 =	vld [tilespmem:s20+$0x180];
	[tilespmem:s20+$0xF0] =	vst v1;
	v1 =	vmax.f32 v6, $0.0e+00  }
0x1bd: {  	v4 =	vld [tilespmem:s20+$0x170];
	v5 =	vmax.f32 v5, $0.0e+00;
	[tilespmem:s20+$0x120] =	vst v1  }
0x1be: {  	v6 =	vld [tilespmem:s20+$0x190];
	v1 =	vmax.f32 v63, $0.0e+00;
	[tilespmem:s20+$0x150] =	vst v5  }
0x1bf: {  	[tilespmem:s20+$0x130] =	vst v1;
	v1 =	vmax.f32 v7, $0.0e+00;
	v7 =	vld [tilespmem:s20+$0x1A0]  }
0x1c0: {  	v5 =	vmax.f32 v2, $0.0e+00;
	[tilespmem:s20+$0x140] =	vst v1;
	v1 =	vld [tilespmem:s20+$0x1B0]  }
0x1c1: {  	v2 =	vld [tilespmem:s20+$0x1C0];
	[tilespmem:s20+$0x160] =	vst v5;
	v5 =	vmax.f32 v3, $0.0e+00  }
0x1c2: {  	v3 =	vld [tilespmem:s20+$0x1D0];
	v4 =	vmax.f32 v4, $0.0e+00;
	[tilespmem:s20+$0x180] =	vst v5  }
0x1c3: {  	[tilespmem:s20+$0x170] =	vst v4;
	v6 =	vmax.f32 v6, $0.0e+00;
	v4 =	vld [tilespmem:s20+$0x1E0]  }
0x1c4: {  	s21 =	simm.s32 $0x0;
	s23 =	simm.s32 $0x7A00;
	v5 =	vld [tilespmem:s20+$0x0];
	[tilespmem:s20+$0x190] =	vst v6;
	v6 =	vmax.f32 v7, $0.0e+00  }
.LBB2_11:
0x1c5: {  	v7 =	vld [tilespmem:s23+$0x1F0];
	s21 =	sadd.s32 $0x4, s21;
	[tilespmem:s20+$0x1A0] =	vst v6;
	v1 =	vmax.f32 v1, $0.0e+00  }
0x1c6: {  	v6 =	vld [tilespmem:s23+$0x10];
	p0 =	slt.u32 s21, $0x4C;
	[tilespmem:s20+$0x1B0] =	vst v1;
	v1 =	vmax.f32 v2, $0.0e+00  }
0x1c7: {  	v2 =	vld [tilespmem:s23+$0x20];
	[tilespmem:s20+$0x1C0] =	vst v1;
	v1 =	vmax.f32 v3, $0.0e+00  }
0x1c8: {  	v3 =	vld [tilespmem:s23+$0x30];
	[tilespmem:s20+$0x1D0] =	vst v1;
	v1 =	vmax.f32 v4, $0.0e+00  }
0x1c9: {  	v4 =	vld [tilespmem:s23+$0x40];
	v5 =	vmax.f32 v5, $0.0e+00;
	[tilespmem:s20+$0x1E0] =	vst v1  }
0x1ca: {  	v1 =	vld [tilespmem:s23+$0x50];
	v7 =	vmax.f32 v7, $0.0e+00;
	[tilespmem:s20+$0x0] =	vst v5;
	s20 =	smov.u32 s23  }
0x1cb: {  	v5 =	vmax.f32 v6, $0.0e+00;
	v6 =	vld [tilespmem:s23+$0x60];
	[tilespmem:s23+$0x1F0] =	vst v7  }
0x1cc: {  	[tilespmem:s23+$0x10] =	vst v5;
	v2 =	vmax.f32 v2, $0.0e+00;
	v5 =	vld [tilespmem:s23+$0x70]  }
0x1cd: {  	[tilespmem:s23+$0x20] =	vst v2;
	v2 =	vmax.f32 v3, $0.0e+00;
	v3 =	vld [tilespmem:s23+$0x80]  }
0x1ce: {  	[tilespmem:s23+$0x30] =	vst v2;
	v2 =	vmax.f32 v4, $0.0e+00;
	v4 =	vld [tilespmem:s23+$0x90]  }
0x1cf: {  	[tilespmem:s23+$0x40] =	vst v2;
	v1 =	vmax.f32 v1, $0.0e+00;
	v2 =	vld [tilespmem:s23+$0xA0]  }
0x1d0: {  	[tilespmem:s23+$0x50] =	vst v1;
	v1 =	vmax.f32 v6, $0.0e+00;
	v6 =	vld [tilespmem:s23+$0xB0]  }
0x1d1: {  	[tilespmem:s23+$0x60] =	vst v1;
	v1 =	vmax.f32 v5, $0.0e+00;
	v5 =	vld [tilespmem:s23+$0xC0]  }
0x1d2: {  	[tilespmem:s23+$0x70] =	vst v1;
	v1 =	vmax.f32 v3, $0.0e+00;
	v3 =	vld [tilespmem:s23+$0xD0]  }
0x1d3: {  	[tilespmem:s23+$0x80] =	vst v1;
	v1 =	vmax.f32 v4, $0.0e+00;
	v4 =	vld [tilespmem:s23+$0xE0]  }
0x1d4: {  	[tilespmem:s23+$0x90] =	vst v1;
	v1 =	vmax.f32 v2, $0.0e+00;
	v2 =	vld [tilespmem:s23+$0xF0]  }
0x1d5: {  	[tilespmem:s23+$0xA0] =	vst v1;
	v1 =	vmax.f32 v6, $0.0e+00;
	v6 =	vld [tilespmem:s23+$0x100]  }
0x1d6: {  	[tilespmem:s23+$0xB0] =	vst v1;
	v1 =	vmax.f32 v5, $0.0e+00;
	v5 =	vld [tilespmem:s23+$0x110]  }
0x1d7: {  	[tilespmem:s23+$0xC0] =	vst v1;
	v1 =	vmax.f32 v3, $0.0e+00;
	v3 =	vld [tilespmem:s23+$0x120]  }
0x1d8: {  	[tilespmem:s23+$0xD0] =	vst v1;
	v1 =	vmax.f32 v4, $0.0e+00;
	v4 =	vld [tilespmem:s23+$0x130]  }
0x1d9: {  	[tilespmem:s23+$0xE0] =	vst v1;
	v1 =	vmax.f32 v2, $0.0e+00;
	v2 =	vld [tilespmem:s23+$0x140]  }
0x1da: {  	[tilespmem:s23+$0xF0] =	vst v1;
	v1 =	vmax.f32 v6, $0.0e+00;
	v6 =	vld [tilespmem:s23+$0x150]  }
0x1db: {  	[tilespmem:s23+$0x100] =	vst v1;
	v1 =	vmax.f32 v5, $0.0e+00;
	v5 =	vld [tilespmem:s23+$0x160]  }
0x1dc: {  	[tilespmem:s23+$0x110] =	vst v1;
	v1 =	vmax.f32 v3, $0.0e+00;
	v3 =	vld [tilespmem:s23+$0x170]  }
0x1dd: {  	[tilespmem:s23+$0x120] =	vst v1;
	v1 =	vmax.f32 v4, $0.0e+00;
	v4 =	vld [tilespmem:s23+$0x180]  }
0x1de: {  	[tilespmem:s23+$0x130] =	vst v1;
	v1 =	vmax.f32 v2, $0.0e+00;
	v7 =	vld [tilespmem:s23+$0x190]  }
0x1df: {  	[tilespmem:s23+$0x140] =	vst v1;
	v1 =	vmax.f32 v6, $0.0e+00;
	v6 =	vld [tilespmem:s23+$0x1A0]  }
.Ltmp4:
0x1e0: {  	[tilespmem:s23+$0x150] =	vst v1;
	v2 =	vmax.f32 v5, $0.0e+00;
	v1 =	vld [tilespmem:s23+$0x1B0];
	(pc) =	sbr.rel @p0 .LBB2_11-.Ltmp4, $4  }
0x1e1: {  	[tilespmem:s23+$0x160] =	vst v2;
	v3 =	vmax.f32 v3, $0.0e+00;
	v2 =	vld [tilespmem:s23+$0x1C0]  }
0x1e2: {  	[tilespmem:s23+$0x170] =	vst v3;
	v4 =	vmax.f32 v4, $0.0e+00;
	v3 =	vld [tilespmem:s23+$0x1D0]  }
0x1e3: {  	[tilespmem:s23+$0x180] =	vst v4;
	v7 =	vmax.f32 v7, $0.0e+00;
	v4 =	vld [tilespmem:s23+$0x1E0]  }
0x1e4: {  	s23 =	sadd.s32 $0x200, s23;
	v5 =	vld [tilespmem:s20+$0x0];
	[tilespmem:s20+$0x190] =	vst v7;
	v6 =	vmax.f32 v6, $0.0e+00  }
0x1e5: {  	[tilespmem:s20+$0x1A0] =	vst v6;
	v1 =	vmax.f32 v1, $0.0e+00  }
0x1e6: {  	[tilespmem:s20+$0x1B0] =	vst v1;
	v1 =	vmax.f32 v2, $0.0e+00  }
0x1e7: {  	[tilespmem:s20+$0x1C0] =	vst v1;
	v1 =	vmax.f32 v3, $0.0e+00  }
0x1e8: {  	[tilespmem:s20+$0x1D0] =	vst v1;
	v1 =	vmax.f32 v4, $0.0e+00  }
0x1e9: {  	v2 =	vmax.f32 v5, $0.0e+00;
	[tilespmem:s20+$0x1E0] =	vst v1  }
0x1ea: {  	[tilespmem:s20+$0x0] =	vst v2  }
0x1eb: {  	[spmem:s1] =	stream.indirect.scatter.add.f32 [tilespmem:s26], [sflag:$0xC], $0x80, s29, s31, $0xb8;
	[tilespmem:$0x1E400] =	vst v63  }
0x1ec: {  	s17 =	sadd.s32 $0x1, s17;
	_ =	swait.ge [sflag:s16], $0x2800  }
0x1ed: {  	p0 =	sge.u32 s17, s25;
	[sflag:s16] =	ssyncset.done $0x0  }
0x1ee: {  	s20 =	simm.s32 @p0 $0xA;
	[sflag:s16] =	ssyncadd.s32 $0xFFFFD800  }
0x1ef: {  	_ =	swait.ge @p0 [sflag:s20], $0x2800  }
0x1f0: {  	[sflag:s20] =	ssyncset.done @p0 $0x0  }
0x1f1: {  	[sflag:s20] =	ssyncadd.s32 @p0 $0xFFFFD800;
	s20 =	simm.s32 @p0 $0xB  }
0x1f2: {  	_ =	swait.ge @p0 [sflag:s20], $0x2800  }
0x1f3: {  	s21 =	smul.u32 @!p0 $0x140, s17;
	[sflag:s20] =	ssyncset.done @p0 $0x0  }
0x1f4: {  	[sflag:s20] =	ssyncadd.s32 @p0 $0xFFFFD800;
	s20 =	simm.s32 @p0 $0xC  }
0x1f5: {  	s23 =	sadd.s32 @!p0 s8, s21;
	_ =	swait.ge @p0 [sflag:s20], $0x2800  }
0x1f6: {  	s24 =	sshll.u32 @!p0 s23, $0x4;
	[sflag:s20] =	ssyncset.done @p0 $0x0  }
0x1f7: {  	[sflag:s20] =	ssyncadd.s32 @p0 $0xFFFFD800;
	s20 =	sadd.s32 @!p0 s5, s24;
	s24 =	simm.s32 @!p0 $0x0  }
0x1f8: {  	[tilespmem:s24], [sflag:$0x1] =	stream.linear.gather @!p0 [hbm4b:s20+s24], $0x2800, $0x38;
	[tilespmem:$0x1E400] =	vst v63  }
0x1f9: {  	s20 =	sshrl.u32 @!p0 s23, $0x3  }
0x1fa: {  	s28 =	simm.s32 @!p0 $0xA000;
	s23 =	sadd.s32 @!p0 s6, s20  }
0x1fb: {  	[tilespmem:s28], [sflag:$0x1] =	stream.linear.gather @!p0 [hbm4b:s23+s24], $0x50, $0x38;
	[tilespmem:$0x1E400] =	vst v63  }
0x1fc: {  	s20 =	sadd.s32 @!p0 s7, s20;
	s23 =	simm.s32 @!p0 $0xA200  }
0x1fd: {  	[tilespmem:s23], [sflag:$0x1] =	stream.linear.gather @!p0 [hbm4b:s20+s24], $0x50, $0x38;
	[tilespmem:$0x1E400] =	vst v63  }
0x1fe: {  	s20 =	simm.s32 @!p0 $0xA  }
0x1ff: {  	s23 =	sadd.s32 @!p0 s21, s11;
	_ =	swait.ge @!p0 [sflag:s20], $0x2800  }
0x200: {  	s28 =	sshll.u32 @!p0 s23, $0x4;
	[sflag:s20] =	ssyncset.done @!p0 $0x0  }
0x201: {  	[sflag:s20] =	ssyncadd.s32 @!p0 $0xFFFFD800;
	s20 =	sadd.s32 @!p0 s5, s28;
	s28 =	simm.s32 @!p0 $0x2800  }
0x202: {  	[tilespmem:s28], [sflag:$0x2] =	stream.linear.gather @!p0 [hbm4b:s20+s24], $0x2800, $0x38;
	[tilespmem:$0x1E400] =	vst v63  }
0x203: {  	s20 =	sshrl.u32 @!p0 s23, $0x3  }
0x204: {  	s28 =	simm.s32 @!p0 $0xA080;
	s23 =	sadd.s32 @!p0 s6, s20  }
0x205: {  	[tilespmem:s28], [sflag:$0x2] =	stream.linear.gather @!p0 [hbm4b:s23+s24], $0x50, $0x38;
	[tilespmem:$0x1E400] =	vst v63  }
0x206: {  	s20 =	sadd.s32 @!p0 s7, s20;
	s23 =	simm.s32 @!p0 $0xA280  }
0x207: {  	[tilespmem:s23], [sflag:$0x2] =	stream.linear.gather @!p0 [hbm4b:s20+s24], $0x50, $0x38;
	[tilespmem:$0x1E400] =	vst v63  }
0x208: {  	s20 =	simm.s32 @!p0 $0xB  }
0x209: {  	s23 =	sadd.s32 @!p0 s21, s15;
	_ =	swait.ge @!p0 [sflag:s20], $0x2800  }
0x20a: {  	s28 =	sshll.u32 @!p0 s23, $0x4;
	[sflag:s20] =	ssyncset.done @!p0 $0x0  }
0x20b: {  	[sflag:s20] =	ssyncadd.s32 @!p0 $0xFFFFD800;
	s20 =	sadd.s32 @!p0 s5, s28;
	s28 =	simm.s32 @!p0 $0x5000  }
0x20c: {  	[tilespmem:s28], [sflag:$0x3] =	stream.linear.gather @!p0 [hbm4b:s20+s24], $0x2800, $0x38;
	[tilespmem:$0x1E400] =	vst v63  }
0x20d: {  	s20 =	sshrl.u32 @!p0 s23, $0x3  }
0x20e: {  	s28 =	simm.s32 @!p0 $0xA100;
	s23 =	sadd.s32 @!p0 s6, s20  }
0x20f: {  	[tilespmem:s28], [sflag:$0x3] =	stream.linear.gather @!p0 [hbm4b:s23+s24], $0x50, $0x38;
	[tilespmem:$0x1E400] =	vst v63  }
0x210: {  	s20 =	sadd.s32 @!p0 s7, s20;
	s23 =	simm.s32 @!p0 $0xA300  }
0x211: {  	[tilespmem:s23], [sflag:$0x3] =	stream.linear.gather @!p0 [hbm4b:s20+s24], $0x50, $0x38;
	[tilespmem:$0x1E400] =	vst v63  }
0x212: {  	s20 =	simm.s32 @!p0 $0xC  }
0x213: {  	s21 =	sadd.s32 @!p0 s21, s19;
	_ =	swait.ge @!p0 [sflag:s20], $0x2800  }
0x214: {  	s23 =	sshll.u32 @!p0 s21, $0x4;
	[sflag:s20] =	ssyncset.done @!p0 $0x0  }
0x215: {  	[sflag:s20] =	ssyncadd.s32 @!p0 $0xFFFFD800;
	s20 =	sadd.s32 @!p0 s5, s23;
	s23 =	simm.s32 @!p0 $0x7800  }
0x216: {  	[tilespmem:s23], [sflag:$0x4] =	stream.linear.gather @!p0 [hbm4b:s20+s24], $0x2800, $0x38;
	[tilespmem:$0x1E400] =	vst v63  }
0x217: {  	s20 =	sshrl.u32 @!p0 s21, $0x3  }
0x218: {  	s23 =	simm.s32 @!p0 $0xA180;
	s21 =	sadd.s32 @!p0 s6, s20  }
0x219: {  	[tilespmem:s23], [sflag:$0x4] =	stream.linear.gather @!p0 [hbm4b:s21+s24], $0x50, $0x38;
	[tilespmem:$0x1E400] =	vst v63  }
0x21a: {  	s20 =	sadd.s32 @!p0 s7, s20;
	s21 =	simm.s32 @!p0 $0xA380  }
0x21b: {  	[tilespmem:s21], [sflag:$0x4] =	stream.linear.gather @!p0 [hbm4b:s20+s24], $0x50, $0x38;
	[tilespmem:$0x1E400] =	vst v63  }
0x21c: {  	p0 =	sne.s32 s17, s25  }
.Ltmp5:
0x21d: {  	_ = 	snop;
	(pc) =	sbr.rel @p0 .LBB2_4-.Ltmp5, $1  }
0x21e: {  	_ =	sdelay $0x3  }
0x21f: {  	s17 =	stileid.u32;
	[bflag:$0x0] =	sbarrier.arrive $0xFFFF  }
0x220: {  	s17 =	sshll.u32 s17, $0x6;
	s21 =	rddreg [dreg:$0x3]  }
0x221: {  	s23 =	rddreg [dreg:$0x10];
	s17 =	sor.u32 $0x1C0D, s17;
	s20 =	sshrl.u32 s21, $0x3  }
0x222: {  	[hbm:s23], [sflag:s17] =	dma.local [spmem:s20], $0x2800  }
0x223: {  	s23 =	simm.s32 $0xD  }
0x224: {  	_ =	swait.ge [sflag:s23], $0x2800  }
0x225: {  	s24 =	rddreg [dreg:$0x19]  }
0x226: {  	s28 =	rddreg [dreg:$0x11];
	s20 =	sadd.s32 $0x1, s24  }
0x227: {  	p0 =	sne.s32 s20, s28  }
.Ltmp6:
0x228: {  	_ = 	snop;
	(pc) =	sbr.rel @p0 .LBB2_1-.Ltmp6, $3  }
0x229: {  	_ =	sdelay $0x1  }
0x22a: {  	[sflag:s23] =	ssyncset.done $0x0  }
0x22b: {  	[sflag:s23] =	ssyncadd.s32 $0xFFFFD800  }
0x22c: {  	_ =	sfence.sel $0x180000  }
0x22d: {  	[bflag:$0x0] =	sbarrier.arrive $0xFFFF  }
0x22e: {  	_ =	strace $0x90000047  }
0x22f: {  	s0 =	stileid.u32;
	[bflag:$0x2] =	sbarrier.arrive $0xFFFF  }
0x230: {  	p0 =	sne.s32 s0, $0x0;
	s0 =	rddreg [dreg:$0x2]  }
0x231: {  	s0 =	sadd.s32 @!p0 $0x100000, s0  }
0x232: {  	[sflag:s0] =	ssyncadd.tile.s32 @!p0 $0x1;
	_ =	shalt  }
.Lfunc_end2:
_tile_overlayer_lowered:
.L_overlay_start_2:
0x233: {  	(tag) =	ssettag $0x2  }
0x234: {  	s0 =	rddreg [dreg:$0x0];
	s2 =	stileid.u32  }
0x235: {  	s1 =	rddreg [dreg:$0x1];
	p0 =	sne.s32 s2, $0x0  }
0x236: {  	s3 =	rddreg [dreg:$0x2];
	[bflag:$0x3] =	sbarrier.arrive $0xFFFF;
	s2 =	simm.s32 @!p0 $0x1C0D  }
0x237: {  	[timem:s3], [sflag:s2] =	dma.local @!p0 [hbm:s0], s1  }
0x238: {  	s0 =	simm.s32 @!p0 $0xD  }
0x239: {  	_ =	swait.ge @!p0 [sflag:s0], s1  }
0x23a: {  	s1 =	ssub.s32 @!p0 $0x0, s1;
	[sflag:s0] =	ssyncset.done @!p0 $0x0  }
0x23b: {  	[sflag:s0] =	ssyncadd.s32 @!p0 s1  }
0x23c: {  	[bflag:$0x3] =	sbarrier.arrive $0xFFFF  }
0x23d: {  	_ =	shalt  }

</sc_bundles>
